<compile_context>
chip_gen: v7x
topology: tpu7x:2x2x1
jax: 0.10.2.dev20260603
libtpu: 0.0.44.dev20260713+nightly
codegen_flags: <defaults>
</compile_context>

<pallas_src>
import functools

import jax
import jax.numpy as jnp
from jax import lax
from jax.experimental import pallas as pl
from jax.experimental.pallas import tpu as pltpu
from jax.experimental.pallas import tpu_sc as plsc

N = 50000
E = 800000
DIM = 64
DS = 32
NB = 8
ZDIM = 16

NP = 50176
BN = 512

E2 = 819200
CH = 256
NCH = E2 // CH
GRP = 4
BE = 2048

NC = 2
NS = 16
G_ROWS = NCH // (NC * NS)
G_GRPS = G_ROWS // GRP
S_ROWS = NCH // NS
SGRP = 1
S_NGRP = S_ROWS // SGRP
ACC_ROWS = NP + 16
ROWS_PER = NP // NS
ZR = 196


def _silu(x):
    return x / (1.0 + jnp.exp(-x))


def _tssr3(x):
    return x * jnp.exp(jnp.log1p(x * x) * (-1.0 / 3.0))



def _node0_body(sp_ref, wz_ref, ws_ref, bs_ref, xi_ref, si_ref):
    iot = lax.broadcasted_iota(jnp.int32, (BN, ZDIM), 1)
    oh = (sp_ref[...] == iot).astype(jnp.float32)
    xi = jnp.dot(oh, wz_ref[...], preferred_element_type=jnp.float32)
    si = _silu(jnp.dot(xi, ws_ref[...], preferred_element_type=jnp.float32)
               + bs_ref[...])
    xi_ref[...] = xi
    si_ref[...] = si


def _node0(species2d, W_z, W_src, b_src):
    return pl.pallas_call(
        _node0_body,
        grid=(NP // BN,),
        in_specs=[
            pl.BlockSpec((BN, 1), lambda i: (i, 0)),
            pl.BlockSpec((ZDIM, DIM), lambda i: (0, 0)),
            pl.BlockSpec((DIM, DS), lambda i: (0, 0)),
            pl.BlockSpec((1, DS), lambda i: (0, 0)),
        ],
        out_specs=[
            pl.BlockSpec((BN, DIM), lambda i: (i, 0)),
            pl.BlockSpec((BN, DS), lambda i: (i, 0)),
        ],
        out_shape=[
            jax.ShapeDtypeStruct((NP, DIM), jnp.float32),
            jax.ShapeDtypeStruct((NP, DS), jnp.float32),
        ],
    )(species2d, W_z, W_src, b_src)


def _msg_body(s_ref, d_ref, wm_ref, lo_ref, hi_ref):
    s = s_ref[...]
    d = d_ref[...]
    K = NB * DS
    dd = jnp.dot(d, jnp.ones((1, K), jnp.float32),
                 preferred_element_type=jnp.float32)
    col = lax.broadcasted_iota(jnp.int32, (DS, K), 1)
    row = lax.broadcasted_iota(jnp.int32, (DS, K), 0)
    tile_mat = (col % DS == row).astype(jnp.float32)
    s8 = jnp.dot(s, tile_mat, preferred_element_type=jnp.float32)
    cc = ((lax.broadcasted_iota(jnp.int32, (1, K), 1) // DS)
          .astype(jnp.float32) * (1.0 / (NB - 1.0)))
    db = dd - cc
    p = jnp.exp(-16.0 * db * db) * s8
    acc = jnp.dot(p, wm_ref[...], preferred_element_type=jnp.float32)
    lo_ref[...] = acc[:, :DS]
    hi_ref[...] = acc[:, DS:]


def _msg(sij, dist2d, W_m):
    return pl.pallas_call(
        _msg_body,
        grid=(E2 // BE,),
        in_specs=[
            pl.BlockSpec((BE, DS), lambda i: (i, 0)),
            pl.BlockSpec((BE, 1), lambda i: (i, 0)),
            pl.BlockSpec((NB * DS, DIM), lambda i: (0, 0)),
        ],
        out_specs=[
            pl.BlockSpec((BE, DS), lambda i: (i, 0)),
            pl.BlockSpec((BE, DS), lambda i: (i, 0)),
        ],
        out_shape=[
            jax.ShapeDtypeStruct((E2, DS), jnp.float32),
            jax.ShapeDtypeStruct((E2, DS), jnp.float32),
        ],
    )(sij, dist2d, W_m)


def _update_body(with_src, xi_ref, alo_ref, ahi_ref, wmx_ref, bm_ref,
                 ws_ref, bs_ref, y_ref, si_ref):
    xi = xi_ref[...]
    pre = jnp.dot(xi, wmx_ref[...], preferred_element_type=jnp.float32)
    pre = pre + bm_ref[...]
    pre = pre + jnp.concatenate([alo_ref[0], ahi_ref[0]], axis=1)
    dx = _silu(pre)
    y = xi + _tssr3(dx)
    y_ref[...] = y
    if with_src:
        si_ref[...] = _silu(
            jnp.dot(y, ws_ref[...], preferred_element_type=jnp.float32)
            + bs_ref[...])


def _update(xi, acc2, W_mx, b_mix, W_src, b_src, with_src):
    out_specs = [pl.BlockSpec((BN, DIM), lambda i: (i, 0))]
    out_shape = [jax.ShapeDtypeStruct((NP, DIM), jnp.float32)]
    if with_src:
        out_specs.append(pl.BlockSpec((BN, DS), lambda i: (i, 0)))
        out_shape.append(jax.ShapeDtypeStruct((NP, DS), jnp.float32))

    def body(xi_ref, alo_ref, ahi_ref, wmx_ref, bm_ref, ws_ref, bs_ref,
             y_ref, si_ref=None):
        _update_body(with_src, xi_ref, alo_ref, ahi_ref, wmx_ref, bm_ref,
                     ws_ref, bs_ref, y_ref, si_ref)

    return pl.pallas_call(
        body,
        grid=(NP // BN,),
        in_specs=[
            pl.BlockSpec((BN, DIM), lambda i: (i, 0)),
            pl.BlockSpec((1, BN, DS), lambda i: (0, i, 0)),
            pl.BlockSpec((1, BN, DS), lambda i: (1, i, 0)),
            pl.BlockSpec((DIM, DIM), lambda i: (0, 0)),
            pl.BlockSpec((1, DIM), lambda i: (0, 0)),
            pl.BlockSpec((DIM, DS), lambda i: (0, 0)),
            pl.BlockSpec((1, DS), lambda i: (0, 0)),
        ],
        out_specs=out_specs,
        out_shape=out_shape,
    )(xi, acc2, acc2, W_mx, b_mix, W_src, b_src)



def _make_gather():
    mesh = plsc.VectorSubcoreMesh(core_axis_name="c", subcore_axis_name="s",
                                  num_cores=NC, num_subcores=NS)

    @functools.partial(
        pl.kernel,
        out_type=jax.ShapeDtypeStruct((NCH, CH, DS), jnp.float32),
        mesh=mesh,
        compiler_params=pltpu.CompilerParams(use_tc_tiling_on_sc=False),
        scratch_types=[
            pltpu.VMEM((G_ROWS, CH), jnp.int32),
            pltpu.VMEM((GRP, CH, DS), jnp.float32),
            pltpu.VMEM((GRP, CH, DS), jnp.float32),
            pltpu.SemaphoreType.DMA,
            pltpu.SemaphoreType.DMA,
            pltpu.SemaphoreType.DMA,
        ],
    )
    def gath(table_hbm, idx_hbm, out_hbm, idx_all, rv0, rv1, sg0, sg1,
             sem_o):
        wid = lax.axis_index("s") * NC + lax.axis_index("c")
        row0 = wid * G_ROWS
        pltpu.sync_copy(idx_hbm.at[pl.ds(row0, G_ROWS)], idx_all)
        rv = (rv0, rv1)
        sg = (sg0, sg1)

        def fire(g, b):
            for k in range(GRP):
                pltpu.async_copy(table_hbm.at[idx_all.at[g * GRP + k]],
                                 rv[b].at[k], sg[b])

        def wait_g(g, b):
            for k in range(GRP):
                pltpu.make_async_copy(
                    table_hbm.at[idx_all.at[g * GRP + k]],
                    rv[b].at[k], sg[b]).wait()

        def wb_fire(g, b):
            pltpu.async_copy(rv[b], out_hbm.at[pl.ds(row0 + g * GRP, GRP)],
                             sem_o)

        def wb_wait(g, b):
            pltpu.make_async_copy(
                rv[b], out_hbm.at[pl.ds(row0 + g * GRP, GRP)],
                sem_o).wait()

        fire(0, 0)

        def step(g, b):
            @pl.when(g < G_GRPS)
            def _():
                @pl.when(g >= 1)
                def _():
                    wb_wait(g - 1, 1 - b)

                @pl.when(g + 1 < G_GRPS)
                def _():
                    fire(g + 1, 1 - b)

                wait_g(g, b)
                wb_fire(g, b)

        def pairs(j, carry):
            step(2 * j, 0)
            step(2 * j + 1, 1)
            return carry

        lax.fori_loop(0, (G_GRPS + 2) // 2, pairs, 0)
        wb_wait(G_GRPS - 1, (G_GRPS - 1) % 2)

    return gath


_gather_cache = []


def _gather(table, idx):
    if not _gather_cache:
        _gather_cache.append(_make_gather())
    return _gather_cache[0](table, idx)


def _make_scatter():
    mesh = plsc.VectorSubcoreMesh(core_axis_name="c", subcore_axis_name="s",
                                  num_cores=NC, num_subcores=NS)

    @functools.partial(
        pl.kernel,
        out_type=jax.ShapeDtypeStruct((NC, NP, DS), jnp.float32),
        mesh=mesh,
        compiler_params=pltpu.CompilerParams(use_tc_tiling_on_sc=False),
        scratch_types=[
            pltpu.VMEM((SGRP, CH), jnp.int32),
            pltpu.VMEM((SGRP, CH), jnp.int32),
            pltpu.VMEM((SGRP, CH, DS), jnp.float32),
            pltpu.VMEM((SGRP, CH, DS), jnp.float32),
            pltpu.VMEM((ZR, DS), jnp.float32),
            pltpu.VMEM_SHARED((ACC_ROWS, DS), jnp.float32),
            pltpu.SemaphoreType.DMA,
            pltpu.SemaphoreType.DMA,
            pltpu.SemaphoreType.DMA,
        ],
    )
    def scat(lo_hbm, hi_hbm, dst_hbm, out_hbm, idx0, idx1, mb0, mb1,
             zbuf, acc_sh, sem_i, sem_m, sem_s):
        c = lax.axis_index("c")
        s = lax.axis_index("s")
        idx_b = (idx0, idx1)
        mb_b = (mb0, mb1)

        def zrow(i, carry):
            zbuf[i, 0:16] = jnp.zeros((16,), jnp.float32)
            zbuf[i, 16:32] = jnp.zeros((16,), jnp.float32)
            return carry

        lax.fori_loop(0, ZR, zrow, 0)

        def zcopy(k, carry):
            pltpu.sync_copy(zbuf,
                            acc_sh.at[pl.ds(s * ROWS_PER + k * ZR, ZR)])
            return carry

        lax.fori_loop(0, ROWS_PER // ZR, zcopy, 0)

        @pl.when(s == 0)
        def _():
            pltpu.sync_copy(zbuf.at[pl.ds(0, 16)],
                            acc_sh.at[pl.ds(NP, 16)])

        plsc.subcore_barrier()

        row0 = s * S_ROWS

        def process(msg_hbm):
            def start_load(g, b):
                rows = pl.ds(row0 + g * SGRP, SGRP)
                pltpu.async_copy(dst_hbm.at[rows], idx_b[b], sem_i)
                pltpu.async_copy(msg_hbm.at[rows], mb_b[b], sem_m)

            def wait_load(g, b):
                rows = pl.ds(row0 + g * SGRP, SGRP)
                pltpu.make_async_copy(dst_hbm.at[rows], idx_b[b],
                                      sem_i).wait()
                pltpu.make_async_copy(msg_hbm.at[rows], mb_b[b],
                                      sem_m).wait()

            def run_group(g, b):
                wait_load(g, b)

                @pl.when(g + 1 < S_NGRP)
                def _():
                    start_load(g + 1, 1 - b)

                iv = idx_b[b]
                descs = []
                for k in range(SGRP):
                    descs.append(pltpu.async_copy(
                        mb_b[b].at[k], acc_sh.at[iv.at[k]],
                        sem_s, add=True))
                for d in descs:
                    d.wait()

            start_load(0, 0)

            def pair(j, carry):
                run_group(2 * j, 0)
                run_group(2 * j + 1, 1)
                return carry

            lax.fori_loop(0, S_NGRP // 2, pair, 0)

        @pl.when(c == 0)
        def _():
            process(lo_hbm)

        @pl.when(c == 1)
        def _():
            process(hi_hbm)

        plsc.subcore_barrier()
        pltpu.sync_copy(acc_sh.at[pl.ds(s * ROWS_PER, ROWS_PER)],
                        out_hbm.at[c, pl.ds(s * ROWS_PER, ROWS_PER)])

    return scat


_scatter_cache = []


def _scatter(lo, hi, dst):
    if not _scatter_cache:
        _scatter_cache.append(_make_scatter())
    return _scatter_cache[0](lo, hi, dst)



def kernel(species, edge_src, edge_dst, distances, W_z, W_src0, b_src0,
           W_mix0, b_mix0, W_src1, b_src1, W_mix1, b_mix1):
    species2d = jnp.pad(species.astype(jnp.int32), (0, NP - N)).reshape(NP, 1)
    dist2d = jnp.pad(distances, (0, E2 - E)).reshape(E2, 1)
    esrc2 = jnp.pad(edge_src.astype(jnp.int32), (0, E2 - E)).reshape(NCH, CH)
    edst2 = jnp.pad(edge_dst.astype(jnp.int32), (0, E2 - E),
                    constant_values=NP).reshape(NCH, CH)

    xi, si = _node0(species2d, W_z, W_src0, b_src0.reshape(1, DS))

    for l in range(2):
        W_mix, b_mix = (W_mix0, b_mix0) if l == 0 else (W_mix1, b_mix1)
        sij = _gather(si, esrc2).reshape(E2, DS)
        lo, hi = _msg(sij, dist2d, W_mix[DIM:])
        acc2 = _scatter(lo.reshape(NCH, CH, DS), hi.reshape(NCH, CH, DS),
                        edst2)
        if l == 0:
            xi, si = _update(xi, acc2, W_mix[:DIM], b_mix.reshape(1, DIM),
                             W_src1, b_src1.reshape(1, DS), True)
        else:
            (xi,) = _update(xi, acc2, W_mix[:DIM], b_mix.reshape(1, DIM),
                            W_src1, b_src1.reshape(1, DS), False)
    return xi[:N]

# --- scband reference (transcript-rebuilt; emitter-appended) ---
"""Pipeline reference for scband-cratembedding-42099269435724 (READ-ONLY COPY).

The authoritative reference and input builder live on the scoring server;
editing this copy changes nothing except your own understanding.
"""

import jax, jax.numpy as jnp
import numpy as np

N_NODES = 50000
N_EDGES = 800000
DIM = 64
DIM_SRC = 32
NBASIS = 8
ZDIM = 16


def tssr3(x):
    # smooth two-sided shifted-square-root style mixing activation (FeNNol 'tssr3' approximation)
    return x / (1.0 + x * x) ** (1.0 / 3.0)


def setup_inputs(seed: int = 0) -> dict:
    key = jax.random.key(seed)
    ks = jax.random.split(key, 12)
    species = jax.random.randint(ks[0], (N_NODES,), 0, ZDIM)
    edge_src = jax.random.randint(ks[1], (N_EDGES,), 0, N_NODES)
    edge_dst = jax.random.randint(ks[2], (N_EDGES,), 0, N_NODES)
    distances = jax.random.uniform(ks[3], (N_EDGES,), dtype=jnp.float32)

    def scale(fan_in):
        return 1.0 / np.sqrt(fan_in)

    mix_in = DIM + DIM_SRC * NBASIS
    W_z = jax.random.normal(ks[4], (ZDIM, DIM), dtype=jnp.float32) * scale(ZDIM)
    W_src0 = jax.random.normal(ks[5], (DIM, DIM_SRC), dtype=jnp.float32) * scale(DIM)
    b_src0 = jnp.zeros((DIM_SRC,), dtype=jnp.float32)
    W_mix0 = jax.random.normal(ks[6], (mix_in, DIM), dtype=jnp.float32) * scale(mix_in)
    b_mix0 = jnp.zeros((DIM,), dtype=jnp.float32)
    W_src1 = jax.random.normal(ks[7], (DIM, DIM_SRC), dtype=jnp.float32) * scale(DIM)
    b_src1 = jnp.zeros((DIM_SRC,), dtype=jnp.float32)
    W_mix1 = jax.random.normal(ks[8], (mix_in, DIM), dtype=jnp.float32) * scale(mix_in)
    b_mix1 = jnp.zeros((DIM,), dtype=jnp.float32)
    return {
        "species": species,
        "edge_src": edge_src,
        "edge_dst": edge_dst,
        "distances": distances,
        "W_z": W_z,
        "W_src0": W_src0,
        "b_src0": b_src0,
        "W_mix0": W_mix0,
        "b_mix0": b_mix0,
        "W_src1": W_src1,
        "b_src1": b_src1,
        "W_mix1": W_mix1,
        "b_mix1": b_mix1,
    }


def reference(species, edge_src, edge_dst, distances, W_z, W_src0, b_src0, W_mix0, b_mix0, W_src1, b_src1, W_mix1, b_mix1):
    # SpeciesEncoding (one-hot) + species_init Dense
    zi = jax.nn.one_hot(species, ZDIM, dtype=jnp.float32)
    xi = zi @ W_z  # [N, DIM]

    # radial basis of edge distances (gaussian basis)
    centers = jnp.linspace(0.0, 1.0, NBASIS)
    rb = jnp.exp(-16.0 * (distances[:, None] - centers[None, :]) ** 2)  # [E, NBASIS]

    def layer(xi, W_src, b_src, W_mix, b_mix):
        si = jax.nn.silu(xi @ W_src + b_src)  # [N, DIM_SRC]
        sij = si[edge_src]  # gather source embeddings per edge [E, DIM_SRC]
        # radially-resolved message passing: per-basis scatter-add to destination nodes
        mi_parts = []
        for b in range(NBASIS):
            mi_parts.append(jax.ops.segment_sum(sij * rb[:, b:b + 1], edge_dst, num_segments=N_NODES))
        mi = jnp.concatenate(mi_parts, axis=-1)  # [N, DIM_SRC*NBASIS]
        h = jnp.concatenate([xi, mi], axis=-1)
        dx = jax.nn.silu(h @ W_mix + b_mix)
        return xi + tssr3(dx)

    xi = layer(xi, W_src0, b_src0, W_mix0, b_mix0)
    xi = layer(xi, W_src1, b_src1, W_mix1, b_mix1)
    return xi

if __name__ == "__main__":
    import jax
    _d = setup_inputs()
    print(jax.jit(kernel)(*tuple(_d.values())))

</pallas_src>

<mosaic_0001>
#map = affine_map<(d0, d1) -> (0, 0, 0)>
#map1 = affine_map<(d0, d1) -> (0, 0)>
module attributes {stable_mosaic.version = 14 : i64} {
  func.func @scat(%arg0: i32, %arg1: i32, %arg2: memref<3200x256x32xf32, #tpu.memory_space<hbm>>, %arg3: memref<3200x256x32xf32, #tpu.memory_space<hbm>>, %arg4: memref<3200x256xi32, #tpu.memory_space<hbm>>, %arg5: memref<2x50176x32xf32, #tpu.memory_space<hbm>>, %arg6: memref<1x256xi32, #tpu.memory_space<vmem>>, %arg7: memref<1x256xi32, #tpu.memory_space<vmem>>, %arg8: memref<1x256x32xf32, #tpu.memory_space<vmem>>, %arg9: memref<1x256x32xf32, #tpu.memory_space<vmem>>, %arg10: memref<196x32xf32, #tpu.memory_space<vmem>>, %arg11: memref<50192x32xf32, #tpu.memory_space<vmem_shared>>, %arg12: memref<!tpu.dma_semaphore, #tpu.memory_space<semaphore_mem>>, %arg13: memref<!tpu.dma_semaphore, #tpu.memory_space<semaphore_mem>>, %arg14: memref<!tpu.dma_semaphore, #tpu.memory_space<semaphore_mem>>) attributes {dimension_semantics = [#tpu.dimension_semantics<core_parallel>, #tpu.dimension_semantics<subcore_parallel>], iteration_bounds = array<i64: 2, 16>, scalar_prefetch = 0 : i64, scratch_operands = 9 : i64, tpu.core_type = #tpu.core_type<sc_vector_subcore>, window_params = [{transform_indices = #map}, {transform_indices = #map}, {transform_indices = #map1}, {transform_indices = #map}]} {
    %scan3A = arith.constant 0 : i32
    %scan3A_0 = arith.constant 0 : i32
    %scan3A_1 = arith.constant 196 : i32
    %scan3A_2 = arith.addi %scan3A_0, %scan3A_1 : i32
    %scan3A_3 = arith.constant 1 : i32
    scf.for %scan3A_29 = %scan3A_0 to %scan3A_2 step %scan3A_3  : i32 {
      %broadcast_in_dim3A = arith.constant 0.000000e+00 : f32
      %broadcast_in_dim3A_30 = vector.broadcast %broadcast_in_dim3A : f32 to vector<16xf32>
      %swap3A = arith.index_cast %scan3A_29 : i32 to index
      %swap3A_31 = arith.constant 0 : index
      %swap3A_32 = tpu.vector_load %arg10[%swap3A, %swap3A_31] {strides = array<i32>} : memref<196x32xf32, #tpu.memory_space<vmem>>, vector<1x16xf32>,
      %swap3A_33 = vector.shape_cast %swap3A_32 : vector<1x16xf32> to vector<16xf32>
      %swap3A_34 = vector.shape_cast %broadcast_in_dim3A_30 : vector<16xf32> to vector<1x16xf32>
      tpu.vector_store %arg10[%swap3A, %swap3A_31], %swap3A_34 {strides = array<i32>} : memref<196x32xf32, #tpu.memory_space<vmem>>, vector<1x16xf32>,
      %broadcast_in_dim3A_35 = arith.constant 0.000000e+00 : f32
      %broadcast_in_dim3A_36 = vector.broadcast %broadcast_in_dim3A_35 : f32 to vector<16xf32>
      %swap3A_37 = arith.index_cast %scan3A_29 : i32 to index
      %swap3A_38 = arith.constant 16 : index
      %swap3A_39 = tpu.vector_load %arg10[%swap3A_37, %swap3A_38] {strides = array<i32>} : memref<196x32xf32, #tpu.memory_space<vmem>>, vector<1x16xf32>,
      %swap3A_40 = vector.shape_cast %swap3A_39 : vector<1x16xf32> to vector<16xf32>
      %swap3A_41 = vector.shape_cast %broadcast_in_dim3A_36 : vector<16xf32> to vector<1x16xf32>
      tpu.vector_store %arg10[%swap3A_37, %swap3A_38], %swap3A_41 {strides = array<i32>} : memref<196x32xf32, #tpu.memory_space<vmem>>, vector<1x16xf32>,
    }
    %scan3A_4 = arith.constant 196 : i32
    %scan3A_5 = arith.constant 0 : i32
    %scan3A_6 = arith.constant 0 : i32
    %scan3A_7 = arith.constant 16 : i32
    %scan3A_8 = arith.addi %scan3A_6, %scan3A_7 : i32
    %scan3A_9 = arith.constant 1 : i32
    scf.for %scan3A_29 = %scan3A_6 to %scan3A_8 step %scan3A_9  : i32 {
      %mul3A_30 = arith.constant 3136 : i32
      %mul3A_31 = arith.muli %arg1, %mul3A_30 : i32
      %mul3A_32 = arith.constant 196 : i32
      %mul3A_33 = arith.muli %scan3A_29, %mul3A_32 : i32
      %add3A = arith.addi %mul3A_31, %mul3A_33 : i32
      "tpu.region"() ({
        %run_scoped3A = tpu.sem_alloc : memref<!tpu.dma_semaphore, #tpu.memory_space<semaphore_mem>>
        %dma_start3A = arith.constant 0 : i32
        %dma_start3A_34 = tpu.memref_slice %arg11[%add3A, %dma_start3A] : memref<50192x32xf32, #tpu.memory_space<vmem_shared>> -> memref<196x32xf32, #tpu.memory_space<vmem_shared>>
        %dma_start3A_35 = arith.constant 0 : i32
        %dma_start3A_36 = tpu.memref_slice %arg11[%add3A, %dma_start3A_35] : memref<50192x32xf32, #tpu.memory_space<vmem_shared>> -> memref<196x32xf32, #tpu.memory_space<vmem_shared>>
        tpu.enqueue_dma source(%arg10 : memref<196x32xf32, #tpu.memory_space<vmem>>) target(%dma_start3A_36 : memref<196x32xf32, #tpu.memory_space<vmem_shared>>) target_semaphore(%run_scoped3A : memref<!tpu.dma_semaphore, #tpu.memory_space<semaphore_mem>>)
        %dma_wait3A = arith.constant 0 : i32
        %dma_wait3A_37 = tpu.memref_slice %arg11[%add3A, %dma_wait3A] : memref<50192x32xf32, #tpu.memory_space<vmem_shared>> -> memref<196x32xf32, #tpu.memory_space<vmem_shared>>
        %dma_wait3A_38 = arith.constant 0 : i32
        %dma_wait3A_39 = tpu.memref_slice %arg11[%add3A, %dma_wait3A_38] : memref<50192x32xf32, #tpu.memory_space<vmem_shared>> -> memref<196x32xf32, #tpu.memory_space<vmem_shared>>
        tpu.wait_dma2 semaphore(%run_scoped3A : memref<!tpu.dma_semaphore, #tpu.memory_space<semaphore_mem>>) src(%arg10 : memref<196x32xf32, #tpu.memory_space<vmem>>) dst(%dma_wait3A_39 : memref<196x32xf32, #tpu.memory_space<vmem_shared>>)
        tpu.yield
      }) : () -> ()
    }
    %scan3A_10 = arith.constant 16 : i32
    %eq3A = arith.constant 0 : i32
    %eq3A_11 = arith.cmpi eq, %arg1, %eq3A : i32
    %convert_element_type3A = arith.extui %eq3A_11 : i1 to i32
    %cond3A = arith.constant 0 : i32
    %cond3A_12 = arith.cmpi ne, %convert_element_type3A, %cond3A : i32
    scf.if %cond3A_12 {
      "tpu.region"() ({
        %run_scoped3A = tpu.sem_alloc : memref<!tpu.dma_semaphore, #tpu.memory_space<semaphore_mem>>
        %dma_start3A = arith.constant 0 : i32
        %dma_start3A_29 = arith.constant 0 : i32
        %dma_start3A_30 = tpu.memref_slice %arg10[%dma_start3A, %dma_start3A_29] : memref<196x32xf32, #tpu.memory_space<vmem>> -> memref<16x32xf32, #tpu.memory_space<vmem>>
        %dma_start3A_31 = arith.constant 50176 : i32
        %dma_start3A_32 = arith.constant 0 : i32
        %dma_start3A_33 = tpu.memref_slice %arg11[%dma_start3A_31, %dma_start3A_32] : memref<50192x32xf32, #tpu.memory_space<vmem_shared>> -> memref<16x32xf32, #tpu.memory_space<vmem_shared>>
        %dma_start3A_34 = arith.constant 50176 : i32
        %dma_start3A_35 = arith.constant 0 : i32
        %dma_start3A_36 = tpu.memref_slice %arg11[%dma_start3A_34, %dma_start3A_35] : memref<50192x32xf32, #tpu.memory_space<vmem_shared>> -> memref<16x32xf32, #tpu.memory_space<vmem_shared>>
        %dma_start3A_37 = arith.constant 0 : i32
        %dma_start3A_38 = arith.constant 0 : i32
        %dma_start3A_39 = tpu.memref_slice %arg10[%dma_start3A_37, %dma_start3A_38] : memref<196x32xf32, #tpu.memory_space<vmem>> -> memref<16x32xf32, #tpu.memory_space<vmem>>
        tpu.enqueue_dma source(%dma_start3A_39 : memref<16x32xf32, #tpu.memory_space<vmem>>) target(%dma_start3A_36 : memref<16x32xf32, #tpu.memory_space<vmem_shared>>) target_semaphore(%run_scoped3A : memref<!tpu.dma_semaphore, #tpu.memory_space<semaphore_mem>>)
        %dma_wait3A = arith.constant 0 : i32
        %dma_wait3A_40 = arith.constant 0 : i32
        %dma_wait3A_41 = tpu.memref_slice %arg10[%dma_wait3A, %dma_wait3A_40] : memref<196x32xf32, #tpu.memory_space<vmem>> -> memref<16x32xf32, #tpu.memory_space<vmem>>
        %dma_wait3A_42 = arith.constant 50176 : i32
        %dma_wait3A_43 = arith.constant 0 : i32
        %dma_wait3A_44 = tpu.memref_slice %arg11[%dma_wait3A_42, %dma_wait3A_43] : memref<50192x32xf32, #tpu.memory_space<vmem_shared>> -> memref<16x32xf32, #tpu.memory_space<vmem_shared>>
        %dma_wait3A_45 = arith.constant 50176 : i32
        %dma_wait3A_46 = arith.constant 0 : i32
        %dma_wait3A_47 = tpu.memref_slice %arg11[%dma_wait3A_45, %dma_wait3A_46] : memref<50192x32xf32, #tpu.memory_space<vmem_shared>> -> memref<16x32xf32, #tpu.memory_space<vmem_shared>>
        %dma_wait3A_48 = arith.constant 0 : i32
        %dma_wait3A_49 = arith.constant 0 : i32
        %dma_wait3A_50 = tpu.memref_slice %arg10[%dma_wait3A_48, %dma_wait3A_49] : memref<196x32xf32, #tpu.memory_space<vmem>> -> memref<16x32xf32, #tpu.memory_space<vmem>>
        tpu.wait_dma2 semaphore(%run_scoped3A : memref<!tpu.dma_semaphore, #tpu.memory_space<semaphore_mem>>) src(%dma_wait3A_50 : memref<16x32xf32, #tpu.memory_space<vmem>>) dst(%dma_wait3A_47 : memref<16x32xf32, #tpu.memory_space<vmem_shared>>)
        tpu.yield
      }) : () -> ()
    } else {
    }
    %barrier3A = arith.constant 0 : index
    tpu.barrier barrier_id(%barrier3A)
    %mul3A = arith.constant 200 : i32
    %mul3A_13 = arith.muli %arg1, %mul3A : i32
    %eq3A_14 = arith.constant 0 : i32
    %eq3A_15 = arith.cmpi eq, %arg0, %eq3A_14 : i32
    %convert_element_type3A_16 = arith.extui %eq3A_15 : i1 to i32
    %cond3A_17 = arith.constant 0 : i32
    %cond3A_18 = arith.cmpi ne, %convert_element_type3A_16, %cond3A_17 : i32
    scf.if %cond3A_18 {
      %add3A = arith.constant 0 : i32
      %add3A_29 = arith.addi %mul3A_13, %add3A : i32
      %dma_start3A = arith.constant 0 : i32
      %dma_start3A_30 = tpu.memref_slice %arg4[%add3A_29, %dma_start3A] : memref<3200x256xi32, #tpu.memory_space<hbm>> -> memref<1x256xi32, #tpu.memory_space<hbm>>
      %dma_start3A_31 = arith.constant 0 : i32
      %dma_start3A_32 = tpu.memref_slice %arg4[%add3A_29, %dma_start3A_31] : memref<3200x256xi32, #tpu.memory_space<hbm>> -> memref<1x256xi32, #tpu.memory_space<hbm>>
      tpu.enqueue_dma source(%dma_start3A_32 : memref<1x256xi32, #tpu.memory_space<hbm>>) target(%arg6 : memref<1x256xi32, #tpu.memory_space<vmem>>) target_semaphore(%arg12 : memref<!tpu.dma_semaphore, #tpu.memory_space<semaphore_mem>>)
      %dma_start3A_33 = arith.constant 0 : i32
      %dma_start3A_34 = arith.constant 0 : i32
      %dma_start3A_35 = tpu.memref_slice %arg2[%add3A_29, %dma_start3A_33, %dma_start3A_34] : memref<3200x256x32xf32, #tpu.memory_space<hbm>> -> memref<1x256x32xf32, #tpu.memory_space<hbm>>
      %dma_start3A_36 = arith.constant 0 : i32
      %dma_start3A_37 = arith.constant 0 : i32
      %dma_start3A_38 = tpu.memref_slice %arg2[%add3A_29, %dma_start3A_36, %dma_start3A_37] : memref<3200x256x32xf32, #tpu.memory_space<hbm>> -> memref<1x256x32xf32, #tpu.memory_space<hbm>>
      tpu.enqueue_dma source(%dma_start3A_38 : memref<1x256x32xf32, #tpu.memory_space<hbm>>) target(%arg8 : memref<1x256x32xf32, #tpu.memory_space<vmem>>) target_semaphore(%arg13 : memref<!tpu.dma_semaphore, #tpu.memory_space<semaphore_mem>>)
      %scan3A_39 = arith.constant 0 : i32
      %scan3A_40 = arith.constant 0 : i32
      %scan3A_41 = arith.constant 100 : i32
      %scan3A_42 = arith.addi %scan3A_40, %scan3A_41 : i32
      %scan3A_43 = arith.constant 1 : i32
      scf.for %scan3A_45 = %scan3A_40 to %scan3A_42 step %scan3A_43  : i32 {
        %mul3A_46 = arith.constant 2 : i32
        %mul3A_47 = arith.muli %mul3A_46, %scan3A_45 : i32
        %mul3A_48 = arith.constant 1 : i32
        %mul3A_49 = arith.muli %mul3A_47, %mul3A_48 : i32
        %add3A_50 = arith.addi %mul3A_13, %mul3A_49 : i32
        %dma_wait3A = arith.constant 0 : i32
        %dma_wait3A_51 = tpu.memref_slice %arg4[%add3A_50, %dma_wait3A] : memref<3200x256xi32, #tpu.memory_space<hbm>> -> memref<1x256xi32, #tpu.memory_space<hbm>>
        %dma_wait3A_52 = arith.constant 0 : i32
        %dma_wait3A_53 = tpu.memref_slice %arg4[%add3A_50, %dma_wait3A_52] : memref<3200x256xi32, #tpu.memory_space<hbm>> -> memref<1x256xi32, #tpu.memory_space<hbm>>
        tpu.wait_dma2 semaphore(%arg12 : memref<!tpu.dma_semaphore, #tpu.memory_space<semaphore_mem>>) src(%dma_wait3A_53 : memref<1x256xi32, #tpu.memory_space<hbm>>) dst(%arg6 : memref<1x256xi32, #tpu.memory_space<vmem>>)
        %dma_wait3A_54 = arith.constant 0 : i32
        %dma_wait3A_55 = arith.constant 0 : i32
        %dma_wait3A_56 = tpu.memref_slice %arg2[%add3A_50, %dma_wait3A_54, %dma_wait3A_55] : memref<3200x256x32xf32, #tpu.memory_space<hbm>> -> memref<1x256x32xf32, #tpu.memory_space<hbm>>
        %dma_wait3A_57 = arith.constant 0 : i32
        %dma_wait3A_58 = arith.constant 0 : i32
        %dma_wait3A_59 = tpu.memref_slice %arg2[%add3A_50, %dma_wait3A_57, %dma_wait3A_58] : memref<3200x256x32xf32, #tpu.memory_space<hbm>> -> memref<1x256x32xf32, #tpu.memory_space<hbm>>
        tpu.wait_dma2 semaphore(%arg13 : memref<!tpu.dma_semaphore, #tpu.memory_space<semaphore_mem>>) src(%dma_wait3A_59 : memref<1x256x32xf32, #tpu.memory_space<hbm>>) dst(%arg8 : memref<1x256x32xf32, #tpu.memory_space<vmem>>)
        %add3A_60 = arith.constant 1 : i32
        %add3A_61 = arith.addi %mul3A_47, %add3A_60 : i32
        %lt3A = arith.constant 200 : i32
        %lt3A_62 = arith.cmpi slt, %add3A_61, %lt3A : i32
        %convert_element_type3A_63 = arith.extui %lt3A_62 : i1 to i32
        %cond3A_64 = arith.constant 0 : i32
        %cond3A_65 = arith.cmpi ne, %convert_element_type3A_63, %cond3A_64 : i32
        scf.if %cond3A_65 {
          %add3A_138 = arith.constant 1 : i32
          %add3A_139 = arith.addi %mul3A_47, %add3A_138 : i32
          %mul3A_140 = arith.constant 1 : i32
          %mul3A_141 = arith.muli %add3A_139, %mul3A_140 : i32
          %add3A_142 = arith.addi %mul3A_13, %mul3A_141 : i32
          %dma_start3A_143 = arith.constant 0 : i32
          %dma_start3A_144 = tpu.memref_slice %arg4[%add3A_142, %dma_start3A_143] : memref<3200x256xi32, #tpu.memory_space<hbm>> -> memref<1x256xi32, #tpu.memory_space<hbm>>
          %dma_start3A_145 = arith.constant 0 : i32
          %dma_start3A_146 = tpu.memref_slice %arg4[%add3A_142, %dma_start3A_145] : memref<3200x256xi32, #tpu.memory_space<hbm>> -> memref<1x256xi32, #tpu.memory_space<hbm>>
          tpu.enqueue_dma source(%dma_start3A_146 : memref<1x256xi32, #tpu.memory_space<hbm>>) target(%arg7 : memref<1x256xi32, #tpu.memory_space<vmem>>) target_semaphore(%arg12 : memref<!tpu.dma_semaphore, #tpu.memory_space<semaphore_mem>>)
          %dma_start3A_147 = arith.constant 0 : i32
          %dma_start3A_148 = arith.constant 0 : i32
          %dma_start3A_149 = tpu.memref_slice %arg2[%add3A_142, %dma_start3A_147, %dma_start3A_148] : memref<3200x256x32xf32, #tpu.memory_space<hbm>> -> memref<1x256x32xf32, #tpu.memory_space<hbm>>
          %dma_start3A_150 = arith.constant 0 : i32
          %dma_start3A_151 = arith.constant 0 : i32
          %dma_start3A_152 = tpu.memref_slice %arg2[%add3A_142, %dma_start3A_150, %dma_start3A_151] : memref<3200x256x32xf32, #tpu.memory_space<hbm>> -> memref<1x256x32xf32, #tpu.memory_space<hbm>>
          tpu.enqueue_dma source(%dma_start3A_152 : memref<1x256x32xf32, #tpu.memory_space<hbm>>) target(%arg9 : memref<1x256x32xf32, #tpu.memory_space<vmem>>) target_semaphore(%arg13 : memref<!tpu.dma_semaphore, #tpu.memory_space<semaphore_mem>>)
        } else {
        }
        %dma_start3A_66 = arith.constant 0 : i32
        %dma_start3A_67 = arith.constant 0 : i32
        %dma_start3A_68 = arith.constant 0 : i32
        %dma_start3A_69 = arith.constant 0 : i32
        %dma_start3A_70 = tpu.memref_slice %arg8[%dma_start3A_66, %dma_start3A_68, %dma_start3A_69] : memref<1x256x32xf32, #tpu.memory_space<vmem>> -> memref<1x256x32xf32, #tpu.memory_space<vmem>>
        %dma_start3A_71 = tpu.memref_squeeze %dma_start3A_70 : memref<1x256x32xf32, #tpu.memory_space<vmem>> -> memref<256x32xf32, #tpu.memory_space<vmem>>
        %dma_start3A_72 = arith.constant 0 : i32
        %dma_start3A_73 = tpu.memref_slice %arg6[%dma_start3A_67, %dma_start3A_72] : memref<1x256xi32, #tpu.memory_space<vmem>> -> memref<1x256xi32, #tpu.memory_space<vmem>>
        %dma_start3A_74 = tpu.memref_squeeze %dma_start3A_73 : memref<1x256xi32, #tpu.memory_space<vmem>> -> memref<256xi32, #tpu.memory_space<vmem>>
        %dma_start3A_75 = arith.constant 0 : i32
        %dma_start3A_76 = arith.constant 0 : i32
        %dma_start3A_77 = tpu.memref_slice %arg11[%dma_start3A_75, %dma_start3A_76] : memref<50192x32xf32, #tpu.memory_space<vmem_shared>> -> memref<50192x32xf32, #tpu.memory_space<vmem_shared>>
        tpu.enqueue_indirect_dma source(%dma_start3A_71 : memref<256x32xf32, #tpu.memory_space<vmem>>) target(%dma_start3A_77 : memref<50192x32xf32, #tpu.memory_space<vmem_shared>>) offsets(%dma_start3A_74 : memref<256xi32, #tpu.memory_space<vmem>>) semaphore(%arg14 : memref<!tpu.dma_semaphore, #tpu.memory_space<semaphore_mem>>) {add = true}
        %dma_wait3A_78 = arith.constant 0 : i32
        %dma_wait3A_79 = arith.constant 0 : i32
        %dma_wait3A_80 = arith.constant 0 : i32
        %dma_wait3A_81 = arith.constant 0 : i32
        %dma_wait3A_82 = tpu.memref_slice %arg8[%dma_wait3A_78, %dma_wait3A_80, %dma_wait3A_81] : memref<1x256x32xf32, #tpu.memory_space<vmem>> -> memref<1x256x32xf32, #tpu.memory_space<vmem>>
        %dma_wait3A_83 = tpu.memref_squeeze %dma_wait3A_82 : memref<1x256x32xf32, #tpu.memory_space<vmem>> -> memref<256x32xf32, #tpu.memory_space<vmem>>
        %dma_wait3A_84 = arith.constant 0 : i32
        %dma_wait3A_85 = tpu.memref_slice %arg6[%dma_wait3A_79, %dma_wait3A_84] : memref<1x256xi32, #tpu.memory_space<vmem>> -> memref<1x256xi32, #tpu.memory_space<vmem>>
        %dma_wait3A_86 = tpu.memref_squeeze %dma_wait3A_85 : memref<1x256xi32, #tpu.memory_space<vmem>> -> memref<256xi32, #tpu.memory_space<vmem>>
        %dma_wait3A_87 = arith.constant 0 : i32
        %dma_wait3A_88 = arith.constant 0 : i32
        %dma_wait3A_89 = tpu.memref_slice %arg11[%dma_wait3A_87, %dma_wait3A_88] : memref<50192x32xf32, #tpu.memory_space<vmem_shared>> -> memref<50192x32xf32, #tpu.memory_space<vmem_shared>>
        tpu.wait_indirect_dma semaphore(%arg14 : memref<!tpu.dma_semaphore, #tpu.memory_space<semaphore_mem>>) src(%dma_wait3A_83 : memref<256x32xf32, #tpu.memory_space<vmem>>) dst(%dma_wait3A_89 : memref<50192x32xf32, #tpu.memory_space<vmem_shared>>)
        %mul3A_90 = arith.constant 2 : i32
        %mul3A_91 = arith.muli %mul3A_90, %scan3A_45 : i32
        %add3A_92 = arith.constant 1 : i32
        %add3A_93 = arith.addi %mul3A_91, %add3A_92 : i32
        %mul3A_94 = arith.constant 1 : i32
        %mul3A_95 = arith.muli %add3A_93, %mul3A_94 : i32
        %add3A_96 = arith.addi %mul3A_13, %mul3A_95 : i32
        %dma_wait3A_97 = arith.constant 0 : i32
        %dma_wait3A_98 = tpu.memref_slice %arg4[%add3A_96, %dma_wait3A_97] : memref<3200x256xi32, #tpu.memory_space<hbm>> -> memref<1x256xi32, #tpu.memory_space<hbm>>
        %dma_wait3A_99 = arith.constant 0 : i32
        %dma_wait3A_100 = tpu.memref_slice %arg4[%add3A_96, %dma_wait3A_99] : memref<3200x256xi32, #tpu.memory_space<hbm>> -> memref<1x256xi32, #tpu.memory_space<hbm>>
        tpu.wait_dma2 semaphore(%arg12 : memref<!tpu.dma_semaphore, #tpu.memory_space<semaphore_mem>>) src(%dma_wait3A_100 : memref<1x256xi32, #tpu.memory_space<hbm>>) dst(%arg7 : memref<1x256xi32, #tpu.memory_space<vmem>>)
        %dma_wait3A_101 = arith.constant 0 : i32
        %dma_wait3A_102 = arith.constant 0 : i32
        %dma_wait3A_103 = tpu.memref_slice %arg2[%add3A_96, %dma_wait3A_101, %dma_wait3A_102] : memref<3200x256x32xf32, #tpu.memory_space<hbm>> -> memref<1x256x32xf32, #tpu.memory_space<hbm>>
        %dma_wait3A_104 = arith.constant 0 : i32
        %dma_wait3A_105 = arith.constant 0 : i32
        %dma_wait3A_106 = tpu.memref_slice %arg2[%add3A_96, %dma_wait3A_104, %dma_wait3A_105] : memref<3200x256x32xf32, #tpu.memory_space<hbm>> -> memref<1x256x32xf32, #tpu.memory_space<hbm>>
        tpu.wait_dma2 semaphore(%arg13 : memref<!tpu.dma_semaphore, #tpu.memory_space<semaphore_mem>>) src(%dma_wait3A_106 : memref<1x256x32xf32, #tpu.memory_space<hbm>>) dst(%arg9 : memref<1x256x32xf32, #tpu.memory_space<vmem>>)
        %add3A_107 = arith.constant 1 : i32
        %add3A_108 = arith.addi %add3A_93, %add3A_107 : i32
        %lt3A_109 = arith.constant 200 : i32
        %lt3A_110 = arith.cmpi slt, %add3A_108, %lt3A_109 : i32
        %convert_element_type3A_111 = arith.extui %lt3A_110 : i1 to i32
        %cond3A_112 = arith.constant 0 : i32
        %cond3A_113 = arith.cmpi ne, %convert_element_type3A_111, %cond3A_112 : i32
        scf.if %cond3A_113 {
          %add3A_138 = arith.constant 1 : i32
          %add3A_139 = arith.addi %add3A_93, %add3A_138 : i32
          %mul3A_140 = arith.constant 1 : i32
          %mul3A_141 = arith.muli %add3A_139, %mul3A_140 : i32
          %add3A_142 = arith.addi %mul3A_13, %mul3A_141 : i32
          %dma_start3A_143 = arith.constant 0 : i32
          %dma_start3A_144 = tpu.memref_slice %arg4[%add3A_142, %dma_start3A_143] : memref<3200x256xi32, #tpu.memory_space<hbm>> -> memref<1x256xi32, #tpu.memory_space<hbm>>
          %dma_start3A_145 = arith.constant 0 : i32
          %dma_start3A_146 = tpu.memref_slice %arg4[%add3A_142, %dma_start3A_145] : memref<3200x256xi32, #tpu.memory_space<hbm>> -> memref<1x256xi32, #tpu.memory_space<hbm>>
          tpu.enqueue_dma source(%dma_start3A_146 : memref<1x256xi32, #tpu.memory_space<hbm>>) target(%arg6 : memref<1x256xi32, #tpu.memory_space<vmem>>) target_semaphore(%arg12 : memref<!tpu.dma_semaphore, #tpu.memory_space<semaphore_mem>>)
          %dma_start3A_147 = arith.constant 0 : i32
          %dma_start3A_148 = arith.constant 0 : i32
          %dma_start3A_149 = tpu.memref_slice %arg2[%add3A_142, %dma_start3A_147, %dma_start3A_148] : memref<3200x256x32xf32, #tpu.memory_space<hbm>> -> memref<1x256x32xf32, #tpu.memory_space<hbm>>
          %dma_start3A_150 = arith.constant 0 : i32
          %dma_start3A_151 = arith.constant 0 : i32
          %dma_start3A_152 = tpu.memref_slice %arg2[%add3A_142, %dma_start3A_150, %dma_start3A_151] : memref<3200x256x32xf32, #tpu.memory_space<hbm>> -> memref<1x256x32xf32, #tpu.memory_space<hbm>>
          tpu.enqueue_dma source(%dma_start3A_152 : memref<1x256x32xf32, #tpu.memory_space<hbm>>) target(%arg8 : memref<1x256x32xf32, #tpu.memory_space<vmem>>) target_semaphore(%arg13 : memref<!tpu.dma_semaphore, #tpu.memory_space<semaphore_mem>>)
        } else {
        }
        %dma_start3A_114 = arith.constant 0 : i32
        %dma_start3A_115 = arith.constant 0 : i32
        %dma_start3A_116 = arith.constant 0 : i32
        %dma_start3A_117 = arith.constant 0 : i32
        %dma_start3A_118 = tpu.memref_slice %arg9[%dma_start3A_114, %dma_start3A_116, %dma_start3A_117] : memref<1x256x32xf32, #tpu.memory_space<vmem>> -> memref<1x256x32xf32, #tpu.memory_space<vmem>>
        %dma_start3A_119 = tpu.memref_squeeze %dma_start3A_118 : memref<1x256x32xf32, #tpu.memory_space<vmem>> -> memref<256x32xf32, #tpu.memory_space<vmem>>
        %dma_start3A_120 = arith.constant 0 : i32
        %dma_start3A_121 = tpu.memref_slice %arg7[%dma_start3A_115, %dma_start3A_120] : memref<1x256xi32, #tpu.memory_space<vmem>> -> memref<1x256xi32, #tpu.memory_space<vmem>>
        %dma_start3A_122 = tpu.memref_squeeze %dma_start3A_121 : memref<1x256xi32, #tpu.memory_space<vmem>> -> memref<256xi32, #tpu.memory_space<vmem>>
        %dma_start3A_123 = arith.constant 0 : i32
        %dma_start3A_124 = arith.constant 0 : i32
        %dma_start3A_125 = tpu.memref_slice %arg11[%dma_start3A_123, %dma_start3A_124] : memref<50192x32xf32, #tpu.memory_space<vmem_shared>> -> memref<50192x32xf32, #tpu.memory_space<vmem_shared>>
        tpu.enqueue_indirect_dma source(%dma_start3A_119 : memref<256x32xf32, #tpu.memory_space<vmem>>) target(%dma_start3A_125 : memref<50192x32xf32, #tpu.memory_space<vmem_shared>>) offsets(%dma_start3A_122 : memref<256xi32, #tpu.memory_space<vmem>>) semaphore(%arg14 : memref<!tpu.dma_semaphore, #tpu.memory_space<semaphore_mem>>) {add = true}
        %dma_wait3A_126 = arith.constant 0 : i32
        %dma_wait3A_127 = arith.constant 0 : i32
        %dma_wait3A_128 = arith.constant 0 : i32
        %dma_wait3A_129 = arith.constant 0 : i32
        %dma_wait3A_130 = tpu.memref_slice %arg9[%dma_wait3A_126, %dma_wait3A_128, %dma_wait3A_129] : memref<1x256x32xf32, #tpu.memory_space<vmem>> -> memref<1x256x32xf32, #tpu.memory_space<vmem>>
        %dma_wait3A_131 = tpu.memref_squeeze %dma_wait3A_130 : memref<1x256x32xf32, #tpu.memory_space<vmem>> -> memref<256x32xf32, #tpu.memory_space<vmem>>
        %dma_wait3A_132 = arith.constant 0 : i32
        %dma_wait3A_133 = tpu.memref_slice %arg7[%dma_wait3A_127, %dma_wait3A_132] : memref<1x256xi32, #tpu.memory_space<vmem>> -> memref<1x256xi32, #tpu.memory_space<vmem>>
        %dma_wait3A_134 = tpu.memref_squeeze %dma_wait3A_133 : memref<1x256xi32, #tpu.memory_space<vmem>> -> memref<256xi32, #tpu.memory_space<vmem>>
        %dma_wait3A_135 = arith.constant 0 : i32
        %dma_wait3A_136 = arith.constant 0 : i32
        %dma_wait3A_137 = tpu.memref_slice %arg11[%dma_wait3A_135, %dma_wait3A_136] : memref<50192x32xf32, #tpu.memory_space<vmem_shared>> -> memref<50192x32xf32, #tpu.memory_space<vmem_shared>>
        tpu.wait_indirect_dma semaphore(%arg14 : memref<!tpu.dma_semaphore, #tpu.memory_space<semaphore_mem>>) src(%dma_wait3A_131 : memref<256x32xf32, #tpu.memory_space<vmem>>) dst(%dma_wait3A_137 : memref<50192x32xf32, #tpu.memory_space<vmem_shared>>)
      }
      %scan3A_44 = arith.constant 100 : i32
    } else {
    }
    %eq3A_19 = arith.constant 1 : i32
    %eq3A_20 = arith.cmpi eq, %arg0, %eq3A_19 : i32
    %convert_element_type3A_21 = arith.extui %eq3A_20 : i1 to i32
    %cond3A_22 = arith.constant 0 : i32
    %cond3A_23 = arith.cmpi ne, %convert_element_type3A_21, %cond3A_22 : i32
    scf.if %cond3A_23 {
      %add3A = arith.constant 0 : i32
      %add3A_29 = arith.addi %mul3A_13, %add3A : i32
      %dma_start3A = arith.constant 0 : i32
      %dma_start3A_30 = tpu.memref_slice %arg4[%add3A_29, %dma_start3A] : memref<3200x256xi32, #tpu.memory_space<hbm>> -> memref<1x256xi32, #tpu.memory_space<hbm>>
      %dma_start3A_31 = arith.constant 0 : i32
      %dma_start3A_32 = tpu.memref_slice %arg4[%add3A_29, %dma_start3A_31] : memref<3200x256xi32, #tpu.memory_space<hbm>> -> memref<1x256xi32, #tpu.memory_space<hbm>>
      tpu.enqueue_dma source(%dma_start3A_32 : memref<1x256xi32, #tpu.memory_space<hbm>>) target(%arg6 : memref<1x256xi32, #tpu.memory_space<vmem>>) target_semaphore(%arg12 : memref<!tpu.dma_semaphore, #tpu.memory_space<semaphore_mem>>)
      %dma_start3A_33 = arith.constant 0 : i32
      %dma_start3A_34 = arith.constant 0 : i32
      %dma_start3A_35 = tpu.memref_slice %arg3[%add3A_29, %dma_start3A_33, %dma_start3A_34] : memref<3200x256x32xf32, #tpu.memory_space<hbm>> -> memref<1x256x32xf32, #tpu.memory_space<hbm>>
      %dma_start3A_36 = arith.constant 0 : i32
      %dma_start3A_37 = arith.constant 0 : i32
      %dma_start3A_38 = tpu.memref_slice %arg3[%add3A_29, %dma_start3A_36, %dma_start3A_37] : memref<3200x256x32xf32, #tpu.memory_space<hbm>> -> memref<1x256x32xf32, #tpu.memory_space<hbm>>
      tpu.enqueue_dma source(%dma_start3A_38 : memref<1x256x32xf32, #tpu.memory_space<hbm>>) target(%arg8 : memref<1x256x32xf32, #tpu.memory_space<vmem>>) target_semaphore(%arg13 : memref<!tpu.dma_semaphore, #tpu.memory_space<semaphore_mem>>)
      %scan3A_39 = arith.constant 0 : i32
      %scan3A_40 = arith.constant 0 : i32
      %scan3A_41 = arith.constant 100 : i32
      %scan3A_42 = arith.addi %scan3A_40, %scan3A_41 : i32
      %scan3A_43 = arith.constant 1 : i32
      scf.for %scan3A_45 = %scan3A_40 to %scan3A_42 step %scan3A_43  : i32 {
        %mul3A_46 = arith.constant 2 : i32
        %mul3A_47 = arith.muli %mul3A_46, %scan3A_45 : i32
        %mul3A_48 = arith.constant 1 : i32
        %mul3A_49 = arith.muli %mul3A_47, %mul3A_48 : i32
        %add3A_50 = arith.addi %mul3A_13, %mul3A_49 : i32
        %dma_wait3A = arith.constant 0 : i32
        %dma_wait3A_51 = tpu.memref_slice %arg4[%add3A_50, %dma_wait3A] : memref<3200x256xi32, #tpu.memory_space<hbm>> -> memref<1x256xi32, #tpu.memory_space<hbm>>
        %dma_wait3A_52 = arith.constant 0 : i32
        %dma_wait3A_53 = tpu.memref_slice %arg4[%add3A_50, %dma_wait3A_52] : memref<3200x256xi32, #tpu.memory_space<hbm>> -> memref<1x256xi32, #tpu.memory_space<hbm>>
        tpu.wait_dma2 semaphore(%arg12 : memref<!tpu.dma_semaphore, #tpu.memory_space<semaphore_mem>>) src(%dma_wait3A_53 : memref<1x256xi32, #tpu.memory_space<hbm>>) dst(%arg6 : memref<1x256xi32, #tpu.memory_space<vmem>>)
        %dma_wait3A_54 = arith.constant 0 : i32
        %dma_wait3A_55 = arith.constant 0 : i32
        %dma_wait3A_56 = tpu.memref_slice %arg3[%add3A_50, %dma_wait3A_54, %dma_wait3A_55] : memref<3200x256x32xf32, #tpu.memory_space<hbm>> -> memref<1x256x32xf32, #tpu.memory_space<hbm>>
        %dma_wait3A_57 = arith.constant 0 : i32
        %dma_wait3A_58 = arith.constant 0 : i32
        %dma_wait3A_59 = tpu.memref_slice %arg3[%add3A_50, %dma_wait3A_57, %dma_wait3A_58] : memref<3200x256x32xf32, #tpu.memory_space<hbm>> -> memref<1x256x32xf32, #tpu.memory_space<hbm>>
        tpu.wait_dma2 semaphore(%arg13 : memref<!tpu.dma_semaphore, #tpu.memory_space<semaphore_mem>>) src(%dma_wait3A_59 : memref<1x256x32xf32, #tpu.memory_space<hbm>>) dst(%arg8 : memref<1x256x32xf32, #tpu.memory_space<vmem>>)
        %add3A_60 = arith.constant 1 : i32
        %add3A_61 = arith.addi %mul3A_47, %add3A_60 : i32
        %lt3A = arith.constant 200 : i32
        %lt3A_62 = arith.cmpi slt, %add3A_61, %lt3A : i32
        %convert_element_type3A_63 = arith.extui %lt3A_62 : i1 to i32
        %cond3A_64 = arith.constant 0 : i32
        %cond3A_65 = arith.cmpi ne, %convert_element_type3A_63, %cond3A_64 : i32
        scf.if %cond3A_65 {
          %add3A_138 = arith.constant 1 : i32
          %add3A_139 = arith.addi %mul3A_47, %add3A_138 : i32
          %mul3A_140 = arith.constant 1 : i32
          %mul3A_141 = arith.muli %add3A_139, %mul3A_140 : i32
          %add3A_142 = arith.addi %mul3A_13, %mul3A_141 : i32
          %dma_start3A_143 = arith.constant 0 : i32
          %dma_start3A_144 = tpu.memref_slice %arg4[%add3A_142, %dma_start3A_143] : memref<3200x256xi32, #tpu.memory_space<hbm>> -> memref<1x256xi32, #tpu.memory_space<hbm>>
          %dma_start3A_145 = arith.constant 0 : i32
          %dma_start3A_146 = tpu.memref_slice %arg4[%add3A_142, %dma_start3A_145] : memref<3200x256xi32, #tpu.memory_space<hbm>> -> memref<1x256xi32, #tpu.memory_space<hbm>>
          tpu.enqueue_dma source(%dma_start3A_146 : memref<1x256xi32, #tpu.memory_space<hbm>>) target(%arg7 : memref<1x256xi32, #tpu.memory_space<vmem>>) target_semaphore(%arg12 : memref<!tpu.dma_semaphore, #tpu.memory_space<semaphore_mem>>)
          %dma_start3A_147 = arith.constant 0 : i32
          %dma_start3A_148 = arith.constant 0 : i32
          %dma_start3A_149 = tpu.memref_slice %arg3[%add3A_142, %dma_start3A_147, %dma_start3A_148] : memref<3200x256x32xf32, #tpu.memory_space<hbm>> -> memref<1x256x32xf32, #tpu.memory_space<hbm>>
          %dma_start3A_150 = arith.constant 0 : i32
          %dma_start3A_151 = arith.constant 0 : i32
          %dma_start3A_152 = tpu.memref_slice %arg3[%add3A_142, %dma_start3A_150, %dma_start3A_151] : memref<3200x256x32xf32, #tpu.memory_space<hbm>> -> memref<1x256x32xf32, #tpu.memory_space<hbm>>
          tpu.enqueue_dma source(%dma_start3A_152 : memref<1x256x32xf32, #tpu.memory_space<hbm>>) target(%arg9 : memref<1x256x32xf32, #tpu.memory_space<vmem>>) target_semaphore(%arg13 : memref<!tpu.dma_semaphore, #tpu.memory_space<semaphore_mem>>)
        } else {
        }
        %dma_start3A_66 = arith.constant 0 : i32
        %dma_start3A_67 = arith.constant 0 : i32
        %dma_start3A_68 = arith.constant 0 : i32
        %dma_start3A_69 = arith.constant 0 : i32
        %dma_start3A_70 = tpu.memref_slice %arg8[%dma_start3A_66, %dma_start3A_68, %dma_start3A_69] : memref<1x256x32xf32, #tpu.memory_space<vmem>> -> memref<1x256x32xf32, #tpu.memory_space<vmem>>
        %dma_start3A_71 = tpu.memref_squeeze %dma_start3A_70 : memref<1x256x32xf32, #tpu.memory_space<vmem>> -> memref<256x32xf32, #tpu.memory_space<vmem>>
        %dma_start3A_72 = arith.constant 0 : i32
        %dma_start3A_73 = tpu.memref_slice %arg6[%dma_start3A_67, %dma_start3A_72] : memref<1x256xi32, #tpu.memory_space<vmem>> -> memref<1x256xi32, #tpu.memory_space<vmem>>
        %dma_start3A_74 = tpu.memref_squeeze %dma_start3A_73 : memref<1x256xi32, #tpu.memory_space<vmem>> -> memref<256xi32, #tpu.memory_space<vmem>>
        %dma_start3A_75 = arith.constant 0 : i32
        %dma_start3A_76 = arith.constant 0 : i32
        %dma_start3A_77 = tpu.memref_slice %arg11[%dma_start3A_75, %dma_start3A_76] : memref<50192x32xf32, #tpu.memory_space<vmem_shared>> -> memref<50192x32xf32, #tpu.memory_space<vmem_shared>>
        tpu.enqueue_indirect_dma source(%dma_start3A_71 : memref<256x32xf32, #tpu.memory_space<vmem>>) target(%dma_start3A_77 : memref<50192x32xf32, #tpu.memory_space<vmem_shared>>) offsets(%dma_start3A_74 : memref<256xi32, #tpu.memory_space<vmem>>) semaphore(%arg14 : memref<!tpu.dma_semaphore, #tpu.memory_space<semaphore_mem>>) {add = true}
        %dma_wait3A_78 = arith.constant 0 : i32
        %dma_wait3A_79 = arith.constant 0 : i32
        %dma_wait3A_80 = arith.constant 0 : i32
        %dma_wait3A_81 = arith.constant 0 : i32
        %dma_wait3A_82 = tpu.memref_slice %arg8[%dma_wait3A_78, %dma_wait3A_80, %dma_wait3A_81] : memref<1x256x32xf32, #tpu.memory_space<vmem>> -> memref<1x256x32xf32, #tpu.memory_space<vmem>>
        %dma_wait3A_83 = tpu.memref_squeeze %dma_wait3A_82 : memref<1x256x32xf32, #tpu.memory_space<vmem>> -> memref<256x32xf32, #tpu.memory_space<vmem>>
        %dma_wait3A_84 = arith.constant 0 : i32
        %dma_wait3A_85 = tpu.memref_slice %arg6[%dma_wait3A_79, %dma_wait3A_84] : memref<1x256xi32, #tpu.memory_space<vmem>> -> memref<1x256xi32, #tpu.memory_space<vmem>>
        %dma_wait3A_86 = tpu.memref_squeeze %dma_wait3A_85 : memref<1x256xi32, #tpu.memory_space<vmem>> -> memref<256xi32, #tpu.memory_space<vmem>>
        %dma_wait3A_87 = arith.constant 0 : i32
        %dma_wait3A_88 = arith.constant 0 : i32
        %dma_wait3A_89 = tpu.memref_slice %arg11[%dma_wait3A_87, %dma_wait3A_88] : memref<50192x32xf32, #tpu.memory_space<vmem_shared>> -> memref<50192x32xf32, #tpu.memory_space<vmem_shared>>
        tpu.wait_indirect_dma semaphore(%arg14 : memref<!tpu.dma_semaphore, #tpu.memory_space<semaphore_mem>>) src(%dma_wait3A_83 : memref<256x32xf32, #tpu.memory_space<vmem>>) dst(%dma_wait3A_89 : memref<50192x32xf32, #tpu.memory_space<vmem_shared>>)
        %mul3A_90 = arith.constant 2 : i32
        %mul3A_91 = arith.muli %mul3A_90, %scan3A_45 : i32
        %add3A_92 = arith.constant 1 : i32
        %add3A_93 = arith.addi %mul3A_91, %add3A_92 : i32
        %mul3A_94 = arith.constant 1 : i32
        %mul3A_95 = arith.muli %add3A_93, %mul3A_94 : i32
        %add3A_96 = arith.addi %mul3A_13, %mul3A_95 : i32
        %dma_wait3A_97 = arith.constant 0 : i32
        %dma_wait3A_98 = tpu.memref_slice %arg4[%add3A_96, %dma_wait3A_97] : memref<3200x256xi32, #tpu.memory_space<hbm>> -> memref<1x256xi32, #tpu.memory_space<hbm>>
        %dma_wait3A_99 = arith.constant 0 : i32
        %dma_wait3A_100 = tpu.memref_slice %arg4[%add3A_96, %dma_wait3A_99] : memref<3200x256xi32, #tpu.memory_space<hbm>> -> memref<1x256xi32, #tpu.memory_space<hbm>>
        tpu.wait_dma2 semaphore(%arg12 : memref<!tpu.dma_semaphore, #tpu.memory_space<semaphore_mem>>) src(%dma_wait3A_100 : memref<1x256xi32, #tpu.memory_space<hbm>>) dst(%arg7 : memref<1x256xi32, #tpu.memory_space<vmem>>)
        %dma_wait3A_101 = arith.constant 0 : i32
        %dma_wait3A_102 = arith.constant 0 : i32
        %dma_wait3A_103 = tpu.memref_slice %arg3[%add3A_96, %dma_wait3A_101, %dma_wait3A_102] : memref<3200x256x32xf32, #tpu.memory_space<hbm>> -> memref<1x256x32xf32, #tpu.memory_space<hbm>>
        %dma_wait3A_104 = arith.constant 0 : i32
        %dma_wait3A_105 = arith.constant 0 : i32
        %dma_wait3A_106 = tpu.memref_slice %arg3[%add3A_96, %dma_wait3A_104, %dma_wait3A_105] : memref<3200x256x32xf32, #tpu.memory_space<hbm>> -> memref<1x256x32xf32, #tpu.memory_space<hbm>>
        tpu.wait_dma2 semaphore(%arg13 : memref<!tpu.dma_semaphore, #tpu.memory_space<semaphore_mem>>) src(%dma_wait3A_106 : memref<1x256x32xf32, #tpu.memory_space<hbm>>) dst(%arg9 : memref<1x256x32xf32, #tpu.memory_space<vmem>>)
        %add3A_107 = arith.constant 1 : i32
        %add3A_108 = arith.addi %add3A_93, %add3A_107 : i32
        %lt3A_109 = arith.constant 200 : i32
        %lt3A_110 = arith.cmpi slt, %add3A_108, %lt3A_109 : i32
        %convert_element_type3A_111 = arith.extui %lt3A_110 : i1 to i32
        %cond3A_112 = arith.constant 0 : i32
        %cond3A_113 = arith.cmpi ne, %convert_element_type3A_111, %cond3A_112 : i32
        scf.if %cond3A_113 {
          %add3A_138 = arith.constant 1 : i32
          %add3A_139 = arith.addi %add3A_93, %add3A_138 : i32
          %mul3A_140 = arith.constant 1 : i32
          %mul3A_141 = arith.muli %add3A_139, %mul3A_140 : i32
          %add3A_142 = arith.addi %mul3A_13, %mul3A_141 : i32
          %dma_start3A_143 = arith.constant 0 : i32
          %dma_start3A_144 = tpu.memref_slice %arg4[%add3A_142, %dma_start3A_143] : memref<3200x256xi32, #tpu.memory_space<hbm>> -> memref<1x256xi32, #tpu.memory_space<hbm>>
          %dma_start3A_145 = arith.constant 0 : i32
          %dma_start3A_146 = tpu.memref_slice %arg4[%add3A_142, %dma_start3A_145] : memref<3200x256xi32, #tpu.memory_space<hbm>> -> memref<1x256xi32, #tpu.memory_space<hbm>>
          tpu.enqueue_dma source(%dma_start3A_146 : memref<1x256xi32, #tpu.memory_space<hbm>>) target(%arg6 : memref<1x256xi32, #tpu.memory_space<vmem>>) target_semaphore(%arg12 : memref<!tpu.dma_semaphore, #tpu.memory_space<semaphore_mem>>)
          %dma_start3A_147 = arith.constant 0 : i32
          %dma_start3A_148 = arith.constant 0 : i32
          %dma_start3A_149 = tpu.memref_slice %arg3[%add3A_142, %dma_start3A_147, %dma_start3A_148] : memref<3200x256x32xf32, #tpu.memory_space<hbm>> -> memref<1x256x32xf32, #tpu.memory_space<hbm>>
          %dma_start3A_150 = arith.constant 0 : i32
          %dma_start3A_151 = arith.constant 0 : i32
          %dma_start3A_152 = tpu.memref_slice %arg3[%add3A_142, %dma_start3A_150, %dma_start3A_151] : memref<3200x256x32xf32, #tpu.memory_space<hbm>> -> memref<1x256x32xf32, #tpu.memory_space<hbm>>
          tpu.enqueue_dma source(%dma_start3A_152 : memref<1x256x32xf32, #tpu.memory_space<hbm>>) target(%arg8 : memref<1x256x32xf32, #tpu.memory_space<vmem>>) target_semaphore(%arg13 : memref<!tpu.dma_semaphore, #tpu.memory_space<semaphore_mem>>)
        } else {
        }
        %dma_start3A_114 = arith.constant 0 : i32
        %dma_start3A_115 = arith.constant 0 : i32
        %dma_start3A_116 = arith.constant 0 : i32
        %dma_start3A_117 = arith.constant 0 : i32
        %dma_start3A_118 = tpu.memref_slice %arg9[%dma_start3A_114, %dma_start3A_116, %dma_start3A_117] : memref<1x256x32xf32, #tpu.memory_space<vmem>> -> memref<1x256x32xf32, #tpu.memory_space<vmem>>
        %dma_start3A_119 = tpu.memref_squeeze %dma_start3A_118 : memref<1x256x32xf32, #tpu.memory_space<vmem>> -> memref<256x32xf32, #tpu.memory_space<vmem>>
        %dma_start3A_120 = arith.constant 0 : i32
        %dma_start3A_121 = tpu.memref_slice %arg7[%dma_start3A_115, %dma_start3A_120] : memref<1x256xi32, #tpu.memory_space<vmem>> -> memref<1x256xi32, #tpu.memory_space<vmem>>
        %dma_start3A_122 = tpu.memref_squeeze %dma_start3A_121 : memref<1x256xi32, #tpu.memory_space<vmem>> -> memref<256xi32, #tpu.memory_space<vmem>>
        %dma_start3A_123 = arith.constant 0 : i32
        %dma_start3A_124 = arith.constant 0 : i32
        %dma_start3A_125 = tpu.memref_slice %arg11[%dma_start3A_123, %dma_start3A_124] : memref<50192x32xf32, #tpu.memory_space<vmem_shared>> -> memref<50192x32xf32, #tpu.memory_space<vmem_shared>>
        tpu.enqueue_indirect_dma source(%dma_start3A_119 : memref<256x32xf32, #tpu.memory_space<vmem>>) target(%dma_start3A_125 : memref<50192x32xf32, #tpu.memory_space<vmem_shared>>) offsets(%dma_start3A_122 : memref<256xi32, #tpu.memory_space<vmem>>) semaphore(%arg14 : memref<!tpu.dma_semaphore, #tpu.memory_space<semaphore_mem>>) {add = true}
        %dma_wait3A_126 = arith.constant 0 : i32
        %dma_wait3A_127 = arith.constant 0 : i32
        %dma_wait3A_128 = arith.constant 0 : i32
        %dma_wait3A_129 = arith.constant 0 : i32
        %dma_wait3A_130 = tpu.memref_slice %arg9[%dma_wait3A_126, %dma_wait3A_128, %dma_wait3A_129] : memref<1x256x32xf32, #tpu.memory_space<vmem>> -> memref<1x256x32xf32, #tpu.memory_space<vmem>>
        %dma_wait3A_131 = tpu.memref_squeeze %dma_wait3A_130 : memref<1x256x32xf32, #tpu.memory_space<vmem>> -> memref<256x32xf32, #tpu.memory_space<vmem>>
        %dma_wait3A_132 = arith.constant 0 : i32
        %dma_wait3A_133 = tpu.memref_slice %arg7[%dma_wait3A_127, %dma_wait3A_132] : memref<1x256xi32, #tpu.memory_space<vmem>> -> memref<1x256xi32, #tpu.memory_space<vmem>>
        %dma_wait3A_134 = tpu.memref_squeeze %dma_wait3A_133 : memref<1x256xi32, #tpu.memory_space<vmem>> -> memref<256xi32, #tpu.memory_space<vmem>>
        %dma_wait3A_135 = arith.constant 0 : i32
        %dma_wait3A_136 = arith.constant 0 : i32
        %dma_wait3A_137 = tpu.memref_slice %arg11[%dma_wait3A_135, %dma_wait3A_136] : memref<50192x32xf32, #tpu.memory_space<vmem_shared>> -> memref<50192x32xf32, #tpu.memory_space<vmem_shared>>
        tpu.wait_indirect_dma semaphore(%arg14 : memref<!tpu.dma_semaphore, #tpu.memory_space<semaphore_mem>>) src(%dma_wait3A_131 : memref<256x32xf32, #tpu.memory_space<vmem>>) dst(%dma_wait3A_137 : memref<50192x32xf32, #tpu.memory_space<vmem_shared>>)
      }
      %scan3A_44 = arith.constant 100 : i32
    } else {
    }
    %barrier3A_24 = arith.constant 0 : index
    tpu.barrier barrier_id(%barrier3A_24)
    %mul3A_25 = arith.constant 3136 : i32
    %mul3A_26 = arith.muli %arg1, %mul3A_25 : i32
    %mul3A_27 = arith.constant 3136 : i32
    %mul3A_28 = arith.muli %arg1, %mul3A_27 : i32
    "tpu.region"() ({
      %run_scoped3A = tpu.sem_alloc : memref<!tpu.dma_semaphore, #tpu.memory_space<semaphore_mem>>
      %dma_start3A = arith.constant 0 : i32
      %dma_start3A_29 = tpu.memref_slice %arg5[%arg0, %mul3A_28, %dma_start3A] : memref<2x50176x32xf32, #tpu.memory_space<hbm>> -> memref<1x3136x32xf32, #tpu.memory_space<hbm>>
      %dma_start3A_30 = tpu.memref_squeeze %dma_start3A_29 : memref<1x3136x32xf32, #tpu.memory_space<hbm>> -> memref<3136x32xf32, #tpu.memory_space<hbm>>
      %dma_start3A_31 = arith.constant 0 : i32
      %dma_start3A_32 = tpu.memref_slice %arg11[%mul3A_26, %dma_start3A_31] : memref<50192x32xf32, #tpu.memory_space<vmem_shared>> -> memref<3136x32xf32, #tpu.memory_space<vmem_shared>>
      tpu.enqueue_dma source(%dma_start3A_32 : memref<3136x32xf32, #tpu.memory_space<vmem_shared>>) target(%dma_start3A_30 : memref<3136x32xf32, #tpu.memory_space<hbm>>) target_semaphore(%run_scoped3A : memref<!tpu.dma_semaphore, #tpu.memory_space<semaphore_mem>>)
      %dma_wait3A = arith.constant 0 : i32
      %dma_wait3A_33 = tpu.memref_slice %arg5[%arg0, %mul3A_28, %dma_wait3A] : memref<2x50176x32xf32, #tpu.memory_space<hbm>> -> memref<1x3136x32xf32, #tpu.memory_space<hbm>>
      %dma_wait3A_34 = tpu.memref_squeeze %dma_wait3A_33 : memref<1x3136x32xf32, #tpu.memory_space<hbm>> -> memref<3136x32xf32, #tpu.memory_space<hbm>>
      %dma_wait3A_35 = arith.constant 0 : i32
      %dma_wait3A_36 = tpu.memref_slice %arg11[%mul3A_26, %dma_wait3A_35] : memref<50192x32xf32, #tpu.memory_space<vmem_shared>> -> memref<3136x32xf32, #tpu.memory_space<vmem_shared>>
      tpu.wait_dma2 semaphore(%run_scoped3A : memref<!tpu.dma_semaphore, #tpu.memory_space<semaphore_mem>>) src(%dma_wait3A_36 : memref<3136x32xf32, #tpu.memory_space<vmem_shared>>) dst(%dma_wait3A_34 : memref<3136x32xf32, #tpu.memory_space<hbm>>)
      tpu.yield
    }) : () -> ()
    return
  }
}

#map = affine_map<(d0, d1) -> (0, 0)>
#map1 = affine_map<(d0, d1) -> (0, 0, 0)>
module attributes {stable_mosaic.version = 14 : i64} {
  func.func @gath(%arg0: i32, %arg1: i32, %arg2: memref<50176x32xf32, #tpu.memory_space<hbm>>, %arg3: memref<3200x256xi32, #tpu.memory_space<hbm>>, %arg4: memref<3200x256x32xf32, #tpu.memory_space<hbm>>, %arg5: memref<100x256xi32, #tpu.memory_space<vmem>>, %arg6: memref<4x256x32xf32, #tpu.memory_space<vmem>>, %arg7: memref<4x256x32xf32, #tpu.memory_space<vmem>>, %arg8: memref<!tpu.dma_semaphore, #tpu.memory_space<semaphore_mem>>, %arg9: memref<!tpu.dma_semaphore, #tpu.memory_space<semaphore_mem>>, %arg10: memref<!tpu.dma_semaphore, #tpu.memory_space<semaphore_mem>>) attributes {dimension_semantics = [#tpu.dimension_semantics<core_parallel>, #tpu.dimension_semantics<subcore_parallel>], iteration_bounds = array<i64: 2, 16>, scalar_prefetch = 0 : i64, scratch_operands = 6 : i64, tpu.core_type = #tpu.core_type<sc_vector_subcore>, window_params = [{transform_indices = #map}, {transform_indices = #map}, {transform_indices = #map1}]} {
    %mul3A = arith.constant 2 : i32
    %mul3A_0 = arith.muli %arg1, %mul3A : i32
    %add3A = arith.addi %mul3A_0, %arg0 : i32
    %mul3A_1 = arith.constant 100 : i32
    %mul3A_2 = arith.muli %add3A, %mul3A_1 : i32
    "tpu.region"() ({
      %run_scoped3A = tpu.sem_alloc : memref<!tpu.dma_semaphore, #tpu.memory_space<semaphore_mem>>
      %dma_start3A_62 = arith.constant 0 : i32
      %dma_start3A_63 = tpu.memref_slice %arg3[%mul3A_2, %dma_start3A_62] : memref<3200x256xi32, #tpu.memory_space<hbm>> -> memref<100x256xi32, #tpu.memory_space<hbm>>
      %dma_start3A_64 = arith.constant 0 : i32
      %dma_start3A_65 = tpu.memref_slice %arg3[%mul3A_2, %dma_start3A_64] : memref<3200x256xi32, #tpu.memory_space<hbm>> -> memref<100x256xi32, #tpu.memory_space<hbm>>
      tpu.enqueue_dma source(%dma_start3A_65 : memref<100x256xi32, #tpu.memory_space<hbm>>) target(%arg5 : memref<100x256xi32, #tpu.memory_space<vmem>>) target_semaphore(%run_scoped3A : memref<!tpu.dma_semaphore, #tpu.memory_space<semaphore_mem>>)
      %dma_wait3A_66 = arith.constant 0 : i32
      %dma_wait3A_67 = tpu.memref_slice %arg3[%mul3A_2, %dma_wait3A_66] : memref<3200x256xi32, #tpu.memory_space<hbm>> -> memref<100x256xi32, #tpu.memory_space<hbm>>
      %dma_wait3A_68 = arith.constant 0 : i32
      %dma_wait3A_69 = tpu.memref_slice %arg3[%mul3A_2, %dma_wait3A_68] : memref<3200x256xi32, #tpu.memory_space<hbm>> -> memref<100x256xi32, #tpu.memory_space<hbm>>
      tpu.wait_dma2 semaphore(%run_scoped3A : memref<!tpu.dma_semaphore, #tpu.memory_space<semaphore_mem>>) src(%dma_wait3A_69 : memref<100x256xi32, #tpu.memory_space<hbm>>) dst(%arg5 : memref<100x256xi32, #tpu.memory_space<vmem>>)
      tpu.yield
    }) : () -> ()
    %dma_start3A = arith.constant 0 : i32
    %dma_start3A_3 = arith.constant 0 : i32
    %dma_start3A_4 = arith.constant 0 : i32
    %dma_start3A_5 = arith.constant 0 : i32
    %dma_start3A_6 = tpu.memref_slice %arg6[%dma_start3A_3, %dma_start3A_4, %dma_start3A_5] : memref<4x256x32xf32, #tpu.memory_space<vmem>> -> memref<1x256x32xf32, #tpu.memory_space<vmem>>
    %dma_start3A_7 = tpu.memref_squeeze %dma_start3A_6 : memref<1x256x32xf32, #tpu.memory_space<vmem>> -> memref<256x32xf32, #tpu.memory_space<vmem>>
    %dma_start3A_8 = arith.constant 0 : i32
    %dma_start3A_9 = tpu.memref_slice %arg5[%dma_start3A, %dma_start3A_8] : memref<100x256xi32, #tpu.memory_space<vmem>> -> memref<1x256xi32, #tpu.memory_space<vmem>>
    %dma_start3A_10 = tpu.memref_squeeze %dma_start3A_9 : memref<1x256xi32, #tpu.memory_space<vmem>> -> memref<256xi32, #tpu.memory_space<vmem>>
    %dma_start3A_11 = arith.constant 0 : i32
    %dma_start3A_12 = arith.constant 0 : i32
    %dma_start3A_13 = tpu.memref_slice %arg2[%dma_start3A_11, %dma_start3A_12] : memref<50176x32xf32, #tpu.memory_space<hbm>> -> memref<50176x32xf32, #tpu.memory_space<hbm>>
    tpu.enqueue_indirect_dma source(%dma_start3A_13 : memref<50176x32xf32, #tpu.memory_space<hbm>>) target(%dma_start3A_7 : memref<256x32xf32, #tpu.memory_space<vmem>>) offsets(%dma_start3A_10 : memref<256xi32, #tpu.memory_space<vmem>>) semaphore(%arg8 : memref<!tpu.dma_semaphore, #tpu.memory_space<semaphore_mem>>)
    %dma_start3A_14 = arith.constant 1 : i32
    %dma_start3A_15 = arith.constant 1 : i32
    %dma_start3A_16 = arith.constant 0 : i32
    %dma_start3A_17 = arith.constant 0 : i32
    %dma_start3A_18 = tpu.memref_slice %arg6[%dma_start3A_15, %dma_start3A_16, %dma_start3A_17] : memref<4x256x32xf32, #tpu.memory_space<vmem>> -> memref<1x256x32xf32, #tpu.memory_space<vmem>>
    %dma_start3A_19 = tpu.memref_squeeze %dma_start3A_18 : memref<1x256x32xf32, #tpu.memory_space<vmem>> -> memref<256x32xf32, #tpu.memory_space<vmem>>
    %dma_start3A_20 = arith.constant 0 : i32
    %dma_start3A_21 = tpu.memref_slice %arg5[%dma_start3A_14, %dma_start3A_20] : memref<100x256xi32, #tpu.memory_space<vmem>> -> memref<1x256xi32, #tpu.memory_space<vmem>>
    %dma_start3A_22 = tpu.memref_squeeze %dma_start3A_21 : memref<1x256xi32, #tpu.memory_space<vmem>> -> memref<256xi32, #tpu.memory_space<vmem>>
    %dma_start3A_23 = arith.constant 0 : i32
    %dma_start3A_24 = arith.constant 0 : i32
    %dma_start3A_25 = tpu.memref_slice %arg2[%dma_start3A_23, %dma_start3A_24] : memref<50176x32xf32, #tpu.memory_space<hbm>> -> memref<50176x32xf32, #tpu.memory_space<hbm>>
    tpu.enqueue_indirect_dma source(%dma_start3A_25 : memref<50176x32xf32, #tpu.memory_space<hbm>>) target(%dma_start3A_19 : memref<256x32xf32, #tpu.memory_space<vmem>>) offsets(%dma_start3A_22 : memref<256xi32, #tpu.memory_space<vmem>>) semaphore(%arg8 : memref<!tpu.dma_semaphore, #tpu.memory_space<semaphore_mem>>)
    %dma_start3A_26 = arith.constant 2 : i32
    %dma_start3A_27 = arith.constant 2 : i32
    %dma_start3A_28 = arith.constant 0 : i32
    %dma_start3A_29 = arith.constant 0 : i32
    %dma_start3A_30 = tpu.memref_slice %arg6[%dma_start3A_27, %dma_start3A_28, %dma_start3A_29] : memref<4x256x32xf32, #tpu.memory_space<vmem>> -> memref<1x256x32xf32, #tpu.memory_space<vmem>>
    %dma_start3A_31 = tpu.memref_squeeze %dma_start3A_30 : memref<1x256x32xf32, #tpu.memory_space<vmem>> -> memref<256x32xf32, #tpu.memory_space<vmem>>
    %dma_start3A_32 = arith.constant 0 : i32
    %dma_start3A_33 = tpu.memref_slice %arg5[%dma_start3A_26, %dma_start3A_32] : memref<100x256xi32, #tpu.memory_space<vmem>> -> memref<1x256xi32, #tpu.memory_space<vmem>>
    %dma_start3A_34 = tpu.memref_squeeze %dma_start3A_33 : memref<1x256xi32, #tpu.memory_space<vmem>> -> memref<256xi32, #tpu.memory_space<vmem>>
    %dma_start3A_35 = arith.constant 0 : i32
    %dma_start3A_36 = arith.constant 0 : i32
    %dma_start3A_37 = tpu.memref_slice %arg2[%dma_start3A_35, %dma_start3A_36] : memref<50176x32xf32, #tpu.memory_space<hbm>> -> memref<50176x32xf32, #tpu.memory_space<hbm>>
    tpu.enqueue_indirect_dma source(%dma_start3A_37 : memref<50176x32xf32, #tpu.memory_space<hbm>>) target(%dma_start3A_31 : memref<256x32xf32, #tpu.memory_space<vmem>>) offsets(%dma_start3A_34 : memref<256xi32, #tpu.memory_space<vmem>>) semaphore(%arg8 : memref<!tpu.dma_semaphore, #tpu.memory_space<semaphore_mem>>)
    %dma_start3A_38 = arith.constant 3 : i32
    %dma_start3A_39 = arith.constant 3 : i32
    %dma_start3A_40 = arith.constant 0 : i32
    %dma_start3A_41 = arith.constant 0 : i32
    %dma_start3A_42 = tpu.memref_slice %arg6[%dma_start3A_39, %dma_start3A_40, %dma_start3A_41] : memref<4x256x32xf32, #tpu.memory_space<vmem>> -> memref<1x256x32xf32, #tpu.memory_space<vmem>>
    %dma_start3A_43 = tpu.memref_squeeze %dma_start3A_42 : memref<1x256x32xf32, #tpu.memory_space<vmem>> -> memref<256x32xf32, #tpu.memory_space<vmem>>
    %dma_start3A_44 = arith.constant 0 : i32
    %dma_start3A_45 = tpu.memref_slice %arg5[%dma_start3A_38, %dma_start3A_44] : memref<100x256xi32, #tpu.memory_space<vmem>> -> memref<1x256xi32, #tpu.memory_space<vmem>>
    %dma_start3A_46 = tpu.memref_squeeze %dma_start3A_45 : memref<1x256xi32, #tpu.memory_space<vmem>> -> memref<256xi32, #tpu.memory_space<vmem>>
    %dma_start3A_47 = arith.constant 0 : i32
    %dma_start3A_48 = arith.constant 0 : i32
    %dma_start3A_49 = tpu.memref_slice %arg2[%dma_start3A_47, %dma_start3A_48] : memref<50176x32xf32, #tpu.memory_space<hbm>> -> memref<50176x32xf32, #tpu.memory_space<hbm>>
    tpu.enqueue_indirect_dma source(%dma_start3A_49 : memref<50176x32xf32, #tpu.memory_space<hbm>>) target(%dma_start3A_43 : memref<256x32xf32, #tpu.memory_space<vmem>>) offsets(%dma_start3A_46 : memref<256xi32, #tpu.memory_space<vmem>>) semaphore(%arg8 : memref<!tpu.dma_semaphore, #tpu.memory_space<semaphore_mem>>)
    %scan3A = arith.constant 0 : i32
    %scan3A_50 = arith.constant 0 : i32
    %scan3A_51 = arith.constant 13 : i32
    %scan3A_52 = arith.addi %scan3A_50, %scan3A_51 : i32
    %scan3A_53 = arith.constant 1 : i32
    scf.for %scan3A_62 = %scan3A_50 to %scan3A_52 step %scan3A_53  : i32 {
      %mul3A_63 = arith.constant 2 : i32
      %mul3A_64 = arith.muli %mul3A_63, %scan3A_62 : i32
      %lt3A = arith.constant 25 : i32
      %lt3A_65 = arith.cmpi slt, %mul3A_64, %lt3A : i32
      %convert_element_type3A = arith.extui %lt3A_65 : i1 to i32
      %cond3A = arith.constant 0 : i32
      %cond3A_66 = arith.cmpi ne, %convert_element_type3A, %cond3A : i32
      scf.if %cond3A_66 {
        %ge3A = arith.constant 1 : i32
        %ge3A_76 = arith.cmpi sge, %mul3A_64, %ge3A : i32
        %convert_element_type3A_77 = arith.extui %ge3A_76 : i1 to i32
        %cond3A_78 = arith.constant 0 : i32
        %cond3A_79 = arith.cmpi ne, %convert_element_type3A_77, %cond3A_78 : i32
        scf.if %cond3A_79 {
          %sub3A = arith.constant 1 : i32
          %sub3A_156 = arith.subi %mul3A_64, %sub3A : i32
          %mul3A_157 = arith.constant 4 : i32
          %mul3A_158 = arith.muli %sub3A_156, %mul3A_157 : i32
          %add3A_159 = arith.addi %mul3A_2, %mul3A_158 : i32
          %dma_wait3A_160 = arith.constant 0 : i32
          %dma_wait3A_161 = arith.constant 0 : i32
          %dma_wait3A_162 = tpu.memref_slice %arg4[%add3A_159, %dma_wait3A_160, %dma_wait3A_161] : memref<3200x256x32xf32, #tpu.memory_space<hbm>> -> memref<4x256x32xf32, #tpu.memory_space<hbm>>
          %dma_wait3A_163 = arith.constant 0 : i32
          %dma_wait3A_164 = arith.constant 0 : i32
          %dma_wait3A_165 = tpu.memref_slice %arg4[%add3A_159, %dma_wait3A_163, %dma_wait3A_164] : memref<3200x256x32xf32, #tpu.memory_space<hbm>> -> memref<4x256x32xf32, #tpu.memory_space<hbm>>
          tpu.wait_dma2 semaphore(%arg10 : memref<!tpu.dma_semaphore, #tpu.memory_space<semaphore_mem>>) src(%arg7 : memref<4x256x32xf32, #tpu.memory_space<vmem>>) dst(%dma_wait3A_165 : memref<4x256x32xf32, #tpu.memory_space<hbm>>)
        } else {
        }
        %add3A_80 = arith.constant 1 : i32
        %add3A_81 = arith.addi %mul3A_64, %add3A_80 : i32
        %lt3A_82 = arith.constant 25 : i32
        %lt3A_83 = arith.cmpi slt, %add3A_81, %lt3A_82 : i32
        %convert_element_type3A_84 = arith.extui %lt3A_83 : i1 to i32
        %cond3A_85 = arith.constant 0 : i32
        %cond3A_86 = arith.cmpi ne, %convert_element_type3A_84, %cond3A_85 : i32
        scf.if %cond3A_86 {
          %add3A_156 = arith.constant 1 : i32
          %add3A_157 = arith.addi %mul3A_64, %add3A_156 : i32
          %mul3A_158 = arith.constant 4 : i32
          %mul3A_159 = arith.muli %add3A_157, %mul3A_158 : i32
          %add3A_160 = arith.constant 0 : i32
          %add3A_161 = arith.addi %mul3A_159, %add3A_160 : i32
          %dma_start3A_162 = arith.constant 0 : i32
          %dma_start3A_163 = arith.constant 0 : i32
          %dma_start3A_164 = arith.constant 0 : i32
          %dma_start3A_165 = tpu.memref_slice %arg7[%dma_start3A_162, %dma_start3A_163, %dma_start3A_164] : memref<4x256x32xf32, #tpu.memory_space<vmem>> -> memref<1x256x32xf32, #tpu.memory_space<vmem>>
          %dma_start3A_166 = tpu.memref_squeeze %dma_start3A_165 : memref<1x256x32xf32, #tpu.memory_space<vmem>> -> memref<256x32xf32, #tpu.memory_space<vmem>>
          %dma_start3A_167 = arith.constant 0 : i32
          %dma_start3A_168 = tpu.memref_slice %arg5[%add3A_161, %dma_start3A_167] : memref<100x256xi32, #tpu.memory_space<vmem>> -> memref<1x256xi32, #tpu.memory_space<vmem>>
          %dma_start3A_169 = tpu.memref_squeeze %dma_start3A_168 : memref<1x256xi32, #tpu.memory_space<vmem>> -> memref<256xi32, #tpu.memory_space<vmem>>
          %dma_start3A_170 = arith.constant 0 : i32
          %dma_start3A_171 = arith.constant 0 : i32
          %dma_start3A_172 = tpu.memref_slice %arg2[%dma_start3A_170, %dma_start3A_171] : memref<50176x32xf32, #tpu.memory_space<hbm>> -> memref<50176x32xf32, #tpu.memory_space<hbm>>
          tpu.enqueue_indirect_dma source(%dma_start3A_172 : memref<50176x32xf32, #tpu.memory_space<hbm>>) target(%dma_start3A_166 : memref<256x32xf32, #tpu.memory_space<vmem>>) offsets(%dma_start3A_169 : memref<256xi32, #tpu.memory_space<vmem>>) semaphore(%arg9 : memref<!tpu.dma_semaphore, #tpu.memory_space<semaphore_mem>>)
          %mul3A_173 = arith.constant 4 : i32
          %mul3A_174 = arith.muli %add3A_157, %mul3A_173 : i32
          %add3A_175 = arith.constant 1 : i32
          %add3A_176 = arith.addi %mul3A_174, %add3A_175 : i32
          %dma_start3A_177 = arith.constant 1 : i32
          %dma_start3A_178 = arith.constant 0 : i32
          %dma_start3A_179 = arith.constant 0 : i32
          %dma_start3A_180 = tpu.memref_slice %arg7[%dma_start3A_177, %dma_start3A_178, %dma_start3A_179] : memref<4x256x32xf32, #tpu.memory_space<vmem>> -> memref<1x256x32xf32, #tpu.memory_space<vmem>>
          %dma_start3A_181 = tpu.memref_squeeze %dma_start3A_180 : memref<1x256x32xf32, #tpu.memory_space<vmem>> -> memref<256x32xf32, #tpu.memory_space<vmem>>
          %dma_start3A_182 = arith.constant 0 : i32
          %dma_start3A_183 = tpu.memref_slice %arg5[%add3A_176, %dma_start3A_182] : memref<100x256xi32, #tpu.memory_space<vmem>> -> memref<1x256xi32, #tpu.memory_space<vmem>>
          %dma_start3A_184 = tpu.memref_squeeze %dma_start3A_183 : memref<1x256xi32, #tpu.memory_space<vmem>> -> memref<256xi32, #tpu.memory_space<vmem>>
          %dma_start3A_185 = arith.constant 0 : i32
          %dma_start3A_186 = arith.constant 0 : i32
          %dma_start3A_187 = tpu.memref_slice %arg2[%dma_start3A_185, %dma_start3A_186] : memref<50176x32xf32, #tpu.memory_space<hbm>> -> memref<50176x32xf32, #tpu.memory_space<hbm>>
          tpu.enqueue_indirect_dma source(%dma_start3A_187 : memref<50176x32xf32, #tpu.memory_space<hbm>>) target(%dma_start3A_181 : memref<256x32xf32, #tpu.memory_space<vmem>>) offsets(%dma_start3A_184 : memref<256xi32, #tpu.memory_space<vmem>>) semaphore(%arg9 : memref<!tpu.dma_semaphore, #tpu.memory_space<semaphore_mem>>)
          %mul3A_188 = arith.constant 4 : i32
          %mul3A_189 = arith.muli %add3A_157, %mul3A_188 : i32
          %add3A_190 = arith.constant 2 : i32
          %add3A_191 = arith.addi %mul3A_189, %add3A_190 : i32
          %dma_start3A_192 = arith.constant 2 : i32
          %dma_start3A_193 = arith.constant 0 : i32
          %dma_start3A_194 = arith.constant 0 : i32
          %dma_start3A_195 = tpu.memref_slice %arg7[%dma_start3A_192, %dma_start3A_193, %dma_start3A_194] : memref<4x256x32xf32, #tpu.memory_space<vmem>> -> memref<1x256x32xf32, #tpu.memory_space<vmem>>
          %dma_start3A_196 = tpu.memref_squeeze %dma_start3A_195 : memref<1x256x32xf32, #tpu.memory_space<vmem>> -> memref<256x32xf32, #tpu.memory_space<vmem>>
          %dma_start3A_197 = arith.constant 0 : i32
          %dma_start3A_198 = tpu.memref_slice %arg5[%add3A_191, %dma_start3A_197] : memref<100x256xi32, #tpu.memory_space<vmem>> -> memref<1x256xi32, #tpu.memory_space<vmem>>
          %dma_start3A_199 = tpu.memref_squeeze %dma_start3A_198 : memref<1x256xi32, #tpu.memory_space<vmem>> -> memref<256xi32, #tpu.memory_space<vmem>>
          %dma_start3A_200 = arith.constant 0 : i32
          %dma_start3A_201 = arith.constant 0 : i32
          %dma_start3A_202 = tpu.memref_slice %arg2[%dma_start3A_200, %dma_start3A_201] : memref<50176x32xf32, #tpu.memory_space<hbm>> -> memref<50176x32xf32, #tpu.memory_space<hbm>>
          tpu.enqueue_indirect_dma source(%dma_start3A_202 : memref<50176x32xf32, #tpu.memory_space<hbm>>) target(%dma_start3A_196 : memref<256x32xf32, #tpu.memory_space<vmem>>) offsets(%dma_start3A_199 : memref<256xi32, #tpu.memory_space<vmem>>) semaphore(%arg9 : memref<!tpu.dma_semaphore, #tpu.memory_space<semaphore_mem>>)
          %mul3A_203 = arith.constant 4 : i32
          %mul3A_204 = arith.muli %add3A_157, %mul3A_203 : i32
          %add3A_205 = arith.constant 3 : i32
          %add3A_206 = arith.addi %mul3A_204, %add3A_205 : i32
          %dma_start3A_207 = arith.constant 3 : i32
          %dma_start3A_208 = arith.constant 0 : i32
          %dma_start3A_209 = arith.constant 0 : i32
          %dma_start3A_210 = tpu.memref_slice %arg7[%dma_start3A_207, %dma_start3A_208, %dma_start3A_209] : memref<4x256x32xf32, #tpu.memory_space<vmem>> -> memref<1x256x32xf32, #tpu.memory_space<vmem>>
          %dma_start3A_211 = tpu.memref_squeeze %dma_start3A_210 : memref<1x256x32xf32, #tpu.memory_space<vmem>> -> memref<256x32xf32, #tpu.memory_space<vmem>>
          %dma_start3A_212 = arith.constant 0 : i32
          %dma_start3A_213 = tpu.memref_slice %arg5[%add3A_206, %dma_start3A_212] : memref<100x256xi32, #tpu.memory_space<vmem>> -> memref<1x256xi32, #tpu.memory_space<vmem>>
          %dma_start3A_214 = tpu.memref_squeeze %dma_start3A_213 : memref<1x256xi32, #tpu.memory_space<vmem>> -> memref<256xi32, #tpu.memory_space<vmem>>
          %dma_start3A_215 = arith.constant 0 : i32
          %dma_start3A_216 = arith.constant 0 : i32
          %dma_start3A_217 = tpu.memref_slice %arg2[%dma_start3A_215, %dma_start3A_216] : memref<50176x32xf32, #tpu.memory_space<hbm>> -> memref<50176x32xf32, #tpu.memory_space<hbm>>
          tpu.enqueue_indirect_dma source(%dma_start3A_217 : memref<50176x32xf32, #tpu.memory_space<hbm>>) target(%dma_start3A_211 : memref<256x32xf32, #tpu.memory_space<vmem>>) offsets(%dma_start3A_214 : memref<256xi32, #tpu.memory_space<vmem>>) semaphore(%arg9 : memref<!tpu.dma_semaphore, #tpu.memory_space<semaphore_mem>>)
        } else {
        }
        %mul3A_87 = arith.constant 4 : i32
        %mul3A_88 = arith.muli %mul3A_64, %mul3A_87 : i32
        %add3A_89 = arith.constant 0 : i32
        %add3A_90 = arith.addi %mul3A_88, %add3A_89 : i32
        %dma_wait3A_91 = arith.constant 0 : i32
        %dma_wait3A_92 = arith.constant 0 : i32
        %dma_wait3A_93 = arith.constant 0 : i32
        %dma_wait3A_94 = tpu.memref_slice %arg6[%dma_wait3A_91, %dma_wait3A_92, %dma_wait3A_93] : memref<4x256x32xf32, #tpu.memory_space<vmem>> -> memref<1x256x32xf32, #tpu.memory_space<vmem>>
        %dma_wait3A_95 = tpu.memref_squeeze %dma_wait3A_94 : memref<1x256x32xf32, #tpu.memory_space<vmem>> -> memref<256x32xf32, #tpu.memory_space<vmem>>
        %dma_wait3A_96 = arith.constant 0 : i32
        %dma_wait3A_97 = tpu.memref_slice %arg5[%add3A_90, %dma_wait3A_96] : memref<100x256xi32, #tpu.memory_space<vmem>> -> memref<1x256xi32, #tpu.memory_space<vmem>>
        %dma_wait3A_98 = tpu.memref_squeeze %dma_wait3A_97 : memref<1x256xi32, #tpu.memory_space<vmem>> -> memref<256xi32, #tpu.memory_space<vmem>>
        %dma_wait3A_99 = arith.constant 0 : i32
        %dma_wait3A_100 = arith.constant 0 : i32
        %dma_wait3A_101 = tpu.memref_slice %arg2[%dma_wait3A_99, %dma_wait3A_100] : memref<50176x32xf32, #tpu.memory_space<hbm>> -> memref<50176x32xf32, #tpu.memory_space<hbm>>
        tpu.wait_indirect_dma semaphore(%arg8 : memref<!tpu.dma_semaphore, #tpu.memory_space<semaphore_mem>>) src(%dma_wait3A_101 : memref<50176x32xf32, #tpu.memory_space<hbm>>) dst(%dma_wait3A_95 : memref<256x32xf32, #tpu.memory_space<vmem>>)
        %mul3A_102 = arith.constant 4 : i32
        %mul3A_103 = arith.muli %mul3A_64, %mul3A_102 : i32
        %add3A_104 = arith.constant 1 : i32
        %add3A_105 = arith.addi %mul3A_103, %add3A_104 : i32
        %dma_wait3A_106 = arith.constant 1 : i32
        %dma_wait3A_107 = arith.constant 0 : i32
        %dma_wait3A_108 = arith.constant 0 : i32
        %dma_wait3A_109 = tpu.memref_slice %arg6[%dma_wait3A_106, %dma_wait3A_107, %dma_wait3A_108] : memref<4x256x32xf32, #tpu.memory_space<vmem>> -> memref<1x256x32xf32, #tpu.memory_space<vmem>>
        %dma_wait3A_110 = tpu.memref_squeeze %dma_wait3A_109 : memref<1x256x32xf32, #tpu.memory_space<vmem>> -> memref<256x32xf32, #tpu.memory_space<vmem>>
        %dma_wait3A_111 = arith.constant 0 : i32
        %dma_wait3A_112 = tpu.memref_slice %arg5[%add3A_105, %dma_wait3A_111] : memref<100x256xi32, #tpu.memory_space<vmem>> -> memref<1x256xi32, #tpu.memory_space<vmem>>
        %dma_wait3A_113 = tpu.memref_squeeze %dma_wait3A_112 : memref<1x256xi32, #tpu.memory_space<vmem>> -> memref<256xi32, #tpu.memory_space<vmem>>
        %dma_wait3A_114 = arith.constant 0 : i32
        %dma_wait3A_115 = arith.constant 0 : i32
        %dma_wait3A_116 = tpu.memref_slice %arg2[%dma_wait3A_114, %dma_wait3A_115] : memref<50176x32xf32, #tpu.memory_space<hbm>> -> memref<50176x32xf32, #tpu.memory_space<hbm>>
        tpu.wait_indirect_dma semaphore(%arg8 : memref<!tpu.dma_semaphore, #tpu.memory_space<semaphore_mem>>) src(%dma_wait3A_116 : memref<50176x32xf32, #tpu.memory_space<hbm>>) dst(%dma_wait3A_110 : memref<256x32xf32, #tpu.memory_space<vmem>>)
        %mul3A_117 = arith.constant 4 : i32
        %mul3A_118 = arith.muli %mul3A_64, %mul3A_117 : i32
        %add3A_119 = arith.constant 2 : i32
        %add3A_120 = arith.addi %mul3A_118, %add3A_119 : i32
        %dma_wait3A_121 = arith.constant 2 : i32
        %dma_wait3A_122 = arith.constant 0 : i32
        %dma_wait3A_123 = arith.constant 0 : i32
        %dma_wait3A_124 = tpu.memref_slice %arg6[%dma_wait3A_121, %dma_wait3A_122, %dma_wait3A_123] : memref<4x256x32xf32, #tpu.memory_space<vmem>> -> memref<1x256x32xf32, #tpu.memory_space<vmem>>
        %dma_wait3A_125 = tpu.memref_squeeze %dma_wait3A_124 : memref<1x256x32xf32, #tpu.memory_space<vmem>> -> memref<256x32xf32, #tpu.memory_space<vmem>>
        %dma_wait3A_126 = arith.constant 0 : i32
        %dma_wait3A_127 = tpu.memref_slice %arg5[%add3A_120, %dma_wait3A_126] : memref<100x256xi32, #tpu.memory_space<vmem>> -> memref<1x256xi32, #tpu.memory_space<vmem>>
        %dma_wait3A_128 = tpu.memref_squeeze %dma_wait3A_127 : memref<1x256xi32, #tpu.memory_space<vmem>> -> memref<256xi32, #tpu.memory_space<vmem>>
        %dma_wait3A_129 = arith.constant 0 : i32
        %dma_wait3A_130 = arith.constant 0 : i32
        %dma_wait3A_131 = tpu.memref_slice %arg2[%dma_wait3A_129, %dma_wait3A_130] : memref<50176x32xf32, #tpu.memory_space<hbm>> -> memref<50176x32xf32, #tpu.memory_space<hbm>>
        tpu.wait_indirect_dma semaphore(%arg8 : memref<!tpu.dma_semaphore, #tpu.memory_space<semaphore_mem>>) src(%dma_wait3A_131 : memref<50176x32xf32, #tpu.memory_space<hbm>>) dst(%dma_wait3A_125 : memref<256x32xf32, #tpu.memory_space<vmem>>)
        %mul3A_132 = arith.constant 4 : i32
        %mul3A_133 = arith.muli %mul3A_64, %mul3A_132 : i32
        %add3A_134 = arith.constant 3 : i32
        %add3A_135 = arith.addi %mul3A_133, %add3A_134 : i32
        %dma_wait3A_136 = arith.constant 3 : i32
        %dma_wait3A_137 = arith.constant 0 : i32
        %dma_wait3A_138 = arith.constant 0 : i32
        %dma_wait3A_139 = tpu.memref_slice %arg6[%dma_wait3A_136, %dma_wait3A_137, %dma_wait3A_138] : memref<4x256x32xf32, #tpu.memory_space<vmem>> -> memref<1x256x32xf32, #tpu.memory_space<vmem>>
        %dma_wait3A_140 = tpu.memref_squeeze %dma_wait3A_139 : memref<1x256x32xf32, #tpu.memory_space<vmem>> -> memref<256x32xf32, #tpu.memory_space<vmem>>
        %dma_wait3A_141 = arith.constant 0 : i32
        %dma_wait3A_142 = tpu.memref_slice %arg5[%add3A_135, %dma_wait3A_141] : memref<100x256xi32, #tpu.memory_space<vmem>> -> memref<1x256xi32, #tpu.memory_space<vmem>>
        %dma_wait3A_143 = tpu.memref_squeeze %dma_wait3A_142 : memref<1x256xi32, #tpu.memory_space<vmem>> -> memref<256xi32, #tpu.memory_space<vmem>>
        %dma_wait3A_144 = arith.constant 0 : i32
        %dma_wait3A_145 = arith.constant 0 : i32
        %dma_wait3A_146 = tpu.memref_slice %arg2[%dma_wait3A_144, %dma_wait3A_145] : memref<50176x32xf32, #tpu.memory_space<hbm>> -> memref<50176x32xf32, #tpu.memory_space<hbm>>
        tpu.wait_indirect_dma semaphore(%arg8 : memref<!tpu.dma_semaphore, #tpu.memory_space<semaphore_mem>>) src(%dma_wait3A_146 : memref<50176x32xf32, #tpu.memory_space<hbm>>) dst(%dma_wait3A_140 : memref<256x32xf32, #tpu.memory_space<vmem>>)
        %mul3A_147 = arith.constant 4 : i32
        %mul3A_148 = arith.muli %mul3A_64, %mul3A_147 : i32
        %add3A_149 = arith.addi %mul3A_2, %mul3A_148 : i32
        %dma_start3A_150 = arith.constant 0 : i32
        %dma_start3A_151 = arith.constant 0 : i32
        %dma_start3A_152 = tpu.memref_slice %arg4[%add3A_149, %dma_start3A_150, %dma_start3A_151] : memref<3200x256x32xf32, #tpu.memory_space<hbm>> -> memref<4x256x32xf32, #tpu.memory_space<hbm>>
        %dma_start3A_153 = arith.constant 0 : i32
        %dma_start3A_154 = arith.constant 0 : i32
        %dma_start3A_155 = tpu.memref_slice %arg4[%add3A_149, %dma_start3A_153, %dma_start3A_154] : memref<3200x256x32xf32, #tpu.memory_space<hbm>> -> memref<4x256x32xf32, #tpu.memory_space<hbm>>
        tpu.enqueue_dma source(%arg6 : memref<4x256x32xf32, #tpu.memory_space<vmem>>) target(%dma_start3A_155 : memref<4x256x32xf32, #tpu.memory_space<hbm>>) target_semaphore(%arg10 : memref<!tpu.dma_semaphore, #tpu.memory_space<semaphore_mem>>)
      } else {
      }
      %mul3A_67 = arith.constant 2 : i32
      %mul3A_68 = arith.muli %mul3A_67, %scan3A_62 : i32
      %add3A_69 = arith.constant 1 : i32
      %add3A_70 = arith.addi %mul3A_68, %add3A_69 : i32
      %lt3A_71 = arith.constant 25 : i32
      %lt3A_72 = arith.cmpi slt, %add3A_70, %lt3A_71 : i32
      %convert_element_type3A_73 = arith.extui %lt3A_72 : i1 to i32
      %cond3A_74 = arith.constant 0 : i32
      %cond3A_75 = arith.cmpi ne, %convert_element_type3A_73, %cond3A_74 : i32
      scf.if %cond3A_75 {
        %ge3A = arith.constant 1 : i32
        %ge3A_76 = arith.cmpi sge, %add3A_70, %ge3A : i32
        %convert_element_type3A_77 = arith.extui %ge3A_76 : i1 to i32
        %cond3A_78 = arith.constant 0 : i32
        %cond3A_79 = arith.cmpi ne, %convert_element_type3A_77, %cond3A_78 : i32
        scf.if %cond3A_79 {
          %sub3A = arith.constant 1 : i32
          %sub3A_156 = arith.subi %add3A_70, %sub3A : i32
          %mul3A_157 = arith.constant 4 : i32
          %mul3A_158 = arith.muli %sub3A_156, %mul3A_157 : i32
          %add3A_159 = arith.addi %mul3A_2, %mul3A_158 : i32
          %dma_wait3A_160 = arith.constant 0 : i32
          %dma_wait3A_161 = arith.constant 0 : i32
          %dma_wait3A_162 = tpu.memref_slice %arg4[%add3A_159, %dma_wait3A_160, %dma_wait3A_161] : memref<3200x256x32xf32, #tpu.memory_space<hbm>> -> memref<4x256x32xf32, #tpu.memory_space<hbm>>
          %dma_wait3A_163 = arith.constant 0 : i32
          %dma_wait3A_164 = arith.constant 0 : i32
          %dma_wait3A_165 = tpu.memref_slice %arg4[%add3A_159, %dma_wait3A_163, %dma_wait3A_164] : memref<3200x256x32xf32, #tpu.memory_space<hbm>> -> memref<4x256x32xf32, #tpu.memory_space<hbm>>
          tpu.wait_dma2 semaphore(%arg10 : memref<!tpu.dma_semaphore, #tpu.memory_space<semaphore_mem>>) src(%arg6 : memref<4x256x32xf32, #tpu.memory_space<vmem>>) dst(%dma_wait3A_165 : memref<4x256x32xf32, #tpu.memory_space<hbm>>)
        } else {
        }
        %add3A_80 = arith.constant 1 : i32
        %add3A_81 = arith.addi %add3A_70, %add3A_80 : i32
        %lt3A_82 = arith.constant 25 : i32
        %lt3A_83 = arith.cmpi slt, %add3A_81, %lt3A_82 : i32
        %convert_element_type3A_84 = arith.extui %lt3A_83 : i1 to i32
        %cond3A_85 = arith.constant 0 : i32
        %cond3A_86 = arith.cmpi ne, %convert_element_type3A_84, %cond3A_85 : i32
        scf.if %cond3A_86 {
          %add3A_156 = arith.constant 1 : i32
          %add3A_157 = arith.addi %add3A_70, %add3A_156 : i32
          %mul3A_158 = arith.constant 4 : i32
          %mul3A_159 = arith.muli %add3A_157, %mul3A_158 : i32
          %add3A_160 = arith.constant 0 : i32
          %add3A_161 = arith.addi %mul3A_159, %add3A_160 : i32
          %dma_start3A_162 = arith.constant 0 : i32
          %dma_start3A_163 = arith.constant 0 : i32
          %dma_start3A_164 = arith.constant 0 : i32
          %dma_start3A_165 = tpu.memref_slice %arg6[%dma_start3A_162, %dma_start3A_163, %dma_start3A_164] : memref<4x256x32xf32, #tpu.memory_space<vmem>> -> memref<1x256x32xf32, #tpu.memory_space<vmem>>
          %dma_start3A_166 = tpu.memref_squeeze %dma_start3A_165 : memref<1x256x32xf32, #tpu.memory_space<vmem>> -> memref<256x32xf32, #tpu.memory_space<vmem>>
          %dma_start3A_167 = arith.constant 0 : i32
          %dma_start3A_168 = tpu.memref_slice %arg5[%add3A_161, %dma_start3A_167] : memref<100x256xi32, #tpu.memory_space<vmem>> -> memref<1x256xi32, #tpu.memory_space<vmem>>
          %dma_start3A_169 = tpu.memref_squeeze %dma_start3A_168 : memref<1x256xi32, #tpu.memory_space<vmem>> -> memref<256xi32, #tpu.memory_space<vmem>>
          %dma_start3A_170 = arith.constant 0 : i32
          %dma_start3A_171 = arith.constant 0 : i32
          %dma_start3A_172 = tpu.memref_slice %arg2[%dma_start3A_170, %dma_start3A_171] : memref<50176x32xf32, #tpu.memory_space<hbm>> -> memref<50176x32xf32, #tpu.memory_space<hbm>>
          tpu.enqueue_indirect_dma source(%dma_start3A_172 : memref<50176x32xf32, #tpu.memory_space<hbm>>) target(%dma_start3A_166 : memref<256x32xf32, #tpu.memory_space<vmem>>) offsets(%dma_start3A_169 : memref<256xi32, #tpu.memory_space<vmem>>) semaphore(%arg8 : memref<!tpu.dma_semaphore, #tpu.memory_space<semaphore_mem>>)
          %mul3A_173 = arith.constant 4 : i32
          %mul3A_174 = arith.muli %add3A_157, %mul3A_173 : i32
          %add3A_175 = arith.constant 1 : i32
          %add3A_176 = arith.addi %mul3A_174, %add3A_175 : i32
          %dma_start3A_177 = arith.constant 1 : i32
          %dma_start3A_178 = arith.constant 0 : i32
          %dma_start3A_179 = arith.constant 0 : i32
          %dma_start3A_180 = tpu.memref_slice %arg6[%dma_start3A_177, %dma_start3A_178, %dma_start3A_179] : memref<4x256x32xf32, #tpu.memory_space<vmem>> -> memref<1x256x32xf32, #tpu.memory_space<vmem>>
          %dma_start3A_181 = tpu.memref_squeeze %dma_start3A_180 : memref<1x256x32xf32, #tpu.memory_space<vmem>> -> memref<256x32xf32, #tpu.memory_space<vmem>>
          %dma_start3A_182 = arith.constant 0 : i32
          %dma_start3A_183 = tpu.memref_slice %arg5[%add3A_176, %dma_start3A_182] : memref<100x256xi32, #tpu.memory_space<vmem>> -> memref<1x256xi32, #tpu.memory_space<vmem>>
          %dma_start3A_184 = tpu.memref_squeeze %dma_start3A_183 : memref<1x256xi32, #tpu.memory_space<vmem>> -> memref<256xi32, #tpu.memory_space<vmem>>
          %dma_start3A_185 = arith.constant 0 : i32
          %dma_start3A_186 = arith.constant 0 : i32
          %dma_start3A_187 = tpu.memref_slice %arg2[%dma_start3A_185, %dma_start3A_186] : memref<50176x32xf32, #tpu.memory_space<hbm>> -> memref<50176x32xf32, #tpu.memory_space<hbm>>
          tpu.enqueue_indirect_dma source(%dma_start3A_187 : memref<50176x32xf32, #tpu.memory_space<hbm>>) target(%dma_start3A_181 : memref<256x32xf32, #tpu.memory_space<vmem>>) offsets(%dma_start3A_184 : memref<256xi32, #tpu.memory_space<vmem>>) semaphore(%arg8 : memref<!tpu.dma_semaphore, #tpu.memory_space<semaphore_mem>>)
          %mul3A_188 = arith.constant 4 : i32
          %mul3A_189 = arith.muli %add3A_157, %mul3A_188 : i32
          %add3A_190 = arith.constant 2 : i32
          %add3A_191 = arith.addi %mul3A_189, %add3A_190 : i32
          %dma_start3A_192 = arith.constant 2 : i32
          %dma_start3A_193 = arith.constant 0 : i32
          %dma_start3A_194 = arith.constant 0 : i32
          %dma_start3A_195 = tpu.memref_slice %arg6[%dma_start3A_192, %dma_start3A_193, %dma_start3A_194] : memref<4x256x32xf32, #tpu.memory_space<vmem>> -> memref<1x256x32xf32, #tpu.memory_space<vmem>>
          %dma_start3A_196 = tpu.memref_squeeze %dma_start3A_195 : memref<1x256x32xf32, #tpu.memory_space<vmem>> -> memref<256x32xf32, #tpu.memory_space<vmem>>
          %dma_start3A_197 = arith.constant 0 : i32
          %dma_start3A_198 = tpu.memref_slice %arg5[%add3A_191, %dma_start3A_197] : memref<100x256xi32, #tpu.memory_space<vmem>> -> memref<1x256xi32, #tpu.memory_space<vmem>>
          %dma_start3A_199 = tpu.memref_squeeze %dma_start3A_198 : memref<1x256xi32, #tpu.memory_space<vmem>> -> memref<256xi32, #tpu.memory_space<vmem>>
          %dma_start3A_200 = arith.constant 0 : i32
          %dma_start3A_201 = arith.constant 0 : i32
          %dma_start3A_202 = tpu.memref_slice %arg2[%dma_start3A_200, %dma_start3A_201] : memref<50176x32xf32, #tpu.memory_space<hbm>> -> memref<50176x32xf32, #tpu.memory_space<hbm>>
          tpu.enqueue_indirect_dma source(%dma_start3A_202 : memref<50176x32xf32, #tpu.memory_space<hbm>>) target(%dma_start3A_196 : memref<256x32xf32, #tpu.memory_space<vmem>>) offsets(%dma_start3A_199 : memref<256xi32, #tpu.memory_space<vmem>>) semaphore(%arg8 : memref<!tpu.dma_semaphore, #tpu.memory_space<semaphore_mem>>)
          %mul3A_203 = arith.constant 4 : i32
          %mul3A_204 = arith.muli %add3A_157, %mul3A_203 : i32
          %add3A_205 = arith.constant 3 : i32
          %add3A_206 = arith.addi %mul3A_204, %add3A_205 : i32
          %dma_start3A_207 = arith.constant 3 : i32
          %dma_start3A_208 = arith.constant 0 : i32
          %dma_start3A_209 = arith.constant 0 : i32
          %dma_start3A_210 = tpu.memref_slice %arg6[%dma_start3A_207, %dma_start3A_208, %dma_start3A_209] : memref<4x256x32xf32, #tpu.memory_space<vmem>> -> memref<1x256x32xf32, #tpu.memory_space<vmem>>
          %dma_start3A_211 = tpu.memref_squeeze %dma_start3A_210 : memref<1x256x32xf32, #tpu.memory_space<vmem>> -> memref<256x32xf32, #tpu.memory_space<vmem>>
          %dma_start3A_212 = arith.constant 0 : i32
          %dma_start3A_213 = tpu.memref_slice %arg5[%add3A_206, %dma_start3A_212] : memref<100x256xi32, #tpu.memory_space<vmem>> -> memref<1x256xi32, #tpu.memory_space<vmem>>
          %dma_start3A_214 = tpu.memref_squeeze %dma_start3A_213 : memref<1x256xi32, #tpu.memory_space<vmem>> -> memref<256xi32, #tpu.memory_space<vmem>>
          %dma_start3A_215 = arith.constant 0 : i32
          %dma_start3A_216 = arith.constant 0 : i32
          %dma_start3A_217 = tpu.memref_slice %arg2[%dma_start3A_215, %dma_start3A_216] : memref<50176x32xf32, #tpu.memory_space<hbm>> -> memref<50176x32xf32, #tpu.memory_space<hbm>>
          tpu.enqueue_indirect_dma source(%dma_start3A_217 : memref<50176x32xf32, #tpu.memory_space<hbm>>) target(%dma_start3A_211 : memref<256x32xf32, #tpu.memory_space<vmem>>) offsets(%dma_start3A_214 : memref<256xi32, #tpu.memory_space<vmem>>) semaphore(%arg8 : memref<!tpu.dma_semaphore, #tpu.memory_space<semaphore_mem>>)
        } else {
        }
        %mul3A_87 = arith.constant 4 : i32
        %mul3A_88 = arith.muli %add3A_70, %mul3A_87 : i32
        %add3A_89 = arith.constant 0 : i32
        %add3A_90 = arith.addi %mul3A_88, %add3A_89 : i32
        %dma_wait3A_91 = arith.constant 0 : i32
        %dma_wait3A_92 = arith.constant 0 : i32
        %dma_wait3A_93 = arith.constant 0 : i32
        %dma_wait3A_94 = tpu.memref_slice %arg7[%dma_wait3A_91, %dma_wait3A_92, %dma_wait3A_93] : memref<4x256x32xf32, #tpu.memory_space<vmem>> -> memref<1x256x32xf32, #tpu.memory_space<vmem>>
        %dma_wait3A_95 = tpu.memref_squeeze %dma_wait3A_94 : memref<1x256x32xf32, #tpu.memory_space<vmem>> -> memref<256x32xf32, #tpu.memory_space<vmem>>
        %dma_wait3A_96 = arith.constant 0 : i32
        %dma_wait3A_97 = tpu.memref_slice %arg5[%add3A_90, %dma_wait3A_96] : memref<100x256xi32, #tpu.memory_space<vmem>> -> memref<1x256xi32, #tpu.memory_space<vmem>>
        %dma_wait3A_98 = tpu.memref_squeeze %dma_wait3A_97 : memref<1x256xi32, #tpu.memory_space<vmem>> -> memref<256xi32, #tpu.memory_space<vmem>>
        %dma_wait3A_99 = arith.constant 0 : i32
        %dma_wait3A_100 = arith.constant 0 : i32
        %dma_wait3A_101 = tpu.memref_slice %arg2[%dma_wait3A_99, %dma_wait3A_100] : memref<50176x32xf32, #tpu.memory_space<hbm>> -> memref<50176x32xf32, #tpu.memory_space<hbm>>
        tpu.wait_indirect_dma semaphore(%arg9 : memref<!tpu.dma_semaphore, #tpu.memory_space<semaphore_mem>>) src(%dma_wait3A_101 : memref<50176x32xf32, #tpu.memory_space<hbm>>) dst(%dma_wait3A_95 : memref<256x32xf32, #tpu.memory_space<vmem>>)
        %mul3A_102 = arith.constant 4 : i32
        %mul3A_103 = arith.muli %add3A_70, %mul3A_102 : i32
        %add3A_104 = arith.constant 1 : i32
        %add3A_105 = arith.addi %mul3A_103, %add3A_104 : i32
        %dma_wait3A_106 = arith.constant 1 : i32
        %dma_wait3A_107 = arith.constant 0 : i32
        %dma_wait3A_108 = arith.constant 0 : i32
        %dma_wait3A_109 = tpu.memref_slice %arg7[%dma_wait3A_106, %dma_wait3A_107, %dma_wait3A_108] : memref<4x256x32xf32, #tpu.memory_space<vmem>> -> memref<1x256x32xf32, #tpu.memory_space<vmem>>
        %dma_wait3A_110 = tpu.memref_squeeze %dma_wait3A_109 : memref<1x256x32xf32, #tpu.memory_space<vmem>> -> memref<256x32xf32, #tpu.memory_space<vmem>>
        %dma_wait3A_111 = arith.constant 0 : i32
        %dma_wait3A_112 = tpu.memref_slice %arg5[%add3A_105, %dma_wait3A_111] : memref<100x256xi32, #tpu.memory_space<vmem>> -> memref<1x256xi32, #tpu.memory_space<vmem>>
        %dma_wait3A_113 = tpu.memref_squeeze %dma_wait3A_112 : memref<1x256xi32, #tpu.memory_space<vmem>> -> memref<256xi32, #tpu.memory_space<vmem>>
        %dma_wait3A_114 = arith.constant 0 : i32
        %dma_wait3A_115 = arith.constant 0 : i32
        %dma_wait3A_116 = tpu.memref_slice %arg2[%dma_wait3A_114, %dma_wait3A_115] : memref<50176x32xf32, #tpu.memory_space<hbm>> -> memref<50176x32xf32, #tpu.memory_space<hbm>>
        tpu.wait_indirect_dma semaphore(%arg9 : memref<!tpu.dma_semaphore, #tpu.memory_space<semaphore_mem>>) src(%dma_wait3A_116 : memref<50176x32xf32, #tpu.memory_space<hbm>>) dst(%dma_wait3A_110 : memref<256x32xf32, #tpu.memory_space<vmem>>)
        %mul3A_117 = arith.constant 4 : i32
        %mul3A_118 = arith.muli %add3A_70, %mul3A_117 : i32
        %add3A_119 = arith.constant 2 : i32
        %add3A_120 = arith.addi %mul3A_118, %add3A_119 : i32
        %dma_wait3A_121 = arith.constant 2 : i32
        %dma_wait3A_122 = arith.constant 0 : i32
        %dma_wait3A_123 = arith.constant 0 : i32
        %dma_wait3A_124 = tpu.memref_slice %arg7[%dma_wait3A_121, %dma_wait3A_122, %dma_wait3A_123] : memref<4x256x32xf32, #tpu.memory_space<vmem>> -> memref<1x256x32xf32, #tpu.memory_space<vmem>>
        %dma_wait3A_125 = tpu.memref_squeeze %dma_wait3A_124 : memref<1x256x32xf32, #tpu.memory_space<vmem>> -> memref<256x32xf32, #tpu.memory_space<vmem>>
        %dma_wait3A_126 = arith.constant 0 : i32
        %dma_wait3A_127 = tpu.memref_slice %arg5[%add3A_120, %dma_wait3A_126] : memref<100x256xi32, #tpu.memory_space<vmem>> -> memref<1x256xi32, #tpu.memory_space<vmem>>
        %dma_wait3A_128 = tpu.memref_squeeze %dma_wait3A_127 : memref<1x256xi32, #tpu.memory_space<vmem>> -> memref<256xi32, #tpu.memory_space<vmem>>
        %dma_wait3A_129 = arith.constant 0 : i32
        %dma_wait3A_130 = arith.constant 0 : i32
        %dma_wait3A_131 = tpu.memref_slice %arg2[%dma_wait3A_129, %dma_wait3A_130] : memref<50176x32xf32, #tpu.memory_space<hbm>> -> memref<50176x32xf32, #tpu.memory_space<hbm>>
        tpu.wait_indirect_dma semaphore(%arg9 : memref<!tpu.dma_semaphore, #tpu.memory_space<semaphore_mem>>) src(%dma_wait3A_131 : memref<50176x32xf32, #tpu.memory_space<hbm>>) dst(%dma_wait3A_125 : memref<256x32xf32, #tpu.memory_space<vmem>>)
        %mul3A_132 = arith.constant 4 : i32
        %mul3A_133 = arith.muli %add3A_70, %mul3A_132 : i32
        %add3A_134 = arith.constant 3 : i32
        %add3A_135 = arith.addi %mul3A_133, %add3A_134 : i32
        %dma_wait3A_136 = arith.constant 3 : i32
        %dma_wait3A_137 = arith.constant 0 : i32
        %dma_wait3A_138 = arith.constant 0 : i32
        %dma_wait3A_139 = tpu.memref_slice %arg7[%dma_wait3A_136, %dma_wait3A_137, %dma_wait3A_138] : memref<4x256x32xf32, #tpu.memory_space<vmem>> -> memref<1x256x32xf32, #tpu.memory_space<vmem>>
        %dma_wait3A_140 = tpu.memref_squeeze %dma_wait3A_139 : memref<1x256x32xf32, #tpu.memory_space<vmem>> -> memref<256x32xf32, #tpu.memory_space<vmem>>
        %dma_wait3A_141 = arith.constant 0 : i32
        %dma_wait3A_142 = tpu.memref_slice %arg5[%add3A_135, %dma_wait3A_141] : memref<100x256xi32, #tpu.memory_space<vmem>> -> memref<1x256xi32, #tpu.memory_space<vmem>>
        %dma_wait3A_143 = tpu.memref_squeeze %dma_wait3A_142 : memref<1x256xi32, #tpu.memory_space<vmem>> -> memref<256xi32, #tpu.memory_space<vmem>>
        %dma_wait3A_144 = arith.constant 0 : i32
        %dma_wait3A_145 = arith.constant 0 : i32
        %dma_wait3A_146 = tpu.memref_slice %arg2[%dma_wait3A_144, %dma_wait3A_145] : memref<50176x32xf32, #tpu.memory_space<hbm>> -> memref<50176x32xf32, #tpu.memory_space<hbm>>
        tpu.wait_indirect_dma semaphore(%arg9 : memref<!tpu.dma_semaphore, #tpu.memory_space<semaphore_mem>>) src(%dma_wait3A_146 : memref<50176x32xf32, #tpu.memory_space<hbm>>) dst(%dma_wait3A_140 : memref<256x32xf32, #tpu.memory_space<vmem>>)
        %mul3A_147 = arith.constant 4 : i32
        %mul3A_148 = arith.muli %add3A_70, %mul3A_147 : i32
        %add3A_149 = arith.addi %mul3A_2, %mul3A_148 : i32
        %dma_start3A_150 = arith.constant 0 : i32
        %dma_start3A_151 = arith.constant 0 : i32
        %dma_start3A_152 = tpu.memref_slice %arg4[%add3A_149, %dma_start3A_150, %dma_start3A_151] : memref<3200x256x32xf32, #tpu.memory_space<hbm>> -> memref<4x256x32xf32, #tpu.memory_space<hbm>>
        %dma_start3A_153 = arith.constant 0 : i32
        %dma_start3A_154 = arith.constant 0 : i32
        %dma_start3A_155 = tpu.memref_slice %arg4[%add3A_149, %dma_start3A_153, %dma_start3A_154] : memref<3200x256x32xf32, #tpu.memory_space<hbm>> -> memref<4x256x32xf32, #tpu.memory_space<hbm>>
        tpu.enqueue_dma source(%arg7 : memref<4x256x32xf32, #tpu.memory_space<vmem>>) target(%dma_start3A_155 : memref<4x256x32xf32, #tpu.memory_space<hbm>>) target_semaphore(%arg10 : memref<!tpu.dma_semaphore, #tpu.memory_space<semaphore_mem>>)
      } else {
      }
    }
    %scan3A_54 = arith.constant 13 : i32
    %add3A_55 = arith.constant 96 : i32
    %add3A_56 = arith.addi %mul3A_2, %add3A_55 : i32
    %dma_wait3A = arith.constant 0 : i32
    %dma_wait3A_57 = arith.constant 0 : i32
    %dma_wait3A_58 = tpu.memref_slice %arg4[%add3A_56, %dma_wait3A, %dma_wait3A_57] : memref<3200x256x32xf32, #tpu.memory_space<hbm>> -> memref<4x256x32xf32, #tpu.memory_space<hbm>>
    %dma_wait3A_59 = arith.constant 0 : i32
    %dma_wait3A_60 = arith.constant 0 : i32
    %dma_wait3A_61 = tpu.memref_slice %arg4[%add3A_56, %dma_wait3A_59, %dma_wait3A_60] : memref<3200x256x32xf32, #tpu.memory_space<hbm>> -> memref<4x256x32xf32, #tpu.memory_space<hbm>>
    tpu.wait_dma2 semaphore(%arg10 : memref<!tpu.dma_semaphore, #tpu.memory_space<semaphore_mem>>) src(%arg6 : memref<4x256x32xf32, #tpu.memory_space<vmem>>) dst(%dma_wait3A_61 : memref<4x256x32xf32, #tpu.memory_space<hbm>>)
    return
  }
}

#map = affine_map<(d0, d1) -> (0, 0, 0)>
#map1 = affine_map<(d0, d1) -> (0, 0)>
module attributes {stable_mosaic.version = 14 : i64} {
  func.func @scat(%arg0: i32, %arg1: i32, %arg2: memref<3200x256x32xf32, #tpu.memory_space<hbm>>, %arg3: memref<3200x256x32xf32, #tpu.memory_space<hbm>>, %arg4: memref<3200x256xi32, #tpu.memory_space<hbm>>, %arg5: memref<2x50176x32xf32, #tpu.memory_space<hbm>>, %arg6: memref<1x256xi32, #tpu.memory_space<vmem>>, %arg7: memref<1x256xi32, #tpu.memory_space<vmem>>, %arg8: memref<1x256x32xf32, #tpu.memory_space<vmem>>, %arg9: memref<1x256x32xf32, #tpu.memory_space<vmem>>, %arg10: memref<196x32xf32, #tpu.memory_space<vmem>>, %arg11: memref<50192x32xf32, #tpu.memory_space<vmem_shared>>, %arg12: memref<!tpu.dma_semaphore, #tpu.memory_space<semaphore_mem>>, %arg13: memref<!tpu.dma_semaphore, #tpu.memory_space<semaphore_mem>>, %arg14: memref<!tpu.dma_semaphore, #tpu.memory_space<semaphore_mem>>) attributes {dimension_semantics = [#tpu.dimension_semantics<core_parallel>, #tpu.dimension_semantics<subcore_parallel>], iteration_bounds = array<i64: 2, 16>, scalar_prefetch = 0 : i64, scratch_operands = 9 : i64, tpu.core_type = #tpu.core_type<sc_vector_subcore>, window_params = [{transform_indices = #map}, {transform_indices = #map}, {transform_indices = #map1}, {transform_indices = #map}]} {
    %scan3A = arith.constant 0 : i32
    %scan3A_0 = arith.constant 0 : i32
    %scan3A_1 = arith.constant 196 : i32
    %scan3A_2 = arith.addi %scan3A_0, %scan3A_1 : i32
    %scan3A_3 = arith.constant 1 : i32
    scf.for %scan3A_29 = %scan3A_0 to %scan3A_2 step %scan3A_3  : i32 {
      %broadcast_in_dim3A = arith.constant 0.000000e+00 : f32
      %broadcast_in_dim3A_30 = vector.broadcast %broadcast_in_dim3A : f32 to vector<16xf32>
      %swap3A = arith.index_cast %scan3A_29 : i32 to index
      %swap3A_31 = arith.constant 0 : index
      %swap3A_32 = tpu.vector_load %arg10[%swap3A, %swap3A_31] {strides = array<i32>} : memref<196x32xf32, #tpu.memory_space<vmem>>, vector<1x16xf32>,
      %swap3A_33 = vector.shape_cast %swap3A_32 : vector<1x16xf32> to vector<16xf32>
      %swap3A_34 = vector.shape_cast %broadcast_in_dim3A_30 : vector<16xf32> to vector<1x16xf32>
      tpu.vector_store %arg10[%swap3A, %swap3A_31], %swap3A_34 {strides = array<i32>} : memref<196x32xf32, #tpu.memory_space<vmem>>, vector<1x16xf32>,
      %broadcast_in_dim3A_35 = arith.constant 0.000000e+00 : f32
      %broadcast_in_dim3A_36 = vector.broadcast %broadcast_in_dim3A_35 : f32 to vector<16xf32>
      %swap3A_37 = arith.index_cast %scan3A_29 : i32 to index
      %swap3A_38 = arith.constant 16 : index
      %swap3A_39 = tpu.vector_load %arg10[%swap3A_37, %swap3A_38] {strides = array<i32>} : memref<196x32xf32, #tpu.memory_space<vmem>>, vector<1x16xf32>,
      %swap3A_40 = vector.shape_cast %swap3A_39 : vector<1x16xf32> to vector<16xf32>
      %swap3A_41 = vector.shape_cast %broadcast_in_dim3A_36 : vector<16xf32> to vector<1x16xf32>
      tpu.vector_store %arg10[%swap3A_37, %swap3A_38], %swap3A_41 {strides = array<i32>} : memref<196x32xf32, #tpu.memory_space<vmem>>, vector<1x16xf32>,
    }
    %scan3A_4 = arith.constant 196 : i32
    %scan3A_5 = arith.constant 0 : i32
    %scan3A_6 = arith.constant 0 : i32
    %scan3A_7 = arith.constant 16 : i32
    %scan3A_8 = arith.addi %scan3A_6, %scan3A_7 : i32
    %scan3A_9 = arith.constant 1 : i32
    scf.for %scan3A_29 = %scan3A_6 to %scan3A_8 step %scan3A_9  : i32 {
      %mul3A_30 = arith.constant 3136 : i32
      %mul3A_31 = arith.muli %arg1, %mul3A_30 : i32
      %mul3A_32 = arith.constant 196 : i32
      %mul3A_33 = arith.muli %scan3A_29, %mul3A_32 : i32
      %add3A = arith.addi %mul3A_31, %mul3A_33 : i32
      "tpu.region"() ({
        %run_scoped3A = tpu.sem_alloc : memref<!tpu.dma_semaphore, #tpu.memory_space<semaphore_mem>>
        %dma_start3A = arith.constant 0 : i32
        %dma_start3A_34 = tpu.memref_slice %arg11[%add3A, %dma_start3A] : memref<50192x32xf32, #tpu.memory_space<vmem_shared>> -> memref<196x32xf32, #tpu.memory_space<vmem_shared>>
        %dma_start3A_35 = arith.constant 0 : i32
        %dma_start3A_36 = tpu.memref_slice %arg11[%add3A, %dma_start3A_35] : memref<50192x32xf32, #tpu.memory_space<vmem_shared>> -> memref<196x32xf32, #tpu.memory_space<vmem_shared>>
        tpu.enqueue_dma source(%arg10 : memref<196x32xf32, #tpu.memory_space<vmem>>) target(%dma_start3A_36 : memref<196x32xf32, #tpu.memory_space<vmem_shared>>) target_semaphore(%run_scoped3A : memref<!tpu.dma_semaphore, #tpu.memory_space<semaphore_mem>>)
        %dma_wait3A = arith.constant 0 : i32
        %dma_wait3A_37 = tpu.memref_slice %arg11[%add3A, %dma_wait3A] : memref<50192x32xf32, #tpu.memory_space<vmem_shared>> -> memref<196x32xf32, #tpu.memory_space<vmem_shared>>
        %dma_wait3A_38 = arith.constant 0 : i32
        %dma_wait3A_39 = tpu.memref_slice %arg11[%add3A, %dma_wait3A_38] : memref<50192x32xf32, #tpu.memory_space<vmem_shared>> -> memref<196x32xf32, #tpu.memory_space<vmem_shared>>
        tpu.wait_dma2 semaphore(%run_scoped3A : memref<!tpu.dma_semaphore, #tpu.memory_space<semaphore_mem>>) src(%arg10 : memref<196x32xf32, #tpu.memory_space<vmem>>) dst(%dma_wait3A_39 : memref<196x32xf32, #tpu.memory_space<vmem_shared>>)
        tpu.yield
      }) : () -> ()
    }
    %scan3A_10 = arith.constant 16 : i32
    %eq3A = arith.constant 0 : i32
    %eq3A_11 = arith.cmpi eq, %arg1, %eq3A : i32
    %convert_element_type3A = arith.extui %eq3A_11 : i1 to i32
    %cond3A = arith.constant 0 : i32
    %cond3A_12 = arith.cmpi ne, %convert_element_type3A, %cond3A : i32
    scf.if %cond3A_12 {
      "tpu.region"() ({
        %run_scoped3A = tpu.sem_alloc : memref<!tpu.dma_semaphore, #tpu.memory_space<semaphore_mem>>
        %dma_start3A = arith.constant 0 : i32
        %dma_start3A_29 = arith.constant 0 : i32
        %dma_start3A_30 = tpu.memref_slice %arg10[%dma_start3A, %dma_start3A_29] : memref<196x32xf32, #tpu.memory_space<vmem>> -> memref<16x32xf32, #tpu.memory_space<vmem>>
        %dma_start3A_31 = arith.constant 50176 : i32
        %dma_start3A_32 = arith.constant 0 : i32
        %dma_start3A_33 = tpu.memref_slice %arg11[%dma_start3A_31, %dma_start3A_32] : memref<50192x32xf32, #tpu.memory_space<vmem_shared>> -> memref<16x32xf32, #tpu.memory_space<vmem_shared>>
        %dma_start3A_34 = arith.constant 50176 : i32
        %dma_start3A_35 = arith.constant 0 : i32
        %dma_start3A_36 = tpu.memref_slice %arg11[%dma_start3A_34, %dma_start3A_35] : memref<50192x32xf32, #tpu.memory_space<vmem_shared>> -> memref<16x32xf32, #tpu.memory_space<vmem_shared>>
        %dma_start3A_37 = arith.constant 0 : i32
        %dma_start3A_38 = arith.constant 0 : i32
        %dma_start3A_39 = tpu.memref_slice %arg10[%dma_start3A_37, %dma_start3A_38] : memref<196x32xf32, #tpu.memory_space<vmem>> -> memref<16x32xf32, #tpu.memory_space<vmem>>
        tpu.enqueue_dma source(%dma_start3A_39 : memref<16x32xf32, #tpu.memory_space<vmem>>) target(%dma_start3A_36 : memref<16x32xf32, #tpu.memory_space<vmem_shared>>) target_semaphore(%run_scoped3A : memref<!tpu.dma_semaphore, #tpu.memory_space<semaphore_mem>>)
        %dma_wait3A = arith.constant 0 : i32
        %dma_wait3A_40 = arith.constant 0 : i32
        %dma_wait3A_41 = tpu.memref_slice %arg10[%dma_wait3A, %dma_wait3A_40] : memref<196x32xf32, #tpu.memory_space<vmem>> -> memref<16x32xf32, #tpu.memory_space<vmem>>
        %dma_wait3A_42 = arith.constant 50176 : i32
        %dma_wait3A_43 = arith.constant 0 : i32
        %dma_wait3A_44 = tpu.memref_slice %arg11[%dma_wait3A_42, %dma_wait3A_43] : memref<50192x32xf32, #tpu.memory_space<vmem_shared>> -> memref<16x32xf32, #tpu.memory_space<vmem_shared>>
        %dma_wait3A_45 = arith.constant 50176 : i32
        %dma_wait3A_46 = arith.constant 0 : i32
        %dma_wait3A_47 = tpu.memref_slice %arg11[%dma_wait3A_45, %dma_wait3A_46] : memref<50192x32xf32, #tpu.memory_space<vmem_shared>> -> memref<16x32xf32, #tpu.memory_space<vmem_shared>>
        %dma_wait3A_48 = arith.constant 0 : i32
        %dma_wait3A_49 = arith.constant 0 : i32
        %dma_wait3A_50 = tpu.memref_slice %arg10[%dma_wait3A_48, %dma_wait3A_49] : memref<196x32xf32, #tpu.memory_space<vmem>> -> memref<16x32xf32, #tpu.memory_space<vmem>>
        tpu.wait_dma2 semaphore(%run_scoped3A : memref<!tpu.dma_semaphore, #tpu.memory_space<semaphore_mem>>) src(%dma_wait3A_50 : memref<16x32xf32, #tpu.memory_space<vmem>>) dst(%dma_wait3A_47 : memref<16x32xf32, #tpu.memory_space<vmem_shared>>)
        tpu.yield
      }) : () -> ()
    } else {
    }
    %barrier3A = arith.constant 0 : index
    tpu.barrier barrier_id(%barrier3A)
    %mul3A = arith.constant 200 : i32
    %mul3A_13 = arith.muli %arg1, %mul3A : i32
    %eq3A_14 = arith.constant 0 : i32
    %eq3A_15 = arith.cmpi eq, %arg0, %eq3A_14 : i32
    %convert_element_type3A_16 = arith.extui %eq3A_15 : i1 to i32
    %cond3A_17 = arith.constant 0 : i32
    %cond3A_18 = arith.cmpi ne, %convert_element_type3A_16, %cond3A_17 : i32
    scf.if %cond3A_18 {
      %add3A = arith.constant 0 : i32
      %add3A_29 = arith.addi %mul3A_13, %add3A : i32
      %dma_start3A = arith.constant 0 : i32
      %dma_start3A_30 = tpu.memref_slice %arg4[%add3A_29, %dma_start3A] : memref<3200x256xi32, #tpu.memory_space<hbm>> -> memref<1x256xi32, #tpu.memory_space<hbm>>
      %dma_start3A_31 = arith.constant 0 : i32
      %dma_start3A_32 = tpu.memref_slice %arg4[%add3A_29, %dma_start3A_31] : memref<3200x256xi32, #tpu.memory_space<hbm>> -> memref<1x256xi32, #tpu.memory_space<hbm>>
      tpu.enqueue_dma source(%dma_start3A_32 : memref<1x256xi32, #tpu.memory_space<hbm>>) target(%arg6 : memref<1x256xi32, #tpu.memory_space<vmem>>) target_semaphore(%arg12 : memref<!tpu.dma_semaphore, #tpu.memory_space<semaphore_mem>>)
      %dma_start3A_33 = arith.constant 0 : i32
      %dma_start3A_34 = arith.constant 0 : i32
      %dma_start3A_35 = tpu.memref_slice %arg2[%add3A_29, %dma_start3A_33, %dma_start3A_34] : memref<3200x256x32xf32, #tpu.memory_space<hbm>> -> memref<1x256x32xf32, #tpu.memory_space<hbm>>
      %dma_start3A_36 = arith.constant 0 : i32
      %dma_start3A_37 = arith.constant 0 : i32
      %dma_start3A_38 = tpu.memref_slice %arg2[%add3A_29, %dma_start3A_36, %dma_start3A_37] : memref<3200x256x32xf32, #tpu.memory_space<hbm>> -> memref<1x256x32xf32, #tpu.memory_space<hbm>>
      tpu.enqueue_dma source(%dma_start3A_38 : memref<1x256x32xf32, #tpu.memory_space<hbm>>) target(%arg8 : memref<1x256x32xf32, #tpu.memory_space<vmem>>) target_semaphore(%arg13 : memref<!tpu.dma_semaphore, #tpu.memory_space<semaphore_mem>>)
      %scan3A_39 = arith.constant 0 : i32
      %scan3A_40 = arith.constant 0 : i32
      %scan3A_41 = arith.constant 100 : i32
      %scan3A_42 = arith.addi %scan3A_40, %scan3A_41 : i32
      %scan3A_43 = arith.constant 1 : i32
      scf.for %scan3A_45 = %scan3A_40 to %scan3A_42 step %scan3A_43  : i32 {
        %mul3A_46 = arith.constant 2 : i32
        %mul3A_47 = arith.muli %mul3A_46, %scan3A_45 : i32
        %mul3A_48 = arith.constant 1 : i32
        %mul3A_49 = arith.muli %mul3A_47, %mul3A_48 : i32
        %add3A_50 = arith.addi %mul3A_13, %mul3A_49 : i32
        %dma_wait3A = arith.constant 0 : i32
        %dma_wait3A_51 = tpu.memref_slice %arg4[%add3A_50, %dma_wait3A] : memref<3200x256xi32, #tpu.memory_space<hbm>> -> memref<1x256xi32, #tpu.memory_space<hbm>>
        %dma_wait3A_52 = arith.constant 0 : i32
        %dma_wait3A_53 = tpu.memref_slice %arg4[%add3A_50, %dma_wait3A_52] : memref<3200x256xi32, #tpu.memory_space<hbm>> -> memref<1x256xi32, #tpu.memory_space<hbm>>
        tpu.wait_dma2 semaphore(%arg12 : memref<!tpu.dma_semaphore, #tpu.memory_space<semaphore_mem>>) src(%dma_wait3A_53 : memref<1x256xi32, #tpu.memory_space<hbm>>) dst(%arg6 : memref<1x256xi32, #tpu.memory_space<vmem>>)
        %dma_wait3A_54 = arith.constant 0 : i32
        %dma_wait3A_55 = arith.constant 0 : i32
        %dma_wait3A_56 = tpu.memref_slice %arg2[%add3A_50, %dma_wait3A_54, %dma_wait3A_55] : memref<3200x256x32xf32, #tpu.memory_space<hbm>> -> memref<1x256x32xf32, #tpu.memory_space<hbm>>
        %dma_wait3A_57 = arith.constant 0 : i32
        %dma_wait3A_58 = arith.constant 0 : i32
        %dma_wait3A_59 = tpu.memref_slice %arg2[%add3A_50, %dma_wait3A_57, %dma_wait3A_58] : memref<3200x256x32xf32, #tpu.memory_space<hbm>> -> memref<1x256x32xf32, #tpu.memory_space<hbm>>
        tpu.wait_dma2 semaphore(%arg13 : memref<!tpu.dma_semaphore, #tpu.memory_space<semaphore_mem>>) src(%dma_wait3A_59 : memref<1x256x32xf32, #tpu.memory_space<hbm>>) dst(%arg8 : memref<1x256x32xf32, #tpu.memory_space<vmem>>)
        %add3A_60 = arith.constant 1 : i32
        %add3A_61 = arith.addi %mul3A_47, %add3A_60 : i32
        %lt3A = arith.constant 200 : i32
        %lt3A_62 = arith.cmpi slt, %add3A_61, %lt3A : i32
        %convert_element_type3A_63 = arith.extui %lt3A_62 : i1 to i32
        %cond3A_64 = arith.constant 0 : i32
        %cond3A_65 = arith.cmpi ne, %convert_element_type3A_63, %cond3A_64 : i32
        scf.if %cond3A_65 {
          %add3A_138 = arith.constant 1 : i32
          %add3A_139 = arith.addi %mul3A_47, %add3A_138 : i32
          %mul3A_140 = arith.constant 1 : i32
          %mul3A_141 = arith.muli %add3A_139, %mul3A_140 : i32
          %add3A_142 = arith.addi %mul3A_13, %mul3A_141 : i32
          %dma_start3A_143 = arith.constant 0 : i32
          %dma_start3A_144 = tpu.memref_slice %arg4[%add3A_142, %dma_start3A_143] : memref<3200x256xi32, #tpu.memory_space<hbm>> -> memref<1x256xi32, #tpu.memory_space<hbm>>
          %dma_start3A_145 = arith.constant 0 : i32
          %dma_start3A_146 = tpu.memref_slice %arg4[%add3A_142, %dma_start3A_145] : memref<3200x256xi32, #tpu.memory_space<hbm>> -> memref<1x256xi32, #tpu.memory_space<hbm>>
          tpu.enqueue_dma source(%dma_start3A_146 : memref<1x256xi32, #tpu.memory_space<hbm>>) target(%arg7 : memref<1x256xi32, #tpu.memory_space<vmem>>) target_semaphore(%arg12 : memref<!tpu.dma_semaphore, #tpu.memory_space<semaphore_mem>>)
          %dma_start3A_147 = arith.constant 0 : i32
          %dma_start3A_148 = arith.constant 0 : i32
          %dma_start3A_149 = tpu.memref_slice %arg2[%add3A_142, %dma_start3A_147, %dma_start3A_148] : memref<3200x256x32xf32, #tpu.memory_space<hbm>> -> memref<1x256x32xf32, #tpu.memory_space<hbm>>
          %dma_start3A_150 = arith.constant 0 : i32
          %dma_start3A_151 = arith.constant 0 : i32
          %dma_start3A_152 = tpu.memref_slice %arg2[%add3A_142, %dma_start3A_150, %dma_start3A_151] : memref<3200x256x32xf32, #tpu.memory_space<hbm>> -> memref<1x256x32xf32, #tpu.memory_space<hbm>>
          tpu.enqueue_dma source(%dma_start3A_152 : memref<1x256x32xf32, #tpu.memory_space<hbm>>) target(%arg9 : memref<1x256x32xf32, #tpu.memory_space<vmem>>) target_semaphore(%arg13 : memref<!tpu.dma_semaphore, #tpu.memory_space<semaphore_mem>>)
        } else {
        }
        %dma_start3A_66 = arith.constant 0 : i32
        %dma_start3A_67 = arith.constant 0 : i32
        %dma_start3A_68 = arith.constant 0 : i32
        %dma_start3A_69 = arith.constant 0 : i32
        %dma_start3A_70 = tpu.memref_slice %arg8[%dma_start3A_66, %dma_start3A_68, %dma_start3A_69] : memref<1x256x32xf32, #tpu.memory_space<vmem>> -> memref<1x256x32xf32, #tpu.memory_space<vmem>>
        %dma_start3A_71 = tpu.memref_squeeze %dma_start3A_70 : memref<1x256x32xf32, #tpu.memory_space<vmem>> -> memref<256x32xf32, #tpu.memory_space<vmem>>
        %dma_start3A_72 = arith.constant 0 : i32
        %dma_start3A_73 = tpu.memref_slice %arg6[%dma_start3A_67, %dma_start3A_72] : memref<1x256xi32, #tpu.memory_space<vmem>> -> memref<1x256xi32, #tpu.memory_space<vmem>>
        %dma_start3A_74 = tpu.memref_squeeze %dma_start3A_73 : memref<1x256xi32, #tpu.memory_space<vmem>> -> memref<256xi32, #tpu.memory_space<vmem>>
        %dma_start3A_75 = arith.constant 0 : i32
        %dma_start3A_76 = arith.constant 0 : i32
        %dma_start3A_77 = tpu.memref_slice %arg11[%dma_start3A_75, %dma_start3A_76] : memref<50192x32xf32, #tpu.memory_space<vmem_shared>> -> memref<50192x32xf32, #tpu.memory_space<vmem_shared>>
        tpu.enqueue_indirect_dma source(%dma_start3A_71 : memref<256x32xf32, #tpu.memory_space<vmem>>) target(%dma_start3A_77 : memref<50192x32xf32, #tpu.memory_space<vmem_shared>>) offsets(%dma_start3A_74 : memref<256xi32, #tpu.memory_space<vmem>>) semaphore(%arg14 : memref<!tpu.dma_semaphore, #tpu.memory_space<semaphore_mem>>) {add = true}
        %dma_wait3A_78 = arith.constant 0 : i32
        %dma_wait3A_79 = arith.constant 0 : i32
        %dma_wait3A_80 = arith.constant 0 : i32
        %dma_wait3A_81 = arith.constant 0 : i32
        %dma_wait3A_82 = tpu.memref_slice %arg8[%dma_wait3A_78, %dma_wait3A_80, %dma_wait3A_81] : memref<1x256x32xf32, #tpu.memory_space<vmem>> -> memref<1x256x32xf32, #tpu.memory_space<vmem>>
        %dma_wait3A_83 = tpu.memref_squeeze %dma_wait3A_82 : memref<1x256x32xf32, #tpu.memory_space<vmem>> -> memref<256x32xf32, #tpu.memory_space<vmem>>
        %dma_wait3A_84 = arith.constant 0 : i32
        %dma_wait3A_85 = tpu.memref_slice %arg6[%dma_wait3A_79, %dma_wait3A_84] : memref<1x256xi32, #tpu.memory_space<vmem>> -> memref<1x256xi32, #tpu.memory_space<vmem>>
        %dma_wait3A_86 = tpu.memref_squeeze %dma_wait3A_85 : memref<1x256xi32, #tpu.memory_space<vmem>> -> memref<256xi32, #tpu.memory_space<vmem>>
        %dma_wait3A_87 = arith.constant 0 : i32
        %dma_wait3A_88 = arith.constant 0 : i32
        %dma_wait3A_89 = tpu.memref_slice %arg11[%dma_wait3A_87, %dma_wait3A_88] : memref<50192x32xf32, #tpu.memory_space<vmem_shared>> -> memref<50192x32xf32, #tpu.memory_space<vmem_shared>>
        tpu.wait_indirect_dma semaphore(%arg14 : memref<!tpu.dma_semaphore, #tpu.memory_space<semaphore_mem>>) src(%dma_wait3A_83 : memref<256x32xf32, #tpu.memory_space<vmem>>) dst(%dma_wait3A_89 : memref<50192x32xf32, #tpu.memory_space<vmem_shared>>)
        %mul3A_90 = arith.constant 2 : i32
        %mul3A_91 = arith.muli %mul3A_90, %scan3A_45 : i32
        %add3A_92 = arith.constant 1 : i32
        %add3A_93 = arith.addi %mul3A_91, %add3A_92 : i32
        %mul3A_94 = arith.constant 1 : i32
        %mul3A_95 = arith.muli %add3A_93, %mul3A_94 : i32
        %add3A_96 = arith.addi %mul3A_13, %mul3A_95 : i32
        %dma_wait3A_97 = arith.constant 0 : i32
        %dma_wait3A_98 = tpu.memref_slice %arg4[%add3A_96, %dma_wait3A_97] : memref<3200x256xi32, #tpu.memory_space<hbm>> -> memref<1x256xi32, #tpu.memory_space<hbm>>
        %dma_wait3A_99 = arith.constant 0 : i32
        %dma_wait3A_100 = tpu.memref_slice %arg4[%add3A_96, %dma_wait3A_99] : memref<3200x256xi32, #tpu.memory_space<hbm>> -> memref<1x256xi32, #tpu.memory_space<hbm>>
        tpu.wait_dma2 semaphore(%arg12 : memref<!tpu.dma_semaphore, #tpu.memory_space<semaphore_mem>>) src(%dma_wait3A_100 : memref<1x256xi32, #tpu.memory_space<hbm>>) dst(%arg7 : memref<1x256xi32, #tpu.memory_space<vmem>>)
        %dma_wait3A_101 = arith.constant 0 : i32
        %dma_wait3A_102 = arith.constant 0 : i32
        %dma_wait3A_103 = tpu.memref_slice %arg2[%add3A_96, %dma_wait3A_101, %dma_wait3A_102] : memref<3200x256x32xf32, #tpu.memory_space<hbm>> -> memref<1x256x32xf32, #tpu.memory_space<hbm>>
        %dma_wait3A_104 = arith.constant 0 : i32
        %dma_wait3A_105 = arith.constant 0 : i32
        %dma_wait3A_106 = tpu.memref_slice %arg2[%add3A_96, %dma_wait3A_104, %dma_wait3A_105] : memref<3200x256x32xf32, #tpu.memory_space<hbm>> -> memref<1x256x32xf32, #tpu.memory_space<hbm>>
        tpu.wait_dma2 semaphore(%arg13 : memref<!tpu.dma_semaphore, #tpu.memory_space<semaphore_mem>>) src(%dma_wait3A_106 : memref<1x256x32xf32, #tpu.memory_space<hbm>>) dst(%arg9 : memref<1x256x32xf32, #tpu.memory_space<vmem>>)
        %add3A_107 = arith.constant 1 : i32
        %add3A_108 = arith.addi %add3A_93, %add3A_107 : i32
        %lt3A_109 = arith.constant 200 : i32
        %lt3A_110 = arith.cmpi slt, %add3A_108, %lt3A_109 : i32
        %convert_element_type3A_111 = arith.extui %lt3A_110 : i1 to i32
        %cond3A_112 = arith.constant 0 : i32
        %cond3A_113 = arith.cmpi ne, %convert_element_type3A_111, %cond3A_112 : i32
        scf.if %cond3A_113 {
          %add3A_138 = arith.constant 1 : i32
          %add3A_139 = arith.addi %add3A_93, %add3A_138 : i32
          %mul3A_140 = arith.constant 1 : i32
          %mul3A_141 = arith.muli %add3A_139, %mul3A_140 : i32
          %add3A_142 = arith.addi %mul3A_13, %mul3A_141 : i32
          %dma_start3A_143 = arith.constant 0 : i32
          %dma_start3A_144 = tpu.memref_slice %arg4[%add3A_142, %dma_start3A_143] : memref<3200x256xi32, #tpu.memory_space<hbm>> -> memref<1x256xi32, #tpu.memory_space<hbm>>
          %dma_start3A_145 = arith.constant 0 : i32
          %dma_start3A_146 = tpu.memref_slice %arg4[%add3A_142, %dma_start3A_145] : memref<3200x256xi32, #tpu.memory_space<hbm>> -> memref<1x256xi32, #tpu.memory_space<hbm>>
          tpu.enqueue_dma source(%dma_start3A_146 : memref<1x256xi32, #tpu.memory_space<hbm>>) target(%arg6 : memref<1x256xi32, #tpu.memory_space<vmem>>) target_semaphore(%arg12 : memref<!tpu.dma_semaphore, #tpu.memory_space<semaphore_mem>>)
          %dma_start3A_147 = arith.constant 0 : i32
          %dma_start3A_148 = arith.constant 0 : i32
          %dma_start3A_149 = tpu.memref_slice %arg2[%add3A_142, %dma_start3A_147, %dma_start3A_148] : memref<3200x256x32xf32, #tpu.memory_space<hbm>> -> memref<1x256x32xf32, #tpu.memory_space<hbm>>
          %dma_start3A_150 = arith.constant 0 : i32
          %dma_start3A_151 = arith.constant 0 : i32
          %dma_start3A_152 = tpu.memref_slice %arg2[%add3A_142, %dma_start3A_150, %dma_start3A_151] : memref<3200x256x32xf32, #tpu.memory_space<hbm>> -> memref<1x256x32xf32, #tpu.memory_space<hbm>>
          tpu.enqueue_dma source(%dma_start3A_152 : memref<1x256x32xf32, #tpu.memory_space<hbm>>) target(%arg8 : memref<1x256x32xf32, #tpu.memory_space<vmem>>) target_semaphore(%arg13 : memref<!tpu.dma_semaphore, #tpu.memory_space<semaphore_mem>>)
        } else {
        }
        %dma_start3A_114 = arith.constant 0 : i32
        %dma_start3A_115 = arith.constant 0 : i32
        %dma_start3A_116 = arith.constant 0 : i32
        %dma_start3A_117 = arith.constant 0 : i32
        %dma_start3A_118 = tpu.memref_slice %arg9[%dma_start3A_114, %dma_start3A_116, %dma_start3A_117] : memref<1x256x32xf32, #tpu.memory_space<vmem>> -> memref<1x256x32xf32, #tpu.memory_space<vmem>>
        %dma_start3A_119 = tpu.memref_squeeze %dma_start3A_118 : memref<1x256x32xf32, #tpu.memory_space<vmem>> -> memref<256x32xf32, #tpu.memory_space<vmem>>
        %dma_start3A_120 = arith.constant 0 : i32
        %dma_start3A_121 = tpu.memref_slice %arg7[%dma_start3A_115, %dma_start3A_120] : memref<1x256xi32, #tpu.memory_space<vmem>> -> memref<1x256xi32, #tpu.memory_space<vmem>>
        %dma_start3A_122 = tpu.memref_squeeze %dma_start3A_121 : memref<1x256xi32, #tpu.memory_space<vmem>> -> memref<256xi32, #tpu.memory_space<vmem>>
        %dma_start3A_123 = arith.constant 0 : i32
        %dma_start3A_124 = arith.constant 0 : i32
        %dma_start3A_125 = tpu.memref_slice %arg11[%dma_start3A_123, %dma_start3A_124] : memref<50192x32xf32, #tpu.memory_space<vmem_shared>> -> memref<50192x32xf32, #tpu.memory_space<vmem_shared>>
        tpu.enqueue_indirect_dma source(%dma_start3A_119 : memref<256x32xf32, #tpu.memory_space<vmem>>) target(%dma_start3A_125 : memref<50192x32xf32, #tpu.memory_space<vmem_shared>>) offsets(%dma_start3A_122 : memref<256xi32, #tpu.memory_space<vmem>>) semaphore(%arg14 : memref<!tpu.dma_semaphore, #tpu.memory_space<semaphore_mem>>) {add = true}
        %dma_wait3A_126 = arith.constant 0 : i32
        %dma_wait3A_127 = arith.constant 0 : i32
        %dma_wait3A_128 = arith.constant 0 : i32
        %dma_wait3A_129 = arith.constant 0 : i32
        %dma_wait3A_130 = tpu.memref_slice %arg9[%dma_wait3A_126, %dma_wait3A_128, %dma_wait3A_129] : memref<1x256x32xf32, #tpu.memory_space<vmem>> -> memref<1x256x32xf32, #tpu.memory_space<vmem>>
        %dma_wait3A_131 = tpu.memref_squeeze %dma_wait3A_130 : memref<1x256x32xf32, #tpu.memory_space<vmem>> -> memref<256x32xf32, #tpu.memory_space<vmem>>
        %dma_wait3A_132 = arith.constant 0 : i32
        %dma_wait3A_133 = tpu.memref_slice %arg7[%dma_wait3A_127, %dma_wait3A_132] : memref<1x256xi32, #tpu.memory_space<vmem>> -> memref<1x256xi32, #tpu.memory_space<vmem>>
        %dma_wait3A_134 = tpu.memref_squeeze %dma_wait3A_133 : memref<1x256xi32, #tpu.memory_space<vmem>> -> memref<256xi32, #tpu.memory_space<vmem>>
        %dma_wait3A_135 = arith.constant 0 : i32
        %dma_wait3A_136 = arith.constant 0 : i32
        %dma_wait3A_137 = tpu.memref_slice %arg11[%dma_wait3A_135, %dma_wait3A_136] : memref<50192x32xf32, #tpu.memory_space<vmem_shared>> -> memref<50192x32xf32, #tpu.memory_space<vmem_shared>>
        tpu.wait_indirect_dma semaphore(%arg14 : memref<!tpu.dma_semaphore, #tpu.memory_space<semaphore_mem>>) src(%dma_wait3A_131 : memref<256x32xf32, #tpu.memory_space<vmem>>) dst(%dma_wait3A_137 : memref<50192x32xf32, #tpu.memory_space<vmem_shared>>)
      }
      %scan3A_44 = arith.constant 100 : i32
    } else {
    }
    %eq3A_19 = arith.constant 1 : i32
    %eq3A_20 = arith.cmpi eq, %arg0, %eq3A_19 : i32
    %convert_element_type3A_21 = arith.extui %eq3A_20 : i1 to i32
    %cond3A_22 = arith.constant 0 : i32
    %cond3A_23 = arith.cmpi ne, %convert_element_type3A_21, %cond3A_22 : i32
    scf.if %cond3A_23 {
      %add3A = arith.constant 0 : i32
      %add3A_29 = arith.addi %mul3A_13, %add3A : i32
      %dma_start3A = arith.constant 0 : i32
      %dma_start3A_30 = tpu.memref_slice %arg4[%add3A_29, %dma_start3A] : memref<3200x256xi32, #tpu.memory_space<hbm>> -> memref<1x256xi32, #tpu.memory_space<hbm>>
      %dma_start3A_31 = arith.constant 0 : i32
      %dma_start3A_32 = tpu.memref_slice %arg4[%add3A_29, %dma_start3A_31] : memref<3200x256xi32, #tpu.memory_space<hbm>> -> memref<1x256xi32, #tpu.memory_space<hbm>>
      tpu.enqueue_dma source(%dma_start3A_32 : memref<1x256xi32, #tpu.memory_space<hbm>>) target(%arg6 : memref<1x256xi32, #tpu.memory_space<vmem>>) target_semaphore(%arg12 : memref<!tpu.dma_semaphore, #tpu.memory_space<semaphore_mem>>)
      %dma_start3A_33 = arith.constant 0 : i32
      %dma_start3A_34 = arith.constant 0 : i32
      %dma_start3A_35 = tpu.memref_slice %arg3[%add3A_29, %dma_start3A_33, %dma_start3A_34] : memref<3200x256x32xf32, #tpu.memory_space<hbm>> -> memref<1x256x32xf32, #tpu.memory_space<hbm>>
      %dma_start3A_36 = arith.constant 0 : i32
      %dma_start3A_37 = arith.constant 0 : i32
      %dma_start3A_38 = tpu.memref_slice %arg3[%add3A_29, %dma_start3A_36, %dma_start3A_37] : memref<3200x256x32xf32, #tpu.memory_space<hbm>> -> memref<1x256x32xf32, #tpu.memory_space<hbm>>
      tpu.enqueue_dma source(%dma_start3A_38 : memref<1x256x32xf32, #tpu.memory_space<hbm>>) target(%arg8 : memref<1x256x32xf32, #tpu.memory_space<vmem>>) target_semaphore(%arg13 : memref<!tpu.dma_semaphore, #tpu.memory_space<semaphore_mem>>)
      %scan3A_39 = arith.constant 0 : i32
      %scan3A_40 = arith.constant 0 : i32
      %scan3A_41 = arith.constant 100 : i32
      %scan3A_42 = arith.addi %scan3A_40, %scan3A_41 : i32
      %scan3A_43 = arith.constant 1 : i32
      scf.for %scan3A_45 = %scan3A_40 to %scan3A_42 step %scan3A_43  : i32 {
        %mul3A_46 = arith.constant 2 : i32
        %mul3A_47 = arith.muli %mul3A_46, %scan3A_45 : i32
        %mul3A_48 = arith.constant 1 : i32
        %mul3A_49 = arith.muli %mul3A_47, %mul3A_48 : i32
        %add3A_50 = arith.addi %mul3A_13, %mul3A_49 : i32
        %dma_wait3A = arith.constant 0 : i32
        %dma_wait3A_51 = tpu.memref_slice %arg4[%add3A_50, %dma_wait3A] : memref<3200x256xi32, #tpu.memory_space<hbm>> -> memref<1x256xi32, #tpu.memory_space<hbm>>
        %dma_wait3A_52 = arith.constant 0 : i32
        %dma_wait3A_53 = tpu.memref_slice %arg4[%add3A_50, %dma_wait3A_52] : memref<3200x256xi32, #tpu.memory_space<hbm>> -> memref<1x256xi32, #tpu.memory_space<hbm>>
        tpu.wait_dma2 semaphore(%arg12 : memref<!tpu.dma_semaphore, #tpu.memory_space<semaphore_mem>>) src(%dma_wait3A_53 : memref<1x256xi32, #tpu.memory_space<hbm>>) dst(%arg6 : memref<1x256xi32, #tpu.memory_space<vmem>>)
        %dma_wait3A_54 = arith.constant 0 : i32
        %dma_wait3A_55 = arith.constant 0 : i32
        %dma_wait3A_56 = tpu.memref_slice %arg3[%add3A_50, %dma_wait3A_54, %dma_wait3A_55] : memref<3200x256x32xf32, #tpu.memory_space<hbm>> -> memref<1x256x32xf32, #tpu.memory_space<hbm>>
        %dma_wait3A_57 = arith.constant 0 : i32
        %dma_wait3A_58 = arith.constant 0 : i32
        %dma_wait3A_59 = tpu.memref_slice %arg3[%add3A_50, %dma_wait3A_57, %dma_wait3A_58] : memref<3200x256x32xf32, #tpu.memory_space<hbm>> -> memref<1x256x32xf32, #tpu.memory_space<hbm>>
        tpu.wait_dma2 semaphore(%arg13 : memref<!tpu.dma_semaphore, #tpu.memory_space<semaphore_mem>>) src(%dma_wait3A_59 : memref<1x256x32xf32, #tpu.memory_space<hbm>>) dst(%arg8 : memref<1x256x32xf32, #tpu.memory_space<vmem>>)
        %add3A_60 = arith.constant 1 : i32
        %add3A_61 = arith.addi %mul3A_47, %add3A_60 : i32
        %lt3A = arith.constant 200 : i32
        %lt3A_62 = arith.cmpi slt, %add3A_61, %lt3A : i32
        %convert_element_type3A_63 = arith.extui %lt3A_62 : i1 to i32
        %cond3A_64 = arith.constant 0 : i32
        %cond3A_65 = arith.cmpi ne, %convert_element_type3A_63, %cond3A_64 : i32
        scf.if %cond3A_65 {
          %add3A_138 = arith.constant 1 : i32
          %add3A_139 = arith.addi %mul3A_47, %add3A_138 : i32
          %mul3A_140 = arith.constant 1 : i32
          %mul3A_141 = arith.muli %add3A_139, %mul3A_140 : i32
          %add3A_142 = arith.addi %mul3A_13, %mul3A_141 : i32
          %dma_start3A_143 = arith.constant 0 : i32
          %dma_start3A_144 = tpu.memref_slice %arg4[%add3A_142, %dma_start3A_143] : memref<3200x256xi32, #tpu.memory_space<hbm>> -> memref<1x256xi32, #tpu.memory_space<hbm>>
          %dma_start3A_145 = arith.constant 0 : i32
          %dma_start3A_146 = tpu.memref_slice %arg4[%add3A_142, %dma_start3A_145] : memref<3200x256xi32, #tpu.memory_space<hbm>> -> memref<1x256xi32, #tpu.memory_space<hbm>>
          tpu.enqueue_dma source(%dma_start3A_146 : memref<1x256xi32, #tpu.memory_space<hbm>>) target(%arg7 : memref<1x256xi32, #tpu.memory_space<vmem>>) target_semaphore(%arg12 : memref<!tpu.dma_semaphore, #tpu.memory_space<semaphore_mem>>)
          %dma_start3A_147 = arith.constant 0 : i32
          %dma_start3A_148 = arith.constant 0 : i32
          %dma_start3A_149 = tpu.memref_slice %arg3[%add3A_142, %dma_start3A_147, %dma_start3A_148] : memref<3200x256x32xf32, #tpu.memory_space<hbm>> -> memref<1x256x32xf32, #tpu.memory_space<hbm>>
          %dma_start3A_150 = arith.constant 0 : i32
          %dma_start3A_151 = arith.constant 0 : i32
          %dma_start3A_152 = tpu.memref_slice %arg3[%add3A_142, %dma_start3A_150, %dma_start3A_151] : memref<3200x256x32xf32, #tpu.memory_space<hbm>> -> memref<1x256x32xf32, #tpu.memory_space<hbm>>
          tpu.enqueue_dma source(%dma_start3A_152 : memref<1x256x32xf32, #tpu.memory_space<hbm>>) target(%arg9 : memref<1x256x32xf32, #tpu.memory_space<vmem>>) target_semaphore(%arg13 : memref<!tpu.dma_semaphore, #tpu.memory_space<semaphore_mem>>)
        } else {
        }
        %dma_start3A_66 = arith.constant 0 : i32
        %dma_start3A_67 = arith.constant 0 : i32
        %dma_start3A_68 = arith.constant 0 : i32
        %dma_start3A_69 = arith.constant 0 : i32
        %dma_start3A_70 = tpu.memref_slice %arg8[%dma_start3A_66, %dma_start3A_68, %dma_start3A_69] : memref<1x256x32xf32, #tpu.memory_space<vmem>> -> memref<1x256x32xf32, #tpu.memory_space<vmem>>
        %dma_start3A_71 = tpu.memref_squeeze %dma_start3A_70 : memref<1x256x32xf32, #tpu.memory_space<vmem>> -> memref<256x32xf32, #tpu.memory_space<vmem>>
        %dma_start3A_72 = arith.constant 0 : i32
        %dma_start3A_73 = tpu.memref_slice %arg6[%dma_start3A_67, %dma_start3A_72] : memref<1x256xi32, #tpu.memory_space<vmem>> -> memref<1x256xi32, #tpu.memory_space<vmem>>
        %dma_start3A_74 = tpu.memref_squeeze %dma_start3A_73 : memref<1x256xi32, #tpu.memory_space<vmem>> -> memref<256xi32, #tpu.memory_space<vmem>>
        %dma_start3A_75 = arith.constant 0 : i32
        %dma_start3A_76 = arith.constant 0 : i32
        %dma_start3A_77 = tpu.memref_slice %arg11[%dma_start3A_75, %dma_start3A_76] : memref<50192x32xf32, #tpu.memory_space<vmem_shared>> -> memref<50192x32xf32, #tpu.memory_space<vmem_shared>>
        tpu.enqueue_indirect_dma source(%dma_start3A_71 : memref<256x32xf32, #tpu.memory_space<vmem>>) target(%dma_start3A_77 : memref<50192x32xf32, #tpu.memory_space<vmem_shared>>) offsets(%dma_start3A_74 : memref<256xi32, #tpu.memory_space<vmem>>) semaphore(%arg14 : memref<!tpu.dma_semaphore, #tpu.memory_space<semaphore_mem>>) {add = true}
        %dma_wait3A_78 = arith.constant 0 : i32
        %dma_wait3A_79 = arith.constant 0 : i32
        %dma_wait3A_80 = arith.constant 0 : i32
        %dma_wait3A_81 = arith.constant 0 : i32
        %dma_wait3A_82 = tpu.memref_slice %arg8[%dma_wait3A_78, %dma_wait3A_80, %dma_wait3A_81] : memref<1x256x32xf32, #tpu.memory_space<vmem>> -> memref<1x256x32xf32, #tpu.memory_space<vmem>>
        %dma_wait3A_83 = tpu.memref_squeeze %dma_wait3A_82 : memref<1x256x32xf32, #tpu.memory_space<vmem>> -> memref<256x32xf32, #tpu.memory_space<vmem>>
        %dma_wait3A_84 = arith.constant 0 : i32
        %dma_wait3A_85 = tpu.memref_slice %arg6[%dma_wait3A_79, %dma_wait3A_84] : memref<1x256xi32, #tpu.memory_space<vmem>> -> memref<1x256xi32, #tpu.memory_space<vmem>>
        %dma_wait3A_86 = tpu.memref_squeeze %dma_wait3A_85 : memref<1x256xi32, #tpu.memory_space<vmem>> -> memref<256xi32, #tpu.memory_space<vmem>>
        %dma_wait3A_87 = arith.constant 0 : i32
        %dma_wait3A_88 = arith.constant 0 : i32
        %dma_wait3A_89 = tpu.memref_slice %arg11[%dma_wait3A_87, %dma_wait3A_88] : memref<50192x32xf32, #tpu.memory_space<vmem_shared>> -> memref<50192x32xf32, #tpu.memory_space<vmem_shared>>
        tpu.wait_indirect_dma semaphore(%arg14 : memref<!tpu.dma_semaphore, #tpu.memory_space<semaphore_mem>>) src(%dma_wait3A_83 : memref<256x32xf32, #tpu.memory_space<vmem>>) dst(%dma_wait3A_89 : memref<50192x32xf32, #tpu.memory_space<vmem_shared>>)
        %mul3A_90 = arith.constant 2 : i32
        %mul3A_91 = arith.muli %mul3A_90, %scan3A_45 : i32
        %add3A_92 = arith.constant 1 : i32
        %add3A_93 = arith.addi %mul3A_91, %add3A_92 : i32
        %mul3A_94 = arith.constant 1 : i32
        %mul3A_95 = arith.muli %add3A_93, %mul3A_94 : i32
        %add3A_96 = arith.addi %mul3A_13, %mul3A_95 : i32
        %dma_wait3A_97 = arith.constant 0 : i32
        %dma_wait3A_98 = tpu.memref_slice %arg4[%add3A_96, %dma_wait3A_97] : memref<3200x256xi32, #tpu.memory_space<hbm>> -> memref<1x256xi32, #tpu.memory_space<hbm>>
        %dma_wait3A_99 = arith.constant 0 : i32
        %dma_wait3A_100 = tpu.memref_slice %arg4[%add3A_96, %dma_wait3A_99] : memref<3200x256xi32, #tpu.memory_space<hbm>> -> memref<1x256xi32, #tpu.memory_space<hbm>>
        tpu.wait_dma2 semaphore(%arg12 : memref<!tpu.dma_semaphore, #tpu.memory_space<semaphore_mem>>) src(%dma_wait3A_100 : memref<1x256xi32, #tpu.memory_space<hbm>>) dst(%arg7 : memref<1x256xi32, #tpu.memory_space<vmem>>)
        %dma_wait3A_101 = arith.constant 0 : i32
        %dma_wait3A_102 = arith.constant 0 : i32
        %dma_wait3A_103 = tpu.memref_slice %arg3[%add3A_96, %dma_wait3A_101, %dma_wait3A_102] : memref<3200x256x32xf32, #tpu.memory_space<hbm>> -> memref<1x256x32xf32, #tpu.memory_space<hbm>>
        %dma_wait3A_104 = arith.constant 0 : i32
        %dma_wait3A_105 = arith.constant 0 : i32
        %dma_wait3A_106 = tpu.memref_slice %arg3[%add3A_96, %dma_wait3A_104, %dma_wait3A_105] : memref<3200x256x32xf32, #tpu.memory_space<hbm>> -> memref<1x256x32xf32, #tpu.memory_space<hbm>>
        tpu.wait_dma2 semaphore(%arg13 : memref<!tpu.dma_semaphore, #tpu.memory_space<semaphore_mem>>) src(%dma_wait3A_106 : memref<1x256x32xf32, #tpu.memory_space<hbm>>) dst(%arg9 : memref<1x256x32xf32, #tpu.memory_space<vmem>>)
        %add3A_107 = arith.constant 1 : i32
        %add3A_108 = arith.addi %add3A_93, %add3A_107 : i32
        %lt3A_109 = arith.constant 200 : i32
        %lt3A_110 = arith.cmpi slt, %add3A_108, %lt3A_109 : i32
        %convert_element_type3A_111 = arith.extui %lt3A_110 : i1 to i32
        %cond3A_112 = arith.constant 0 : i32
        %cond3A_113 = arith.cmpi ne, %convert_element_type3A_111, %cond3A_112 : i32
        scf.if %cond3A_113 {
          %add3A_138 = arith.constant 1 : i32
          %add3A_139 = arith.addi %add3A_93, %add3A_138 : i32
          %mul3A_140 = arith.constant 1 : i32
          %mul3A_141 = arith.muli %add3A_139, %mul3A_140 : i32
          %add3A_142 = arith.addi %mul3A_13, %mul3A_141 : i32
          %dma_start3A_143 = arith.constant 0 : i32
          %dma_start3A_144 = tpu.memref_slice %arg4[%add3A_142, %dma_start3A_143] : memref<3200x256xi32, #tpu.memory_space<hbm>> -> memref<1x256xi32, #tpu.memory_space<hbm>>
          %dma_start3A_145 = arith.constant 0 : i32
          %dma_start3A_146 = tpu.memref_slice %arg4[%add3A_142, %dma_start3A_145] : memref<3200x256xi32, #tpu.memory_space<hbm>> -> memref<1x256xi32, #tpu.memory_space<hbm>>
          tpu.enqueue_dma source(%dma_start3A_146 : memref<1x256xi32, #tpu.memory_space<hbm>>) target(%arg6 : memref<1x256xi32, #tpu.memory_space<vmem>>) target_semaphore(%arg12 : memref<!tpu.dma_semaphore, #tpu.memory_space<semaphore_mem>>)
          %dma_start3A_147 = arith.constant 0 : i32
          %dma_start3A_148 = arith.constant 0 : i32
          %dma_start3A_149 = tpu.memref_slice %arg3[%add3A_142, %dma_start3A_147, %dma_start3A_148] : memref<3200x256x32xf32, #tpu.memory_space<hbm>> -> memref<1x256x32xf32, #tpu.memory_space<hbm>>
          %dma_start3A_150 = arith.constant 0 : i32
          %dma_start3A_151 = arith.constant 0 : i32
          %dma_start3A_152 = tpu.memref_slice %arg3[%add3A_142, %dma_start3A_150, %dma_start3A_151] : memref<3200x256x32xf32, #tpu.memory_space<hbm>> -> memref<1x256x32xf32, #tpu.memory_space<hbm>>
          tpu.enqueue_dma source(%dma_start3A_152 : memref<1x256x32xf32, #tpu.memory_space<hbm>>) target(%arg8 : memref<1x256x32xf32, #tpu.memory_space<vmem>>) target_semaphore(%arg13 : memref<!tpu.dma_semaphore, #tpu.memory_space<semaphore_mem>>)
        } else {
        }
        %dma_start3A_114 = arith.constant 0 : i32
        %dma_start3A_115 = arith.constant 0 : i32
        %dma_start3A_116 = arith.constant 0 : i32
        %dma_start3A_117 = arith.constant 0 : i32
        %dma_start3A_118 = tpu.memref_slice %arg9[%dma_start3A_114, %dma_start3A_116, %dma_start3A_117] : memref<1x256x32xf32, #tpu.memory_space<vmem>> -> memref<1x256x32xf32, #tpu.memory_space<vmem>>
        %dma_start3A_119 = tpu.memref_squeeze %dma_start3A_118 : memref<1x256x32xf32, #tpu.memory_space<vmem>> -> memref<256x32xf32, #tpu.memory_space<vmem>>
        %dma_start3A_120 = arith.constant 0 : i32
        %dma_start3A_121 = tpu.memref_slice %arg7[%dma_start3A_115, %dma_start3A_120] : memref<1x256xi32, #tpu.memory_space<vmem>> -> memref<1x256xi32, #tpu.memory_space<vmem>>
        %dma_start3A_122 = tpu.memref_squeeze %dma_start3A_121 : memref<1x256xi32, #tpu.memory_space<vmem>> -> memref<256xi32, #tpu.memory_space<vmem>>
        %dma_start3A_123 = arith.constant 0 : i32
        %dma_start3A_124 = arith.constant 0 : i32
        %dma_start3A_125 = tpu.memref_slice %arg11[%dma_start3A_123, %dma_start3A_124] : memref<50192x32xf32, #tpu.memory_space<vmem_shared>> -> memref<50192x32xf32, #tpu.memory_space<vmem_shared>>
        tpu.enqueue_indirect_dma source(%dma_start3A_119 : memref<256x32xf32, #tpu.memory_space<vmem>>) target(%dma_start3A_125 : memref<50192x32xf32, #tpu.memory_space<vmem_shared>>) offsets(%dma_start3A_122 : memref<256xi32, #tpu.memory_space<vmem>>) semaphore(%arg14 : memref<!tpu.dma_semaphore, #tpu.memory_space<semaphore_mem>>) {add = true}
        %dma_wait3A_126 = arith.constant 0 : i32
        %dma_wait3A_127 = arith.constant 0 : i32
        %dma_wait3A_128 = arith.constant 0 : i32
        %dma_wait3A_129 = arith.constant 0 : i32
        %dma_wait3A_130 = tpu.memref_slice %arg9[%dma_wait3A_126, %dma_wait3A_128, %dma_wait3A_129] : memref<1x256x32xf32, #tpu.memory_space<vmem>> -> memref<1x256x32xf32, #tpu.memory_space<vmem>>
        %dma_wait3A_131 = tpu.memref_squeeze %dma_wait3A_130 : memref<1x256x32xf32, #tpu.memory_space<vmem>> -> memref<256x32xf32, #tpu.memory_space<vmem>>
        %dma_wait3A_132 = arith.constant 0 : i32
        %dma_wait3A_133 = tpu.memref_slice %arg7[%dma_wait3A_127, %dma_wait3A_132] : memref<1x256xi32, #tpu.memory_space<vmem>> -> memref<1x256xi32, #tpu.memory_space<vmem>>
        %dma_wait3A_134 = tpu.memref_squeeze %dma_wait3A_133 : memref<1x256xi32, #tpu.memory_space<vmem>> -> memref<256xi32, #tpu.memory_space<vmem>>
        %dma_wait3A_135 = arith.constant 0 : i32
        %dma_wait3A_136 = arith.constant 0 : i32
        %dma_wait3A_137 = tpu.memref_slice %arg11[%dma_wait3A_135, %dma_wait3A_136] : memref<50192x32xf32, #tpu.memory_space<vmem_shared>> -> memref<50192x32xf32, #tpu.memory_space<vmem_shared>>
        tpu.wait_indirect_dma semaphore(%arg14 : memref<!tpu.dma_semaphore, #tpu.memory_space<semaphore_mem>>) src(%dma_wait3A_131 : memref<256x32xf32, #tpu.memory_space<vmem>>) dst(%dma_wait3A_137 : memref<50192x32xf32, #tpu.memory_space<vmem_shared>>)
      }
      %scan3A_44 = arith.constant 100 : i32
    } else {
    }
    %barrier3A_24 = arith.constant 0 : index
    tpu.barrier barrier_id(%barrier3A_24)
    %mul3A_25 = arith.constant 3136 : i32
    %mul3A_26 = arith.muli %arg1, %mul3A_25 : i32
    %mul3A_27 = arith.constant 3136 : i32
    %mul3A_28 = arith.muli %arg1, %mul3A_27 : i32
    "tpu.region"() ({
      %run_scoped3A = tpu.sem_alloc : memref<!tpu.dma_semaphore, #tpu.memory_space<semaphore_mem>>
      %dma_start3A = arith.constant 0 : i32
      %dma_start3A_29 = tpu.memref_slice %arg5[%arg0, %mul3A_28, %dma_start3A] : memref<2x50176x32xf32, #tpu.memory_space<hbm>> -> memref<1x3136x32xf32, #tpu.memory_space<hbm>>
      %dma_start3A_30 = tpu.memref_squeeze %dma_start3A_29 : memref<1x3136x32xf32, #tpu.memory_space<hbm>> -> memref<3136x32xf32, #tpu.memory_space<hbm>>
      %dma_start3A_31 = arith.constant 0 : i32
      %dma_start3A_32 = tpu.memref_slice %arg11[%mul3A_26, %dma_start3A_31] : memref<50192x32xf32, #tpu.memory_space<vmem_shared>> -> memref<3136x32xf32, #tpu.memory_space<vmem_shared>>
      tpu.enqueue_dma source(%dma_start3A_32 : memref<3136x32xf32, #tpu.memory_space<vmem_shared>>) target(%dma_start3A_30 : memref<3136x32xf32, #tpu.memory_space<hbm>>) target_semaphore(%run_scoped3A : memref<!tpu.dma_semaphore, #tpu.memory_space<semaphore_mem>>)
      %dma_wait3A = arith.constant 0 : i32
      %dma_wait3A_33 = tpu.memref_slice %arg5[%arg0, %mul3A_28, %dma_wait3A] : memref<2x50176x32xf32, #tpu.memory_space<hbm>> -> memref<1x3136x32xf32, #tpu.memory_space<hbm>>
      %dma_wait3A_34 = tpu.memref_squeeze %dma_wait3A_33 : memref<1x3136x32xf32, #tpu.memory_space<hbm>> -> memref<3136x32xf32, #tpu.memory_space<hbm>>
      %dma_wait3A_35 = arith.constant 0 : i32
      %dma_wait3A_36 = tpu.memref_slice %arg11[%mul3A_26, %dma_wait3A_35] : memref<50192x32xf32, #tpu.memory_space<vmem_shared>> -> memref<3136x32xf32, #tpu.memory_space<vmem_shared>>
      tpu.wait_dma2 semaphore(%run_scoped3A : memref<!tpu.dma_semaphore, #tpu.memory_space<semaphore_mem>>) src(%dma_wait3A_36 : memref<3136x32xf32, #tpu.memory_space<vmem_shared>>) dst(%dma_wait3A_34 : memref<3136x32xf32, #tpu.memory_space<hbm>>)
      tpu.yield
    }) : () -> ()
    return
  }
}

#map = affine_map<(d0, d1) -> (0, 0)>
#map1 = affine_map<(d0, d1) -> (0, 0, 0)>
module attributes {stable_mosaic.version = 14 : i64} {
  func.func @gath(%arg0: i32, %arg1: i32, %arg2: memref<50176x32xf32, #tpu.memory_space<hbm>>, %arg3: memref<3200x256xi32, #tpu.memory_space<hbm>>, %arg4: memref<3200x256x32xf32, #tpu.memory_space<hbm>>, %arg5: memref<100x256xi32, #tpu.memory_space<vmem>>, %arg6: memref<4x256x32xf32, #tpu.memory_space<vmem>>, %arg7: memref<4x256x32xf32, #tpu.memory_space<vmem>>, %arg8: memref<!tpu.dma_semaphore, #tpu.memory_space<semaphore_mem>>, %arg9: memref<!tpu.dma_semaphore, #tpu.memory_space<semaphore_mem>>, %arg10: memref<!tpu.dma_semaphore, #tpu.memory_space<semaphore_mem>>) attributes {dimension_semantics = [#tpu.dimension_semantics<core_parallel>, #tpu.dimension_semantics<subcore_parallel>], iteration_bounds = array<i64: 2, 16>, scalar_prefetch = 0 : i64, scratch_operands = 6 : i64, tpu.core_type = #tpu.core_type<sc_vector_subcore>, window_params = [{transform_indices = #map}, {transform_indices = #map}, {transform_indices = #map1}]} {
    %mul3A = arith.constant 2 : i32
    %mul3A_0 = arith.muli %arg1, %mul3A : i32
    %add3A = arith.addi %mul3A_0, %arg0 : i32
    %mul3A_1 = arith.constant 100 : i32
    %mul3A_2 = arith.muli %add3A, %mul3A_1 : i32
    "tpu.region"() ({
      %run_scoped3A = tpu.sem_alloc : memref<!tpu.dma_semaphore, #tpu.memory_space<semaphore_mem>>
      %dma_start3A_62 = arith.constant 0 : i32
      %dma_start3A_63 = tpu.memref_slice %arg3[%mul3A_2, %dma_start3A_62] : memref<3200x256xi32, #tpu.memory_space<hbm>> -> memref<100x256xi32, #tpu.memory_space<hbm>>
      %dma_start3A_64 = arith.constant 0 : i32
      %dma_start3A_65 = tpu.memref_slice %arg3[%mul3A_2, %dma_start3A_64] : memref<3200x256xi32, #tpu.memory_space<hbm>> -> memref<100x256xi32, #tpu.memory_space<hbm>>
      tpu.enqueue_dma source(%dma_start3A_65 : memref<100x256xi32, #tpu.memory_space<hbm>>) target(%arg5 : memref<100x256xi32, #tpu.memory_space<vmem>>) target_semaphore(%run_scoped3A : memref<!tpu.dma_semaphore, #tpu.memory_space<semaphore_mem>>)
      %dma_wait3A_66 = arith.constant 0 : i32
      %dma_wait3A_67 = tpu.memref_slice %arg3[%mul3A_2, %dma_wait3A_66] : memref<3200x256xi32, #tpu.memory_space<hbm>> -> memref<100x256xi32, #tpu.memory_space<hbm>>
      %dma_wait3A_68 = arith.constant 0 : i32
      %dma_wait3A_69 = tpu.memref_slice %arg3[%mul3A_2, %dma_wait3A_68] : memref<3200x256xi32, #tpu.memory_space<hbm>> -> memref<100x256xi32, #tpu.memory_space<hbm>>
      tpu.wait_dma2 semaphore(%run_scoped3A : memref<!tpu.dma_semaphore, #tpu.memory_space<semaphore_mem>>) src(%dma_wait3A_69 : memref<100x256xi32, #tpu.memory_space<hbm>>) dst(%arg5 : memref<100x256xi32, #tpu.memory_space<vmem>>)
      tpu.yield
    }) : () -> ()
    %dma_start3A = arith.constant 0 : i32
    %dma_start3A_3 = arith.constant 0 : i32
    %dma_start3A_4 = arith.constant 0 : i32
    %dma_start3A_5 = arith.constant 0 : i32
    %dma_start3A_6 = tpu.memref_slice %arg6[%dma_start3A_3, %dma_start3A_4, %dma_start3A_5] : memref<4x256x32xf32, #tpu.memory_space<vmem>> -> memref<1x256x32xf32, #tpu.memory_space<vmem>>
    %dma_start3A_7 = tpu.memref_squeeze %dma_start3A_6 : memref<1x256x32xf32, #tpu.memory_space<vmem>> -> memref<256x32xf32, #tpu.memory_space<vmem>>
    %dma_start3A_8 = arith.constant 0 : i32
    %dma_start3A_9 = tpu.memref_slice %arg5[%dma_start3A, %dma_start3A_8] : memref<100x256xi32, #tpu.memory_space<vmem>> -> memref<1x256xi32, #tpu.memory_space<vmem>>
    %dma_start3A_10 = tpu.memref_squeeze %dma_start3A_9 : memref<1x256xi32, #tpu.memory_space<vmem>> -> memref<256xi32, #tpu.memory_space<vmem>>
    %dma_start3A_11 = arith.constant 0 : i32
    %dma_start3A_12 = arith.constant 0 : i32
    %dma_start3A_13 = tpu.memref_slice %arg2[%dma_start3A_11, %dma_start3A_12] : memref<50176x32xf32, #tpu.memory_space<hbm>> -> memref<50176x32xf32, #tpu.memory_space<hbm>>
    tpu.enqueue_indirect_dma source(%dma_start3A_13 : memref<50176x32xf32, #tpu.memory_space<hbm>>) target(%dma_start3A_7 : memref<256x32xf32, #tpu.memory_space<vmem>>) offsets(%dma_start3A_10 : memref<256xi32, #tpu.memory_space<vmem>>) semaphore(%arg8 : memref<!tpu.dma_semaphore, #tpu.memory_space<semaphore_mem>>)
    %dma_start3A_14 = arith.constant 1 : i32
    %dma_start3A_15 = arith.constant 1 : i32
    %dma_start3A_16 = arith.constant 0 : i32
    %dma_start3A_17 = arith.constant 0 : i32
    %dma_start3A_18 = tpu.memref_slice %arg6[%dma_start3A_15, %dma_start3A_16, %dma_start3A_17] : memref<4x256x32xf32, #tpu.memory_space<vmem>> -> memref<1x256x32xf32, #tpu.memory_space<vmem>>
    %dma_start3A_19 = tpu.memref_squeeze %dma_start3A_18 : memref<1x256x32xf32, #tpu.memory_space<vmem>> -> memref<256x32xf32, #tpu.memory_space<vmem>>
    %dma_start3A_20 = arith.constant 0 : i32
    %dma_start3A_21 = tpu.memref_slice %arg5[%dma_start3A_14, %dma_start3A_20] : memref<100x256xi32, #tpu.memory_space<vmem>> -> memref<1x256xi32, #tpu.memory_space<vmem>>
    %dma_start3A_22 = tpu.memref_squeeze %dma_start3A_21 : memref<1x256xi32, #tpu.memory_space<vmem>> -> memref<256xi32, #tpu.memory_space<vmem>>
    %dma_start3A_23 = arith.constant 0 : i32
    %dma_start3A_24 = arith.constant 0 : i32
    %dma_start3A_25 = tpu.memref_slice %arg2[%dma_start3A_23, %dma_start3A_24] : memref<50176x32xf32, #tpu.memory_space<hbm>> -> memref<50176x32xf32, #tpu.memory_space<hbm>>
    tpu.enqueue_indirect_dma source(%dma_start3A_25 : memref<50176x32xf32, #tpu.memory_space<hbm>>) target(%dma_start3A_19 : memref<256x32xf32, #tpu.memory_space<vmem>>) offsets(%dma_start3A_22 : memref<256xi32, #tpu.memory_space<vmem>>) semaphore(%arg8 : memref<!tpu.dma_semaphore, #tpu.memory_space<semaphore_mem>>)
    %dma_start3A_26 = arith.constant 2 : i32
    %dma_start3A_27 = arith.constant 2 : i32
    %dma_start3A_28 = arith.constant 0 : i32
    %dma_start3A_29 = arith.constant 0 : i32
    %dma_start3A_30 = tpu.memref_slice %arg6[%dma_start3A_27, %dma_start3A_28, %dma_start3A_29] : memref<4x256x32xf32, #tpu.memory_space<vmem>> -> memref<1x256x32xf32, #tpu.memory_space<vmem>>
    %dma_start3A_31 = tpu.memref_squeeze %dma_start3A_30 : memref<1x256x32xf32, #tpu.memory_space<vmem>> -> memref<256x32xf32, #tpu.memory_space<vmem>>
    %dma_start3A_32 = arith.constant 0 : i32
    %dma_start3A_33 = tpu.memref_slice %arg5[%dma_start3A_26, %dma_start3A_32] : memref<100x256xi32, #tpu.memory_space<vmem>> -> memref<1x256xi32, #tpu.memory_space<vmem>>
    %dma_start3A_34 = tpu.memref_squeeze %dma_start3A_33 : memref<1x256xi32, #tpu.memory_space<vmem>> -> memref<256xi32, #tpu.memory_space<vmem>>
    %dma_start3A_35 = arith.constant 0 : i32
    %dma_start3A_36 = arith.constant 0 : i32
    %dma_start3A_37 = tpu.memref_slice %arg2[%dma_start3A_35, %dma_start3A_36] : memref<50176x32xf32, #tpu.memory_space<hbm>> -> memref<50176x32xf32, #tpu.memory_space<hbm>>
    tpu.enqueue_indirect_dma source(%dma_start3A_37 : memref<50176x32xf32, #tpu.memory_space<hbm>>) target(%dma_start3A_31 : memref<256x32xf32, #tpu.memory_space<vmem>>) offsets(%dma_start3A_34 : memref<256xi32, #tpu.memory_space<vmem>>) semaphore(%arg8 : memref<!tpu.dma_semaphore, #tpu.memory_space<semaphore_mem>>)
    %dma_start3A_38 = arith.constant 3 : i32
    %dma_start3A_39 = arith.constant 3 : i32
    %dma_start3A_40 = arith.constant 0 : i32
    %dma_start3A_41 = arith.constant 0 : i32
    %dma_start3A_42 = tpu.memref_slice %arg6[%dma_start3A_39, %dma_start3A_40, %dma_start3A_41] : memref<4x256x32xf32, #tpu.memory_space<vmem>> -> memref<1x256x32xf32, #tpu.memory_space<vmem>>
    %dma_start3A_43 = tpu.memref_squeeze %dma_start3A_42 : memref<1x256x32xf32, #tpu.memory_space<vmem>> -> memref<256x32xf32, #tpu.memory_space<vmem>>
    %dma_start3A_44 = arith.constant 0 : i32
    %dma_start3A_45 = tpu.memref_slice %arg5[%dma_start3A_38, %dma_start3A_44] : memref<100x256xi32, #tpu.memory_space<vmem>> -> memref<1x256xi32, #tpu.memory_space<vmem>>
    %dma_start3A_46 = tpu.memref_squeeze %dma_start3A_45 : memref<1x256xi32, #tpu.memory_space<vmem>> -> memref<256xi32, #tpu.memory_space<vmem>>
    %dma_start3A_47 = arith.constant 0 : i32
    %dma_start3A_48 = arith.constant 0 : i32
    %dma_start3A_49 = tpu.memref_slice %arg2[%dma_start3A_47, %dma_start3A_48] : memref<50176x32xf32, #tpu.memory_space<hbm>> -> memref<50176x32xf32, #tpu.memory_space<hbm>>
    tpu.enqueue_indirect_dma source(%dma_start3A_49 : memref<50176x32xf32, #tpu.memory_space<hbm>>) target(%dma_start3A_43 : memref<256x32xf32, #tpu.memory_space<vmem>>) offsets(%dma_start3A_46 : memref<256xi32, #tpu.memory_space<vmem>>) semaphore(%arg8 : memref<!tpu.dma_semaphore, #tpu.memory_space<semaphore_mem>>)
    %scan3A = arith.constant 0 : i32
    %scan3A_50 = arith.constant 0 : i32
    %scan3A_51 = arith.constant 13 : i32
    %scan3A_52 = arith.addi %scan3A_50, %scan3A_51 : i32
    %scan3A_53 = arith.constant 1 : i32
    scf.for %scan3A_62 = %scan3A_50 to %scan3A_52 step %scan3A_53  : i32 {
      %mul3A_63 = arith.constant 2 : i32
      %mul3A_64 = arith.muli %mul3A_63, %scan3A_62 : i32
      %lt3A = arith.constant 25 : i32
      %lt3A_65 = arith.cmpi slt, %mul3A_64, %lt3A : i32
      %convert_element_type3A = arith.extui %lt3A_65 : i1 to i32
      %cond3A = arith.constant 0 : i32
      %cond3A_66 = arith.cmpi ne, %convert_element_type3A, %cond3A : i32
      scf.if %cond3A_66 {
        %ge3A = arith.constant 1 : i32
        %ge3A_76 = arith.cmpi sge, %mul3A_64, %ge3A : i32
        %convert_element_type3A_77 = arith.extui %ge3A_76 : i1 to i32
        %cond3A_78 = arith.constant 0 : i32
        %cond3A_79 = arith.cmpi ne, %convert_element_type3A_77, %cond3A_78 : i32
        scf.if %cond3A_79 {
          %sub3A = arith.constant 1 : i32
          %sub3A_156 = arith.subi %mul3A_64, %sub3A : i32
          %mul3A_157 = arith.constant 4 : i32
          %mul3A_158 = arith.muli %sub3A_156, %mul3A_157 : i32
          %add3A_159 = arith.addi %mul3A_2, %mul3A_158 : i32
          %dma_wait3A_160 = arith.constant 0 : i32
          %dma_wait3A_161 = arith.constant 0 : i32
          %dma_wait3A_162 = tpu.memref_slice %arg4[%add3A_159, %dma_wait3A_160, %dma_wait3A_161] : memref<3200x256x32xf32, #tpu.memory_space<hbm>> -> memref<4x256x32xf32, #tpu.memory_space<hbm>>
          %dma_wait3A_163 = arith.constant 0 : i32
          %dma_wait3A_164 = arith.constant 0 : i32
          %dma_wait3A_165 = tpu.memref_slice %arg4[%add3A_159, %dma_wait3A_163, %dma_wait3A_164] : memref<3200x256x32xf32, #tpu.memory_space<hbm>> -> memref<4x256x32xf32, #tpu.memory_space<hbm>>
          tpu.wait_dma2 semaphore(%arg10 : memref<!tpu.dma_semaphore, #tpu.memory_space<semaphore_mem>>) src(%arg7 : memref<4x256x32xf32, #tpu.memory_space<vmem>>) dst(%dma_wait3A_165 : memref<4x256x32xf32, #tpu.memory_space<hbm>>)
        } else {
        }
        %add3A_80 = arith.constant 1 : i32
        %add3A_81 = arith.addi %mul3A_64, %add3A_80 : i32
        %lt3A_82 = arith.constant 25 : i32
        %lt3A_83 = arith.cmpi slt, %add3A_81, %lt3A_82 : i32
        %convert_element_type3A_84 = arith.extui %lt3A_83 : i1 to i32
        %cond3A_85 = arith.constant 0 : i32
        %cond3A_86 = arith.cmpi ne, %convert_element_type3A_84, %cond3A_85 : i32
        scf.if %cond3A_86 {
          %add3A_156 = arith.constant 1 : i32
          %add3A_157 = arith.addi %mul3A_64, %add3A_156 : i32
          %mul3A_158 = arith.constant 4 : i32
          %mul3A_159 = arith.muli %add3A_157, %mul3A_158 : i32
          %add3A_160 = arith.constant 0 : i32
          %add3A_161 = arith.addi %mul3A_159, %add3A_160 : i32
          %dma_start3A_162 = arith.constant 0 : i32
          %dma_start3A_163 = arith.constant 0 : i32
          %dma_start3A_164 = arith.constant 0 : i32
          %dma_start3A_165 = tpu.memref_slice %arg7[%dma_start3A_162, %dma_start3A_163, %dma_start3A_164] : memref<4x256x32xf32, #tpu.memory_space<vmem>> -> memref<1x256x32xf32, #tpu.memory_space<vmem>>
          %dma_start3A_166 = tpu.memref_squeeze %dma_start3A_165 : memref<1x256x32xf32, #tpu.memory_space<vmem>> -> memref<256x32xf32, #tpu.memory_space<vmem>>
          %dma_start3A_167 = arith.constant 0 : i32
          %dma_start3A_168 = tpu.memref_slice %arg5[%add3A_161, %dma_start3A_167] : memref<100x256xi32, #tpu.memory_space<vmem>> -> memref<1x256xi32, #tpu.memory_space<vmem>>
          %dma_start3A_169 = tpu.memref_squeeze %dma_start3A_168 : memref<1x256xi32, #tpu.memory_space<vmem>> -> memref<256xi32, #tpu.memory_space<vmem>>
          %dma_start3A_170 = arith.constant 0 : i32
          %dma_start3A_171 = arith.constant 0 : i32
          %dma_start3A_172 = tpu.memref_slice %arg2[%dma_start3A_170, %dma_start3A_171] : memref<50176x32xf32, #tpu.memory_space<hbm>> -> memref<50176x32xf32, #tpu.memory_space<hbm>>
          tpu.enqueue_indirect_dma source(%dma_start3A_172 : memref<50176x32xf32, #tpu.memory_space<hbm>>) target(%dma_start3A_166 : memref<256x32xf32, #tpu.memory_space<vmem>>) offsets(%dma_start3A_169 : memref<256xi32, #tpu.memory_space<vmem>>) semaphore(%arg9 : memref<!tpu.dma_semaphore, #tpu.memory_space<semaphore_mem>>)
          %mul3A_173 = arith.constant 4 : i32
          %mul3A_174 = arith.muli %add3A_157, %mul3A_173 : i32
          %add3A_175 = arith.constant 1 : i32
          %add3A_176 = arith.addi %mul3A_174, %add3A_175 : i32
          %dma_start3A_177 = arith.constant 1 : i32
          %dma_start3A_178 = arith.constant 0 : i32
          %dma_start3A_179 = arith.constant 0 : i32
          %dma_start3A_180 = tpu.memref_slice %arg7[%dma_start3A_177, %dma_start3A_178, %dma_start3A_179] : memref<4x256x32xf32, #tpu.memory_space<vmem>> -> memref<1x256x32xf32, #tpu.memory_space<vmem>>
          %dma_start3A_181 = tpu.memref_squeeze %dma_start3A_180 : memref<1x256x32xf32, #tpu.memory_space<vmem>> -> memref<256x32xf32, #tpu.memory_space<vmem>>
          %dma_start3A_182 = arith.constant 0 : i32
          %dma_start3A_183 = tpu.memref_slice %arg5[%add3A_176, %dma_start3A_182] : memref<100x256xi32, #tpu.memory_space<vmem>> -> memref<1x256xi32, #tpu.memory_space<vmem>>
          %dma_start3A_184 = tpu.memref_squeeze %dma_start3A_183 : memref<1x256xi32, #tpu.memory_space<vmem>> -> memref<256xi32, #tpu.memory_space<vmem>>
          %dma_start3A_185 = arith.constant 0 : i32
          %dma_start3A_186 = arith.constant 0 : i32
          %dma_start3A_187 = tpu.memref_slice %arg2[%dma_start3A_185, %dma_start3A_186] : memref<50176x32xf32, #tpu.memory_space<hbm>> -> memref<50176x32xf32, #tpu.memory_space<hbm>>
          tpu.enqueue_indirect_dma source(%dma_start3A_187 : memref<50176x32xf32, #tpu.memory_space<hbm>>) target(%dma_start3A_181 : memref<256x32xf32, #tpu.memory_space<vmem>>) offsets(%dma_start3A_184 : memref<256xi32, #tpu.memory_space<vmem>>) semaphore(%arg9 : memref<!tpu.dma_semaphore, #tpu.memory_space<semaphore_mem>>)
          %mul3A_188 = arith.constant 4 : i32
          %mul3A_189 = arith.muli %add3A_157, %mul3A_188 : i32
          %add3A_190 = arith.constant 2 : i32
          %add3A_191 = arith.addi %mul3A_189, %add3A_190 : i32
          %dma_start3A_192 = arith.constant 2 : i32
          %dma_start3A_193 = arith.constant 0 : i32
          %dma_start3A_194 = arith.constant 0 : i32
          %dma_start3A_195 = tpu.memref_slice %arg7[%dma_start3A_192, %dma_start3A_193, %dma_start3A_194] : memref<4x256x32xf32, #tpu.memory_space<vmem>> -> memref<1x256x32xf32, #tpu.memory_space<vmem>>
          %dma_start3A_196 = tpu.memref_squeeze %dma_start3A_195 : memref<1x256x32xf32, #tpu.memory_space<vmem>> -> memref<256x32xf32, #tpu.memory_space<vmem>>
          %dma_start3A_197 = arith.constant 0 : i32
          %dma_start3A_198 = tpu.memref_slice %arg5[%add3A_191, %dma_start3A_197] : memref<100x256xi32, #tpu.memory_space<vmem>> -> memref<1x256xi32, #tpu.memory_space<vmem>>
          %dma_start3A_199 = tpu.memref_squeeze %dma_start3A_198 : memref<1x256xi32, #tpu.memory_space<vmem>> -> memref<256xi32, #tpu.memory_space<vmem>>
          %dma_start3A_200 = arith.constant 0 : i32
          %dma_start3A_201 = arith.constant 0 : i32
          %dma_start3A_202 = tpu.memref_slice %arg2[%dma_start3A_200, %dma_start3A_201] : memref<50176x32xf32, #tpu.memory_space<hbm>> -> memref<50176x32xf32, #tpu.memory_space<hbm>>
          tpu.enqueue_indirect_dma source(%dma_start3A_202 : memref<50176x32xf32, #tpu.memory_space<hbm>>) target(%dma_start3A_196 : memref<256x32xf32, #tpu.memory_space<vmem>>) offsets(%dma_start3A_199 : memref<256xi32, #tpu.memory_space<vmem>>) semaphore(%arg9 : memref<!tpu.dma_semaphore, #tpu.memory_space<semaphore_mem>>)
          %mul3A_203 = arith.constant 4 : i32
          %mul3A_204 = arith.muli %add3A_157, %mul3A_203 : i32
          %add3A_205 = arith.constant 3 : i32
          %add3A_206 = arith.addi %mul3A_204, %add3A_205 : i32
          %dma_start3A_207 = arith.constant 3 : i32
          %dma_start3A_208 = arith.constant 0 : i32
          %dma_start3A_209 = arith.constant 0 : i32
          %dma_start3A_210 = tpu.memref_slice %arg7[%dma_start3A_207, %dma_start3A_208, %dma_start3A_209] : memref<4x256x32xf32, #tpu.memory_space<vmem>> -> memref<1x256x32xf32, #tpu.memory_space<vmem>>
          %dma_start3A_211 = tpu.memref_squeeze %dma_start3A_210 : memref<1x256x32xf32, #tpu.memory_space<vmem>> -> memref<256x32xf32, #tpu.memory_space<vmem>>
          %dma_start3A_212 = arith.constant 0 : i32
          %dma_start3A_213 = tpu.memref_slice %arg5[%add3A_206, %dma_start3A_212] : memref<100x256xi32, #tpu.memory_space<vmem>> -> memref<1x256xi32, #tpu.memory_space<vmem>>
          %dma_start3A_214 = tpu.memref_squeeze %dma_start3A_213 : memref<1x256xi32, #tpu.memory_space<vmem>> -> memref<256xi32, #tpu.memory_space<vmem>>
          %dma_start3A_215 = arith.constant 0 : i32
          %dma_start3A_216 = arith.constant 0 : i32
          %dma_start3A_217 = tpu.memref_slice %arg2[%dma_start3A_215, %dma_start3A_216] : memref<50176x32xf32, #tpu.memory_space<hbm>> -> memref<50176x32xf32, #tpu.memory_space<hbm>>
          tpu.enqueue_indirect_dma source(%dma_start3A_217 : memref<50176x32xf32, #tpu.memory_space<hbm>>) target(%dma_start3A_211 : memref<256x32xf32, #tpu.memory_space<vmem>>) offsets(%dma_start3A_214 : memref<256xi32, #tpu.memory_space<vmem>>) semaphore(%arg9 : memref<!tpu.dma_semaphore, #tpu.memory_space<semaphore_mem>>)
        } else {
        }
        %mul3A_87 = arith.constant 4 : i32
        %mul3A_88 = arith.muli %mul3A_64, %mul3A_87 : i32
        %add3A_89 = arith.constant 0 : i32
        %add3A_90 = arith.addi %mul3A_88, %add3A_89 : i32
        %dma_wait3A_91 = arith.constant 0 : i32
        %dma_wait3A_92 = arith.constant 0 : i32
        %dma_wait3A_93 = arith.constant 0 : i32
        %dma_wait3A_94 = tpu.memref_slice %arg6[%dma_wait3A_91, %dma_wait3A_92, %dma_wait3A_93] : memref<4x256x32xf32, #tpu.memory_space<vmem>> -> memref<1x256x32xf32, #tpu.memory_space<vmem>>
        %dma_wait3A_95 = tpu.memref_squeeze %dma_wait3A_94 : memref<1x256x32xf32, #tpu.memory_space<vmem>> -> memref<256x32xf32, #tpu.memory_space<vmem>>
        %dma_wait3A_96 = arith.constant 0 : i32
        %dma_wait3A_97 = tpu.memref_slice %arg5[%add3A_90, %dma_wait3A_96] : memref<100x256xi32, #tpu.memory_space<vmem>> -> memref<1x256xi32, #tpu.memory_space<vmem>>
        %dma_wait3A_98 = tpu.memref_squeeze %dma_wait3A_97 : memref<1x256xi32, #tpu.memory_space<vmem>> -> memref<256xi32, #tpu.memory_space<vmem>>
        %dma_wait3A_99 = arith.constant 0 : i32
        %dma_wait3A_100 = arith.constant 0 : i32
        %dma_wait3A_101 = tpu.memref_slice %arg2[%dma_wait3A_99, %dma_wait3A_100] : memref<50176x32xf32, #tpu.memory_space<hbm>> -> memref<50176x32xf32, #tpu.memory_space<hbm>>
        tpu.wait_indirect_dma semaphore(%arg8 : memref<!tpu.dma_semaphore, #tpu.memory_space<semaphore_mem>>) src(%dma_wait3A_101 : memref<50176x32xf32, #tpu.memory_space<hbm>>) dst(%dma_wait3A_95 : memref<256x32xf32, #tpu.memory_space<vmem>>)
        %mul3A_102 = arith.constant 4 : i32
        %mul3A_103 = arith.muli %mul3A_64, %mul3A_102 : i32
        %add3A_104 = arith.constant 1 : i32
        %add3A_105 = arith.addi %mul3A_103, %add3A_104 : i32
        %dma_wait3A_106 = arith.constant 1 : i32
        %dma_wait3A_107 = arith.constant 0 : i32
        %dma_wait3A_108 = arith.constant 0 : i32
        %dma_wait3A_109 = tpu.memref_slice %arg6[%dma_wait3A_106, %dma_wait3A_107, %dma_wait3A_108] : memref<4x256x32xf32, #tpu.memory_space<vmem>> -> memref<1x256x32xf32, #tpu.memory_space<vmem>>
        %dma_wait3A_110 = tpu.memref_squeeze %dma_wait3A_109 : memref<1x256x32xf32, #tpu.memory_space<vmem>> -> memref<256x32xf32, #tpu.memory_space<vmem>>
        %dma_wait3A_111 = arith.constant 0 : i32
        %dma_wait3A_112 = tpu.memref_slice %arg5[%add3A_105, %dma_wait3A_111] : memref<100x256xi32, #tpu.memory_space<vmem>> -> memref<1x256xi32, #tpu.memory_space<vmem>>
        %dma_wait3A_113 = tpu.memref_squeeze %dma_wait3A_112 : memref<1x256xi32, #tpu.memory_space<vmem>> -> memref<256xi32, #tpu.memory_space<vmem>>
        %dma_wait3A_114 = arith.constant 0 : i32
        %dma_wait3A_115 = arith.constant 0 : i32
        %dma_wait3A_116 = tpu.memref_slice %arg2[%dma_wait3A_114, %dma_wait3A_115] : memref<50176x32xf32, #tpu.memory_space<hbm>> -> memref<50176x32xf32, #tpu.memory_space<hbm>>
        tpu.wait_indirect_dma semaphore(%arg8 : memref<!tpu.dma_semaphore, #tpu.memory_space<semaphore_mem>>) src(%dma_wait3A_116 : memref<50176x32xf32, #tpu.memory_space<hbm>>) dst(%dma_wait3A_110 : memref<256x32xf32, #tpu.memory_space<vmem>>)
        %mul3A_117 = arith.constant 4 : i32
        %mul3A_118 = arith.muli %mul3A_64, %mul3A_117 : i32
        %add3A_119 = arith.constant 2 : i32
        %add3A_120 = arith.addi %mul3A_118, %add3A_119 : i32
        %dma_wait3A_121 = arith.constant 2 : i32
        %dma_wait3A_122 = arith.constant 0 : i32
        %dma_wait3A_123 = arith.constant 0 : i32
        %dma_wait3A_124 = tpu.memref_slice %arg6[%dma_wait3A_121, %dma_wait3A_122, %dma_wait3A_123] : memref<4x256x32xf32, #tpu.memory_space<vmem>> -> memref<1x256x32xf32, #tpu.memory_space<vmem>>
        %dma_wait3A_125 = tpu.memref_squeeze %dma_wait3A_124 : memref<1x256x32xf32, #tpu.memory_space<vmem>> -> memref<256x32xf32, #tpu.memory_space<vmem>>
        %dma_wait3A_126 = arith.constant 0 : i32
        %dma_wait3A_127 = tpu.memref_slice %arg5[%add3A_120, %dma_wait3A_126] : memref<100x256xi32, #tpu.memory_space<vmem>> -> memref<1x256xi32, #tpu.memory_space<vmem>>
        %dma_wait3A_128 = tpu.memref_squeeze %dma_wait3A_127 : memref<1x256xi32, #tpu.memory_space<vmem>> -> memref<256xi32, #tpu.memory_space<vmem>>
        %dma_wait3A_129 = arith.constant 0 : i32
        %dma_wait3A_130 = arith.constant 0 : i32
        %dma_wait3A_131 = tpu.memref_slice %arg2[%dma_wait3A_129, %dma_wait3A_130] : memref<50176x32xf32, #tpu.memory_space<hbm>> -> memref<50176x32xf32, #tpu.memory_space<hbm>>
        tpu.wait_indirect_dma semaphore(%arg8 : memref<!tpu.dma_semaphore, #tpu.memory_space<semaphore_mem>>) src(%dma_wait3A_131 : memref<50176x32xf32, #tpu.memory_space<hbm>>) dst(%dma_wait3A_125 : memref<256x32xf32, #tpu.memory_space<vmem>>)
        %mul3A_132 = arith.constant 4 : i32
        %mul3A_133 = arith.muli %mul3A_64, %mul3A_132 : i32
        %add3A_134 = arith.constant 3 : i32
        %add3A_135 = arith.addi %mul3A_133, %add3A_134 : i32
        %dma_wait3A_136 = arith.constant 3 : i32
        %dma_wait3A_137 = arith.constant 0 : i32
        %dma_wait3A_138 = arith.constant 0 : i32
        %dma_wait3A_139 = tpu.memref_slice %arg6[%dma_wait3A_136, %dma_wait3A_137, %dma_wait3A_138] : memref<4x256x32xf32, #tpu.memory_space<vmem>> -> memref<1x256x32xf32, #tpu.memory_space<vmem>>
        %dma_wait3A_140 = tpu.memref_squeeze %dma_wait3A_139 : memref<1x256x32xf32, #tpu.memory_space<vmem>> -> memref<256x32xf32, #tpu.memory_space<vmem>>
        %dma_wait3A_141 = arith.constant 0 : i32
        %dma_wait3A_142 = tpu.memref_slice %arg5[%add3A_135, %dma_wait3A_141] : memref<100x256xi32, #tpu.memory_space<vmem>> -> memref<1x256xi32, #tpu.memory_space<vmem>>
        %dma_wait3A_143 = tpu.memref_squeeze %dma_wait3A_142 : memref<1x256xi32, #tpu.memory_space<vmem>> -> memref<256xi32, #tpu.memory_space<vmem>>
        %dma_wait3A_144 = arith.constant 0 : i32
        %dma_wait3A_145 = arith.constant 0 : i32
        %dma_wait3A_146 = tpu.memref_slice %arg2[%dma_wait3A_144, %dma_wait3A_145] : memref<50176x32xf32, #tpu.memory_space<hbm>> -> memref<50176x32xf32, #tpu.memory_space<hbm>>
        tpu.wait_indirect_dma semaphore(%arg8 : memref<!tpu.dma_semaphore, #tpu.memory_space<semaphore_mem>>) src(%dma_wait3A_146 : memref<50176x32xf32, #tpu.memory_space<hbm>>) dst(%dma_wait3A_140 : memref<256x32xf32, #tpu.memory_space<vmem>>)
        %mul3A_147 = arith.constant 4 : i32
        %mul3A_148 = arith.muli %mul3A_64, %mul3A_147 : i32
        %add3A_149 = arith.addi %mul3A_2, %mul3A_148 : i32
        %dma_start3A_150 = arith.constant 0 : i32
        %dma_start3A_151 = arith.constant 0 : i32
        %dma_start3A_152 = tpu.memref_slice %arg4[%add3A_149, %dma_start3A_150, %dma_start3A_151] : memref<3200x256x32xf32, #tpu.memory_space<hbm>> -> memref<4x256x32xf32, #tpu.memory_space<hbm>>
        %dma_start3A_153 = arith.constant 0 : i32
        %dma_start3A_154 = arith.constant 0 : i32
        %dma_start3A_155 = tpu.memref_slice %arg4[%add3A_149, %dma_start3A_153, %dma_start3A_154] : memref<3200x256x32xf32, #tpu.memory_space<hbm>> -> memref<4x256x32xf32, #tpu.memory_space<hbm>>
        tpu.enqueue_dma source(%arg6 : memref<4x256x32xf32, #tpu.memory_space<vmem>>) target(%dma_start3A_155 : memref<4x256x32xf32, #tpu.memory_space<hbm>>) target_semaphore(%arg10 : memref<!tpu.dma_semaphore, #tpu.memory_space<semaphore_mem>>)
      } else {
      }
      %mul3A_67 = arith.constant 2 : i32
      %mul3A_68 = arith.muli %mul3A_67, %scan3A_62 : i32
      %add3A_69 = arith.constant 1 : i32
      %add3A_70 = arith.addi %mul3A_68, %add3A_69 : i32
      %lt3A_71 = arith.constant 25 : i32
      %lt3A_72 = arith.cmpi slt, %add3A_70, %lt3A_71 : i32
      %convert_element_type3A_73 = arith.extui %lt3A_72 : i1 to i32
      %cond3A_74 = arith.constant 0 : i32
      %cond3A_75 = arith.cmpi ne, %convert_element_type3A_73, %cond3A_74 : i32
      scf.if %cond3A_75 {
        %ge3A = arith.constant 1 : i32
        %ge3A_76 = arith.cmpi sge, %add3A_70, %ge3A : i32
        %convert_element_type3A_77 = arith.extui %ge3A_76 : i1 to i32
        %cond3A_78 = arith.constant 0 : i32
        %cond3A_79 = arith.cmpi ne, %convert_element_type3A_77, %cond3A_78 : i32
        scf.if %cond3A_79 {
          %sub3A = arith.constant 1 : i32
          %sub3A_156 = arith.subi %add3A_70, %sub3A : i32
          %mul3A_157 = arith.constant 4 : i32
          %mul3A_158 = arith.muli %sub3A_156, %mul3A_157 : i32
          %add3A_159 = arith.addi %mul3A_2, %mul3A_158 : i32
          %dma_wait3A_160 = arith.constant 0 : i32
          %dma_wait3A_161 = arith.constant 0 : i32
          %dma_wait3A_162 = tpu.memref_slice %arg4[%add3A_159, %dma_wait3A_160, %dma_wait3A_161] : memref<3200x256x32xf32, #tpu.memory_space<hbm>> -> memref<4x256x32xf32, #tpu.memory_space<hbm>>
          %dma_wait3A_163 = arith.constant 0 : i32
          %dma_wait3A_164 = arith.constant 0 : i32
          %dma_wait3A_165 = tpu.memref_slice %arg4[%add3A_159, %dma_wait3A_163, %dma_wait3A_164] : memref<3200x256x32xf32, #tpu.memory_space<hbm>> -> memref<4x256x32xf32, #tpu.memory_space<hbm>>
          tpu.wait_dma2 semaphore(%arg10 : memref<!tpu.dma_semaphore, #tpu.memory_space<semaphore_mem>>) src(%arg6 : memref<4x256x32xf32, #tpu.memory_space<vmem>>) dst(%dma_wait3A_165 : memref<4x256x32xf32, #tpu.memory_space<hbm>>)
        } else {
        }
        %add3A_80 = arith.constant 1 : i32
        %add3A_81 = arith.addi %add3A_70, %add3A_80 : i32
        %lt3A_82 = arith.constant 25 : i32
        %lt3A_83 = arith.cmpi slt, %add3A_81, %lt3A_82 : i32
        %convert_element_type3A_84 = arith.extui %lt3A_83 : i1 to i32
        %cond3A_85 = arith.constant 0 : i32
        %cond3A_86 = arith.cmpi ne, %convert_element_type3A_84, %cond3A_85 : i32
        scf.if %cond3A_86 {
          %add3A_156 = arith.constant 1 : i32
          %add3A_157 = arith.addi %add3A_70, %add3A_156 : i32
          %mul3A_158 = arith.constant 4 : i32
          %mul3A_159 = arith.muli %add3A_157, %mul3A_158 : i32
          %add3A_160 = arith.constant 0 : i32
          %add3A_161 = arith.addi %mul3A_159, %add3A_160 : i32
          %dma_start3A_162 = arith.constant 0 : i32
          %dma_start3A_163 = arith.constant 0 : i32
          %dma_start3A_164 = arith.constant 0 : i32
          %dma_start3A_165 = tpu.memref_slice %arg6[%dma_start3A_162, %dma_start3A_163, %dma_start3A_164] : memref<4x256x32xf32, #tpu.memory_space<vmem>> -> memref<1x256x32xf32, #tpu.memory_space<vmem>>
          %dma_start3A_166 = tpu.memref_squeeze %dma_start3A_165 : memref<1x256x32xf32, #tpu.memory_space<vmem>> -> memref<256x32xf32, #tpu.memory_space<vmem>>
          %dma_start3A_167 = arith.constant 0 : i32
          %dma_start3A_168 = tpu.memref_slice %arg5[%add3A_161, %dma_start3A_167] : memref<100x256xi32, #tpu.memory_space<vmem>> -> memref<1x256xi32, #tpu.memory_space<vmem>>
          %dma_start3A_169 = tpu.memref_squeeze %dma_start3A_168 : memref<1x256xi32, #tpu.memory_space<vmem>> -> memref<256xi32, #tpu.memory_space<vmem>>
          %dma_start3A_170 = arith.constant 0 : i32
          %dma_start3A_171 = arith.constant 0 : i32
          %dma_start3A_172 = tpu.memref_slice %arg2[%dma_start3A_170, %dma_start3A_171] : memref<50176x32xf32, #tpu.memory_space<hbm>> -> memref<50176x32xf32, #tpu.memory_space<hbm>>
          tpu.enqueue_indirect_dma source(%dma_start3A_172 : memref<50176x32xf32, #tpu.memory_space<hbm>>) target(%dma_start3A_166 : memref<256x32xf32, #tpu.memory_space<vmem>>) offsets(%dma_start3A_169 : memref<256xi32, #tpu.memory_space<vmem>>) semaphore(%arg8 : memref<!tpu.dma_semaphore, #tpu.memory_space<semaphore_mem>>)
          %mul3A_173 = arith.constant 4 : i32
          %mul3A_174 = arith.muli %add3A_157, %mul3A_173 : i32
          %add3A_175 = arith.constant 1 : i32
          %add3A_176 = arith.addi %mul3A_174, %add3A_175 : i32
          %dma_start3A_177 = arith.constant 1 : i32
          %dma_start3A_178 = arith.constant 0 : i32
          %dma_start3A_179 = arith.constant 0 : i32
          %dma_start3A_180 = tpu.memref_slice %arg6[%dma_start3A_177, %dma_start3A_178, %dma_start3A_179] : memref<4x256x32xf32, #tpu.memory_space<vmem>> -> memref<1x256x32xf32, #tpu.memory_space<vmem>>
          %dma_start3A_181 = tpu.memref_squeeze %dma_start3A_180 : memref<1x256x32xf32, #tpu.memory_space<vmem>> -> memref<256x32xf32, #tpu.memory_space<vmem>>
          %dma_start3A_182 = arith.constant 0 : i32
          %dma_start3A_183 = tpu.memref_slice %arg5[%add3A_176, %dma_start3A_182] : memref<100x256xi32, #tpu.memory_space<vmem>> -> memref<1x256xi32, #tpu.memory_space<vmem>>
          %dma_start3A_184 = tpu.memref_squeeze %dma_start3A_183 : memref<1x256xi32, #tpu.memory_space<vmem>> -> memref<256xi32, #tpu.memory_space<vmem>>
          %dma_start3A_185 = arith.constant 0 : i32
          %dma_start3A_186 = arith.constant 0 : i32
          %dma_start3A_187 = tpu.memref_slice %arg2[%dma_start3A_185, %dma_start3A_186] : memref<50176x32xf32, #tpu.memory_space<hbm>> -> memref<50176x32xf32, #tpu.memory_space<hbm>>
          tpu.enqueue_indirect_dma source(%dma_start3A_187 : memref<50176x32xf32, #tpu.memory_space<hbm>>) target(%dma_start3A_181 : memref<256x32xf32, #tpu.memory_space<vmem>>) offsets(%dma_start3A_184 : memref<256xi32, #tpu.memory_space<vmem>>) semaphore(%arg8 : memref<!tpu.dma_semaphore, #tpu.memory_space<semaphore_mem>>)
          %mul3A_188 = arith.constant 4 : i32
          %mul3A_189 = arith.muli %add3A_157, %mul3A_188 : i32
          %add3A_190 = arith.constant 2 : i32
          %add3A_191 = arith.addi %mul3A_189, %add3A_190 : i32
          %dma_start3A_192 = arith.constant 2 : i32
          %dma_start3A_193 = arith.constant 0 : i32
          %dma_start3A_194 = arith.constant 0 : i32
          %dma_start3A_195 = tpu.memref_slice %arg6[%dma_start3A_192, %dma_start3A_193, %dma_start3A_194] : memref<4x256x32xf32, #tpu.memory_space<vmem>> -> memref<1x256x32xf32, #tpu.memory_space<vmem>>
          %dma_start3A_196 = tpu.memref_squeeze %dma_start3A_195 : memref<1x256x32xf32, #tpu.memory_space<vmem>> -> memref<256x32xf32, #tpu.memory_space<vmem>>
          %dma_start3A_197 = arith.constant 0 : i32
          %dma_start3A_198 = tpu.memref_slice %arg5[%add3A_191, %dma_start3A_197] : memref<100x256xi32, #tpu.memory_space<vmem>> -> memref<1x256xi32, #tpu.memory_space<vmem>>
          %dma_start3A_199 = tpu.memref_squeeze %dma_start3A_198 : memref<1x256xi32, #tpu.memory_space<vmem>> -> memref<256xi32, #tpu.memory_space<vmem>>
          %dma_start3A_200 = arith.constant 0 : i32
          %dma_start3A_201 = arith.constant 0 : i32
          %dma_start3A_202 = tpu.memref_slice %arg2[%dma_start3A_200, %dma_start3A_201] : memref<50176x32xf32, #tpu.memory_space<hbm>> -> memref<50176x32xf32, #tpu.memory_space<hbm>>
          tpu.enqueue_indirect_dma source(%dma_start3A_202 : memref<50176x32xf32, #tpu.memory_space<hbm>>) target(%dma_start3A_196 : memref<256x32xf32, #tpu.memory_space<vmem>>) offsets(%dma_start3A_199 : memref<256xi32, #tpu.memory_space<vmem>>) semaphore(%arg8 : memref<!tpu.dma_semaphore, #tpu.memory_space<semaphore_mem>>)
          %mul3A_203 = arith.constant 4 : i32
          %mul3A_204 = arith.muli %add3A_157, %mul3A_203 : i32
          %add3A_205 = arith.constant 3 : i32
          %add3A_206 = arith.addi %mul3A_204, %add3A_205 : i32
          %dma_start3A_207 = arith.constant 3 : i32
          %dma_start3A_208 = arith.constant 0 : i32
          %dma_start3A_209 = arith.constant 0 : i32
          %dma_start3A_210 = tpu.memref_slice %arg6[%dma_start3A_207, %dma_start3A_208, %dma_start3A_209] : memref<4x256x32xf32, #tpu.memory_space<vmem>> -> memref<1x256x32xf32, #tpu.memory_space<vmem>>
          %dma_start3A_211 = tpu.memref_squeeze %dma_start3A_210 : memref<1x256x32xf32, #tpu.memory_space<vmem>> -> memref<256x32xf32, #tpu.memory_space<vmem>>
          %dma_start3A_212 = arith.constant 0 : i32
          %dma_start3A_213 = tpu.memref_slice %arg5[%add3A_206, %dma_start3A_212] : memref<100x256xi32, #tpu.memory_space<vmem>> -> memref<1x256xi32, #tpu.memory_space<vmem>>
          %dma_start3A_214 = tpu.memref_squeeze %dma_start3A_213 : memref<1x256xi32, #tpu.memory_space<vmem>> -> memref<256xi32, #tpu.memory_space<vmem>>
          %dma_start3A_215 = arith.constant 0 : i32
          %dma_start3A_216 = arith.constant 0 : i32
          %dma_start3A_217 = tpu.memref_slice %arg2[%dma_start3A_215, %dma_start3A_216] : memref<50176x32xf32, #tpu.memory_space<hbm>> -> memref<50176x32xf32, #tpu.memory_space<hbm>>
          tpu.enqueue_indirect_dma source(%dma_start3A_217 : memref<50176x32xf32, #tpu.memory_space<hbm>>) target(%dma_start3A_211 : memref<256x32xf32, #tpu.memory_space<vmem>>) offsets(%dma_start3A_214 : memref<256xi32, #tpu.memory_space<vmem>>) semaphore(%arg8 : memref<!tpu.dma_semaphore, #tpu.memory_space<semaphore_mem>>)
        } else {
        }
        %mul3A_87 = arith.constant 4 : i32
        %mul3A_88 = arith.muli %add3A_70, %mul3A_87 : i32
        %add3A_89 = arith.constant 0 : i32
        %add3A_90 = arith.addi %mul3A_88, %add3A_89 : i32
        %dma_wait3A_91 = arith.constant 0 : i32
        %dma_wait3A_92 = arith.constant 0 : i32
        %dma_wait3A_93 = arith.constant 0 : i32
        %dma_wait3A_94 = tpu.memref_slice %arg7[%dma_wait3A_91, %dma_wait3A_92, %dma_wait3A_93] : memref<4x256x32xf32, #tpu.memory_space<vmem>> -> memref<1x256x32xf32, #tpu.memory_space<vmem>>
        %dma_wait3A_95 = tpu.memref_squeeze %dma_wait3A_94 : memref<1x256x32xf32, #tpu.memory_space<vmem>> -> memref<256x32xf32, #tpu.memory_space<vmem>>
        %dma_wait3A_96 = arith.constant 0 : i32
        %dma_wait3A_97 = tpu.memref_slice %arg5[%add3A_90, %dma_wait3A_96] : memref<100x256xi32, #tpu.memory_space<vmem>> -> memref<1x256xi32, #tpu.memory_space<vmem>>
        %dma_wait3A_98 = tpu.memref_squeeze %dma_wait3A_97 : memref<1x256xi32, #tpu.memory_space<vmem>> -> memref<256xi32, #tpu.memory_space<vmem>>
        %dma_wait3A_99 = arith.constant 0 : i32
        %dma_wait3A_100 = arith.constant 0 : i32
        %dma_wait3A_101 = tpu.memref_slice %arg2[%dma_wait3A_99, %dma_wait3A_100] : memref<50176x32xf32, #tpu.memory_space<hbm>> -> memref<50176x32xf32, #tpu.memory_space<hbm>>
        tpu.wait_indirect_dma semaphore(%arg9 : memref<!tpu.dma_semaphore, #tpu.memory_space<semaphore_mem>>) src(%dma_wait3A_101 : memref<50176x32xf32, #tpu.memory_space<hbm>>) dst(%dma_wait3A_95 : memref<256x32xf32, #tpu.memory_space<vmem>>)
        %mul3A_102 = arith.constant 4 : i32
        %mul3A_103 = arith.muli %add3A_70, %mul3A_102 : i32
        %add3A_104 = arith.constant 1 : i32
        %add3A_105 = arith.addi %mul3A_103, %add3A_104 : i32
        %dma_wait3A_106 = arith.constant 1 : i32
        %dma_wait3A_107 = arith.constant 0 : i32
        %dma_wait3A_108 = arith.constant 0 : i32
        %dma_wait3A_109 = tpu.memref_slice %arg7[%dma_wait3A_106, %dma_wait3A_107, %dma_wait3A_108] : memref<4x256x32xf32, #tpu.memory_space<vmem>> -> memref<1x256x32xf32, #tpu.memory_space<vmem>>
        %dma_wait3A_110 = tpu.memref_squeeze %dma_wait3A_109 : memref<1x256x32xf32, #tpu.memory_space<vmem>> -> memref<256x32xf32, #tpu.memory_space<vmem>>
        %dma_wait3A_111 = arith.constant 0 : i32
        %dma_wait3A_112 = tpu.memref_slice %arg5[%add3A_105, %dma_wait3A_111] : memref<100x256xi32, #tpu.memory_space<vmem>> -> memref<1x256xi32, #tpu.memory_space<vmem>>
        %dma_wait3A_113 = tpu.memref_squeeze %dma_wait3A_112 : memref<1x256xi32, #tpu.memory_space<vmem>> -> memref<256xi32, #tpu.memory_space<vmem>>
        %dma_wait3A_114 = arith.constant 0 : i32
        %dma_wait3A_115 = arith.constant 0 : i32
        %dma_wait3A_116 = tpu.memref_slice %arg2[%dma_wait3A_114, %dma_wait3A_115] : memref<50176x32xf32, #tpu.memory_space<hbm>> -> memref<50176x32xf32, #tpu.memory_space<hbm>>
        tpu.wait_indirect_dma semaphore(%arg9 : memref<!tpu.dma_semaphore, #tpu.memory_space<semaphore_mem>>) src(%dma_wait3A_116 : memref<50176x32xf32, #tpu.memory_space<hbm>>) dst(%dma_wait3A_110 : memref<256x32xf32, #tpu.memory_space<vmem>>)
        %mul3A_117 = arith.constant 4 : i32
        %mul3A_118 = arith.muli %add3A_70, %mul3A_117 : i32
        %add3A_119 = arith.constant 2 : i32
        %add3A_120 = arith.addi %mul3A_118, %add3A_119 : i32
        %dma_wait3A_121 = arith.constant 2 : i32
        %dma_wait3A_122 = arith.constant 0 : i32
        %dma_wait3A_123 = arith.constant 0 : i32
        %dma_wait3A_124 = tpu.memref_slice %arg7[%dma_wait3A_121, %dma_wait3A_122, %dma_wait3A_123] : memref<4x256x32xf32, #tpu.memory_space<vmem>> -> memref<1x256x32xf32, #tpu.memory_space<vmem>>
        %dma_wait3A_125 = tpu.memref_squeeze %dma_wait3A_124 : memref<1x256x32xf32, #tpu.memory_space<vmem>> -> memref<256x32xf32, #tpu.memory_space<vmem>>
        %dma_wait3A_126 = arith.constant 0 : i32
        %dma_wait3A_127 = tpu.memref_slice %arg5[%add3A_120, %dma_wait3A_126] : memref<100x256xi32, #tpu.memory_space<vmem>> -> memref<1x256xi32, #tpu.memory_space<vmem>>
        %dma_wait3A_128 = tpu.memref_squeeze %dma_wait3A_127 : memref<1x256xi32, #tpu.memory_space<vmem>> -> memref<256xi32, #tpu.memory_space<vmem>>
        %dma_wait3A_129 = arith.constant 0 : i32
        %dma_wait3A_130 = arith.constant 0 : i32
        %dma_wait3A_131 = tpu.memref_slice %arg2[%dma_wait3A_129, %dma_wait3A_130] : memref<50176x32xf32, #tpu.memory_space<hbm>> -> memref<50176x32xf32, #tpu.memory_space<hbm>>
        tpu.wait_indirect_dma semaphore(%arg9 : memref<!tpu.dma_semaphore, #tpu.memory_space<semaphore_mem>>) src(%dma_wait3A_131 : memref<50176x32xf32, #tpu.memory_space<hbm>>) dst(%dma_wait3A_125 : memref<256x32xf32, #tpu.memory_space<vmem>>)
        %mul3A_132 = arith.constant 4 : i32
        %mul3A_133 = arith.muli %add3A_70, %mul3A_132 : i32
        %add3A_134 = arith.constant 3 : i32
        %add3A_135 = arith.addi %mul3A_133, %add3A_134 : i32
        %dma_wait3A_136 = arith.constant 3 : i32
        %dma_wait3A_137 = arith.constant 0 : i32
        %dma_wait3A_138 = arith.constant 0 : i32
        %dma_wait3A_139 = tpu.memref_slice %arg7[%dma_wait3A_136, %dma_wait3A_137, %dma_wait3A_138] : memref<4x256x32xf32, #tpu.memory_space<vmem>> -> memref<1x256x32xf32, #tpu.memory_space<vmem>>
        %dma_wait3A_140 = tpu.memref_squeeze %dma_wait3A_139 : memref<1x256x32xf32, #tpu.memory_space<vmem>> -> memref<256x32xf32, #tpu.memory_space<vmem>>
        %dma_wait3A_141 = arith.constant 0 : i32
        %dma_wait3A_142 = tpu.memref_slice %arg5[%add3A_135, %dma_wait3A_141] : memref<100x256xi32, #tpu.memory_space<vmem>> -> memref<1x256xi32, #tpu.memory_space<vmem>>
        %dma_wait3A_143 = tpu.memref_squeeze %dma_wait3A_142 : memref<1x256xi32, #tpu.memory_space<vmem>> -> memref<256xi32, #tpu.memory_space<vmem>>
        %dma_wait3A_144 = arith.constant 0 : i32
        %dma_wait3A_145 = arith.constant 0 : i32
        %dma_wait3A_146 = tpu.memref_slice %arg2[%dma_wait3A_144, %dma_wait3A_145] : memref<50176x32xf32, #tpu.memory_space<hbm>> -> memref<50176x32xf32, #tpu.memory_space<hbm>>
        tpu.wait_indirect_dma semaphore(%arg9 : memref<!tpu.dma_semaphore, #tpu.memory_space<semaphore_mem>>) src(%dma_wait3A_146 : memref<50176x32xf32, #tpu.memory_space<hbm>>) dst(%dma_wait3A_140 : memref<256x32xf32, #tpu.memory_space<vmem>>)
        %mul3A_147 = arith.constant 4 : i32
        %mul3A_148 = arith.muli %add3A_70, %mul3A_147 : i32
        %add3A_149 = arith.addi %mul3A_2, %mul3A_148 : i32
        %dma_start3A_150 = arith.constant 0 : i32
        %dma_start3A_151 = arith.constant 0 : i32
        %dma_start3A_152 = tpu.memref_slice %arg4[%add3A_149, %dma_start3A_150, %dma_start3A_151] : memref<3200x256x32xf32, #tpu.memory_space<hbm>> -> memref<4x256x32xf32, #tpu.memory_space<hbm>>
        %dma_start3A_153 = arith.constant 0 : i32
        %dma_start3A_154 = arith.constant 0 : i32
        %dma_start3A_155 = tpu.memref_slice %arg4[%add3A_149, %dma_start3A_153, %dma_start3A_154] : memref<3200x256x32xf32, #tpu.memory_space<hbm>> -> memref<4x256x32xf32, #tpu.memory_space<hbm>>
        tpu.enqueue_dma source(%arg7 : memref<4x256x32xf32, #tpu.memory_space<vmem>>) target(%dma_start3A_155 : memref<4x256x32xf32, #tpu.memory_space<hbm>>) target_semaphore(%arg10 : memref<!tpu.dma_semaphore, #tpu.memory_space<semaphore_mem>>)
      } else {
      }
    }
    %scan3A_54 = arith.constant 13 : i32
    %add3A_55 = arith.constant 96 : i32
    %add3A_56 = arith.addi %mul3A_2, %add3A_55 : i32
    %dma_wait3A = arith.constant 0 : i32
    %dma_wait3A_57 = arith.constant 0 : i32
    %dma_wait3A_58 = tpu.memref_slice %arg4[%add3A_56, %dma_wait3A, %dma_wait3A_57] : memref<3200x256x32xf32, #tpu.memory_space<hbm>> -> memref<4x256x32xf32, #tpu.memory_space<hbm>>
    %dma_wait3A_59 = arith.constant 0 : i32
    %dma_wait3A_60 = arith.constant 0 : i32
    %dma_wait3A_61 = tpu.memref_slice %arg4[%add3A_56, %dma_wait3A_59, %dma_wait3A_60] : memref<3200x256x32xf32, #tpu.memory_space<hbm>> -> memref<4x256x32xf32, #tpu.memory_space<hbm>>
    tpu.wait_dma2 semaphore(%arg10 : memref<!tpu.dma_semaphore, #tpu.memory_space<semaphore_mem>>) src(%arg6 : memref<4x256x32xf32, #tpu.memory_space<vmem>>) dst(%dma_wait3A_61 : memref<4x256x32xf32, #tpu.memory_space<hbm>>)
    return
  }
}

module attributes {stable_mosaic.version = 14 : i64} {
  func.func @_node0_body(%arg0: i32, %arg1: memref<512x1xi32, #tpu.memory_space<vmem>>, %arg2: memref<16x64xf32, #tpu.memory_space<vmem>>, %arg3: memref<64x32xf32, #tpu.memory_space<vmem>>, %arg4: memref<1x32xf32, #tpu.memory_space<vmem>>, %arg5: memref<512x64xf32, #tpu.memory_space<vmem>>, %arg6: memref<512x32xf32, #tpu.memory_space<vmem>>) attributes {dimension_semantics = [#tpu.dimension_semantics<arbitrary>], iteration_bounds = array<i64: 98>, scalar_prefetch = 0 : i64, scratch_operands = 0 : i64, tpu.core_type = #tpu.core_type<tc>, window_params = [{transform_indices = @transform_0, window_bounds = array<i64: 512, 1>}, {pipeline_mode = #tpu.pipeline_mode<synchronous>, transform_indices = @transform_1, window_bounds = array<i64: 16, 64>}, {pipeline_mode = #tpu.pipeline_mode<synchronous>, transform_indices = @transform_2, window_bounds = array<i64: 64, 32>}, {pipeline_mode = #tpu.pipeline_mode<synchronous>, transform_indices = @transform_3, window_bounds = array<i64: 1, 32>}, {transform_indices = @transform_4, window_bounds = array<i64: 512, 64>}, {transform_indices = @transform_5, window_bounds = array<i64: 512, 32>}]} {
    %iota3A = tpu.iota {dimensions = array<i32: 1>} : vector<512x16xi32>
    %get3A = arith.constant 0 : index
    %get3A_0 = arith.constant 0 : index
    %get3A_1 = vector.load %arg1[%get3A, %get3A_0] : memref<512x1xi32, #tpu.memory_space<vmem>>, vector<512x1xi32>
    %eq3A = vector.broadcast %get3A_1 : vector<512x1xi32> to vector<512x16xi32>
    %eq3A_2 = arith.cmpi eq, %eq3A, %iota3A : vector<512x16xi32>
    %convert_element_type3A = arith.extui %eq3A_2 : vector<512x16xi1> to vector<512x16xi32>
    %convert_element_type3A_3 = arith.sitofp %convert_element_type3A : vector<512x16xi32> to vector<512x16xf32>
    %get3A_4 = arith.constant 0 : index
    %get3A_5 = arith.constant 0 : index
    %get3A_6 = vector.load %arg2[%get3A_4, %get3A_5] : memref<16x64xf32, #tpu.memory_space<vmem>>, vector<16x64xf32>
    %dot_general3A = arith.constant dense<0.000000e+00> : vector<512x64xf32>
    %dot_general3A_7 = tpu.matmul %convert_element_type3A_3, %get3A_6, %dot_general3A {dimension_numbers = #tpu.dot_dimension_numbers<[1], [0], [0], [1], [0, 0, 1, 1], [], []>, transpose_lhs_hint = false} : vector<512x16xf32>, vector<16x64xf32>, vector<512x64xf32> -> vector<512x64xf32>
    %get3A_8 = arith.constant 0 : index
    %get3A_9 = arith.constant 0 : index
    %get3A_10 = vector.load %arg3[%get3A_8, %get3A_9] : memref<64x32xf32, #tpu.memory_space<vmem>>, vector<64x32xf32>
    %dot_general3A_11 = arith.constant dense<0.000000e+00> : vector<512x32xf32>
    %dot_general3A_12 = tpu.matmul %dot_general3A_7, %get3A_10, %dot_general3A_11 {dimension_numbers = #tpu.dot_dimension_numbers<[1], [0], [0], [1], [0, 0, 1, 1], [], []>, transpose_lhs_hint = false} : vector<512x64xf32>, vector<64x32xf32>, vector<512x32xf32> -> vector<512x32xf32>
    %get3A_13 = arith.constant 0 : index
    %get3A_14 = arith.constant 0 : index
    %get3A_15 = vector.load %arg4[%get3A_13, %get3A_14] : memref<1x32xf32, #tpu.memory_space<vmem>>, vector<1x32xf32>
    %add3A = vector.broadcast %get3A_15 : vector<1x32xf32> to vector<512x32xf32>
    %add3A_16 = arith.addf %dot_general3A_12, %add3A : vector<512x32xf32>
    %neg3A = arith.constant 0.000000e+00 : f32
    %neg3A_17 = vector.broadcast %neg3A : f32 to vector<512x32xf32>
    %neg3A_18 = arith.subf %neg3A_17, %add3A_16 : vector<512x32xf32>
    %exp3A = math.exp %neg3A_18 : vector<512x32xf32>
    %add3A_19 = arith.constant 1.000000e+00 : f32
    %add3A_20 = vector.broadcast %add3A_19 : f32 to vector<512x32xf32>
    %add3A_21 = arith.addf %add3A_20, %exp3A : vector<512x32xf32>
    %div3A = arith.divf %add3A_16, %add3A_21 : vector<512x32xf32>
    %swap3A = arith.constant 0 : index
    %swap3A_22 = arith.constant 0 : index
    %swap3A_23 = vector.load %arg5[%swap3A, %swap3A_22] : memref<512x64xf32, #tpu.memory_space<vmem>>, vector<512x64xf32>
    tpu.vector_store %arg5[%swap3A, %swap3A_22], %dot_general3A_7 {strides = array<i32>} : memref<512x64xf32, #tpu.memory_space<vmem>>, vector<512x64xf32>,
    %swap3A_24 = arith.constant 0 : index
    %swap3A_25 = arith.constant 0 : index
    %swap3A_26 = vector.load %arg6[%swap3A_24, %swap3A_25] : memref<512x32xf32, #tpu.memory_space<vmem>>, vector<512x32xf32>
    tpu.vector_store %arg6[%swap3A_24, %swap3A_25], %div3A {strides = array<i32>} : memref<512x32xf32, #tpu.memory_space<vmem>>, vector<512x32xf32>,
    return
  }
  func.func @transform_0(%arg0: i32) -> (i32, i32) {
    %c0_i32 = arith.constant 0 : i32
    %c0_i32_0 = arith.constant 0 : i32
    return %arg0, %c0_i32 : i32, i32
  }
  func.func @transform_1(%arg0: i32) -> (i32, i32) {
    %c0_i32 = arith.constant 0 : i32
    %c0_i32_0 = arith.constant 0 : i32
    %c0_i32_1 = arith.constant 0 : i32
    return %c0_i32, %c0_i32_0 : i32, i32
  }
  func.func @transform_2(%arg0: i32) -> (i32, i32) {
    %c0_i32 = arith.constant 0 : i32
    %c0_i32_0 = arith.constant 0 : i32
    %c0_i32_1 = arith.constant 0 : i32
    return %c0_i32, %c0_i32_0 : i32, i32
  }
  func.func @transform_3(%arg0: i32) -> (i32, i32) {
    %c0_i32 = arith.constant 0 : i32
    %c0_i32_0 = arith.constant 0 : i32
    %c0_i32_1 = arith.constant 0 : i32
    return %c0_i32, %c0_i32_0 : i32, i32
  }
  func.func @transform_4(%arg0: i32) -> (i32, i32) {
    %c0_i32 = arith.constant 0 : i32
    %c0_i32_0 = arith.constant 0 : i32
    return %arg0, %c0_i32 : i32, i32
  }
  func.func @transform_5(%arg0: i32) -> (i32, i32) {
    %c0_i32 = arith.constant 0 : i32
    %c0_i32_0 = arith.constant 0 : i32
    return %arg0, %c0_i32 : i32, i32
  }
}

module attributes {stable_mosaic.version = 14 : i64} {
  func.func @_msg_body(%arg0: i32, %arg1: memref<2048x32xf32, #tpu.memory_space<vmem>>, %arg2: memref<2048x1xf32, #tpu.memory_space<vmem>>, %arg3: memref<256x64xf32, #tpu.memory_space<vmem>>, %arg4: memref<2048x32xf32, #tpu.memory_space<vmem>>, %arg5: memref<2048x32xf32, #tpu.memory_space<vmem>>) attributes {dimension_semantics = [#tpu.dimension_semantics<arbitrary>], iteration_bounds = array<i64: 400>, scalar_prefetch = 0 : i64, scratch_operands = 0 : i64, tpu.core_type = #tpu.core_type<tc>, window_params = [{transform_indices = @transform_0, window_bounds = array<i64: 2048, 32>}, {transform_indices = @transform_1, window_bounds = array<i64: 2048, 1>}, {pipeline_mode = #tpu.pipeline_mode<synchronous>, transform_indices = @transform_2, window_bounds = array<i64: 256, 64>}, {transform_indices = @transform_3, window_bounds = array<i64: 2048, 32>}, {transform_indices = @transform_4, window_bounds = array<i64: 2048, 32>}]} {
    %get3A = arith.constant 0 : index
    %get3A_0 = arith.constant 0 : index
    %get3A_1 = vector.load %arg1[%get3A, %get3A_0] : memref<2048x32xf32, #tpu.memory_space<vmem>>, vector<2048x32xf32>
    %get3A_2 = arith.constant 0 : index
    %get3A_3 = arith.constant 0 : index
    %get3A_4 = vector.load %arg2[%get3A_2, %get3A_3] : memref<2048x1xf32, #tpu.memory_space<vmem>>, vector<2048x1xf32>
    %broadcast_in_dim3A = arith.constant 1.000000e+00 : f32
    %broadcast_in_dim3A_5 = vector.broadcast %broadcast_in_dim3A : f32 to vector<1x256xf32>
    %dot_general3A = arith.constant dense<0.000000e+00> : vector<2048x256xf32>
    %dot_general3A_6 = tpu.matmul %get3A_4, %broadcast_in_dim3A_5, %dot_general3A {dimension_numbers = #tpu.dot_dimension_numbers<[1], [0], [0], [1], [0, 0, 1, 1], [], []>, transpose_lhs_hint = false} : vector<2048x1xf32>, vector<1x256xf32>, vector<2048x256xf32> -> vector<2048x256xf32>
    %iota3A = tpu.iota {dimensions = array<i32: 1>} : vector<32x256xi32>
    %iota3A_7 = tpu.iota {dimensions = array<i32: 0>} : vector<32x256xi32>
    %jit3A = arith.constant 32 : i32
    %eq3A = arith.constant 0 : i32
    %eq3A_8 = arith.cmpi eq, %jit3A, %eq3A : i32
    %jit3A_9 = arith.constant 1 : i32
    %select_n3A = arith.select %eq3A_8, %jit3A_9, %jit3A : i32
    %rem3A = vector.broadcast %select_n3A : i32 to vector<32x256xi32>
    %rem3A_10 = arith.remsi %iota3A, %rem3A : vector<32x256xi32>
    %ne3A = arith.constant 0 : i32
    %ne3A_11 = vector.broadcast %ne3A : i32 to vector<32x256xi32>
    %ne3A_12 = arith.cmpi ne, %rem3A_10, %ne3A_11 : vector<32x256xi32>
    %lt3A = arith.constant 0 : i32
    %lt3A_13 = vector.broadcast %lt3A : i32 to vector<32x256xi32>
    %lt3A_14 = arith.cmpi slt, %rem3A_10, %lt3A_13 : vector<32x256xi32>
    %lt3A_15 = arith.constant 0 : i32
    %lt3A_16 = arith.cmpi slt, %select_n3A, %lt3A_15 : i32
    %ne3A_17 = vector.broadcast %lt3A_16 : i1 to vector<32x256xi1>
    %ne3A_18 = vector.broadcast %ne3A_17 : vector<32x256xi1> to vector<32x256xi1>
    %ne3A_19 = arith.xori %lt3A_14, %ne3A_18 : vector<32x256xi1>
    %and3A = arith.andi %ne3A_19, %ne3A_12 : vector<32x256xi1>
    %add3A = vector.broadcast %select_n3A : i32 to vector<32x256xi32>
    %add3A_20 = arith.addi %rem3A_10, %add3A : vector<32x256xi32>
    %select_n3A_21 = arith.select %and3A, %add3A_20, %rem3A_10 : vector<32x256xi1>, vector<32x256xi32>
    %eq3A_22 = arith.cmpi eq, %select_n3A_21, %iota3A_7 : vector<32x256xi32>
    %convert_element_type3A = arith.extui %eq3A_22 : vector<32x256xi1> to vector<32x256xi32>
    %convert_element_type3A_23 = arith.sitofp %convert_element_type3A : vector<32x256xi32> to vector<32x256xf32>
    %dot_general3A_24 = arith.constant dense<0.000000e+00> : vector<2048x256xf32>
    %dot_general3A_25 = tpu.matmul %get3A_1, %convert_element_type3A_23, %dot_general3A_24 {dimension_numbers = #tpu.dot_dimension_numbers<[1], [0], [0], [1], [0, 0, 1, 1], [], []>, transpose_lhs_hint = false} : vector<2048x32xf32>, vector<32x256xf32>, vector<2048x256xf32> -> vector<2048x256xf32>
    %iota3A_26 = tpu.iota {dimensions = array<i32: 1>} : vector<1x256xi32>
    %jit3A_27 = arith.constant 32 : i32
    %div3A = vector.broadcast %jit3A_27 : i32 to vector<1x256xi32>
    %div3A_28 = arith.divsi %iota3A_26, %div3A : vector<1x256xi32>
    %sign3A = arith.constant 0 : i32
    %sign3A_29 = vector.broadcast %sign3A : i32 to vector<1x256xi32>
    %sign3A_30 = arith.cmpi sgt, %iota3A_26, %sign3A_29 : vector<1x256xi32>
    %sign3A_31 = arith.extui %sign3A_30 : vector<1x256xi1> to vector<1x256xi32>
    %sign3A_32 = arith.constant 0 : i32
    %sign3A_33 = vector.broadcast %sign3A_32 : i32 to vector<1x256xi32>
    %sign3A_34 = arith.cmpi slt, %iota3A_26, %sign3A_33 : vector<1x256xi32>
    %sign3A_35 = arith.extui %sign3A_34 : vector<1x256xi1> to vector<1x256xi32>
    %sign3A_36 = arith.subi %sign3A_31, %sign3A_35 : vector<1x256xi32>
    %sign3A_37 = arith.constant 0 : i32
    %sign3A_38 = arith.cmpi sgt, %jit3A_27, %sign3A_37 : i32
    %sign3A_39 = arith.extui %sign3A_38 : i1 to i32
    %sign3A_40 = arith.constant 0 : i32
    %sign3A_41 = arith.cmpi slt, %jit3A_27, %sign3A_40 : i32
    %sign3A_42 = arith.extui %sign3A_41 : i1 to i32
    %sign3A_43 = arith.subi %sign3A_39, %sign3A_42 : i32
    %ne3A_44 = vector.broadcast %sign3A_43 : i32 to vector<1x256xi32>
    %ne3A_45 = arith.cmpi ne, %sign3A_36, %ne3A_44 : vector<1x256xi32>
    %rem3A_46 = vector.broadcast %jit3A_27 : i32 to vector<1x256xi32>
    %rem3A_47 = arith.remsi %iota3A_26, %rem3A_46 : vector<1x256xi32>
    %ne3A_48 = arith.constant 0 : i32
    %ne3A_49 = vector.broadcast %ne3A_48 : i32 to vector<1x256xi32>
    %ne3A_50 = arith.cmpi ne, %rem3A_47, %ne3A_49 : vector<1x256xi32>
    %and3A_51 = arith.andi %ne3A_45, %ne3A_50 : vector<1x256xi1>
    %sub3A = arith.constant 1 : i32
    %sub3A_52 = vector.broadcast %sub3A : i32 to vector<1x256xi32>
    %sub3A_53 = arith.subi %div3A_28, %sub3A_52 : vector<1x256xi32>
    %select_n3A_54 = arith.select %and3A_51, %sub3A_53, %div3A_28 : vector<1x256xi1>, vector<1x256xi32>
    %convert_element_type3A_55 = arith.sitofp %select_n3A_54 : vector<1x256xi32> to vector<1x256xf32>
    %mul3A = arith.constant 0.142857149 : f32
    %mul3A_56 = vector.broadcast %mul3A : f32 to vector<1x256xf32>
    %mul3A_57 = arith.mulf %convert_element_type3A_55, %mul3A_56 : vector<1x256xf32>
    %sub3A_58 = vector.broadcast %mul3A_57 : vector<1x256xf32> to vector<2048x256xf32>
    %sub3A_59 = arith.subf %dot_general3A_6, %sub3A_58 : vector<2048x256xf32>
    %mul3A_60 = arith.constant -1.600000e+01 : f32
    %mul3A_61 = vector.broadcast %mul3A_60 : f32 to vector<2048x256xf32>
    %mul3A_62 = arith.mulf %mul3A_61, %sub3A_59 : vector<2048x256xf32>
    %mul3A_63 = arith.mulf %mul3A_62, %sub3A_59 : vector<2048x256xf32>
    %exp3A = math.exp %mul3A_63 : vector<2048x256xf32>
    %mul3A_64 = arith.mulf %exp3A, %dot_general3A_25 : vector<2048x256xf32>
    %get3A_65 = arith.constant 0 : index
    %get3A_66 = arith.constant 0 : index
    %get3A_67 = vector.load %arg3[%get3A_65, %get3A_66] : memref<256x64xf32, #tpu.memory_space<vmem>>, vector<256x64xf32>
    %dot_general3A_68 = arith.constant dense<0.000000e+00> : vector<2048x64xf32>
    %dot_general3A_69 = tpu.matmul %mul3A_64, %get3A_67, %dot_general3A_68 {dimension_numbers = #tpu.dot_dimension_numbers<[1], [0], [0], [1], [0, 0, 1, 1], [], []>, transpose_lhs_hint = false} : vector<2048x256xf32>, vector<256x64xf32>, vector<2048x64xf32> -> vector<2048x64xf32>
    %slice3A = vector.extract_strided_slice %dot_general3A_69 {offsets = [0, 0], sizes = [2048, 32], strides = [1, 1]} : vector<2048x64xf32> to vector<2048x32xf32>
    %swap3A = arith.constant 0 : index
    %swap3A_70 = arith.constant 0 : index
    %swap3A_71 = vector.load %arg4[%swap3A, %swap3A_70] : memref<2048x32xf32, #tpu.memory_space<vmem>>, vector<2048x32xf32>
    tpu.vector_store %arg4[%swap3A, %swap3A_70], %slice3A {strides = array<i32>} : memref<2048x32xf32, #tpu.memory_space<vmem>>, vector<2048x32xf32>,
    %slice3A_72 = vector.extract_strided_slice %dot_general3A_69 {offsets = [0, 32], sizes = [2048, 32], strides = [1, 1]} : vector<2048x64xf32> to vector<2048x32xf32>
    %swap3A_73 = arith.constant 0 : index
    %swap3A_74 = arith.constant 0 : index
    %swap3A_75 = vector.load %arg5[%swap3A_73, %swap3A_74] : memref<2048x32xf32, #tpu.memory_space<vmem>>, vector<2048x32xf32>
    tpu.vector_store %arg5[%swap3A_73, %swap3A_74], %slice3A_72 {strides = array<i32>} : memref<2048x32xf32, #tpu.memory_space<vmem>>, vector<2048x32xf32>,
    return
  }
  func.func @transform_0(%arg0: i32) -> (i32, i32) {
    %c0_i32 = arith.constant 0 : i32
    %c0_i32_0 = arith.constant 0 : i32
    return %arg0, %c0_i32 : i32, i32
  }
  func.func @transform_1(%arg0: i32) -> (i32, i32) {
    %c0_i32 = arith.constant 0 : i32
    %c0_i32_0 = arith.constant 0 : i32
    return %arg0, %c0_i32 : i32, i32
  }
  func.func @transform_2(%arg0: i32) -> (i32, i32) {
    %c0_i32 = arith.constant 0 : i32
    %c0_i32_0 = arith.constant 0 : i32
    %c0_i32_1 = arith.constant 0 : i32
    return %c0_i32, %c0_i32_0 : i32, i32
  }
  func.func @transform_3(%arg0: i32) -> (i32, i32) {
    %c0_i32 = arith.constant 0 : i32
    %c0_i32_0 = arith.constant 0 : i32
    return %arg0, %c0_i32 : i32, i32
  }
  func.func @transform_4(%arg0: i32) -> (i32, i32) {
    %c0_i32 = arith.constant 0 : i32
    %c0_i32_0 = arith.constant 0 : i32
    return %arg0, %c0_i32 : i32, i32
  }
}

module attributes {stable_mosaic.version = 14 : i64} {
  func.func @body(%arg0: i32, %arg1: memref<512x64xf32, #tpu.memory_space<vmem>>, %arg2: memref<1x512x32xf32, #tpu.memory_space<vmem>>, %arg3: memref<1x512x32xf32, #tpu.memory_space<vmem>>, %arg4: memref<64x64xf32, #tpu.memory_space<vmem>>, %arg5: memref<1x64xf32, #tpu.memory_space<vmem>>, %arg6: memref<64x32xf32, #tpu.memory_space<vmem>>, %arg7: memref<1x32xf32, #tpu.memory_space<vmem>>, %arg8: memref<512x64xf32, #tpu.memory_space<vmem>>, %arg9: memref<512x32xf32, #tpu.memory_space<vmem>>) attributes {dimension_semantics = [#tpu.dimension_semantics<arbitrary>], iteration_bounds = array<i64: 98>, scalar_prefetch = 0 : i64, scratch_operands = 0 : i64, tpu.core_type = #tpu.core_type<tc>, window_params = [{transform_indices = @transform_0, window_bounds = array<i64: 512, 64>}, {transform_indices = @transform_1, window_bounds = array<i64: 1, 512, 32>}, {transform_indices = @transform_2, window_bounds = array<i64: 1, 512, 32>}, {pipeline_mode = #tpu.pipeline_mode<synchronous>, transform_indices = @transform_3, window_bounds = array<i64: 64, 64>}, {pipeline_mode = #tpu.pipeline_mode<synchronous>, transform_indices = @transform_4, window_bounds = array<i64: 1, 64>}, {pipeline_mode = #tpu.pipeline_mode<synchronous>, transform_indices = @transform_5, window_bounds = array<i64: 64, 32>}, {pipeline_mode = #tpu.pipeline_mode<synchronous>, transform_indices = @transform_6, window_bounds = array<i64: 1, 32>}, {transform_indices = @transform_7, window_bounds = array<i64: 512, 64>}, {transform_indices = @transform_8, window_bounds = array<i64: 512, 32>}]} {
    %get3A = arith.constant 0 : index
    %get3A_0 = arith.constant 0 : index
    %get3A_1 = vector.load %arg1[%get3A, %get3A_0] : memref<512x64xf32, #tpu.memory_space<vmem>>, vector<512x64xf32>
    %get3A_2 = arith.constant 0 : index
    %get3A_3 = arith.constant 0 : index
    %get3A_4 = vector.load %arg4[%get3A_2, %get3A_3] : memref<64x64xf32, #tpu.memory_space<vmem>>, vector<64x64xf32>
    %dot_general3A = arith.constant dense<0.000000e+00> : vector<512x64xf32>
    %dot_general3A_5 = tpu.matmul %get3A_1, %get3A_4, %dot_general3A {dimension_numbers = #tpu.dot_dimension_numbers<[1], [0], [0], [1], [0, 0, 1, 1], [], []>, transpose_lhs_hint = false} : vector<512x64xf32>, vector<64x64xf32>, vector<512x64xf32> -> vector<512x64xf32>
    %get3A_6 = arith.constant 0 : index
    %get3A_7 = arith.constant 0 : index
    %get3A_8 = vector.load %arg5[%get3A_6, %get3A_7] : memref<1x64xf32, #tpu.memory_space<vmem>>, vector<1x64xf32>
    %add3A = vector.broadcast %get3A_8 : vector<1x64xf32> to vector<512x64xf32>
    %add3A_9 = arith.addf %dot_general3A_5, %add3A : vector<512x64xf32>
    %get3A_10 = arith.constant 0 : index
    %get3A_11 = arith.constant 0 : index
    %get3A_12 = arith.constant 0 : index
    %get3A_13 = vector.load %arg2[%get3A_10, %get3A_11, %get3A_12] : memref<1x512x32xf32, #tpu.memory_space<vmem>>, vector<1x512x32xf32>
    %get3A_14 = vector.shape_cast %get3A_13 : vector<1x512x32xf32> to vector<512x32xf32>
    %get3A_15 = arith.constant 0 : index
    %get3A_16 = arith.constant 0 : index
    %get3A_17 = arith.constant 0 : index
    %get3A_18 = vector.load %arg3[%get3A_15, %get3A_16, %get3A_17] : memref<1x512x32xf32, #tpu.memory_space<vmem>>, vector<1x512x32xf32>
    %get3A_19 = vector.shape_cast %get3A_18 : vector<1x512x32xf32> to vector<512x32xf32>
    %concatenate3A = tpu.concatenate %get3A_14, %get3A_19 in 1 : vector<512x32xf32>, vector<512x32xf32> -> vector<512x64xf32>
    %add3A_20 = arith.addf %add3A_9, %concatenate3A : vector<512x64xf32>
    %neg3A = arith.constant 0.000000e+00 : f32
    %neg3A_21 = vector.broadcast %neg3A : f32 to vector<512x64xf32>
    %neg3A_22 = arith.subf %neg3A_21, %add3A_20 : vector<512x64xf32>
    %exp3A = math.exp %neg3A_22 : vector<512x64xf32>
    %add3A_23 = arith.constant 1.000000e+00 : f32
    %add3A_24 = vector.broadcast %add3A_23 : f32 to vector<512x64xf32>
    %add3A_25 = arith.addf %add3A_24, %exp3A : vector<512x64xf32>
    %div3A = arith.divf %add3A_20, %add3A_25 : vector<512x64xf32>
    %mul3A = arith.mulf %div3A, %div3A : vector<512x64xf32>
    %log1p3A = math.log1p %mul3A : vector<512x64xf32>
    %mul3A_26 = arith.constant -0.333333343 : f32
    %mul3A_27 = vector.broadcast %mul3A_26 : f32 to vector<512x64xf32>
    %mul3A_28 = arith.mulf %log1p3A, %mul3A_27 : vector<512x64xf32>
    %exp3A_29 = math.exp %mul3A_28 : vector<512x64xf32>
    %mul3A_30 = arith.mulf %div3A, %exp3A_29 : vector<512x64xf32>
    %add3A_31 = arith.addf %get3A_1, %mul3A_30 : vector<512x64xf32>
    %swap3A = arith.constant 0 : index
    %swap3A_32 = arith.constant 0 : index
    %swap3A_33 = vector.load %arg8[%swap3A, %swap3A_32] : memref<512x64xf32, #tpu.memory_space<vmem>>, vector<512x64xf32>
    tpu.vector_store %arg8[%swap3A, %swap3A_32], %add3A_31 {strides = array<i32>} : memref<512x64xf32, #tpu.memory_space<vmem>>, vector<512x64xf32>,
    %get3A_34 = arith.constant 0 : index
    %get3A_35 = arith.constant 0 : index
    %get3A_36 = vector.load %arg6[%get3A_34, %get3A_35] : memref<64x32xf32, #tpu.memory_space<vmem>>, vector<64x32xf32>
    %dot_general3A_37 = arith.constant dense<0.000000e+00> : vector<512x32xf32>
    %dot_general3A_38 = tpu.matmul %add3A_31, %get3A_36, %dot_general3A_37 {dimension_numbers = #tpu.dot_dimension_numbers<[1], [0], [0], [1], [0, 0, 1, 1], [], []>, transpose_lhs_hint = false} : vector<512x64xf32>, vector<64x32xf32>, vector<512x32xf32> -> vector<512x32xf32>
    %get3A_39 = arith.constant 0 : index
    %get3A_40 = arith.constant 0 : index
    %get3A_41 = vector.load %arg7[%get3A_39, %get3A_40] : memref<1x32xf32, #tpu.memory_space<vmem>>, vector<1x32xf32>
    %add3A_42 = vector.broadcast %get3A_41 : vector<1x32xf32> to vector<512x32xf32>
    %add3A_43 = arith.addf %dot_general3A_38, %add3A_42 : vector<512x32xf32>
    %neg3A_44 = arith.constant 0.000000e+00 : f32
    %neg3A_45 = vector.broadcast %neg3A_44 : f32 to vector<512x32xf32>
    %neg3A_46 = arith.subf %neg3A_45, %add3A_43 : vector<512x32xf32>
    %exp3A_47 = math.exp %neg3A_46 : vector<512x32xf32>
    %add3A_48 = arith.constant 1.000000e+00 : f32
    %add3A_49 = vector.broadcast %add3A_48 : f32 to vector<512x32xf32>
    %add3A_50 = arith.addf %add3A_49, %exp3A_47 : vector<512x32xf32>
    %div3A_51 = arith.divf %add3A_43, %add3A_50 : vector<512x32xf32>
    %swap3A_52 = arith.constant 0 : index
    %swap3A_53 = arith.constant 0 : index
    %swap3A_54 = vector.load %arg9[%swap3A_52, %swap3A_53] : memref<512x32xf32, #tpu.memory_space<vmem>>, vector<512x32xf32>
    tpu.vector_store %arg9[%swap3A_52, %swap3A_53], %div3A_51 {strides = array<i32>} : memref<512x32xf32, #tpu.memory_space<vmem>>, vector<512x32xf32>,
    return
  }
  func.func @transform_0(%arg0: i32) -> (i32, i32) {
    %c0_i32 = arith.constant 0 : i32
    %c0_i32_0 = arith.constant 0 : i32
    return %arg0, %c0_i32 : i32, i32
  }
  func.func @transform_1(%arg0: i32) -> (i32, i32, i32) {
    %c0_i32 = arith.constant 0 : i32
    %c0_i32_0 = arith.constant 0 : i32
    %c0_i32_1 = arith.constant 0 : i32
    return %c0_i32, %arg0, %c0_i32_0 : i32, i32, i32
  }
  func.func @transform_2(%arg0: i32) -> (i32, i32, i32) {
    %c1_i32 = arith.constant 1 : i32
    %c0_i32 = arith.constant 0 : i32
    %c0_i32_0 = arith.constant 0 : i32
    return %c1_i32, %arg0, %c0_i32 : i32, i32, i32
  }
  func.func @transform_3(%arg0: i32) -> (i32, i32) {
    %c0_i32 = arith.constant 0 : i32
    %c0_i32_0 = arith.constant 0 : i32
    %c0_i32_1 = arith.constant 0 : i32
    return %c0_i32, %c0_i32_0 : i32, i32
  }
  func.func @transform_4(%arg0: i32) -> (i32, i32) {
    %c0_i32 = arith.constant 0 : i32
    %c0_i32_0 = arith.constant 0 : i32
    %c0_i32_1 = arith.constant 0 : i32
    return %c0_i32, %c0_i32_0 : i32, i32
  }
  func.func @transform_5(%arg0: i32) -> (i32, i32) {
    %c0_i32 = arith.constant 0 : i32
    %c0_i32_0 = arith.constant 0 : i32
    %c0_i32_1 = arith.constant 0 : i32
    return %c0_i32, %c0_i32_0 : i32, i32
  }
  func.func @transform_6(%arg0: i32) -> (i32, i32) {
    %c0_i32 = arith.constant 0 : i32
    %c0_i32_0 = arith.constant 0 : i32
    %c0_i32_1 = arith.constant 0 : i32
    return %c0_i32, %c0_i32_0 : i32, i32
  }
  func.func @transform_7(%arg0: i32) -> (i32, i32) {
    %c0_i32 = arith.constant 0 : i32
    %c0_i32_0 = arith.constant 0 : i32
    return %arg0, %c0_i32 : i32, i32
  }
  func.func @transform_8(%arg0: i32) -> (i32, i32) {
    %c0_i32 = arith.constant 0 : i32
    %c0_i32_0 = arith.constant 0 : i32
    return %arg0, %c0_i32 : i32, i32
  }
}

module attributes {stable_mosaic.version = 14 : i64} {
  func.func @body(%arg0: i32, %arg1: memref<512x64xf32, #tpu.memory_space<vmem>>, %arg2: memref<1x512x32xf32, #tpu.memory_space<vmem>>, %arg3: memref<1x512x32xf32, #tpu.memory_space<vmem>>, %arg4: memref<64x64xf32, #tpu.memory_space<vmem>>, %arg5: memref<1x64xf32, #tpu.memory_space<vmem>>, %arg6: memref<64x32xf32, #tpu.memory_space<vmem>>, %arg7: memref<1x32xf32, #tpu.memory_space<vmem>>, %arg8: memref<512x64xf32, #tpu.memory_space<vmem>>) attributes {dimension_semantics = [#tpu.dimension_semantics<arbitrary>], iteration_bounds = array<i64: 98>, scalar_prefetch = 0 : i64, scratch_operands = 0 : i64, tpu.core_type = #tpu.core_type<tc>, window_params = [{transform_indices = @transform_0, window_bounds = array<i64: 512, 64>}, {transform_indices = @transform_1, window_bounds = array<i64: 1, 512, 32>}, {transform_indices = @transform_2, window_bounds = array<i64: 1, 512, 32>}, {pipeline_mode = #tpu.pipeline_mode<synchronous>, transform_indices = @transform_3, window_bounds = array<i64: 64, 64>}, {pipeline_mode = #tpu.pipeline_mode<synchronous>, transform_indices = @transform_4, window_bounds = array<i64: 1, 64>}, {pipeline_mode = #tpu.pipeline_mode<synchronous>, transform_indices = @transform_5, window_bounds = array<i64: 64, 32>}, {pipeline_mode = #tpu.pipeline_mode<synchronous>, transform_indices = @transform_6, window_bounds = array<i64: 1, 32>}, {transform_indices = @transform_7, window_bounds = array<i64: 512, 64>}]} {
    %get3A = arith.constant 0 : index
    %get3A_0 = arith.constant 0 : index
    %get3A_1 = vector.load %arg1[%get3A, %get3A_0] : memref<512x64xf32, #tpu.memory_space<vmem>>, vector<512x64xf32>
    %get3A_2 = arith.constant 0 : index
    %get3A_3 = arith.constant 0 : index
    %get3A_4 = vector.load %arg4[%get3A_2, %get3A_3] : memref<64x64xf32, #tpu.memory_space<vmem>>, vector<64x64xf32>
    %dot_general3A = arith.constant dense<0.000000e+00> : vector<512x64xf32>
    %dot_general3A_5 = tpu.matmul %get3A_1, %get3A_4, %dot_general3A {dimension_numbers = #tpu.dot_dimension_numbers<[1], [0], [0], [1], [0, 0, 1, 1], [], []>, transpose_lhs_hint = false} : vector<512x64xf32>, vector<64x64xf32>, vector<512x64xf32> -> vector<512x64xf32>
    %get3A_6 = arith.constant 0 : index
    %get3A_7 = arith.constant 0 : index
    %get3A_8 = vector.load %arg5[%get3A_6, %get3A_7] : memref<1x64xf32, #tpu.memory_space<vmem>>, vector<1x64xf32>
    %add3A = vector.broadcast %get3A_8 : vector<1x64xf32> to vector<512x64xf32>
    %add3A_9 = arith.addf %dot_general3A_5, %add3A : vector<512x64xf32>
    %get3A_10 = arith.constant 0 : index
    %get3A_11 = arith.constant 0 : index
    %get3A_12 = arith.constant 0 : index
    %get3A_13 = vector.load %arg2[%get3A_10, %get3A_11, %get3A_12] : memref<1x512x32xf32, #tpu.memory_space<vmem>>, vector<1x512x32xf32>
    %get3A_14 = vector.shape_cast %get3A_13 : vector<1x512x32xf32> to vector<512x32xf32>
    %get3A_15 = arith.constant 0 : index
    %get3A_16 = arith.constant 0 : index
    %get3A_17 = arith.constant 0 : index
    %get3A_18 = vector.load %arg3[%get3A_15, %get3A_16, %get3A_17] : memref<1x512x32xf32, #tpu.memory_space<vmem>>, vector<1x512x32xf32>
    %get3A_19 = vector.shape_cast %get3A_18 : vector<1x512x32xf32> to vector<512x32xf32>
    %concatenate3A = tpu.concatenate %get3A_14, %get3A_19 in 1 : vector<512x32xf32>, vector<512x32xf32> -> vector<512x64xf32>
    %add3A_20 = arith.addf %add3A_9, %concatenate3A : vector<512x64xf32>
    %neg3A = arith.constant 0.000000e+00 : f32
    %neg3A_21 = vector.broadcast %neg3A : f32 to vector<512x64xf32>
    %neg3A_22 = arith.subf %neg3A_21, %add3A_20 : vector<512x64xf32>
    %exp3A = math.exp %neg3A_22 : vector<512x64xf32>
    %add3A_23 = arith.constant 1.000000e+00 : f32
    %add3A_24 = vector.broadcast %add3A_23 : f32 to vector<512x64xf32>
    %add3A_25 = arith.addf %add3A_24, %exp3A : vector<512x64xf32>
    %div3A = arith.divf %add3A_20, %add3A_25 : vector<512x64xf32>
    %mul3A = arith.mulf %div3A, %div3A : vector<512x64xf32>
    %log1p3A = math.log1p %mul3A : vector<512x64xf32>
    %mul3A_26 = arith.constant -0.333333343 : f32
    %mul3A_27 = vector.broadcast %mul3A_26 : f32 to vector<512x64xf32>
    %mul3A_28 = arith.mulf %log1p3A, %mul3A_27 : vector<512x64xf32>
    %exp3A_29 = math.exp %mul3A_28 : vector<512x64xf32>
    %mul3A_30 = arith.mulf %div3A, %exp3A_29 : vector<512x64xf32>
    %add3A_31 = arith.addf %get3A_1, %mul3A_30 : vector<512x64xf32>
    %swap3A = arith.constant 0 : index
    %swap3A_32 = arith.constant 0 : index
    %swap3A_33 = vector.load %arg8[%swap3A, %swap3A_32] : memref<512x64xf32, #tpu.memory_space<vmem>>, vector<512x64xf32>
    tpu.vector_store %arg8[%swap3A, %swap3A_32], %add3A_31 {strides = array<i32>} : memref<512x64xf32, #tpu.memory_space<vmem>>, vector<512x64xf32>,
    return
  }
  func.func @transform_0(%arg0: i32) -> (i32, i32) {
    %c0_i32 = arith.constant 0 : i32
    %c0_i32_0 = arith.constant 0 : i32
    return %arg0, %c0_i32 : i32, i32
  }
  func.func @transform_1(%arg0: i32) -> (i32, i32, i32) {
    %c0_i32 = arith.constant 0 : i32
    %c0_i32_0 = arith.constant 0 : i32
    %c0_i32_1 = arith.constant 0 : i32
    return %c0_i32, %arg0, %c0_i32_0 : i32, i32, i32
  }
  func.func @transform_2(%arg0: i32) -> (i32, i32, i32) {
    %c1_i32 = arith.constant 1 : i32
    %c0_i32 = arith.constant 0 : i32
    %c0_i32_0 = arith.constant 0 : i32
    return %c1_i32, %arg0, %c0_i32 : i32, i32, i32
  }
  func.func @transform_3(%arg0: i32) -> (i32, i32) {
    %c0_i32 = arith.constant 0 : i32
    %c0_i32_0 = arith.constant 0 : i32
    %c0_i32_1 = arith.constant 0 : i32
    return %c0_i32, %c0_i32_0 : i32, i32
  }
  func.func @transform_4(%arg0: i32) -> (i32, i32) {
    %c0_i32 = arith.constant 0 : i32
    %c0_i32_0 = arith.constant 0 : i32
    %c0_i32_1 = arith.constant 0 : i32
    return %c0_i32, %c0_i32_0 : i32, i32
  }
  func.func @transform_5(%arg0: i32) -> (i32, i32) {
    %c0_i32 = arith.constant 0 : i32
    %c0_i32_0 = arith.constant 0 : i32
    %c0_i32_1 = arith.constant 0 : i32
    return %c0_i32, %c0_i32_0 : i32, i32
  }
  func.func @transform_6(%arg0: i32) -> (i32, i32) {
    %c0_i32 = arith.constant 0 : i32
    %c0_i32_0 = arith.constant 0 : i32
    %c0_i32_1 = arith.constant 0 : i32
    return %c0_i32, %c0_i32_0 : i32, i32
  }
  func.func @transform_7(%arg0: i32) -> (i32, i32) {
    %c0_i32 = arith.constant 0 : i32
    %c0_i32_0 = arith.constant 0 : i32
    return %arg0, %c0_i32 : i32, i32
  }
}

</mosaic_0001>

<sc_bundles>
// kernel: kernel.11.cloned.1.call-start
scs
__scs_entry_jumppad:
0x0: {  	(pc) =	sbr.rel $0x88, $3  }
0x1: {  	(tag) =	ssettag $0x0;
	lr =	simm.s32 $0x1  }
0x2: {  	[smem:$0x3F94] =	sst lr;
	_ =	strace $0xD0000000  }
0x3: {  	_ = 	snop  }
0x4: {  	_ = 	snop  }
0x5: {  	_ = 	snop  }
0x6: {  	_ = 	snop  }
0x7: {  	_ = 	snop  }
__scs_overlays_trampoline_lowered:
0x8: {  	[smem:$0x3FA3] =	sst s0  }
0x9: {  	[smem:$0x3FA4] =	sst s1  }
0xa: {  	[smem:$0x3FA5] =	sst s2  }
0xb: {  	[smem:$0x3FA6] =	sst s3  }
0xc: {  	[smem:$0x3FA7] =	sst s4  }
0xd: {  	[smem:$0x3FA8] =	sst s5  }
0xe: {  	[smem:$0x3FA9] =	sst s6  }
0xf: {  	[smem:$0x3FAA] =	sst s7  }
0x10: {  	[smem:$0x3FAB] =	sst s8  }
0x11: {  	[smem:$0x3FAC] =	sst s9;
	s0 =	simm.s32 @!p0 $0x0  }
0x12: {  	s1 =	sld [smem:$0x3F92];
	s0 =	simm.s32 @p0 $0x1  }
0x13: {  	[smem:$0x3FAD] =	sst s0;
	s0 =	simm.s32 @!p1 $0x0  }
0x14: {  	s2 =	sld [smem:$0x3F91];
	s0 =	simm.s32 @p1 $0x1  }
0x15: {  	[smem:$0x3FAE] =	sst s0;
	s0 =	simm.s32 @!p2 $0x0  }
0x16: {  	s3 =	sld [smem:$0x3FDB];
	s0 =	simm.s32 @p2 $0x1  }
0x17: {  	s4 =	simm.s32 $0x1BF5;
	[smem:$0x3FB0] =	sst s0  }
0x18: {  	s0 =	sld [smem:$0x3F93];
	_ =	swait.ge [sflag:s4], $0x0  }
0x19: {  	s7 =	sld [smem:$0x3F94]  }
0x1a: {  	s8 =	sadd.s32 $0xFFFFE003, lr  }
0x1b: {  	s9 =	sadd.s32 $0xFFFFFEF7, lr;
	s5 =	simm.s32 $0xFFFFFFFF;
	p2 =	slt.u32 s8, $0xFFFFF086  }
0x1c: {  	p1 =	slt.u32 s9, $0xF7A;
	s5 =	simm.s32 @!p2 $0x0  }
0x1d: {  	s5 =	simm.s32 @p1 $0x1;
	p0 =	seq.s32 s7, s2  }
0x1e: {  	s7 =	smul.u32 @!p0 $0xF7A, s2;
	p2 =	seq.s32 @!p0 s5, $0x0  }
0x1f: {  	s9 =	smul.u32 $0xF7A, s1;
	s8 =	simm.s32 @!p0 $0x1BF5;
	p2 =	por !p2, p0  }
0x20: {  	[sflag:s8] =	ssyncset.s32 @!p0 $0xFFFFF086;
	s6 =	sadd.s32 @!p0 s3, s7;
	s7 =	simm.s32 @!p0 $0x108  }
0x21: {  	s3 =	sadd.s32 s3, s9;
	s6 =	sadd.s32 @!p0 $0x88, s6;
	s7 =	simm.s32 @p2 $0x1082  }
0x22: {  	[simem:s7], [sflag:s8] =	dma.local @!p0 [hbm:s6], $0xF7A  }
0x23: {  	s9 =	sor.u32 $0xD0000000, s2;
	s6 =	simm.s32 $0x108;
	_ =	swait.ge @!p0 [sflag:s8], $0x0  }
0x24: {  	s3 =	sadd.s32 $0x88, s3;
	s6 =	simm.s32 @!p1 $0x1082;
	[sflag:s4] =	ssyncset.s32 $0xFFFFF086  }
0x25: {  	[simem:s6], [sflag:s4] =	dma.local [hbm:s3], $0xF7A  }
0x26: {  	[smem:$0x3F94] =	sst s1;
	(tag) =	ssettag s2;
	_ =	strace s9  }
0x27: {  	s1 =	sld [smem:$0x3FA4]  }
0x28: {  	s2 =	sld [smem:$0x3FA5]  }
0x29: {  	s4 =	sld [smem:$0x3FA7]  }
0x2a: {  	p0 =	seq.s32 s5, $0x0;
	s5 =	sld [smem:$0x3FA8]  }
0x2b: {  	s6 =	sld [smem:$0x3FA9]  }
0x2c: {  	s7 =	sld [smem:$0x3FAA]  }
0x2d: {  	s3 =	simm.s32 $0x108;
	s8 =	sld [smem:$0x3FAB]  }
0x2e: {  	s3 =	simm.s32 @!p0 $0x1082;
	s9 =	sld [smem:$0x3FAC]  }
0x2f: {  	lr =	sadd.s32 s0, s3;
	s0 =	sld [smem:$0x3FA3]  }
0x30: {  	s3 =	sld [smem:$0x3FA6]  }
0x31: {  	[smem:$0x3FAF] =	sst s10  }
0x32: {  	s10 =	sld [smem:$0x3FAD];
	_ =	sdelay $0x3  }
0x33: {  	p0 =	seq.s32 s10, $0x1;
	s10 =	sld [smem:$0x3FAF];
	_ =	sdelay $0x3  }
0x34: {  	[smem:$0x3FAF] =	sst s10  }
0x35: {  	s10 =	sld [smem:$0x3FAE];
	_ =	sdelay $0x3  }
0x36: {  	p1 =	seq.s32 s10, $0x1;
	s10 =	sld [smem:$0x3FAF];
	_ =	sdelay $0x3  }
0x37: {  	[smem:$0x3FAF] =	sst s10  }
0x38: {  	s10 =	sld [smem:$0x3FB0]  }
0x39: {  	_ = 	snop;
	(pc) =	sbr.ind lr, $3  }
0x3a: {  	_ = 	snop  }
0x3b: {  	_ = 	snop  }
0x3c: {  	p2 =	seq.s32 s10, $0x1;
	s10 =	sld [smem:$0x3FAF]  }
0x3d: {  	_ =	shalt  }
0x3e: {  	_ =	shalt  }
0x3f: {  	_ =	shalt  }
0x40: {  	_ =	shalt  }
0x41: {  	_ =	shalt  }
0x42: {  	_ =	shalt  }
0x43: {  	_ =	shalt  }
0x44: {  	_ =	shalt  }
0x45: {  	_ =	shalt  }
0x46: {  	_ =	shalt  }
0x47: {  	_ =	shalt  }
0x48: {  	_ =	shalt  }
0x49: {  	_ =	shalt  }
0x4a: {  	_ =	shalt  }
0x4b: {  	_ =	shalt  }
0x4c: {  	_ =	shalt  }
0x4d: {  	_ =	shalt  }
0x4e: {  	_ =	shalt  }
0x4f: {  	_ =	shalt  }
0x50: {  	_ =	shalt  }
0x51: {  	_ =	shalt  }
0x52: {  	_ =	shalt  }
0x53: {  	_ =	shalt  }
0x54: {  	_ =	shalt  }
0x55: {  	_ =	shalt  }
0x56: {  	_ =	shalt  }
0x57: {  	_ =	shalt  }
0x58: {  	_ =	shalt  }
0x59: {  	_ =	shalt  }
0x5a: {  	_ =	shalt  }
0x5b: {  	_ =	shalt  }
0x5c: {  	_ =	shalt  }
0x5d: {  	_ =	shalt  }
0x5e: {  	_ =	shalt  }
0x5f: {  	_ =	shalt  }
0x60: {  	_ =	shalt  }
0x61: {  	_ =	shalt  }
0x62: {  	_ =	shalt  }
0x63: {  	_ =	shalt  }
0x64: {  	_ =	shalt  }
0x65: {  	_ =	shalt  }
0x66: {  	_ =	shalt  }
0x67: {  	_ =	shalt  }
0x68: {  	_ =	shalt  }
0x69: {  	_ =	shalt  }
0x6a: {  	_ =	shalt  }
0x6b: {  	_ =	shalt  }
0x6c: {  	_ =	shalt  }
0x6d: {  	_ =	shalt  }
0x6e: {  	_ =	shalt  }
0x6f: {  	_ =	shalt  }
0x70: {  	_ =	shalt  }
0x71: {  	_ =	shalt  }
0x72: {  	_ =	shalt  }
0x73: {  	_ =	shalt  }
0x74: {  	_ =	shalt  }
0x75: {  	_ =	shalt  }
0x76: {  	_ =	shalt  }
0x77: {  	_ =	shalt  }
0x78: {  	_ =	shalt  }
0x79: {  	_ =	shalt  }
0x7a: {  	_ =	shalt  }
0x7b: {  	_ =	shalt  }
0x7c: {  	_ =	shalt  }
0x7d: {  	_ =	shalt  }
0x7e: {  	_ =	shalt  }
0x7f: {  	_ =	shalt  }
0x80: {  	_ =	shalt  }
0x81: {  	_ =	shalt  }
0x82: {  	_ =	shalt  }
0x83: {  	_ =	shalt  }
0x84: {  	_ =	shalt  }
0x85: {  	_ =	shalt  }
0x86: {  	_ =	shalt  }
0x87: {  	_ =	shalt  }
.Lfunc_end0:
.L_simem_size_0:
called_computation_lowered:
.L_overlay_start_0:
0x88: {  	s2 =	sld [smem:$0x3FD9]  }
0x89: {  	s3 =	sld [smem:$0x3FFE];
	_ =	sdelay $0x1  }
0x8a: {  	s1 =	srdreg.scid  }
0x8b: {  	s0 =	sand.u32 $0x1, s1  }
0x8c: {  	s17 =	sshll.u32 s0, $0xA;
	s2 =	sadd.s32 s3, s2  }
0x8d: {  	s2 =	sadd.s32 s2, s17  }
0x8e: {  	[smem:$0x3FBB] =	sst s2  }
0x8f: {  	_ = 	snop  }
0x90: {  	s2 =	sld [smem:$0x3FD0];
	(tm) =	ssettm $0x1  }
0x91: {  	s18 =	sld [smem:$0x3FFB];
	_ =	sdelay $0x3  }
0x92: {  	_ =	strace s18  }
0x93: {  	s3 =	sld [smem:$0x3FFC];
	_ =	sdelay $0x3  }
0x94: {  	_ =	strace s3  }
0x95: {  	s3 =	sld [smem:$0x3FFD];
	_ =	sdelay $0x3  }
0x96: {  	_ =	strace s3  }
0x97: {  	_ =	strace $0x8FFFFFFF  }
0x98: {  	s19 =	sld [smem:$0x3FDB];
	_ =	sdelay $0x1  }
0x99: {  	s4 =	simm.s32 $_scs_section_size  }
0x9a: {  	s5 =	simm.s32 $_size__tile_overlayer_lowered;
	s6 =	simm.s32 $_tile_overlayer_lowered  }
0x9b: {  	s22 =	simm.s32 $0x1BFF;
	s21 =	sshll.u32 s6, $0x1;
	s3 =	sadd.s32 s4, s19  }
0x9c: {  	s7 =	simm.s32 $0x0;
	s20 =	sshll.u32 s5, $0x1;
	s5 =	sadd.s32 s21, s3  }
0x9d: {  	[timem:s7], [sflag:s22] =	dma.local [hbm:s5], s20  }
0x9e: {  	_ =	swait.ge [sflag:s22], s20  }
0x9f: {  	s4 =	ssub.s32 $0x0, s20;
	[sflag:s22] =	ssyncset.done $0x0  }
0xa0: {  	[sflag:s22] =	ssyncadd.s32 s4;
	_ =	sdelay $0x1  }
0xa1: {  	s23 =	simm.s32 $0x1B8B  }
0xa2: {  	_ =	swait.ge [sflag:s23], $0x1  }
0xa3: {  	[sflag:s23] =	ssyncset.done $0x0  }
0xa4: {  	s25 =	simm.s32 $0x1B8E;
	s24 =	sld [smem:$0x3FFE];
	[sflag:s23] =	ssyncadd.s32 $0xFFFFFFFF  }
0xa5: {  	s26 =	simm.s32 $execute0_lowered;
	[smem:$0x3FD2] =	sst s25  }
0xa6: {  	s5 =	sshll.u32 s26, $0x1;
	_ =	strace $0x80000046;
	[dreg:$0x1] =	wrdreg $0xFFFFFFFF  }
0xa7: {  	s28 =	simm.s32 $_size_execute0_lowered;
	s3 =	sadd.s32 s3, s5;
	[dreg:$0x0] =	wrdreg $0x0  }
0xa8: {  	s5 =	sshll.u32 s28, $0x1;
	[dreg:$0x2] =	wrdreg s3  }
0xa9: {  	[dreg:$0x3] =	wrdreg s5  }
0xaa: {  	[dreg:$0x4] =	wrdreg $0xC0  }
0xab: {  	_ =	task [dreg:s7], $0x5FFFF  }
0xac: {  	[dreg:$0x1] =	wrdreg $0xFFFFFFFF  }
0xad: {  	[dreg:$0x0] =	wrdreg $0x60  }
0xae: {  	[dreg:$0x2] =	wrdreg s2  }
0xaf: {  	[dreg:$0x3] =	wrdreg s24  }
0xb0: {  	[dreg:$0x4] =	wrdreg $0x9  }
0xb1: {  	_ =	task.clear_ibuf [dreg:s7], $0x5FFFF;
	_ =	strace $0x90000046  }
0xb2: {  	s29 =	simm.s32 $0x9;
	_ =	strace $0x80000048  }
0xb3: {  	_ =	swait.ge [sflag:s29], $0x1  }
0xb4: {  	[sflag:s29] =	ssyncadd.s32 $0xFFFFFFFF  }
0xb5: {  	_ =	strace $0x90000048  }
0xb6: {  	_ =	sfence  }
0xb7: {  	s30 =	sld [smem:$0x0];
	_ =	sdelay $0x2  }
0xb8: {  	s31 =	sshll.u32 s1, $0xD;
	s1 =	sshrl.u32 s1, $0x2  }
0xb9: {  	s3 =	sand.u32 $0x4000, s31;
	s1 =	sadd.s32 s1, s30  }
0xba: {  	s0 =	sor.u32 s3, s0;
	s1 =	sshll.u32 s1, $0x11  }
0xbb: {  	s0 =	sor.u32 s1, s0  }
0xbc: {  	s0 =	sadd.s32 $0x8F2B, s0  }
0xbd: {  	[sflag:s0] =	ssyncadd.remote.s32 $0x1  }
0xbe: {  	_ =	sfence.sel $0xFFFF  }
0xbf: {  	[dreg:$0x0] =	wrdreg $0xFFFFFFFF;
	(pc) =	sbr.abs _section_cstart, $3  }
0xc0: {  	[dreg:$0x1] =	wrdreg $0xFFFFFFFF  }
0xc1: {  	_ =	task.clear_ibuf [dreg:s7], $0x2FFFF;
	_ =	strace $0x9FFFFFFF  }
0xc2: {  	(tm) =	ssettm $0x7FFFFFFF  }
0xc3: {  	_ =	shalt  }
tec
execute0_lowered:
.L_overlay_start_1:
0x0: {  	(tag) =	ssettag $0x1  }
0x1: {  	s0 =	srdreg.scid;
	s2 =	rddreg [dreg:$0x0]  }
0x2: {  	s6 =	stileid.u32;
	s4 =	rddreg [dreg:$0x1]  }
0x3: {  	s3 =	simm.s32 $0x0;
	s12 =	simm.s32 $0x4;
	s13 =	simm.s32 $0x100  }
0x4: {  	s14 =	simm.s32 $0x6400;
	s15 =	simm.s32 $0x8400;
	s17 =	simm.s32 $0xA400  }
0x5: {  	s19 =	simm.s32 $0xC400;
	s21 =	simm.s32 $0xE400;
	s23 =	simm.s32 $0x10400  }
0x6: {  	s25 =	simm.s32 $0x12400;
	s28 =	simm.s32 $0x14400;
	s29 =	simm.s32 $0x1  }
0x7: {  	s30 =	simm.s32 $0x3;
	s16 =	simm.s32 $0xB00;
	s18 =	simm.s32 $0x2  }
0x8: {  	s0 =	sand.u32 $0x1, s0;
	s1 =	sshll.u32 s6, $0x1;
	s6 =	smul.u32 $0x190000, s6  }
0x9: {  	s1 =	sor.u32 s0, s1;
	s7 =	ssub.s32 $0x2, s0;
	s0 =	smul.u32 $0xC8000, s0  }
0xa: {  	s20 =	simm.s32 $0x0;
	[smem:$0x7FF] =	sst s3;
	s5 =	smul.u32 $0xC80, s1  }
0xb: {  	_ =	strace $0x80000047;
	s1 =	smul.u32 $0xC8000, s1;
	s8 =	sshrl.u32 s7, $0x1  }
0xc: {  	s7 =	ssub.s32 s7, s8;
	s0 =	sadd.s32 s0, s6;
	s5 =	sadd.s32 s5, s4  }
0xd: {  	s4 =	sadd.s32 $0x250200, s4;
	s1 =	sshrl.u32 s1, $0x3;
	s31 =	sadd.s32 $0x18000, s0  }
0xe: {  	s7 =	smax.u32 s7, $0x1;
	s10 =	sadd.s32 $0x10000, s0;
	s0 =	simm.s32 $0xA00  }
0xf: {  	s5 =	sadd.s32 $0x4200, s5;
	s6 =	sadd.s32 s4, s1;
	s1 =	sshrl.u32 s31, $0x3  }
0x10: {  	s8 =	sadd.s32 $0x1000, s6;
	s9 =	sadd.s32 $0x18000, s6;
	s11 =	sadd.s32 s1, s4  }
.LBB2_1:
0x11: {  	[tilespmem:s3], [sflag:$0x4] =	stream.linear.gather [hbm4b:s5+s3], $0x6400, $0x38;
	[tilespmem:$0x16400] =	vst v63  }
0x12: {  	_ =	swait.ge [sflag:s12], $0x6400  }
0x13: {  	[sflag:s12] =	ssyncset.done $0x0  }
0x14: {  	[sflag:s12] =	ssyncadd.s32 $0xFFFF9C00  }
0x15: {  	[tilespmem:s14], [sflag:$0x1] =	stream.indirect.gather [hbm4b:s2+s13], $0x20, s3, s13, $0xb8;
	[tilespmem:$0x16400] =	vst v63  }
0x16: {  	_ = 	snop  }
0x17: {  	[tilespmem:s15], [sflag:$0x1] =	stream.indirect.gather [hbm4b:s2+s13], $0x20, s13, s13, $0xb8;
	[tilespmem:$0x16400] =	vst v63  }
0x18: {  	s1 =	simm.s32 $0x200  }
0x19: {  	[tilespmem:s17], [sflag:$0x1] =	stream.indirect.gather [hbm4b:s2+s13], $0x20, s1, s13, $0xb8;
	[tilespmem:$0x16400] =	vst v63  }
0x1a: {  	s24 =	simm.s32 $0x300  }
0x1b: {  	[tilespmem:s19], [sflag:$0x1] =	stream.indirect.gather [hbm4b:s2+s13], $0x20, s24, s13, $0xb8;
	[tilespmem:$0x16400] =	vst v63  }
0x1c: {  	s26 =	simm.s32 $0x400  }
0x1d: {  	[tilespmem:s21], [sflag:$0x2] =	stream.indirect.gather [hbm4b:s2+s13], $0x20, s26, s13, $0xb8;
	[tilespmem:$0x16400] =	vst v63  }
0x1e: {  	s31 =	simm.s32 $0x500  }
0x1f: {  	[tilespmem:s23], [sflag:$0x2] =	stream.indirect.gather [hbm4b:s2+s13], $0x20, s31, s13, $0xb8;
	[tilespmem:$0x16400] =	vst v63  }
0x20: {  	s22 =	simm.s32 $0x600  }
0x21: {  	[tilespmem:s25], [sflag:$0x2] =	stream.indirect.gather [hbm4b:s2+s13], $0x20, s22, s13, $0xb8;
	[tilespmem:$0x16400] =	vst v63  }
0x22: {  	s24 =	simm.s32 $0x700  }
0x23: {  	[tilespmem:s28], [sflag:$0x2] =	stream.indirect.gather [hbm4b:s2+s13], $0x20, s24, s13, $0xb8;
	[tilespmem:$0x16400] =	vst v63  }
0x24: {  	_ =	swait.ge [sflag:s29], $0x2000  }
0x25: {  	[sflag:s29] =	ssyncset.done $0x0  }
0x26: {  	[sflag:s29] =	ssyncadd.s32 $0xFFFFE000  }
0x27: {  	_ =	swait.ge [sflag:s29], $0x2000  }
0x28: {  	[sflag:s29] =	ssyncset.done $0x0  }
0x29: {  	[sflag:s29] =	ssyncadd.s32 $0xFFFFE000  }
0x2a: {  	_ =	swait.ge [sflag:s29], $0x2000  }
0x2b: {  	[sflag:s29] =	ssyncset.done $0x0  }
0x2c: {  	[sflag:s29] =	ssyncadd.s32 $0xFFFFE000  }
0x2d: {  	_ =	swait.ge [sflag:s29], $0x2000  }
0x2e: {  	[sflag:s29] =	ssyncset.done $0x0  }
0x2f: {  	[sflag:s29] =	ssyncadd.s32 $0xFFFFE000  }
0x30: {  	[hbm4b:s6+s3] =	stream.linear.scatter [tilespmem:s14], [sflag:$0x3], $0x8000, $0x38;
	[tilespmem:$0x16400] =	vst v63  }
0x31: {  	_ =	swait.ge [sflag:s30], $0x8000  }
0x32: {  	[sflag:s30] =	ssyncset.done $0x0  }
0x33: {  	s26 =	simm.s32 $0x800;
	[sflag:s30] =	ssyncadd.s32 $0xFFFF8000  }
0x34: {  	[tilespmem:s14], [sflag:$0x1] =	stream.indirect.gather [hbm4b:s2+s13], $0x20, s26, s13, $0xb8;
	[tilespmem:$0x16400] =	vst v63  }
0x35: {  	s31 =	simm.s32 $0x900  }
0x36: {  	[tilespmem:s15], [sflag:$0x1] =	stream.indirect.gather [hbm4b:s2+s13], $0x20, s31, s13, $0xb8;
	[tilespmem:$0x16400] =	vst v63  }
0x37: {  	_ = 	snop  }
0x38: {  	[tilespmem:s17], [sflag:$0x1] =	stream.indirect.gather [hbm4b:s2+s13], $0x20, s0, s13, $0xb8;
	[tilespmem:$0x16400] =	vst v63  }
0x39: {  	_ = 	snop  }
0x3a: {  	[tilespmem:s19], [sflag:$0x1] =	stream.indirect.gather [hbm4b:s2+s13], $0x20, s16, s13, $0xb8;
	[tilespmem:$0x16400] =	vst v63  }
0x3b: {  	_ =	swait.ge [sflag:s18], $0x2000  }
0x3c: {  	[sflag:s18] =	ssyncset.done $0x0  }
0x3d: {  	[sflag:s18] =	ssyncadd.s32 $0xFFFFE000  }
0x3e: {  	_ =	swait.ge [sflag:s18], $0x2000  }
0x3f: {  	[sflag:s18] =	ssyncset.done $0x0  }
0x40: {  	[sflag:s18] =	ssyncadd.s32 $0xFFFFE000  }
0x41: {  	_ =	swait.ge [sflag:s18], $0x2000  }
0x42: {  	[sflag:s18] =	ssyncset.done $0x0  }
0x43: {  	[sflag:s18] =	ssyncadd.s32 $0xFFFFE000  }
0x44: {  	_ =	swait.ge [sflag:s18], $0x2000  }
0x45: {  	[sflag:s18] =	ssyncset.done $0x0  }
0x46: {  	[sflag:s18] =	ssyncadd.s32 $0xFFFFE000  }
0x47: {  	[hbm4b:s8+s3] =	stream.linear.scatter [tilespmem:s21], [sflag:$0x3], $0x8000, $0x38;
	[tilespmem:$0x16400] =	vst v63  }
0x48: {  	_ =	swait.ge [sflag:s30], $0x8000  }
0x49: {  	[sflag:s30] =	ssyncset.done $0x0  }
0x4a: {  	s22 =	simm.s32 $0xC00;
	[sflag:s30] =	ssyncadd.s32 $0xFFFF8000  }
0x4b: {  	[tilespmem:s21], [sflag:$0x2] =	stream.indirect.gather [hbm4b:s2+s13], $0x20, s22, s13, $0xb8;
	[tilespmem:$0x16400] =	vst v63  }
0x4c: {  	s1 =	simm.s32 $0xD00  }
0x4d: {  	[tilespmem:s23], [sflag:$0x2] =	stream.indirect.gather [hbm4b:s2+s13], $0x20, s1, s13, $0xb8;
	[tilespmem:$0x16400] =	vst v63  }
0x4e: {  	s24 =	simm.s32 $0xE00  }
0x4f: {  	[tilespmem:s25], [sflag:$0x2] =	stream.indirect.gather [hbm4b:s2+s13], $0x20, s24, s13, $0xb8;
	[tilespmem:$0x16400] =	vst v63  }
0x50: {  	s26 =	simm.s32 $0xF00  }
0x51: {  	[tilespmem:s28], [sflag:$0x2] =	stream.indirect.gather [hbm4b:s2+s13], $0x20, s26, s13, $0xb8;
	[tilespmem:$0x16400] =	vst v63  }
0x52: {  	_ =	swait.ge [sflag:s29], $0x2000  }
0x53: {  	[sflag:s29] =	ssyncset.done $0x0  }
0x54: {  	[sflag:s29] =	ssyncadd.s32 $0xFFFFE000  }
0x55: {  	_ =	swait.ge [sflag:s29], $0x2000  }
0x56: {  	[sflag:s29] =	ssyncset.done $0x0  }
0x57: {  	[sflag:s29] =	ssyncadd.s32 $0xFFFFE000  }
0x58: {  	_ =	swait.ge [sflag:s29], $0x2000  }
0x59: {  	[sflag:s29] =	ssyncset.done $0x0  }
0x5a: {  	[sflag:s29] =	ssyncadd.s32 $0xFFFFE000  }
0x5b: {  	_ =	swait.ge [sflag:s29], $0x2000  }
0x5c: {  	s31 =	sshrl.u32 s10, $0x3;
	[sflag:s29] =	ssyncset.done $0x0  }
0x5d: {  	s22 =	sadd.s32 s4, s31;
	[sflag:s29] =	ssyncadd.s32 $0xFFFFE000  }
0x5e: {  	[hbm4b:s22+s3] =	stream.linear.scatter [tilespmem:s14], [sflag:$0x3], $0x8000, $0x38;
	[tilespmem:$0x16400] =	vst v63  }
0x5f: {  	_ =	swait.ge [sflag:s30], $0x8000  }
0x60: {  	[sflag:s30] =	ssyncset.done $0x0  }
0x61: {  	s1 =	simm.s32 $0x1000;
	[sflag:s30] =	ssyncadd.s32 $0xFFFF8000  }
0x62: {  	[tilespmem:s14], [sflag:$0x1] =	stream.indirect.gather [hbm4b:s2+s13], $0x20, s1, s13, $0xb8;
	[tilespmem:$0x16400] =	vst v63  }
0x63: {  	s24 =	simm.s32 $0x1100  }
0x64: {  	[tilespmem:s15], [sflag:$0x1] =	stream.indirect.gather [hbm4b:s2+s13], $0x20, s24, s13, $0xb8;
	[tilespmem:$0x16400] =	vst v63  }
0x65: {  	s26 =	simm.s32 $0x1200  }
0x66: {  	[tilespmem:s17], [sflag:$0x1] =	stream.indirect.gather [hbm4b:s2+s13], $0x20, s26, s13, $0xb8;
	[tilespmem:$0x16400] =	vst v63  }
0x67: {  	s31 =	simm.s32 $0x1300  }
0x68: {  	[tilespmem:s19], [sflag:$0x1] =	stream.indirect.gather [hbm4b:s2+s13], $0x20, s31, s13, $0xb8;
	[tilespmem:$0x16400] =	vst v63  }
0x69: {  	_ =	swait.ge [sflag:s18], $0x2000  }
0x6a: {  	[sflag:s18] =	ssyncset.done $0x0  }
0x6b: {  	[sflag:s18] =	ssyncadd.s32 $0xFFFFE000  }
0x6c: {  	_ =	swait.ge [sflag:s18], $0x2000  }
0x6d: {  	[sflag:s18] =	ssyncset.done $0x0  }
0x6e: {  	[sflag:s18] =	ssyncadd.s32 $0xFFFFE000  }
0x6f: {  	_ =	swait.ge [sflag:s18], $0x2000  }
0x70: {  	[sflag:s18] =	ssyncset.done $0x0  }
0x71: {  	[sflag:s18] =	ssyncadd.s32 $0xFFFFE000  }
0x72: {  	_ =	swait.ge [sflag:s18], $0x2000  }
0x73: {  	s22 =	simm.s32 $0x2000;
	[sflag:s18] =	ssyncset.done $0x0  }
0x74: {  	s24 =	sadd.s32 $0x10000, s10;
	s26 =	sadd.s32 $0x0, s11;
	[sflag:s18] =	ssyncadd.s32 $0xFFFFE000  }
.LBB2_2:
0x75: {  	[hbm4b:s26+s3] =	stream.linear.scatter [tilespmem:s21], [sflag:$0x3], $0x8000, $0x38;
	[tilespmem:$0x16400] =	vst v63  }
0x76: {  	s26 =	smov.u32 s22  }
0x77: {  	p0 =	sne.s32 s22, $0x14000;
	s22 =	sadd.s32 $0x2000, s22;
	_ =	swait.ge [sflag:s30], $0x8000  }
0x78: {  	s31 =	sshra.s32 s26, $0x2;
	[sflag:s30] =	ssyncset.done $0x0  }
0x79: {  	s1 =	sadd.s32 $0xC00, s31;
	[sflag:s30] =	ssyncadd.s32 $0xFFFF8000  }
0x7a: {  	[tilespmem:s21], [sflag:$0x2] =	stream.indirect.gather [hbm4b:s2+s13], $0x20, s1, s13, $0xb8;
	[tilespmem:$0x16400] =	vst v63  }
0x7b: {  	s1 =	sadd.s32 $0xD00, s31  }
0x7c: {  	[tilespmem:s23], [sflag:$0x2] =	stream.indirect.gather [hbm4b:s2+s13], $0x20, s1, s13, $0xb8;
	[tilespmem:$0x16400] =	vst v63  }
0x7d: {  	s1 =	sadd.s32 $0xE00, s31  }
0x7e: {  	[tilespmem:s25], [sflag:$0x2] =	stream.indirect.gather [hbm4b:s2+s13], $0x20, s1, s13, $0xb8;
	[tilespmem:$0x16400] =	vst v63  }
0x7f: {  	s1 =	sadd.s32 $0xF00, s31  }
0x80: {  	[tilespmem:s28], [sflag:$0x2] =	stream.indirect.gather [hbm4b:s2+s13], $0x20, s1, s13, $0xb8;
	[tilespmem:$0x16400] =	vst v63  }
0x81: {  	_ =	swait.ge [sflag:s29], $0x2000  }
0x82: {  	[sflag:s29] =	ssyncset.done $0x0  }
0x83: {  	[sflag:s29] =	ssyncadd.s32 $0xFFFFE000  }
0x84: {  	_ =	swait.ge [sflag:s29], $0x2000  }
0x85: {  	[sflag:s29] =	ssyncset.done $0x0  }
0x86: {  	[sflag:s29] =	ssyncadd.s32 $0xFFFFE000  }
0x87: {  	_ =	swait.ge [sflag:s29], $0x2000  }
0x88: {  	[sflag:s29] =	ssyncset.done $0x0  }
0x89: {  	[sflag:s29] =	ssyncadd.s32 $0xFFFFE000  }
0x8a: {  	_ =	swait.ge [sflag:s29], $0x2000  }
0x8b: {  	s1 =	sshrl.u32 s24, $0x3;
	[sflag:s29] =	ssyncset.done $0x0  }
0x8c: {  	s1 =	sadd.s32 s4, s1;
	[sflag:s29] =	ssyncadd.s32 $0xFFFFE000  }
0x8d: {  	[hbm4b:s1+s3] =	stream.linear.scatter [tilespmem:s14], [sflag:$0x3], $0x8000, $0x38;
	[tilespmem:$0x16400] =	vst v63  }
0x8e: {  	_ =	swait.ge [sflag:s30], $0x8000  }
0x8f: {  	[sflag:s30] =	ssyncset.done $0x0  }
0x90: {  	s1 =	sadd.s32 $0x1000, s31;
	[sflag:s30] =	ssyncadd.s32 $0xFFFF8000  }
0x91: {  	[tilespmem:s14], [sflag:$0x1] =	stream.indirect.gather [hbm4b:s2+s13], $0x20, s1, s13, $0xb8;
	[tilespmem:$0x16400] =	vst v63  }
0x92: {  	s1 =	sadd.s32 $0x1100, s31  }
0x93: {  	[tilespmem:s15], [sflag:$0x1] =	stream.indirect.gather [hbm4b:s2+s13], $0x20, s1, s13, $0xb8;
	[tilespmem:$0x16400] =	vst v63  }
0x94: {  	s1 =	sadd.s32 $0x1200, s31  }
0x95: {  	[tilespmem:s17], [sflag:$0x1] =	stream.indirect.gather [hbm4b:s2+s13], $0x20, s1, s13, $0xb8;
	[tilespmem:$0x16400] =	vst v63  }
0x96: {  	s1 =	sadd.s32 $0x1300, s31  }
0x97: {  	[tilespmem:s19], [sflag:$0x1] =	stream.indirect.gather [hbm4b:s2+s13], $0x20, s1, s13, $0xb8;
	[tilespmem:$0x16400] =	vst v63  }
0x98: {  	_ =	swait.ge [sflag:s18], $0x2000  }
0x99: {  	[sflag:s18] =	ssyncset.done $0x0  }
0x9a: {  	[sflag:s18] =	ssyncadd.s32 $0xFFFFE000  }
0x9b: {  	_ =	swait.ge [sflag:s18], $0x2000  }
0x9c: {  	[sflag:s18] =	ssyncset.done $0x0  }
0x9d: {  	[sflag:s18] =	ssyncadd.s32 $0xFFFFE000  }
0x9e: {  	_ =	swait.ge [sflag:s18], $0x2000  }
.Ltmp0:
0x9f: {  	[sflag:s18] =	ssyncset.done $0x0;
	(pc) =	sbr.rel @p0 .LBB2_2-.Ltmp0, $4  }
0xa0: {  	[sflag:s18] =	ssyncadd.s32 $0xFFFFE000  }
0xa1: {  	_ =	swait.ge [sflag:s18], $0x2000  }
0xa2: {  	[sflag:s18] =	ssyncset.done $0x0  }
0xa3: {  	s26 =	sadd.s32 s26, s11;
	s24 =	sadd.s32 $0x10000, s24;
	[sflag:s18] =	ssyncadd.s32 $0xFFFFE000  }
0xa4: {  	[hbm4b:s26+s3] =	stream.linear.scatter [tilespmem:s21], [sflag:$0x3], $0x8000, $0x38;
	[tilespmem:$0x16400] =	vst v63  }
0xa5: {  	_ =	swait.ge [sflag:s30], $0x8000  }
0xa6: {  	[sflag:s30] =	ssyncset.done $0x0  }
0xa7: {  	[sflag:s30] =	ssyncadd.s32 $0xFFFF8000  }
0xa8: {  	_ =	swait.ge [sflag:s29], $0x2000  }
0xa9: {  	[sflag:s29] =	ssyncset.done $0x0  }
0xaa: {  	[sflag:s29] =	ssyncadd.s32 $0xFFFFE000  }
0xab: {  	_ =	swait.ge [sflag:s29], $0x2000  }
0xac: {  	[sflag:s29] =	ssyncset.done $0x0  }
0xad: {  	[sflag:s29] =	ssyncadd.s32 $0xFFFFE000  }
0xae: {  	_ =	swait.ge [sflag:s29], $0x2000  }
0xaf: {  	[sflag:s29] =	ssyncset.done $0x0  }
0xb0: {  	[sflag:s29] =	ssyncadd.s32 $0xFFFFE000  }
0xb1: {  	s20 =	sadd.s32 $0x1, s20;
	_ =	swait.ge [sflag:s29], $0x2000  }
0xb2: {  	p0 =	sne.s32 s20, s7;
	[sflag:s29] =	ssyncset.done $0x0  }
.Ltmp1:
0xb3: {  	[sflag:s29] =	ssyncadd.s32 $0xFFFFE000;
	(pc) =	sbr.rel @p0 .LBB2_1-.Ltmp1, $4  }
0xb4: {  	[hbm4b:s9+s3] =	stream.linear.scatter [tilespmem:s14], [sflag:$0x3], $0x8000, $0x38;
	[tilespmem:$0x16400] =	vst v63  }
0xb5: {  	_ =	swait.ge [sflag:s30], $0x8000  }
0xb6: {  	[sflag:s30] =	ssyncset.done $0x0  }
0xb7: {  	[sflag:s30] =	ssyncadd.s32 $0xFFFF8000  }
0xb8: {  	_ =	sfence.sel $0x180000  }
0xb9: {  	[bflag:$0x0] =	sbarrier.arrive $0xFFFF  }
0xba: {  	_ =	strace $0x90000047  }
0xbb: {  	s0 =	stileid.u32;
	[bflag:$0x2] =	sbarrier.arrive $0xFFFF  }
0xbc: {  	p0 =	sne.s32 s0, $0x0;
	s0 =	rddreg [dreg:$0x2]  }
0xbd: {  	s0 =	sadd.s32 @!p0 $0x100000, s0  }
0xbe: {  	[sflag:s0] =	ssyncadd.tile.s32 @!p0 $0x1;
	_ =	shalt  }
.Lfunc_end2:
_tile_overlayer_lowered:
.L_overlay_start_2:
0xbf: {  	(tag) =	ssettag $0x2  }
0xc0: {  	s0 =	rddreg [dreg:$0x0];
	s2 =	stileid.u32  }
0xc1: {  	s1 =	rddreg [dreg:$0x1];
	p0 =	sne.s32 s2, $0x0  }
0xc2: {  	s3 =	rddreg [dreg:$0x2];
	[bflag:$0x3] =	sbarrier.arrive $0xFFFF;
	s2 =	simm.s32 @!p0 $0x1C04  }
0xc3: {  	[timem:s3], [sflag:s2] =	dma.local @!p0 [hbm:s0], s1  }
0xc4: {  	s0 =	simm.s32 @!p0 $0x4  }
0xc5: {  	_ =	swait.ge @!p0 [sflag:s0], s1  }
0xc6: {  	s1 =	ssub.s32 @!p0 $0x0, s1;
	[sflag:s0] =	ssyncset.done @!p0 $0x0  }
0xc7: {  	[sflag:s0] =	ssyncadd.s32 @!p0 s1  }
0xc8: {  	[bflag:$0x3] =	sbarrier.arrive $0xFFFF  }
0xc9: {  	_ =	shalt  }

// kernel: kernel.14.cloned.1.call-start
scs
__scs_entry_jumppad:
0x0: {  	(pc) =	sbr.rel $0x88, $3  }
0x1: {  	(tag) =	ssettag $0x0;
	lr =	simm.s32 $0x1  }
0x2: {  	[smem:$0x3F94] =	sst lr;
	_ =	strace $0xD0000000  }
0x3: {  	_ = 	snop  }
0x4: {  	_ = 	snop  }
0x5: {  	_ = 	snop  }
0x6: {  	_ = 	snop  }
0x7: {  	_ = 	snop  }
__scs_overlays_trampoline_lowered:
0x8: {  	[smem:$0x3FA3] =	sst s0  }
0x9: {  	[smem:$0x3FA4] =	sst s1  }
0xa: {  	[smem:$0x3FA5] =	sst s2  }
0xb: {  	[smem:$0x3FA6] =	sst s3  }
0xc: {  	[smem:$0x3FA7] =	sst s4  }
0xd: {  	[smem:$0x3FA8] =	sst s5  }
0xe: {  	[smem:$0x3FA9] =	sst s6  }
0xf: {  	[smem:$0x3FAA] =	sst s7  }
0x10: {  	[smem:$0x3FAB] =	sst s8  }
0x11: {  	[smem:$0x3FAC] =	sst s9;
	s0 =	simm.s32 @!p0 $0x0  }
0x12: {  	s1 =	sld [smem:$0x3F92];
	s0 =	simm.s32 @p0 $0x1  }
0x13: {  	[smem:$0x3FAD] =	sst s0;
	s0 =	simm.s32 @!p1 $0x0  }
0x14: {  	s2 =	sld [smem:$0x3F91];
	s0 =	simm.s32 @p1 $0x1  }
0x15: {  	[smem:$0x3FAE] =	sst s0;
	s0 =	simm.s32 @!p2 $0x0  }
0x16: {  	s3 =	sld [smem:$0x3FDB];
	s0 =	simm.s32 @p2 $0x1  }
0x17: {  	s4 =	simm.s32 $0x1BF5;
	[smem:$0x3FB0] =	sst s0  }
0x18: {  	s0 =	sld [smem:$0x3F93];
	_ =	swait.ge [sflag:s4], $0x0  }
0x19: {  	s7 =	sld [smem:$0x3F94]  }
0x1a: {  	s8 =	sadd.s32 $0xFFFFE003, lr  }
0x1b: {  	s9 =	sadd.s32 $0xFFFFFEF7, lr;
	s5 =	simm.s32 $0xFFFFFFFF;
	p2 =	slt.u32 s8, $0xFFFFF086  }
0x1c: {  	p1 =	slt.u32 s9, $0xF7A;
	s5 =	simm.s32 @!p2 $0x0  }
0x1d: {  	s5 =	simm.s32 @p1 $0x1;
	p0 =	seq.s32 s7, s2  }
0x1e: {  	s7 =	smul.u32 @!p0 $0xF7A, s2;
	p2 =	seq.s32 @!p0 s5, $0x0  }
0x1f: {  	s9 =	smul.u32 $0xF7A, s1;
	s8 =	simm.s32 @!p0 $0x1BF5;
	p2 =	por !p2, p0  }
0x20: {  	[sflag:s8] =	ssyncset.s32 @!p0 $0xFFFFF086;
	s6 =	sadd.s32 @!p0 s3, s7;
	s7 =	simm.s32 @!p0 $0x108  }
0x21: {  	s3 =	sadd.s32 s3, s9;
	s6 =	sadd.s32 @!p0 $0x88, s6;
	s7 =	simm.s32 @p2 $0x1082  }
0x22: {  	[simem:s7], [sflag:s8] =	dma.local @!p0 [hbm:s6], $0xF7A  }
0x23: {  	s9 =	sor.u32 $0xD0000000, s2;
	s6 =	simm.s32 $0x108;
	_ =	swait.ge @!p0 [sflag:s8], $0x0  }
0x24: {  	s3 =	sadd.s32 $0x88, s3;
	s6 =	simm.s32 @!p1 $0x1082;
	[sflag:s4] =	ssyncset.s32 $0xFFFFF086  }
0x25: {  	[simem:s6], [sflag:s4] =	dma.local [hbm:s3], $0xF7A  }
0x26: {  	[smem:$0x3F94] =	sst s1;
	(tag) =	ssettag s2;
	_ =	strace s9  }
0x27: {  	s1 =	sld [smem:$0x3FA4]  }
0x28: {  	s2 =	sld [smem:$0x3FA5]  }
0x29: {  	s4 =	sld [smem:$0x3FA7]  }
0x2a: {  	p0 =	seq.s32 s5, $0x0;
	s5 =	sld [smem:$0x3FA8]  }
0x2b: {  	s6 =	sld [smem:$0x3FA9]  }
0x2c: {  	s7 =	sld [smem:$0x3FAA]  }
0x2d: {  	s3 =	simm.s32 $0x108;
	s8 =	sld [smem:$0x3FAB]  }
0x2e: {  	s3 =	simm.s32 @!p0 $0x1082;
	s9 =	sld [smem:$0x3FAC]  }
0x2f: {  	lr =	sadd.s32 s0, s3;
	s0 =	sld [smem:$0x3FA3]  }
0x30: {  	s3 =	sld [smem:$0x3FA6]  }
0x31: {  	[smem:$0x3FAF] =	sst s10  }
0x32: {  	s10 =	sld [smem:$0x3FAD];
	_ =	sdelay $0x3  }
0x33: {  	p0 =	seq.s32 s10, $0x1;
	s10 =	sld [smem:$0x3FAF];
	_ =	sdelay $0x3  }
0x34: {  	[smem:$0x3FAF] =	sst s10  }
0x35: {  	s10 =	sld [smem:$0x3FAE];
	_ =	sdelay $0x3  }
0x36: {  	p1 =	seq.s32 s10, $0x1;
	s10 =	sld [smem:$0x3FAF];
	_ =	sdelay $0x3  }
0x37: {  	[smem:$0x3FAF] =	sst s10  }
0x38: {  	s10 =	sld [smem:$0x3FB0]  }
0x39: {  	_ = 	snop;
	(pc) =	sbr.ind lr, $3  }
0x3a: {  	_ = 	snop  }
0x3b: {  	_ = 	snop  }
0x3c: {  	p2 =	seq.s32 s10, $0x1;
	s10 =	sld [smem:$0x3FAF]  }
0x3d: {  	_ =	shalt  }
0x3e: {  	_ =	shalt  }
0x3f: {  	_ =	shalt  }
0x40: {  	_ =	shalt  }
0x41: {  	_ =	shalt  }
0x42: {  	_ =	shalt  }
0x43: {  	_ =	shalt  }
0x44: {  	_ =	shalt  }
0x45: {  	_ =	shalt  }
0x46: {  	_ =	shalt  }
0x47: {  	_ =	shalt  }
0x48: {  	_ =	shalt  }
0x49: {  	_ =	shalt  }
0x4a: {  	_ =	shalt  }
0x4b: {  	_ =	shalt  }
0x4c: {  	_ =	shalt  }
0x4d: {  	_ =	shalt  }
0x4e: {  	_ =	shalt  }
0x4f: {  	_ =	shalt  }
0x50: {  	_ =	shalt  }
0x51: {  	_ =	shalt  }
0x52: {  	_ =	shalt  }
0x53: {  	_ =	shalt  }
0x54: {  	_ =	shalt  }
0x55: {  	_ =	shalt  }
0x56: {  	_ =	shalt  }
0x57: {  	_ =	shalt  }
0x58: {  	_ =	shalt  }
0x59: {  	_ =	shalt  }
0x5a: {  	_ =	shalt  }
0x5b: {  	_ =	shalt  }
0x5c: {  	_ =	shalt  }
0x5d: {  	_ =	shalt  }
0x5e: {  	_ =	shalt  }
0x5f: {  	_ =	shalt  }
0x60: {  	_ =	shalt  }
0x61: {  	_ =	shalt  }
0x62: {  	_ =	shalt  }
0x63: {  	_ =	shalt  }
0x64: {  	_ =	shalt  }
0x65: {  	_ =	shalt  }
0x66: {  	_ =	shalt  }
0x67: {  	_ =	shalt  }
0x68: {  	_ =	shalt  }
0x69: {  	_ =	shalt  }
0x6a: {  	_ =	shalt  }
0x6b: {  	_ =	shalt  }
0x6c: {  	_ =	shalt  }
0x6d: {  	_ =	shalt  }
0x6e: {  	_ =	shalt  }
0x6f: {  	_ =	shalt  }
0x70: {  	_ =	shalt  }
0x71: {  	_ =	shalt  }
0x72: {  	_ =	shalt  }
0x73: {  	_ =	shalt  }
0x74: {  	_ =	shalt  }
0x75: {  	_ =	shalt  }
0x76: {  	_ =	shalt  }
0x77: {  	_ =	shalt  }
0x78: {  	_ =	shalt  }
0x79: {  	_ =	shalt  }
0x7a: {  	_ =	shalt  }
0x7b: {  	_ =	shalt  }
0x7c: {  	_ =	shalt  }
0x7d: {  	_ =	shalt  }
0x7e: {  	_ =	shalt  }
0x7f: {  	_ =	shalt  }
0x80: {  	_ =	shalt  }
0x81: {  	_ =	shalt  }
0x82: {  	_ =	shalt  }
0x83: {  	_ =	shalt  }
0x84: {  	_ =	shalt  }
0x85: {  	_ =	shalt  }
0x86: {  	_ =	shalt  }
0x87: {  	_ =	shalt  }
.Lfunc_end0:
.L_simem_size_0:
called_computation.1_lowered:
.L_overlay_start_0:
0x88: {  	s2 =	sld [smem:$0x3FD9]  }
0x89: {  	s3 =	sld [smem:$0x3FFE];
	_ =	sdelay $0x1  }
0x8a: {  	s1 =	srdreg.scid  }
0x8b: {  	s0 =	sand.u32 $0x1, s1  }
0x8c: {  	s16 =	sshll.u32 s0, $0xA;
	s2 =	sadd.s32 s3, s2  }
0x8d: {  	s2 =	sadd.s32 s2, s16  }
0x8e: {  	[smem:$0x3FBB] =	sst s2  }
0x8f: {  	_ = 	snop  }
0x90: {  	(tm) =	ssettm $0x1  }
0x91: {  	s17 =	sld [smem:$0x3FFB];
	_ =	sdelay $0x3  }
0x92: {  	_ =	strace s17  }
0x93: {  	s2 =	sld [smem:$0x3FFC];
	_ =	sdelay $0x3  }
0x94: {  	_ =	strace s2  }
0x95: {  	s2 =	sld [smem:$0x3FFD];
	_ =	sdelay $0x3  }
0x96: {  	_ =	strace s2  }
0x97: {  	_ =	strace $0x8FFFFFFF  }
0x98: {  	s18 =	sld [smem:$0x3FDB];
	_ =	sdelay $0x1  }
0x99: {  	s19 =	simm.s32 $_scs_section_size  }
0x9a: {  	s4 =	simm.s32 $_size__tile_overlayer_lowered;
	s5 =	simm.s32 $_tile_overlayer_lowered  }
0x9b: {  	s22 =	simm.s32 $0x1BFF;
	s21 =	sshll.u32 s5, $0x1;
	s2 =	sadd.s32 s19, s18  }
0x9c: {  	s6 =	simm.s32 $0x0;
	s20 =	sshll.u32 s4, $0x1;
	s4 =	sadd.s32 s21, s2  }
0x9d: {  	[timem:s6], [sflag:s22] =	dma.local [hbm:s4], s20  }
0x9e: {  	_ =	swait.ge [sflag:s22], s20  }
0x9f: {  	s3 =	ssub.s32 $0x0, s20;
	[sflag:s22] =	ssyncset.done $0x0  }
0xa0: {  	[sflag:s22] =	ssyncadd.s32 s3;
	_ =	sdelay $0x1  }
0xa1: {  	s23 =	simm.s32 $0x1B8B  }
0xa2: {  	_ =	swait.ge [sflag:s23], $0x1  }
0xa3: {  	[sflag:s23] =	ssyncset.done $0x0  }
0xa4: {  	s25 =	simm.s32 $0x1B8E;
	s24 =	sld [smem:$0x3FFE];
	[sflag:s23] =	ssyncadd.s32 $0xFFFFFFFF  }
0xa5: {  	s26 =	simm.s32 $execute0_lowered;
	[smem:$0x3FD2] =	sst s25  }
0xa6: {  	s4 =	sshll.u32 s26, $0x1;
	_ =	strace $0x80000049;
	[dreg:$0x1] =	wrdreg $0xFFFFFFFF  }
0xa7: {  	s28 =	simm.s32 $_size_execute0_lowered;
	s2 =	sadd.s32 s2, s4;
	[dreg:$0x0] =	wrdreg $0x0  }
0xa8: {  	s4 =	sshll.u32 s28, $0x1;
	[dreg:$0x2] =	wrdreg s2  }
0xa9: {  	[dreg:$0x3] =	wrdreg s4  }
0xaa: {  	[dreg:$0x4] =	wrdreg $0xC0  }
0xab: {  	_ =	task [dreg:s6], $0x5FFFF  }
0xac: {  	[dreg:$0x1] =	wrdreg $0xFFFFFFFF  }
0xad: {  	[dreg:$0x0] =	wrdreg $0x60  }
0xae: {  	[dreg:$0x2] =	wrdreg s24  }
0xaf: {  	[dreg:$0x3] =	wrdreg $0x5A800  }
0xb0: {  	[dreg:$0x4] =	wrdreg $0x9  }
0xb1: {  	_ =	task.clear_ibuf [dreg:s6], $0x5FFFF;
	_ =	strace $0x90000049  }
0xb2: {  	s29 =	simm.s32 $0x9;
	_ =	strace $0x8000004B  }
0xb3: {  	_ =	swait.ge [sflag:s29], $0x1  }
0xb4: {  	[sflag:s29] =	ssyncadd.s32 $0xFFFFFFFF  }
0xb5: {  	_ =	strace $0x9000004B  }
0xb6: {  	_ =	sfence  }
0xb7: {  	s30 =	sld [smem:$0x0];
	_ =	sdelay $0x2  }
0xb8: {  	s31 =	sshll.u32 s1, $0xD;
	s1 =	sshrl.u32 s1, $0x2  }
0xb9: {  	s3 =	sand.u32 $0x4000, s31;
	s1 =	sadd.s32 s1, s30  }
0xba: {  	s0 =	sor.u32 s3, s0;
	s1 =	sshll.u32 s1, $0x11  }
0xbb: {  	s0 =	sor.u32 s1, s0  }
0xbc: {  	s0 =	sadd.s32 $0x8F2B, s0  }
0xbd: {  	[sflag:s0] =	ssyncadd.remote.s32 $0x1  }
0xbe: {  	_ =	sfence.sel $0xFFFF  }
0xbf: {  	[dreg:$0x0] =	wrdreg $0xFFFFFFFF;
	(pc) =	sbr.abs _section_cstart, $3  }
0xc0: {  	[dreg:$0x1] =	wrdreg $0xFFFFFFFF  }
0xc1: {  	_ =	task.clear_ibuf [dreg:s6], $0x2FFFF;
	_ =	strace $0x9FFFFFFF  }
0xc2: {  	(tm) =	ssettm $0x7FFFFFFF  }
0xc3: {  	_ =	shalt  }
tec
execute0_lowered:
.L_overlay_start_1:
0x0: {  	(tag) =	ssettag $0x1  }
0x1: {  	s0 =	rddreg [dreg:$0x0]  }
0x2: {  	s1 =	rddreg [dreg:$0x1];
	s13 =	stileid.u32  }
0x3: {  	s2 =	srdreg.scid;
	s5 =	smul.u32 $0x18800, s13  }
0x4: {  	s3 =	sand.u32 $0x1, s2;
	s9 =	sadd.s32 $0x250200, s0;
	s7 =	smul.u32 $0x1900, s13  }
0x5: {  	s2 =	simm.s32 $0x0;
	s10 =	sadd.s32 $0x11F0200, s0;
	s8 =	smul.u32 $0x32000, s13  }
0x6: {  	s12 =	sadd.s32 $0x1D200, s0;
	s15 =	sadd.s32 $0x188000, s1;
	s16 =	smul.u32 $0x62000, s13  }
0x7: {  	s11 =	smul.u32 $0xC8, s13;
	p1 =	sne.s32 s13, $0x0;
	s13 =	simm.s32 $0x100  }
0x8: {  	s4 =	smul.u32 $0x188000, s3;
	[smem:$0x7FF] =	sst s2;
	s6 =	ssub.s32 $0x2, s3  }
0x9: {  	p0 =	seq.s32 s3, $0x1;
	_ =	strace $0x8000004A;
	[dreg:$0x6] =	wrdreg s15  }
0xa: {  	s3 =	simm.s32 $0x4;
	s14 =	sshrl.u32 s6, $0x1;
	[dreg:$0x5] =	wrdreg s12  }
0xb: {  	s7 =	sadd.s32 s12, s7;
	[dreg:$0x3] =	wrdreg s9;
	s9 =	sadd.s32 s9, s8  }
0xc: {  	[dreg:$0x4] =	wrdreg s10;
	s10 =	sadd.s32 s10, s8;
	s17 =	sshrl.u32 s16, $0x2  }
0xd: {  	s18 =	sadd.s32 s5, s1;
	s15 =	simm.s32 $0x3;
	s16 =	simm.s32 $0x0  }
0xe: {  	s4 =	sadd.s32 s5, s4;
	s12 =	sadd.s32 s17, s1;
	s8 =	sadd.s32 $0x40, s7  }
0xf: {  	s5 =	simm.s32 $0x4200;
	s4 =	sshrl.u32 s4, $0x3;
	s20 =	sadd.s32 $0x1880, s12  }
0x10: {  	s21 =	sadd.s32 $0x3100, s12;
	s22 =	sadd.s32 $0x4980, s12;
	[dreg:$0x9] =	wrdreg s20  }
0x11: {  	s23 =	sadd.s32 $0x6200, s12;
	s24 =	sadd.s32 $0x7A80, s12;
	[dreg:$0xa] =	wrdreg s21  }
0x12: {  	s25 =	sadd.s32 $0x9300, s12;
	s26 =	sadd.s32 $0xAB80, s12;
	[dreg:$0xb] =	wrdreg s22  }
0x13: {  	s28 =	sadd.s32 $0x12600, s12;
	s29 =	sadd.s32 $0x13E80, s12;
	[dreg:$0xc] =	wrdreg s23  }
0x14: {  	s30 =	sadd.s32 $0x15700, s12;
	s31 =	sadd.s32 $0x16F80, s12;
	[dreg:$0xd] =	wrdreg s24  }
0x15: {  	s0 =	sadd.s32 s4, s0;
	s4 =	ssub.s32 s6, s14;
	[dreg:$0xe] =	wrdreg s25  }
0x16: {  	[dreg:$0xf] =	wrdreg s26;
	s21 =	sadd.s32 $0xC400, s12;
	s22 =	sadd.s32 $0xDC80, s12  }
.Ltmp0:
0x17: {  	s23 =	sadd.s32 $0xF500, s12;
	s24 =	sadd.s32 $0xC7, s11;
	(pc) =	sbr.rel .LBB2_1-.Ltmp0, $4  }
0x18: {  	s25 =	sshrl.u32 s18, $0x3;
	s26 =	sadd.s32 $0x10D80, s12;
	s20 =	smov.u32 s7  }
0x19: {  	s7 =	simm.s32 $0x200;
	s6 =	simm.s32 $0x1;
	s0 =	sadd.s32 $0x36200, s0  }
0x1a: {  	s11 =	simm.s32 $0x2;
	s19 =	smax.u32 s4, $0x1;
	[dreg:$0x7] =	wrdreg s0  }
0x1b: {  	v0 =	vimm.f32 $0.0e+00;
	s14 =	simm.s32 $0x2200;
	[dreg:$0x8] =	wrdreg s19;
	s0 =	sshll.u32 s24, $0xA  }
.LBB2_6:
0x1c: {  	[sflag:s15] =	ssyncadd.s32 $0xFFFFE000;
	s4 =	rddreg [dreg:$0x3]  }
.LBB2_10:
0x1d: {  	_ =	swait.ge [sflag:s6], $0x100  }
0x1e: {  	[sflag:s6] =	ssyncset.done $0x0  }
0x1f: {  	[sflag:s6] =	ssyncadd.s32 $0xFFFFFF00  }
0x20: {  	_ =	swait.ge [sflag:s11], $0x2000  }
0x21: {  	s17 =	sshll.u32 s24, $0x5;
	[sflag:s11] =	ssyncset.done $0x0;
	s18 =	rddreg [dreg:$0x5]  }
0x22: {  	s17 =	sadd.s32 s18, s17;
	[sflag:s11] =	ssyncadd.s32 $0xFFFFE000  }
0x23: {  	[tilespmem:s13], [sflag:$0x1] =	stream.linear.gather [hbm4b:s17+s2], $0x100, $0x38;
	[tilespmem:$0x1E2A0] =	vst v63  }
0x24: {  	s4 =	sadd.s32 s4, s0  }
0x25: {  	[tilespmem:s14], [sflag:$0x2] =	stream.linear.gather [hbm4b:s4+s2], $0x2000, $0x38;
	[tilespmem:$0x1E2A0] =	vst v63  }
0x26: {  	_ = 	snop  }
0x27: {  	[spmem:s1] =	stream.indirect.scatter.add.f32 [tilespmem:s7], [sflag:$0x3], $0x20, s2, s13, $0xb8;
	[tilespmem:$0x1E2A0] =	vst v63  }
0x28: {  	_ =	swait.ge [sflag:s15], $0x2000  }
0x29: {  	[sflag:s15] =	ssyncset.done $0x0  }
0x2a: {  	[sflag:s15] =	ssyncadd.s32 $0xFFFFE000  }
0x2b: {  	_ =	swait.ge [sflag:s6], $0x100  }
0x2c: {  	[sflag:s6] =	ssyncset.done $0x0  }
0x2d: {  	[sflag:s6] =	ssyncadd.s32 $0xFFFFFF00  }
0x2e: {  	_ =	swait.ge [sflag:s11], $0x2000  }
0x2f: {  	[sflag:s11] =	ssyncset.done $0x0  }
0x30: {  	[sflag:s11] =	ssyncadd.s32 $0xFFFFE000  }
0x31: {  	[spmem:s1] =	stream.indirect.scatter.add.f32 [tilespmem:s14], [sflag:$0x3], $0x20, s13, s13, $0xb8;
	[tilespmem:$0x1E2A0] =	vst v63  }
0x32: {  	_ =	swait.ge [sflag:s15], $0x2000  }
0x33: {  	[sflag:s15] =	ssyncset.done $0x0  }
0x34: {  	s17 =	stileid.u32;
	[sflag:s15] =	ssyncadd.s32 $0xFFFFE000  }
0x35: {  	s4 =	sshll.u32 s17, $0x6;
	[bflag:$0x0] =	sbarrier.arrive $0xFFFF  }
0x36: {  	s4 =	sor.u32 $0x1C04, s4;
	s18 =	rddreg [dreg:$0x7]  }
0x37: {  	[hbm:s18], [sflag:s4] =	dma.local [spmem:s25], $0x3100  }
0x38: {  	_ =	swait.ge [sflag:s3], $0x3100  }
0x39: {  	s16 =	sadd.s32 $0x1, s16;
	s19 =	rddreg [dreg:$0x8]  }
0x3a: {  	p2 =	sne.s32 s16, s19  }
.Ltmp1:
0x3b: {  	_ = 	snop;
	(pc) =	sbr.rel @!p2 .LBB2_11-.Ltmp1, $3  }
0x3c: {  	_ =	sdelay $0x1  }
0x3d: {  	[sflag:s3] =	ssyncset.done $0x0  }
0x3e: {  	[sflag:s3] =	ssyncadd.s32 $0xFFFFCF00  }
.LBB2_1:
0x3f: {  	s4 =	simm.s32 $0x80;
	s17 =	simm.s32 $0x0  }
.LBB2_2:
0x40: {  	p2 =	sne.s32 s4, $0x6180;
	[tilespmem:s17+$0x4200] =	vst v0;
	s18 =	smov.u32 s4;
	s4 =	sadd.s32 $0x80, s4  }
.Ltmp2:
0x41: {  	[tilespmem:s17+$0x4210] =	vst v0;
	(pc) =	sbr.rel @p2 .LBB2_2-.Ltmp2, $2  }
0x42: {  	_ =	sdelay $0x2  }
0x43: {  	s17 =	sshra.s32 s18, $0x2  }
0x44: {  	[tilespmem:s17+$0x4200] =	vst v0  }
0x45: {  	[tilespmem:s17+$0x4210] =	vst v0  }
0x46: {  	[spmem:s12] =	stream.linear.scatter [tilespmem:s5], [sflag:$0x4], $0x1880, $0x38;
	[tilespmem:$0x1E2A0] =	vst v63  }
0x47: {  	_ =	swait.ge [sflag:s3], $0x1880  }
0x48: {  	[sflag:s3] =	ssyncset.done $0x0  }
0x49: {  	s4 =	rddreg [dreg:$0x9];
	[sflag:s3] =	ssyncadd.s32 $0xFFFFE780  }
0x4a: {  	[spmem:s4] =	stream.linear.scatter [tilespmem:s5], [sflag:$0x4], $0x1880, $0x38;
	[tilespmem:$0x1E2A0] =	vst v63  }
0x4b: {  	_ =	swait.ge [sflag:s3], $0x1880  }
0x4c: {  	[sflag:s3] =	ssyncset.done $0x0  }
0x4d: {  	s17 =	rddreg [dreg:$0xa];
	[sflag:s3] =	ssyncadd.s32 $0xFFFFE780  }
0x4e: {  	[spmem:s17] =	stream.linear.scatter [tilespmem:s5], [sflag:$0x4], $0x1880, $0x38;
	[tilespmem:$0x1E2A0] =	vst v63  }
0x4f: {  	_ =	swait.ge [sflag:s3], $0x1880  }
0x50: {  	[sflag:s3] =	ssyncset.done $0x0  }
0x51: {  	s18 =	rddreg [dreg:$0xb];
	[sflag:s3] =	ssyncadd.s32 $0xFFFFE780  }
0x52: {  	[spmem:s18] =	stream.linear.scatter [tilespmem:s5], [sflag:$0x4], $0x1880, $0x38;
	[tilespmem:$0x1E2A0] =	vst v63  }
0x53: {  	_ =	swait.ge [sflag:s3], $0x1880  }
0x54: {  	[sflag:s3] =	ssyncset.done $0x0  }
0x55: {  	s19 =	rddreg [dreg:$0xc];
	[sflag:s3] =	ssyncadd.s32 $0xFFFFE780  }
0x56: {  	[spmem:s19] =	stream.linear.scatter [tilespmem:s5], [sflag:$0x4], $0x1880, $0x38;
	[tilespmem:$0x1E2A0] =	vst v63  }
0x57: {  	_ =	swait.ge [sflag:s3], $0x1880  }
0x58: {  	[sflag:s3] =	ssyncset.done $0x0  }
0x59: {  	s17 =	rddreg [dreg:$0xd];
	[sflag:s3] =	ssyncadd.s32 $0xFFFFE780  }
0x5a: {  	[spmem:s17] =	stream.linear.scatter [tilespmem:s5], [sflag:$0x4], $0x1880, $0x38;
	[tilespmem:$0x1E2A0] =	vst v63  }
0x5b: {  	_ =	swait.ge [sflag:s3], $0x1880  }
0x5c: {  	[sflag:s3] =	ssyncset.done $0x0  }
0x5d: {  	s18 =	rddreg [dreg:$0xe];
	[sflag:s3] =	ssyncadd.s32 $0xFFFFE780  }
0x5e: {  	[spmem:s18] =	stream.linear.scatter [tilespmem:s5], [sflag:$0x4], $0x1880, $0x38;
	[tilespmem:$0x1E2A0] =	vst v63  }
0x5f: {  	_ =	swait.ge [sflag:s3], $0x1880  }
0x60: {  	[sflag:s3] =	ssyncset.done $0x0  }
0x61: {  	s19 =	rddreg [dreg:$0xf];
	[sflag:s3] =	ssyncadd.s32 $0xFFFFE780  }
0x62: {  	[spmem:s19] =	stream.linear.scatter [tilespmem:s5], [sflag:$0x4], $0x1880, $0x38;
	[tilespmem:$0x1E2A0] =	vst v63  }
0x63: {  	_ =	swait.ge [sflag:s3], $0x1880  }
0x64: {  	[sflag:s3] =	ssyncset.done $0x0  }
0x65: {  	[sflag:s3] =	ssyncadd.s32 $0xFFFFE780  }
0x66: {  	[spmem:s21] =	stream.linear.scatter [tilespmem:s5], [sflag:$0x4], $0x1880, $0x38;
	[tilespmem:$0x1E2A0] =	vst v63  }
0x67: {  	_ =	swait.ge [sflag:s3], $0x1880  }
0x68: {  	[sflag:s3] =	ssyncset.done $0x0  }
0x69: {  	[sflag:s3] =	ssyncadd.s32 $0xFFFFE780  }
0x6a: {  	[spmem:s22] =	stream.linear.scatter [tilespmem:s5], [sflag:$0x4], $0x1880, $0x38;
	[tilespmem:$0x1E2A0] =	vst v63  }
0x6b: {  	_ =	swait.ge [sflag:s3], $0x1880  }
0x6c: {  	[sflag:s3] =	ssyncset.done $0x0  }
0x6d: {  	[sflag:s3] =	ssyncadd.s32 $0xFFFFE780  }
0x6e: {  	[spmem:s23] =	stream.linear.scatter [tilespmem:s5], [sflag:$0x4], $0x1880, $0x38;
	[tilespmem:$0x1E2A0] =	vst v63  }
0x6f: {  	_ =	swait.ge [sflag:s3], $0x1880  }
0x70: {  	[sflag:s3] =	ssyncset.done $0x0  }
0x71: {  	[sflag:s3] =	ssyncadd.s32 $0xFFFFE780  }
0x72: {  	[spmem:s26] =	stream.linear.scatter [tilespmem:s5], [sflag:$0x4], $0x1880, $0x38;
	[tilespmem:$0x1E2A0] =	vst v63  }
0x73: {  	_ =	swait.ge [sflag:s3], $0x1880  }
0x74: {  	[sflag:s3] =	ssyncset.done $0x0  }
0x75: {  	[sflag:s3] =	ssyncadd.s32 $0xFFFFE780  }
0x76: {  	[spmem:s28] =	stream.linear.scatter [tilespmem:s5], [sflag:$0x4], $0x1880, $0x38;
	[tilespmem:$0x1E2A0] =	vst v63  }
0x77: {  	_ =	swait.ge [sflag:s3], $0x1880  }
0x78: {  	[sflag:s3] =	ssyncset.done $0x0  }
0x79: {  	[sflag:s3] =	ssyncadd.s32 $0xFFFFE780  }
0x7a: {  	[spmem:s29] =	stream.linear.scatter [tilespmem:s5], [sflag:$0x4], $0x1880, $0x38;
	[tilespmem:$0x1E2A0] =	vst v63  }
0x7b: {  	_ =	swait.ge [sflag:s3], $0x1880  }
0x7c: {  	[sflag:s3] =	ssyncset.done $0x0  }
0x7d: {  	[sflag:s3] =	ssyncadd.s32 $0xFFFFE780  }
0x7e: {  	[spmem:s30] =	stream.linear.scatter [tilespmem:s5], [sflag:$0x4], $0x1880, $0x38;
	[tilespmem:$0x1E2A0] =	vst v63  }
0x7f: {  	_ =	swait.ge [sflag:s3], $0x1880  }
0x80: {  	[sflag:s3] =	ssyncset.done $0x0  }
0x81: {  	[sflag:s3] =	ssyncadd.s32 $0xFFFFE780  }
0x82: {  	[spmem:s31] =	stream.linear.scatter [tilespmem:s5], [sflag:$0x4], $0x1880, $0x38;
	[tilespmem:$0x1E2A0] =	vst v63  }
0x83: {  	_ =	swait.ge [sflag:s3], $0x1880  }
0x84: {  	[sflag:s3] =	ssyncset.done $0x0  }
0x85: {  	s4 =	simm.s32 @!p1 $0x4200;
	s17 =	rddreg [dreg:$0x6];
	[sflag:s3] =	ssyncadd.s32 $0xFFFFE780  }
0x86: {  	[spmem:s17] =	stream.linear.scatter @!p1 [tilespmem:s4], [sflag:$0x4], $0x200, $0x38;
	[tilespmem:$0x1E2A0] =	vst v63  }
0x87: {  	s4 =	simm.s32 @!p1 $0x4  }
.Ltmp3:
0x88: {  	_ =	swait.ge @!p1 [sflag:s4], $0x200;
	(pc) =	sbr.rel @!p0 .LBB2_4-.Ltmp3, $4  }
0x89: {  	[sflag:s4] =	ssyncset.done @!p1 $0x0  }
0x8a: {  	[sflag:s4] =	ssyncadd.s32 @!p1 $0xFFFFFE00  }
0x8b: {  	s4 =	simm.s32 $0x0;
	[bflag:$0x0] =	sbarrier.arrive $0xFFFF  }
0x8c: {  	[tilespmem:s2], [sflag:$0x1] =	stream.linear.gather [hbm4b:s20+s2], $0x100, $0x38;
	[tilespmem:$0x1E2A0] =	vst v63  }
0x8d: {  	[tilespmem:s7], [sflag:$0x2] =	stream.linear.gather [hbm4b:s10+s4], $0x2000, $0x38;
	[tilespmem:$0x1E2A0] =	vst v63  }
0x8e: {  	_ =	swait.ge [sflag:s6], $0x100  }
0x8f: {  	[sflag:s6] =	ssyncset.done $0x0  }
0x90: {  	[sflag:s6] =	ssyncadd.s32 $0xFFFFFF00  }
0x91: {  	_ =	swait.ge [sflag:s11], $0x2000  }
0x92: {  	[sflag:s11] =	ssyncset.done $0x0  }
0x93: {  	s19 =	sadd.s32 $0xFFFFFFE0, s8;
	s17 =	sadd.s32 $0x0, s10;
	[sflag:s11] =	ssyncadd.s32 $0xFFFFE000  }
0x94: {  	[tilespmem:s13], [sflag:$0x1] =	stream.linear.gather [hbm4b:s19+s2], $0x100, $0x38;
	[tilespmem:$0x1E2A0] =	vst v63  }
0x95: {  	s18 =	sadd.s32 $0x400, s17  }
0x96: {  	[tilespmem:s14], [sflag:$0x2] =	stream.linear.gather [hbm4b:s18+s2], $0x2000, $0x38;
	[tilespmem:$0x1E2A0] =	vst v63  }
0x97: {  	_ = 	snop  }
0x98: {  	[spmem:s1] =	stream.indirect.scatter.add.f32 [tilespmem:s7], [sflag:$0x3], $0x20, s2, s13, $0xb8;
	[tilespmem:$0x1E2A0] =	vst v63  }
0x99: {  	_ =	swait.ge [sflag:s15], $0x2000  }
0x9a: {  	[sflag:s15] =	ssyncset.done $0x0  }
0x9b: {  	[sflag:s15] =	ssyncadd.s32 $0xFFFFE000  }
0x9c: {  	_ =	swait.ge [sflag:s6], $0x100  }
0x9d: {  	[sflag:s6] =	ssyncset.done $0x0  }
0x9e: {  	[sflag:s6] =	ssyncadd.s32 $0xFFFFFF00  }
0x9f: {  	_ =	swait.ge [sflag:s11], $0x2000  }
0xa0: {  	[sflag:s11] =	ssyncset.done $0x0  }
0xa1: {  	[sflag:s11] =	ssyncadd.s32 $0xFFFFE000  }
0xa2: {  	[tilespmem:s2], [sflag:$0x1] =	stream.linear.gather [hbm4b:s8+s2], $0x100, $0x38;
	[tilespmem:$0x1E2A0] =	vst v63  }
0xa3: {  	s19 =	sadd.s32 $0x800, s17  }
0xa4: {  	[tilespmem:s7], [sflag:$0x2] =	stream.linear.gather [hbm4b:s19+s2], $0x2000, $0x38;
	[tilespmem:$0x1E2A0] =	vst v63  }
0xa5: {  	_ = 	snop  }
0xa6: {  	[spmem:s1] =	stream.indirect.scatter.add.f32 [tilespmem:s14], [sflag:$0x3], $0x20, s13, s13, $0xb8;
	[tilespmem:$0x1E2A0] =	vst v63  }
0xa7: {  	_ =	swait.ge [sflag:s15], $0x2000  }
0xa8: {  	s4 =	smov.u32 s8;
	s17 =	simm.s32 $0x800;
	[sflag:s15] =	ssyncset.done $0x0  }
.LBB2_8:
0xa9: {  	p2 =	sne.s32 s17, $0x31000;
	[sflag:s15] =	ssyncadd.s32 $0xFFFFE000;
	s4 =	sadd.s32 $0x40, s4  }
0xaa: {  	s18 =	smov.u32 s17;
	s17 =	sadd.s32 $0x800, s17  }
0xab: {  	_ =	swait.ge [sflag:s6], $0x100  }
0xac: {  	[sflag:s6] =	ssyncset.done $0x0  }
0xad: {  	[sflag:s6] =	ssyncadd.s32 $0xFFFFFF00  }
0xae: {  	_ =	swait.ge [sflag:s11], $0x2000  }
0xaf: {  	[sflag:s11] =	ssyncset.done $0x0  }
0xb0: {  	s19 =	sadd.s32 $0xFFFFFFE0, s4;
	s18 =	sadd.s32 s18, s10;
	[sflag:s11] =	ssyncadd.s32 $0xFFFFE000  }
0xb1: {  	[tilespmem:s13], [sflag:$0x1] =	stream.linear.gather [hbm4b:s19+s2], $0x100, $0x38;
	[tilespmem:$0x1E2A0] =	vst v63  }
0xb2: {  	s19 =	sadd.s32 $0x400, s18  }
0xb3: {  	[tilespmem:s14], [sflag:$0x2] =	stream.linear.gather [hbm4b:s19+s2], $0x2000, $0x38;
	[tilespmem:$0x1E2A0] =	vst v63  }
0xb4: {  	_ = 	snop  }
0xb5: {  	[spmem:s1] =	stream.indirect.scatter.add.f32 [tilespmem:s7], [sflag:$0x3], $0x20, s2, s13, $0xb8;
	[tilespmem:$0x1E2A0] =	vst v63  }
0xb6: {  	_ =	swait.ge [sflag:s15], $0x2000  }
0xb7: {  	[sflag:s15] =	ssyncset.done $0x0  }
0xb8: {  	[sflag:s15] =	ssyncadd.s32 $0xFFFFE000  }
0xb9: {  	_ =	swait.ge [sflag:s6], $0x100  }
0xba: {  	[sflag:s6] =	ssyncset.done $0x0  }
0xbb: {  	[sflag:s6] =	ssyncadd.s32 $0xFFFFFF00  }
0xbc: {  	_ =	swait.ge [sflag:s11], $0x2000  }
0xbd: {  	[sflag:s11] =	ssyncset.done $0x0  }
0xbe: {  	[sflag:s11] =	ssyncadd.s32 $0xFFFFE000  }
0xbf: {  	[tilespmem:s2], [sflag:$0x1] =	stream.linear.gather [hbm4b:s4+s2], $0x100, $0x38;
	[tilespmem:$0x1E2A0] =	vst v63  }
0xc0: {  	s18 =	sadd.s32 $0x800, s18  }
0xc1: {  	[tilespmem:s7], [sflag:$0x2] =	stream.linear.gather [hbm4b:s18+s2], $0x2000, $0x38;
	[tilespmem:$0x1E2A0] =	vst v63  }
.Ltmp4:
0xc2: {  	_ = 	snop;
	(pc) =	sbr.rel @p2 .LBB2_8-.Ltmp4, $4  }
0xc3: {  	_ = 	snop  }
0xc4: {  	[spmem:s1] =	stream.indirect.scatter.add.f32 [tilespmem:s14], [sflag:$0x3], $0x20, s13, s13, $0xb8;
	[tilespmem:$0x1E2A0] =	vst v63  }
0xc5: {  	_ =	swait.ge [sflag:s15], $0x2000  }
0xc6: {  	[sflag:s15] =	ssyncset.done $0x0  }
.Ltmp5:
0xc7: {  	(pc) =	sbr.rel .LBB2_10-.Ltmp5, $2  }
0xc8: {  	_ =	sdelay $0x2  }
0xc9: {  	[sflag:s15] =	ssyncadd.s32 $0xFFFFE000;
	s4 =	rddreg [dreg:$0x4]  }
.LBB2_4:
0xca: {  	[tilespmem:s7], [sflag:$0x2] =	stream.linear.gather [hbm4b:s9+s4], $0x2000, $0x38;
	[tilespmem:$0x1E2A0] =	vst v63  }
0xcb: {  	_ =	swait.ge [sflag:s6], $0x100  }
0xcc: {  	[sflag:s6] =	ssyncset.done $0x0  }
0xcd: {  	[sflag:s6] =	ssyncadd.s32 $0xFFFFFF00  }
0xce: {  	_ =	swait.ge [sflag:s11], $0x2000  }
0xcf: {  	[sflag:s11] =	ssyncset.done $0x0  }
0xd0: {  	s19 =	sadd.s32 $0xFFFFFFE0, s8;
	s17 =	sadd.s32 $0x0, s9;
	[sflag:s11] =	ssyncadd.s32 $0xFFFFE000  }
0xd1: {  	[tilespmem:s13], [sflag:$0x1] =	stream.linear.gather [hbm4b:s19+s2], $0x100, $0x38;
	[tilespmem:$0x1E2A0] =	vst v63  }
0xd2: {  	s18 =	sadd.s32 $0x400, s17  }
0xd3: {  	[tilespmem:s14], [sflag:$0x2] =	stream.linear.gather [hbm4b:s18+s2], $0x2000, $0x38;
	[tilespmem:$0x1E2A0] =	vst v63  }
0xd4: {  	_ = 	snop  }
0xd5: {  	[spmem:s1] =	stream.indirect.scatter.add.f32 [tilespmem:s7], [sflag:$0x3], $0x20, s2, s13, $0xb8;
	[tilespmem:$0x1E2A0] =	vst v63  }
0xd6: {  	_ =	swait.ge [sflag:s15], $0x2000  }
0xd7: {  	[sflag:s15] =	ssyncset.done $0x0  }
0xd8: {  	[sflag:s15] =	ssyncadd.s32 $0xFFFFE000  }
0xd9: {  	_ =	swait.ge [sflag:s6], $0x100  }
0xda: {  	[sflag:s6] =	ssyncset.done $0x0  }
0xdb: {  	[sflag:s6] =	ssyncadd.s32 $0xFFFFFF00  }
0xdc: {  	_ =	swait.ge [sflag:s11], $0x2000  }
0xdd: {  	[sflag:s11] =	ssyncset.done $0x0  }
0xde: {  	[sflag:s11] =	ssyncadd.s32 $0xFFFFE000  }
0xdf: {  	[tilespmem:s2], [sflag:$0x1] =	stream.linear.gather [hbm4b:s8+s2], $0x100, $0x38;
	[tilespmem:$0x1E2A0] =	vst v63  }
0xe0: {  	s19 =	sadd.s32 $0x800, s17  }
0xe1: {  	[tilespmem:s7], [sflag:$0x2] =	stream.linear.gather [hbm4b:s19+s2], $0x2000, $0x38;
	[tilespmem:$0x1E2A0] =	vst v63  }
0xe2: {  	_ = 	snop  }
0xe3: {  	[spmem:s1] =	stream.indirect.scatter.add.f32 [tilespmem:s14], [sflag:$0x3], $0x20, s13, s13, $0xb8;
	[tilespmem:$0x1E2A0] =	vst v63  }
0xe4: {  	_ =	swait.ge [sflag:s15], $0x2000  }
0xe5: {  	s4 =	smov.u32 s8;
	s17 =	simm.s32 $0x800;
	[sflag:s15] =	ssyncset.done $0x0  }
.LBB2_5:
0xe6: {  	p2 =	seq.s32 s17, $0x31000;
	[sflag:s15] =	ssyncadd.s32 $0xFFFFE000;
	s4 =	sadd.s32 $0x40, s4  }
0xe7: {  	s18 =	smov.u32 s17;
	s17 =	sadd.s32 $0x800, s17  }
0xe8: {  	_ =	swait.ge [sflag:s6], $0x100  }
0xe9: {  	[sflag:s6] =	ssyncset.done $0x0  }
0xea: {  	[sflag:s6] =	ssyncadd.s32 $0xFFFFFF00  }
0xeb: {  	_ =	swait.ge [sflag:s11], $0x2000  }
0xec: {  	[sflag:s11] =	ssyncset.done $0x0  }
0xed: {  	s19 =	sadd.s32 $0xFFFFFFE0, s4;
	s18 =	sadd.s32 s18, s9;
	[sflag:s11] =	ssyncadd.s32 $0xFFFFE000  }
0xee: {  	[tilespmem:s13], [sflag:$0x1] =	stream.linear.gather [hbm4b:s19+s2], $0x100, $0x38;
	[tilespmem:$0x1E2A0] =	vst v63  }
0xef: {  	s19 =	sadd.s32 $0x400, s18  }
0xf0: {  	[tilespmem:s14], [sflag:$0x2] =	stream.linear.gather [hbm4b:s19+s2], $0x2000, $0x38;
	[tilespmem:$0x1E2A0] =	vst v63  }
0xf1: {  	_ = 	snop  }
0xf2: {  	[spmem:s1] =	stream.indirect.scatter.add.f32 [tilespmem:s7], [sflag:$0x3], $0x20, s2, s13, $0xb8;
	[tilespmem:$0x1E2A0] =	vst v63  }
0xf3: {  	_ =	swait.ge [sflag:s15], $0x2000  }
0xf4: {  	[sflag:s15] =	ssyncset.done $0x0  }
0xf5: {  	[sflag:s15] =	ssyncadd.s32 $0xFFFFE000  }
0xf6: {  	_ =	swait.ge [sflag:s6], $0x100  }
0xf7: {  	[sflag:s6] =	ssyncset.done $0x0  }
0xf8: {  	[sflag:s6] =	ssyncadd.s32 $0xFFFFFF00  }
0xf9: {  	_ =	swait.ge [sflag:s11], $0x2000  }
0xfa: {  	[sflag:s11] =	ssyncset.done $0x0  }
0xfb: {  	[sflag:s11] =	ssyncadd.s32 $0xFFFFE000  }
0xfc: {  	[tilespmem:s2], [sflag:$0x1] =	stream.linear.gather [hbm4b:s4+s2], $0x100, $0x38;
	[tilespmem:$0x1E2A0] =	vst v63  }
0xfd: {  	s18 =	sadd.s32 $0x800, s18  }
0xfe: {  	[tilespmem:s7], [sflag:$0x2] =	stream.linear.gather [hbm4b:s18+s2], $0x2000, $0x38;
	[tilespmem:$0x1E2A0] =	vst v63  }
.Ltmp6:
0xff: {  	_ = 	snop;
	(pc) =	sbr.rel @!p2 .LBB2_5-.Ltmp6, $4  }
0x100: {  	_ = 	snop  }
0x101: {  	[spmem:s1] =	stream.indirect.scatter.add.f32 [tilespmem:s14], [sflag:$0x3], $0x20, s13, s13, $0xb8;
	[tilespmem:$0x1E2A0] =	vst v63  }
0x102: {  	_ =	swait.ge [sflag:s15], $0x2000  }
0x103: {  	[sflag:s15] =	ssyncset.done $0x0  }
.Ltmp7:
0x104: {  	_ = 	snop;
	(pc) =	sbr.rel .LBB2_6-.Ltmp7, $1  }
0x105: {  	_ =	sdelay $0x3  }
.LBB2_11:
0x106: {  	_ =	sfence.sel $0x180000  }
0x107: {  	[bflag:$0x0] =	sbarrier.arrive $0xFFFF  }
0x108: {  	_ =	strace $0x9000004A  }
0x109: {  	[bflag:$0x2] =	sbarrier.arrive $0xFFFF  }
0x10a: {  	s0 =	rddreg [dreg:$0x2]  }
0x10b: {  	s0 =	sadd.s32 @!p1 $0x100000, s0  }
0x10c: {  	[sflag:s0] =	ssyncadd.tile.s32 @!p1 $0x1;
	_ =	shalt  }
.Lfunc_end2:
_tile_overlayer_lowered:
.L_overlay_start_2:
0x10d: {  	(tag) =	ssettag $0x2  }
0x10e: {  	s0 =	rddreg [dreg:$0x0];
	s2 =	stileid.u32  }
0x10f: {  	s1 =	rddreg [dreg:$0x1];
	p0 =	sne.s32 s2, $0x0  }
0x110: {  	s3 =	rddreg [dreg:$0x2];
	[bflag:$0x3] =	sbarrier.arrive $0xFFFF;
	s2 =	simm.s32 @!p0 $0x1C04  }
0x111: {  	[timem:s3], [sflag:s2] =	dma.local @!p0 [hbm:s0], s1  }
0x112: {  	s0 =	simm.s32 @!p0 $0x4  }
0x113: {  	_ =	swait.ge @!p0 [sflag:s0], s1  }
0x114: {  	s1 =	ssub.s32 @!p0 $0x0, s1;
	[sflag:s0] =	ssyncset.done @!p0 $0x0  }
0x115: {  	[sflag:s0] =	ssyncadd.s32 @!p0 s1  }
0x116: {  	[bflag:$0x3] =	sbarrier.arrive $0xFFFF  }
0x117: {  	_ =	shalt  }

// kernel: kernel.17.cloned.1.call-start
scs
__scs_entry_jumppad:
0x0: {  	(pc) =	sbr.rel $0x88, $3  }
0x1: {  	(tag) =	ssettag $0x0;
	lr =	simm.s32 $0x1  }
0x2: {  	[smem:$0x3F94] =	sst lr;
	_ =	strace $0xD0000000  }
0x3: {  	_ = 	snop  }
0x4: {  	_ = 	snop  }
0x5: {  	_ = 	snop  }
0x6: {  	_ = 	snop  }
0x7: {  	_ = 	snop  }
__scs_overlays_trampoline_lowered:
0x8: {  	[smem:$0x3FA3] =	sst s0  }
0x9: {  	[smem:$0x3FA4] =	sst s1  }
0xa: {  	[smem:$0x3FA5] =	sst s2  }
0xb: {  	[smem:$0x3FA6] =	sst s3  }
0xc: {  	[smem:$0x3FA7] =	sst s4  }
0xd: {  	[smem:$0x3FA8] =	sst s5  }
0xe: {  	[smem:$0x3FA9] =	sst s6  }
0xf: {  	[smem:$0x3FAA] =	sst s7  }
0x10: {  	[smem:$0x3FAB] =	sst s8  }
0x11: {  	[smem:$0x3FAC] =	sst s9;
	s0 =	simm.s32 @!p0 $0x0  }
0x12: {  	s1 =	sld [smem:$0x3F92];
	s0 =	simm.s32 @p0 $0x1  }
0x13: {  	[smem:$0x3FAD] =	sst s0;
	s0 =	simm.s32 @!p1 $0x0  }
0x14: {  	s2 =	sld [smem:$0x3F91];
	s0 =	simm.s32 @p1 $0x1  }
0x15: {  	[smem:$0x3FAE] =	sst s0;
	s0 =	simm.s32 @!p2 $0x0  }
0x16: {  	s3 =	sld [smem:$0x3FDB];
	s0 =	simm.s32 @p2 $0x1  }
0x17: {  	s4 =	simm.s32 $0x1BF5;
	[smem:$0x3FB0] =	sst s0  }
0x18: {  	s0 =	sld [smem:$0x3F93];
	_ =	swait.ge [sflag:s4], $0x0  }
0x19: {  	s7 =	sld [smem:$0x3F94]  }
0x1a: {  	s8 =	sadd.s32 $0xFFFFE003, lr  }
0x1b: {  	s9 =	sadd.s32 $0xFFFFFEF7, lr;
	s5 =	simm.s32 $0xFFFFFFFF;
	p2 =	slt.u32 s8, $0xFFFFF086  }
0x1c: {  	p1 =	slt.u32 s9, $0xF7A;
	s5 =	simm.s32 @!p2 $0x0  }
0x1d: {  	s5 =	simm.s32 @p1 $0x1;
	p0 =	seq.s32 s7, s2  }
0x1e: {  	s7 =	smul.u32 @!p0 $0xF7A, s2;
	p2 =	seq.s32 @!p0 s5, $0x0  }
0x1f: {  	s9 =	smul.u32 $0xF7A, s1;
	s8 =	simm.s32 @!p0 $0x1BF5;
	p2 =	por !p2, p0  }
0x20: {  	[sflag:s8] =	ssyncset.s32 @!p0 $0xFFFFF086;
	s6 =	sadd.s32 @!p0 s3, s7;
	s7 =	simm.s32 @!p0 $0x108  }
0x21: {  	s3 =	sadd.s32 s3, s9;
	s6 =	sadd.s32 @!p0 $0x88, s6;
	s7 =	simm.s32 @p2 $0x1082  }
0x22: {  	[simem:s7], [sflag:s8] =	dma.local @!p0 [hbm:s6], $0xF7A  }
0x23: {  	s9 =	sor.u32 $0xD0000000, s2;
	s6 =	simm.s32 $0x108;
	_ =	swait.ge @!p0 [sflag:s8], $0x0  }
0x24: {  	s3 =	sadd.s32 $0x88, s3;
	s6 =	simm.s32 @!p1 $0x1082;
	[sflag:s4] =	ssyncset.s32 $0xFFFFF086  }
0x25: {  	[simem:s6], [sflag:s4] =	dma.local [hbm:s3], $0xF7A  }
0x26: {  	[smem:$0x3F94] =	sst s1;
	(tag) =	ssettag s2;
	_ =	strace s9  }
0x27: {  	s1 =	sld [smem:$0x3FA4]  }
0x28: {  	s2 =	sld [smem:$0x3FA5]  }
0x29: {  	s4 =	sld [smem:$0x3FA7]  }
0x2a: {  	p0 =	seq.s32 s5, $0x0;
	s5 =	sld [smem:$0x3FA8]  }
0x2b: {  	s6 =	sld [smem:$0x3FA9]  }
0x2c: {  	s7 =	sld [smem:$0x3FAA]  }
0x2d: {  	s3 =	simm.s32 $0x108;
	s8 =	sld [smem:$0x3FAB]  }
0x2e: {  	s3 =	simm.s32 @!p0 $0x1082;
	s9 =	sld [smem:$0x3FAC]  }
0x2f: {  	lr =	sadd.s32 s0, s3;
	s0 =	sld [smem:$0x3FA3]  }
0x30: {  	s3 =	sld [smem:$0x3FA6]  }
0x31: {  	[smem:$0x3FAF] =	sst s10  }
0x32: {  	s10 =	sld [smem:$0x3FAD];
	_ =	sdelay $0x3  }
0x33: {  	p0 =	seq.s32 s10, $0x1;
	s10 =	sld [smem:$0x3FAF];
	_ =	sdelay $0x3  }
0x34: {  	[smem:$0x3FAF] =	sst s10  }
0x35: {  	s10 =	sld [smem:$0x3FAE];
	_ =	sdelay $0x3  }
0x36: {  	p1 =	seq.s32 s10, $0x1;
	s10 =	sld [smem:$0x3FAF];
	_ =	sdelay $0x3  }
0x37: {  	[smem:$0x3FAF] =	sst s10  }
0x38: {  	s10 =	sld [smem:$0x3FB0]  }
0x39: {  	_ = 	snop;
	(pc) =	sbr.ind lr, $3  }
0x3a: {  	_ = 	snop  }
0x3b: {  	_ = 	snop  }
0x3c: {  	p2 =	seq.s32 s10, $0x1;
	s10 =	sld [smem:$0x3FAF]  }
0x3d: {  	_ =	shalt  }
0x3e: {  	_ =	shalt  }
0x3f: {  	_ =	shalt  }
0x40: {  	_ =	shalt  }
0x41: {  	_ =	shalt  }
0x42: {  	_ =	shalt  }
0x43: {  	_ =	shalt  }
0x44: {  	_ =	shalt  }
0x45: {  	_ =	shalt  }
0x46: {  	_ =	shalt  }
0x47: {  	_ =	shalt  }
0x48: {  	_ =	shalt  }
0x49: {  	_ =	shalt  }
0x4a: {  	_ =	shalt  }
0x4b: {  	_ =	shalt  }
0x4c: {  	_ =	shalt  }
0x4d: {  	_ =	shalt  }
0x4e: {  	_ =	shalt  }
0x4f: {  	_ =	shalt  }
0x50: {  	_ =	shalt  }
0x51: {  	_ =	shalt  }
0x52: {  	_ =	shalt  }
0x53: {  	_ =	shalt  }
0x54: {  	_ =	shalt  }
0x55: {  	_ =	shalt  }
0x56: {  	_ =	shalt  }
0x57: {  	_ =	shalt  }
0x58: {  	_ =	shalt  }
0x59: {  	_ =	shalt  }
0x5a: {  	_ =	shalt  }
0x5b: {  	_ =	shalt  }
0x5c: {  	_ =	shalt  }
0x5d: {  	_ =	shalt  }
0x5e: {  	_ =	shalt  }
0x5f: {  	_ =	shalt  }
0x60: {  	_ =	shalt  }
0x61: {  	_ =	shalt  }
0x62: {  	_ =	shalt  }
0x63: {  	_ =	shalt  }
0x64: {  	_ =	shalt  }
0x65: {  	_ =	shalt  }
0x66: {  	_ =	shalt  }
0x67: {  	_ =	shalt  }
0x68: {  	_ =	shalt  }
0x69: {  	_ =	shalt  }
0x6a: {  	_ =	shalt  }
0x6b: {  	_ =	shalt  }
0x6c: {  	_ =	shalt  }
0x6d: {  	_ =	shalt  }
0x6e: {  	_ =	shalt  }
0x6f: {  	_ =	shalt  }
0x70: {  	_ =	shalt  }
0x71: {  	_ =	shalt  }
0x72: {  	_ =	shalt  }
0x73: {  	_ =	shalt  }
0x74: {  	_ =	shalt  }
0x75: {  	_ =	shalt  }
0x76: {  	_ =	shalt  }
0x77: {  	_ =	shalt  }
0x78: {  	_ =	shalt  }
0x79: {  	_ =	shalt  }
0x7a: {  	_ =	shalt  }
0x7b: {  	_ =	shalt  }
0x7c: {  	_ =	shalt  }
0x7d: {  	_ =	shalt  }
0x7e: {  	_ =	shalt  }
0x7f: {  	_ =	shalt  }
0x80: {  	_ =	shalt  }
0x81: {  	_ =	shalt  }
0x82: {  	_ =	shalt  }
0x83: {  	_ =	shalt  }
0x84: {  	_ =	shalt  }
0x85: {  	_ =	shalt  }
0x86: {  	_ =	shalt  }
0x87: {  	_ =	shalt  }
.Lfunc_end0:
.L_simem_size_0:
called_computation.2_lowered:
.L_overlay_start_0:
0x88: {  	s2 =	sld [smem:$0x3FD9]  }
0x89: {  	s3 =	sld [smem:$0x3FFE];
	_ =	sdelay $0x1  }
0x8a: {  	s1 =	srdreg.scid  }
0x8b: {  	s0 =	sand.u32 $0x1, s1  }
0x8c: {  	s17 =	sshll.u32 s0, $0xA;
	s2 =	sadd.s32 s3, s2  }
0x8d: {  	s2 =	sadd.s32 s2, s17  }
0x8e: {  	[smem:$0x3FBB] =	sst s2  }
0x8f: {  	_ = 	snop  }
0x90: {  	s2 =	sld [smem:$0x3FD0];
	(tm) =	ssettm $0x1  }
0x91: {  	s18 =	sld [smem:$0x3FFB];
	_ =	sdelay $0x3  }
0x92: {  	_ =	strace s18  }
0x93: {  	s3 =	sld [smem:$0x3FFC];
	_ =	sdelay $0x3  }
0x94: {  	_ =	strace s3  }
0x95: {  	s3 =	sld [smem:$0x3FFD];
	_ =	sdelay $0x3  }
0x96: {  	_ =	strace s3  }
0x97: {  	_ =	strace $0x8FFFFFFF  }
0x98: {  	s19 =	sld [smem:$0x3FDB];
	_ =	sdelay $0x1  }
0x99: {  	s4 =	simm.s32 $_scs_section_size  }
0x9a: {  	s5 =	simm.s32 $_size__tile_overlayer_lowered;
	s6 =	simm.s32 $_tile_overlayer_lowered  }
0x9b: {  	s22 =	simm.s32 $0x1BFF;
	s21 =	sshll.u32 s6, $0x1;
	s3 =	sadd.s32 s4, s19  }
0x9c: {  	s7 =	simm.s32 $0x0;
	s20 =	sshll.u32 s5, $0x1;
	s5 =	sadd.s32 s21, s3  }
0x9d: {  	[timem:s7], [sflag:s22] =	dma.local [hbm:s5], s20  }
0x9e: {  	_ =	swait.ge [sflag:s22], s20  }
0x9f: {  	s4 =	ssub.s32 $0x0, s20;
	[sflag:s22] =	ssyncset.done $0x0  }
0xa0: {  	[sflag:s22] =	ssyncadd.s32 s4;
	_ =	sdelay $0x1  }
0xa1: {  	s23 =	simm.s32 $0x1B8B  }
0xa2: {  	_ =	swait.ge [sflag:s23], $0x1  }
0xa3: {  	[sflag:s23] =	ssyncset.done $0x0  }
0xa4: {  	s25 =	simm.s32 $0x1B8E;
	s24 =	sld [smem:$0x3FFE];
	[sflag:s23] =	ssyncadd.s32 $0xFFFFFFFF  }
0xa5: {  	s26 =	simm.s32 $execute0_lowered;
	[smem:$0x3FD2] =	sst s25  }
0xa6: {  	s5 =	sshll.u32 s26, $0x1;
	_ =	strace $0x8000004C;
	[dreg:$0x1] =	wrdreg $0xFFFFFFFF  }
0xa7: {  	s28 =	simm.s32 $_size_execute0_lowered;
	s3 =	sadd.s32 s3, s5;
	[dreg:$0x0] =	wrdreg $0x0  }
0xa8: {  	s5 =	sshll.u32 s28, $0x1;
	[dreg:$0x2] =	wrdreg s3  }
0xa9: {  	[dreg:$0x3] =	wrdreg s5  }
0xaa: {  	[dreg:$0x4] =	wrdreg $0xC0  }
0xab: {  	_ =	task [dreg:s7], $0x5FFFF  }
0xac: {  	[dreg:$0x1] =	wrdreg $0xFFFFFFFF  }
0xad: {  	[dreg:$0x0] =	wrdreg $0x60  }
0xae: {  	[dreg:$0x2] =	wrdreg s2  }
0xaf: {  	[dreg:$0x3] =	wrdreg s24  }
0xb0: {  	[dreg:$0x4] =	wrdreg $0x9  }
0xb1: {  	_ =	task.clear_ibuf [dreg:s7], $0x5FFFF;
	_ =	strace $0x9000004C  }
0xb2: {  	s29 =	simm.s32 $0x9;
	_ =	strace $0x8000004E  }
0xb3: {  	_ =	swait.ge [sflag:s29], $0x1  }
0xb4: {  	[sflag:s29] =	ssyncadd.s32 $0xFFFFFFFF  }
0xb5: {  	_ =	strace $0x9000004E  }
0xb6: {  	_ =	sfence  }
0xb7: {  	s30 =	sld [smem:$0x0];
	_ =	sdelay $0x2  }
0xb8: {  	s31 =	sshll.u32 s1, $0xD;
	s1 =	sshrl.u32 s1, $0x2  }
0xb9: {  	s3 =	sand.u32 $0x4000, s31;
	s1 =	sadd.s32 s1, s30  }
0xba: {  	s0 =	sor.u32 s3, s0;
	s1 =	sshll.u32 s1, $0x11  }
0xbb: {  	s0 =	sor.u32 s1, s0  }
0xbc: {  	s0 =	sadd.s32 $0x8F2B, s0  }
0xbd: {  	[sflag:s0] =	ssyncadd.remote.s32 $0x1  }
0xbe: {  	_ =	sfence.sel $0xFFFF  }
0xbf: {  	[dreg:$0x0] =	wrdreg $0xFFFFFFFF;
	(pc) =	sbr.abs _section_cstart, $3  }
0xc0: {  	[dreg:$0x1] =	wrdreg $0xFFFFFFFF  }
0xc1: {  	_ =	task.clear_ibuf [dreg:s7], $0x2FFFF;
	_ =	strace $0x9FFFFFFF  }
0xc2: {  	(tm) =	ssettm $0x7FFFFFFF  }
0xc3: {  	_ =	shalt  }
tec
execute0_lowered:
.L_overlay_start_1:
0x0: {  	(tag) =	ssettag $0x1  }
0x1: {  	s0 =	srdreg.scid;
	s2 =	rddreg [dreg:$0x0]  }
0x2: {  	s6 =	stileid.u32;
	s4 =	rddreg [dreg:$0x1]  }
0x3: {  	s3 =	simm.s32 $0x0;
	s12 =	simm.s32 $0x4;
	s13 =	simm.s32 $0x100  }
0x4: {  	s14 =	simm.s32 $0x6400;
	s15 =	simm.s32 $0x8400;
	s17 =	simm.s32 $0xA400  }
0x5: {  	s19 =	simm.s32 $0xC400;
	s21 =	simm.s32 $0xE400;
	s23 =	simm.s32 $0x10400  }
0x6: {  	s25 =	simm.s32 $0x12400;
	s28 =	simm.s32 $0x14400;
	s29 =	simm.s32 $0x1  }
0x7: {  	s30 =	simm.s32 $0x3;
	s16 =	simm.s32 $0xB00;
	s18 =	simm.s32 $0x2  }
0x8: {  	s0 =	sand.u32 $0x1, s0;
	s1 =	sshll.u32 s6, $0x1;
	s6 =	smul.u32 $0x190000, s6  }
0x9: {  	s1 =	sor.u32 s0, s1;
	s7 =	ssub.s32 $0x2, s0;
	s0 =	smul.u32 $0xC8000, s0  }
0xa: {  	s20 =	simm.s32 $0x0;
	[smem:$0x7FF] =	sst s3;
	s5 =	smul.u32 $0xC80, s1  }
0xb: {  	_ =	strace $0x8000004D;
	s1 =	smul.u32 $0xC8000, s1;
	s8 =	sshrl.u32 s7, $0x1  }
0xc: {  	s7 =	ssub.s32 s7, s8;
	s0 =	sadd.s32 s0, s6;
	s5 =	sadd.s32 s5, s4  }
0xd: {  	s4 =	sadd.s32 $0x98600, s4;
	s1 =	sshrl.u32 s1, $0x3;
	s31 =	sadd.s32 $0x18000, s0  }
0xe: {  	s7 =	smax.u32 s7, $0x1;
	s10 =	sadd.s32 $0x10000, s0;
	s0 =	simm.s32 $0xA00  }
0xf: {  	s5 =	sadd.s32 $0x4200, s5;
	s6 =	sadd.s32 s4, s1;
	s1 =	sshrl.u32 s31, $0x3  }
0x10: {  	s8 =	sadd.s32 $0x1000, s6;
	s9 =	sadd.s32 $0x18000, s6;
	s11 =	sadd.s32 s1, s4  }
.LBB2_1:
0x11: {  	[tilespmem:s3], [sflag:$0x4] =	stream.linear.gather [hbm4b:s5+s3], $0x6400, $0x38;
	[tilespmem:$0x16400] =	vst v63  }
0x12: {  	_ =	swait.ge [sflag:s12], $0x6400  }
0x13: {  	[sflag:s12] =	ssyncset.done $0x0  }
0x14: {  	[sflag:s12] =	ssyncadd.s32 $0xFFFF9C00  }
0x15: {  	[tilespmem:s14], [sflag:$0x1] =	stream.indirect.gather [hbm4b:s2+s13], $0x20, s3, s13, $0xb8;
	[tilespmem:$0x16400] =	vst v63  }
0x16: {  	_ = 	snop  }
0x17: {  	[tilespmem:s15], [sflag:$0x1] =	stream.indirect.gather [hbm4b:s2+s13], $0x20, s13, s13, $0xb8;
	[tilespmem:$0x16400] =	vst v63  }
0x18: {  	s1 =	simm.s32 $0x200  }
0x19: {  	[tilespmem:s17], [sflag:$0x1] =	stream.indirect.gather [hbm4b:s2+s13], $0x20, s1, s13, $0xb8;
	[tilespmem:$0x16400] =	vst v63  }
0x1a: {  	s24 =	simm.s32 $0x300  }
0x1b: {  	[tilespmem:s19], [sflag:$0x1] =	stream.indirect.gather [hbm4b:s2+s13], $0x20, s24, s13, $0xb8;
	[tilespmem:$0x16400] =	vst v63  }
0x1c: {  	s26 =	simm.s32 $0x400  }
0x1d: {  	[tilespmem:s21], [sflag:$0x2] =	stream.indirect.gather [hbm4b:s2+s13], $0x20, s26, s13, $0xb8;
	[tilespmem:$0x16400] =	vst v63  }
0x1e: {  	s31 =	simm.s32 $0x500  }
0x1f: {  	[tilespmem:s23], [sflag:$0x2] =	stream.indirect.gather [hbm4b:s2+s13], $0x20, s31, s13, $0xb8;
	[tilespmem:$0x16400] =	vst v63  }
0x20: {  	s22 =	simm.s32 $0x600  }
0x21: {  	[tilespmem:s25], [sflag:$0x2] =	stream.indirect.gather [hbm4b:s2+s13], $0x20, s22, s13, $0xb8;
	[tilespmem:$0x16400] =	vst v63  }
0x22: {  	s24 =	simm.s32 $0x700  }
0x23: {  	[tilespmem:s28], [sflag:$0x2] =	stream.indirect.gather [hbm4b:s2+s13], $0x20, s24, s13, $0xb8;
	[tilespmem:$0x16400] =	vst v63  }
0x24: {  	_ =	swait.ge [sflag:s29], $0x2000  }
0x25: {  	[sflag:s29] =	ssyncset.done $0x0  }
0x26: {  	[sflag:s29] =	ssyncadd.s32 $0xFFFFE000  }
0x27: {  	_ =	swait.ge [sflag:s29], $0x2000  }
0x28: {  	[sflag:s29] =	ssyncset.done $0x0  }
0x29: {  	[sflag:s29] =	ssyncadd.s32 $0xFFFFE000  }
0x2a: {  	_ =	swait.ge [sflag:s29], $0x2000  }
0x2b: {  	[sflag:s29] =	ssyncset.done $0x0  }
0x2c: {  	[sflag:s29] =	ssyncadd.s32 $0xFFFFE000  }
0x2d: {  	_ =	swait.ge [sflag:s29], $0x2000  }
0x2e: {  	[sflag:s29] =	ssyncset.done $0x0  }
0x2f: {  	[sflag:s29] =	ssyncadd.s32 $0xFFFFE000  }
0x30: {  	[hbm4b:s6+s3] =	stream.linear.scatter [tilespmem:s14], [sflag:$0x3], $0x8000, $0x38;
	[tilespmem:$0x16400] =	vst v63  }
0x31: {  	_ =	swait.ge [sflag:s30], $0x8000  }
0x32: {  	[sflag:s30] =	ssyncset.done $0x0  }
0x33: {  	s26 =	simm.s32 $0x800;
	[sflag:s30] =	ssyncadd.s32 $0xFFFF8000  }
0x34: {  	[tilespmem:s14], [sflag:$0x1] =	stream.indirect.gather [hbm4b:s2+s13], $0x20, s26, s13, $0xb8;
	[tilespmem:$0x16400] =	vst v63  }
0x35: {  	s31 =	simm.s32 $0x900  }
0x36: {  	[tilespmem:s15], [sflag:$0x1] =	stream.indirect.gather [hbm4b:s2+s13], $0x20, s31, s13, $0xb8;
	[tilespmem:$0x16400] =	vst v63  }
0x37: {  	_ = 	snop  }
0x38: {  	[tilespmem:s17], [sflag:$0x1] =	stream.indirect.gather [hbm4b:s2+s13], $0x20, s0, s13, $0xb8;
	[tilespmem:$0x16400] =	vst v63  }
0x39: {  	_ = 	snop  }
0x3a: {  	[tilespmem:s19], [sflag:$0x1] =	stream.indirect.gather [hbm4b:s2+s13], $0x20, s16, s13, $0xb8;
	[tilespmem:$0x16400] =	vst v63  }
0x3b: {  	_ =	swait.ge [sflag:s18], $0x2000  }
0x3c: {  	[sflag:s18] =	ssyncset.done $0x0  }
0x3d: {  	[sflag:s18] =	ssyncadd.s32 $0xFFFFE000  }
0x3e: {  	_ =	swait.ge [sflag:s18], $0x2000  }
0x3f: {  	[sflag:s18] =	ssyncset.done $0x0  }
0x40: {  	[sflag:s18] =	ssyncadd.s32 $0xFFFFE000  }
0x41: {  	_ =	swait.ge [sflag:s18], $0x2000  }
0x42: {  	[sflag:s18] =	ssyncset.done $0x0  }
0x43: {  	[sflag:s18] =	ssyncadd.s32 $0xFFFFE000  }
0x44: {  	_ =	swait.ge [sflag:s18], $0x2000  }
0x45: {  	[sflag:s18] =	ssyncset.done $0x0  }
0x46: {  	[sflag:s18] =	ssyncadd.s32 $0xFFFFE000  }
0x47: {  	[hbm4b:s8+s3] =	stream.linear.scatter [tilespmem:s21], [sflag:$0x3], $0x8000, $0x38;
	[tilespmem:$0x16400] =	vst v63  }
0x48: {  	_ =	swait.ge [sflag:s30], $0x8000  }
0x49: {  	[sflag:s30] =	ssyncset.done $0x0  }
0x4a: {  	s22 =	simm.s32 $0xC00;
	[sflag:s30] =	ssyncadd.s32 $0xFFFF8000  }
0x4b: {  	[tilespmem:s21], [sflag:$0x2] =	stream.indirect.gather [hbm4b:s2+s13], $0x20, s22, s13, $0xb8;
	[tilespmem:$0x16400] =	vst v63  }
0x4c: {  	s1 =	simm.s32 $0xD00  }
0x4d: {  	[tilespmem:s23], [sflag:$0x2] =	stream.indirect.gather [hbm4b:s2+s13], $0x20, s1, s13, $0xb8;
	[tilespmem:$0x16400] =	vst v63  }
0x4e: {  	s24 =	simm.s32 $0xE00  }
0x4f: {  	[tilespmem:s25], [sflag:$0x2] =	stream.indirect.gather [hbm4b:s2+s13], $0x20, s24, s13, $0xb8;
	[tilespmem:$0x16400] =	vst v63  }
0x50: {  	s26 =	simm.s32 $0xF00  }
0x51: {  	[tilespmem:s28], [sflag:$0x2] =	stream.indirect.gather [hbm4b:s2+s13], $0x20, s26, s13, $0xb8;
	[tilespmem:$0x16400] =	vst v63  }
0x52: {  	_ =	swait.ge [sflag:s29], $0x2000  }
0x53: {  	[sflag:s29] =	ssyncset.done $0x0  }
0x54: {  	[sflag:s29] =	ssyncadd.s32 $0xFFFFE000  }
0x55: {  	_ =	swait.ge [sflag:s29], $0x2000  }
0x56: {  	[sflag:s29] =	ssyncset.done $0x0  }
0x57: {  	[sflag:s29] =	ssyncadd.s32 $0xFFFFE000  }
0x58: {  	_ =	swait.ge [sflag:s29], $0x2000  }
0x59: {  	[sflag:s29] =	ssyncset.done $0x0  }
0x5a: {  	[sflag:s29] =	ssyncadd.s32 $0xFFFFE000  }
0x5b: {  	_ =	swait.ge [sflag:s29], $0x2000  }
0x5c: {  	s31 =	sshrl.u32 s10, $0x3;
	[sflag:s29] =	ssyncset.done $0x0  }
0x5d: {  	s22 =	sadd.s32 s4, s31;
	[sflag:s29] =	ssyncadd.s32 $0xFFFFE000  }
0x5e: {  	[hbm4b:s22+s3] =	stream.linear.scatter [tilespmem:s14], [sflag:$0x3], $0x8000, $0x38;
	[tilespmem:$0x16400] =	vst v63  }
0x5f: {  	_ =	swait.ge [sflag:s30], $0x8000  }
0x60: {  	[sflag:s30] =	ssyncset.done $0x0  }
0x61: {  	s1 =	simm.s32 $0x1000;
	[sflag:s30] =	ssyncadd.s32 $0xFFFF8000  }
0x62: {  	[tilespmem:s14], [sflag:$0x1] =	stream.indirect.gather [hbm4b:s2+s13], $0x20, s1, s13, $0xb8;
	[tilespmem:$0x16400] =	vst v63  }
0x63: {  	s24 =	simm.s32 $0x1100  }
0x64: {  	[tilespmem:s15], [sflag:$0x1] =	stream.indirect.gather [hbm4b:s2+s13], $0x20, s24, s13, $0xb8;
	[tilespmem:$0x16400] =	vst v63  }
0x65: {  	s26 =	simm.s32 $0x1200  }
0x66: {  	[tilespmem:s17], [sflag:$0x1] =	stream.indirect.gather [hbm4b:s2+s13], $0x20, s26, s13, $0xb8;
	[tilespmem:$0x16400] =	vst v63  }
0x67: {  	s31 =	simm.s32 $0x1300  }
0x68: {  	[tilespmem:s19], [sflag:$0x1] =	stream.indirect.gather [hbm4b:s2+s13], $0x20, s31, s13, $0xb8;
	[tilespmem:$0x16400] =	vst v63  }
0x69: {  	_ =	swait.ge [sflag:s18], $0x2000  }
0x6a: {  	[sflag:s18] =	ssyncset.done $0x0  }
0x6b: {  	[sflag:s18] =	ssyncadd.s32 $0xFFFFE000  }
0x6c: {  	_ =	swait.ge [sflag:s18], $0x2000  }
0x6d: {  	[sflag:s18] =	ssyncset.done $0x0  }
0x6e: {  	[sflag:s18] =	ssyncadd.s32 $0xFFFFE000  }
0x6f: {  	_ =	swait.ge [sflag:s18], $0x2000  }
0x70: {  	[sflag:s18] =	ssyncset.done $0x0  }
0x71: {  	[sflag:s18] =	ssyncadd.s32 $0xFFFFE000  }
0x72: {  	_ =	swait.ge [sflag:s18], $0x2000  }
0x73: {  	s22 =	simm.s32 $0x2000;
	[sflag:s18] =	ssyncset.done $0x0  }
0x74: {  	s24 =	sadd.s32 $0x10000, s10;
	s26 =	sadd.s32 $0x0, s11;
	[sflag:s18] =	ssyncadd.s32 $0xFFFFE000  }
.LBB2_2:
0x75: {  	[hbm4b:s26+s3] =	stream.linear.scatter [tilespmem:s21], [sflag:$0x3], $0x8000, $0x38;
	[tilespmem:$0x16400] =	vst v63  }
0x76: {  	s26 =	smov.u32 s22  }
0x77: {  	p0 =	sne.s32 s22, $0x14000;
	s22 =	sadd.s32 $0x2000, s22;
	_ =	swait.ge [sflag:s30], $0x8000  }
0x78: {  	s31 =	sshra.s32 s26, $0x2;
	[sflag:s30] =	ssyncset.done $0x0  }
0x79: {  	s1 =	sadd.s32 $0xC00, s31;
	[sflag:s30] =	ssyncadd.s32 $0xFFFF8000  }
0x7a: {  	[tilespmem:s21], [sflag:$0x2] =	stream.indirect.gather [hbm4b:s2+s13], $0x20, s1, s13, $0xb8;
	[tilespmem:$0x16400] =	vst v63  }
0x7b: {  	s1 =	sadd.s32 $0xD00, s31  }
0x7c: {  	[tilespmem:s23], [sflag:$0x2] =	stream.indirect.gather [hbm4b:s2+s13], $0x20, s1, s13, $0xb8;
	[tilespmem:$0x16400] =	vst v63  }
0x7d: {  	s1 =	sadd.s32 $0xE00, s31  }
0x7e: {  	[tilespmem:s25], [sflag:$0x2] =	stream.indirect.gather [hbm4b:s2+s13], $0x20, s1, s13, $0xb8;
	[tilespmem:$0x16400] =	vst v63  }
0x7f: {  	s1 =	sadd.s32 $0xF00, s31  }
0x80: {  	[tilespmem:s28], [sflag:$0x2] =	stream.indirect.gather [hbm4b:s2+s13], $0x20, s1, s13, $0xb8;
	[tilespmem:$0x16400] =	vst v63  }
0x81: {  	_ =	swait.ge [sflag:s29], $0x2000  }
0x82: {  	[sflag:s29] =	ssyncset.done $0x0  }
0x83: {  	[sflag:s29] =	ssyncadd.s32 $0xFFFFE000  }
0x84: {  	_ =	swait.ge [sflag:s29], $0x2000  }
0x85: {  	[sflag:s29] =	ssyncset.done $0x0  }
0x86: {  	[sflag:s29] =	ssyncadd.s32 $0xFFFFE000  }
0x87: {  	_ =	swait.ge [sflag:s29], $0x2000  }
0x88: {  	[sflag:s29] =	ssyncset.done $0x0  }
0x89: {  	[sflag:s29] =	ssyncadd.s32 $0xFFFFE000  }
0x8a: {  	_ =	swait.ge [sflag:s29], $0x2000  }
0x8b: {  	s1 =	sshrl.u32 s24, $0x3;
	[sflag:s29] =	ssyncset.done $0x0  }
0x8c: {  	s1 =	sadd.s32 s4, s1;
	[sflag:s29] =	ssyncadd.s32 $0xFFFFE000  }
0x8d: {  	[hbm4b:s1+s3] =	stream.linear.scatter [tilespmem:s14], [sflag:$0x3], $0x8000, $0x38;
	[tilespmem:$0x16400] =	vst v63  }
0x8e: {  	_ =	swait.ge [sflag:s30], $0x8000  }
0x8f: {  	[sflag:s30] =	ssyncset.done $0x0  }
0x90: {  	s1 =	sadd.s32 $0x1000, s31;
	[sflag:s30] =	ssyncadd.s32 $0xFFFF8000  }
0x91: {  	[tilespmem:s14], [sflag:$0x1] =	stream.indirect.gather [hbm4b:s2+s13], $0x20, s1, s13, $0xb8;
	[tilespmem:$0x16400] =	vst v63  }
0x92: {  	s1 =	sadd.s32 $0x1100, s31  }
0x93: {  	[tilespmem:s15], [sflag:$0x1] =	stream.indirect.gather [hbm4b:s2+s13], $0x20, s1, s13, $0xb8;
	[tilespmem:$0x16400] =	vst v63  }
0x94: {  	s1 =	sadd.s32 $0x1200, s31  }
0x95: {  	[tilespmem:s17], [sflag:$0x1] =	stream.indirect.gather [hbm4b:s2+s13], $0x20, s1, s13, $0xb8;
	[tilespmem:$0x16400] =	vst v63  }
0x96: {  	s1 =	sadd.s32 $0x1300, s31  }
0x97: {  	[tilespmem:s19], [sflag:$0x1] =	stream.indirect.gather [hbm4b:s2+s13], $0x20, s1, s13, $0xb8;
	[tilespmem:$0x16400] =	vst v63  }
0x98: {  	_ =	swait.ge [sflag:s18], $0x2000  }
0x99: {  	[sflag:s18] =	ssyncset.done $0x0  }
0x9a: {  	[sflag:s18] =	ssyncadd.s32 $0xFFFFE000  }
0x9b: {  	_ =	swait.ge [sflag:s18], $0x2000  }
0x9c: {  	[sflag:s18] =	ssyncset.done $0x0  }
0x9d: {  	[sflag:s18] =	ssyncadd.s32 $0xFFFFE000  }
0x9e: {  	_ =	swait.ge [sflag:s18], $0x2000  }
.Ltmp0:
0x9f: {  	[sflag:s18] =	ssyncset.done $0x0;
	(pc) =	sbr.rel @p0 .LBB2_2-.Ltmp0, $4  }
0xa0: {  	[sflag:s18] =	ssyncadd.s32 $0xFFFFE000  }
0xa1: {  	_ =	swait.ge [sflag:s18], $0x2000  }
0xa2: {  	[sflag:s18] =	ssyncset.done $0x0  }
0xa3: {  	s26 =	sadd.s32 s26, s11;
	s24 =	sadd.s32 $0x10000, s24;
	[sflag:s18] =	ssyncadd.s32 $0xFFFFE000  }
0xa4: {  	[hbm4b:s26+s3] =	stream.linear.scatter [tilespmem:s21], [sflag:$0x3], $0x8000, $0x38;
	[tilespmem:$0x16400] =	vst v63  }
0xa5: {  	_ =	swait.ge [sflag:s30], $0x8000  }
0xa6: {  	[sflag:s30] =	ssyncset.done $0x0  }
0xa7: {  	[sflag:s30] =	ssyncadd.s32 $0xFFFF8000  }
0xa8: {  	_ =	swait.ge [sflag:s29], $0x2000  }
0xa9: {  	[sflag:s29] =	ssyncset.done $0x0  }
0xaa: {  	[sflag:s29] =	ssyncadd.s32 $0xFFFFE000  }
0xab: {  	_ =	swait.ge [sflag:s29], $0x2000  }
0xac: {  	[sflag:s29] =	ssyncset.done $0x0  }
0xad: {  	[sflag:s29] =	ssyncadd.s32 $0xFFFFE000  }
0xae: {  	_ =	swait.ge [sflag:s29], $0x2000  }
0xaf: {  	[sflag:s29] =	ssyncset.done $0x0  }
0xb0: {  	[sflag:s29] =	ssyncadd.s32 $0xFFFFE000  }
0xb1: {  	s20 =	sadd.s32 $0x1, s20;
	_ =	swait.ge [sflag:s29], $0x2000  }
0xb2: {  	p0 =	sne.s32 s20, s7;
	[sflag:s29] =	ssyncset.done $0x0  }
.Ltmp1:
0xb3: {  	[sflag:s29] =	ssyncadd.s32 $0xFFFFE000;
	(pc) =	sbr.rel @p0 .LBB2_1-.Ltmp1, $4  }
0xb4: {  	[hbm4b:s9+s3] =	stream.linear.scatter [tilespmem:s14], [sflag:$0x3], $0x8000, $0x38;
	[tilespmem:$0x16400] =	vst v63  }
0xb5: {  	_ =	swait.ge [sflag:s30], $0x8000  }
0xb6: {  	[sflag:s30] =	ssyncset.done $0x0  }
0xb7: {  	[sflag:s30] =	ssyncadd.s32 $0xFFFF8000  }
0xb8: {  	_ =	sfence.sel $0x180000  }
0xb9: {  	[bflag:$0x0] =	sbarrier.arrive $0xFFFF  }
0xba: {  	_ =	strace $0x9000004D  }
0xbb: {  	s0 =	stileid.u32;
	[bflag:$0x2] =	sbarrier.arrive $0xFFFF  }
0xbc: {  	p0 =	sne.s32 s0, $0x0;
	s0 =	rddreg [dreg:$0x2]  }
0xbd: {  	s0 =	sadd.s32 @!p0 $0x100000, s0  }
0xbe: {  	[sflag:s0] =	ssyncadd.tile.s32 @!p0 $0x1;
	_ =	shalt  }
.Lfunc_end2:
_tile_overlayer_lowered:
.L_overlay_start_2:
0xbf: {  	(tag) =	ssettag $0x2  }
0xc0: {  	s0 =	rddreg [dreg:$0x0];
	s2 =	stileid.u32  }
0xc1: {  	s1 =	rddreg [dreg:$0x1];
	p0 =	sne.s32 s2, $0x0  }
0xc2: {  	s3 =	rddreg [dreg:$0x2];
	[bflag:$0x3] =	sbarrier.arrive $0xFFFF;
	s2 =	simm.s32 @!p0 $0x1C04  }
0xc3: {  	[timem:s3], [sflag:s2] =	dma.local @!p0 [hbm:s0], s1  }
0xc4: {  	s0 =	simm.s32 @!p0 $0x4  }
0xc5: {  	_ =	swait.ge @!p0 [sflag:s0], s1  }
0xc6: {  	s1 =	ssub.s32 @!p0 $0x0, s1;
	[sflag:s0] =	ssyncset.done @!p0 $0x0  }
0xc7: {  	[sflag:s0] =	ssyncadd.s32 @!p0 s1  }
0xc8: {  	[bflag:$0x3] =	sbarrier.arrive $0xFFFF  }
0xc9: {  	_ =	shalt  }

// kernel: kernel.20.cloned.1.call-start
scs
__scs_entry_jumppad:
0x0: {  	(pc) =	sbr.rel $0x88, $3  }
0x1: {  	(tag) =	ssettag $0x0;
	lr =	simm.s32 $0x1  }
0x2: {  	[smem:$0x3F94] =	sst lr;
	_ =	strace $0xD0000000  }
0x3: {  	_ = 	snop  }
0x4: {  	_ = 	snop  }
0x5: {  	_ = 	snop  }
0x6: {  	_ = 	snop  }
0x7: {  	_ = 	snop  }
__scs_overlays_trampoline_lowered:
0x8: {  	[smem:$0x3FA3] =	sst s0  }
0x9: {  	[smem:$0x3FA4] =	sst s1  }
0xa: {  	[smem:$0x3FA5] =	sst s2  }
0xb: {  	[smem:$0x3FA6] =	sst s3  }
0xc: {  	[smem:$0x3FA7] =	sst s4  }
0xd: {  	[smem:$0x3FA8] =	sst s5  }
0xe: {  	[smem:$0x3FA9] =	sst s6  }
0xf: {  	[smem:$0x3FAA] =	sst s7  }
0x10: {  	[smem:$0x3FAB] =	sst s8  }
0x11: {  	[smem:$0x3FAC] =	sst s9;
	s0 =	simm.s32 @!p0 $0x0  }
0x12: {  	s1 =	sld [smem:$0x3F92];
	s0 =	simm.s32 @p0 $0x1  }
0x13: {  	[smem:$0x3FAD] =	sst s0;
	s0 =	simm.s32 @!p1 $0x0  }
0x14: {  	s2 =	sld [smem:$0x3F91];
	s0 =	simm.s32 @p1 $0x1  }
0x15: {  	[smem:$0x3FAE] =	sst s0;
	s0 =	simm.s32 @!p2 $0x0  }
0x16: {  	s3 =	sld [smem:$0x3FDB];
	s0 =	simm.s32 @p2 $0x1  }
0x17: {  	s4 =	simm.s32 $0x1BF5;
	[smem:$0x3FB0] =	sst s0  }
0x18: {  	s0 =	sld [smem:$0x3F93];
	_ =	swait.ge [sflag:s4], $0x0  }
0x19: {  	s7 =	sld [smem:$0x3F94]  }
0x1a: {  	s8 =	sadd.s32 $0xFFFFE003, lr  }
0x1b: {  	s9 =	sadd.s32 $0xFFFFFEF7, lr;
	s5 =	simm.s32 $0xFFFFFFFF;
	p2 =	slt.u32 s8, $0xFFFFF086  }
0x1c: {  	p1 =	slt.u32 s9, $0xF7A;
	s5 =	simm.s32 @!p2 $0x0  }
0x1d: {  	s5 =	simm.s32 @p1 $0x1;
	p0 =	seq.s32 s7, s2  }
0x1e: {  	s7 =	smul.u32 @!p0 $0xF7A, s2;
	p2 =	seq.s32 @!p0 s5, $0x0  }
0x1f: {  	s9 =	smul.u32 $0xF7A, s1;
	s8 =	simm.s32 @!p0 $0x1BF5;
	p2 =	por !p2, p0  }
0x20: {  	[sflag:s8] =	ssyncset.s32 @!p0 $0xFFFFF086;
	s6 =	sadd.s32 @!p0 s3, s7;
	s7 =	simm.s32 @!p0 $0x108  }
0x21: {  	s3 =	sadd.s32 s3, s9;
	s6 =	sadd.s32 @!p0 $0x88, s6;
	s7 =	simm.s32 @p2 $0x1082  }
0x22: {  	[simem:s7], [sflag:s8] =	dma.local @!p0 [hbm:s6], $0xF7A  }
0x23: {  	s9 =	sor.u32 $0xD0000000, s2;
	s6 =	simm.s32 $0x108;
	_ =	swait.ge @!p0 [sflag:s8], $0x0  }
0x24: {  	s3 =	sadd.s32 $0x88, s3;
	s6 =	simm.s32 @!p1 $0x1082;
	[sflag:s4] =	ssyncset.s32 $0xFFFFF086  }
0x25: {  	[simem:s6], [sflag:s4] =	dma.local [hbm:s3], $0xF7A  }
0x26: {  	[smem:$0x3F94] =	sst s1;
	(tag) =	ssettag s2;
	_ =	strace s9  }
0x27: {  	s1 =	sld [smem:$0x3FA4]  }
0x28: {  	s2 =	sld [smem:$0x3FA5]  }
0x29: {  	s4 =	sld [smem:$0x3FA7]  }
0x2a: {  	p0 =	seq.s32 s5, $0x0;
	s5 =	sld [smem:$0x3FA8]  }
0x2b: {  	s6 =	sld [smem:$0x3FA9]  }
0x2c: {  	s7 =	sld [smem:$0x3FAA]  }
0x2d: {  	s3 =	simm.s32 $0x108;
	s8 =	sld [smem:$0x3FAB]  }
0x2e: {  	s3 =	simm.s32 @!p0 $0x1082;
	s9 =	sld [smem:$0x3FAC]  }
0x2f: {  	lr =	sadd.s32 s0, s3;
	s0 =	sld [smem:$0x3FA3]  }
0x30: {  	s3 =	sld [smem:$0x3FA6]  }
0x31: {  	[smem:$0x3FAF] =	sst s10  }
0x32: {  	s10 =	sld [smem:$0x3FAD];
	_ =	sdelay $0x3  }
0x33: {  	p0 =	seq.s32 s10, $0x1;
	s10 =	sld [smem:$0x3FAF];
	_ =	sdelay $0x3  }
0x34: {  	[smem:$0x3FAF] =	sst s10  }
0x35: {  	s10 =	sld [smem:$0x3FAE];
	_ =	sdelay $0x3  }
0x36: {  	p1 =	seq.s32 s10, $0x1;
	s10 =	sld [smem:$0x3FAF];
	_ =	sdelay $0x3  }
0x37: {  	[smem:$0x3FAF] =	sst s10  }
0x38: {  	s10 =	sld [smem:$0x3FB0]  }
0x39: {  	_ = 	snop;
	(pc) =	sbr.ind lr, $3  }
0x3a: {  	_ = 	snop  }
0x3b: {  	_ = 	snop  }
0x3c: {  	p2 =	seq.s32 s10, $0x1;
	s10 =	sld [smem:$0x3FAF]  }
0x3d: {  	_ =	shalt  }
0x3e: {  	_ =	shalt  }
0x3f: {  	_ =	shalt  }
0x40: {  	_ =	shalt  }
0x41: {  	_ =	shalt  }
0x42: {  	_ =	shalt  }
0x43: {  	_ =	shalt  }
0x44: {  	_ =	shalt  }
0x45: {  	_ =	shalt  }
0x46: {  	_ =	shalt  }
0x47: {  	_ =	shalt  }
0x48: {  	_ =	shalt  }
0x49: {  	_ =	shalt  }
0x4a: {  	_ =	shalt  }
0x4b: {  	_ =	shalt  }
0x4c: {  	_ =	shalt  }
0x4d: {  	_ =	shalt  }
0x4e: {  	_ =	shalt  }
0x4f: {  	_ =	shalt  }
0x50: {  	_ =	shalt  }
0x51: {  	_ =	shalt  }
0x52: {  	_ =	shalt  }
0x53: {  	_ =	shalt  }
0x54: {  	_ =	shalt  }
0x55: {  	_ =	shalt  }
0x56: {  	_ =	shalt  }
0x57: {  	_ =	shalt  }
0x58: {  	_ =	shalt  }
0x59: {  	_ =	shalt  }
0x5a: {  	_ =	shalt  }
0x5b: {  	_ =	shalt  }
0x5c: {  	_ =	shalt  }
0x5d: {  	_ =	shalt  }
0x5e: {  	_ =	shalt  }
0x5f: {  	_ =	shalt  }
0x60: {  	_ =	shalt  }
0x61: {  	_ =	shalt  }
0x62: {  	_ =	shalt  }
0x63: {  	_ =	shalt  }
0x64: {  	_ =	shalt  }
0x65: {  	_ =	shalt  }
0x66: {  	_ =	shalt  }
0x67: {  	_ =	shalt  }
0x68: {  	_ =	shalt  }
0x69: {  	_ =	shalt  }
0x6a: {  	_ =	shalt  }
0x6b: {  	_ =	shalt  }
0x6c: {  	_ =	shalt  }
0x6d: {  	_ =	shalt  }
0x6e: {  	_ =	shalt  }
0x6f: {  	_ =	shalt  }
0x70: {  	_ =	shalt  }
0x71: {  	_ =	shalt  }
0x72: {  	_ =	shalt  }
0x73: {  	_ =	shalt  }
0x74: {  	_ =	shalt  }
0x75: {  	_ =	shalt  }
0x76: {  	_ =	shalt  }
0x77: {  	_ =	shalt  }
0x78: {  	_ =	shalt  }
0x79: {  	_ =	shalt  }
0x7a: {  	_ =	shalt  }
0x7b: {  	_ =	shalt  }
0x7c: {  	_ =	shalt  }
0x7d: {  	_ =	shalt  }
0x7e: {  	_ =	shalt  }
0x7f: {  	_ =	shalt  }
0x80: {  	_ =	shalt  }
0x81: {  	_ =	shalt  }
0x82: {  	_ =	shalt  }
0x83: {  	_ =	shalt  }
0x84: {  	_ =	shalt  }
0x85: {  	_ =	shalt  }
0x86: {  	_ =	shalt  }
0x87: {  	_ =	shalt  }
.Lfunc_end0:
.L_simem_size_0:
called_computation.3_lowered:
.L_overlay_start_0:
0x88: {  	s2 =	sld [smem:$0x3FD9]  }
0x89: {  	s3 =	sld [smem:$0x3FFE];
	_ =	sdelay $0x1  }
0x8a: {  	s1 =	srdreg.scid  }
0x8b: {  	s0 =	sand.u32 $0x1, s1  }
0x8c: {  	s16 =	sshll.u32 s0, $0xA;
	s2 =	sadd.s32 s3, s2  }
0x8d: {  	s2 =	sadd.s32 s2, s16  }
0x8e: {  	[smem:$0x3FBB] =	sst s2  }
0x8f: {  	_ = 	snop  }
0x90: {  	(tm) =	ssettm $0x1  }
0x91: {  	s17 =	sld [smem:$0x3FFB];
	_ =	sdelay $0x3  }
0x92: {  	_ =	strace s17  }
0x93: {  	s2 =	sld [smem:$0x3FFC];
	_ =	sdelay $0x3  }
0x94: {  	_ =	strace s2  }
0x95: {  	s2 =	sld [smem:$0x3FFD];
	_ =	sdelay $0x3  }
0x96: {  	_ =	strace s2  }
0x97: {  	_ =	strace $0x8FFFFFFF  }
0x98: {  	s18 =	sld [smem:$0x3FDB];
	_ =	sdelay $0x1  }
0x99: {  	s19 =	simm.s32 $_scs_section_size  }
0x9a: {  	s4 =	simm.s32 $_size__tile_overlayer_lowered;
	s5 =	simm.s32 $_tile_overlayer_lowered  }
0x9b: {  	s22 =	simm.s32 $0x1BFF;
	s21 =	sshll.u32 s5, $0x1;
	s2 =	sadd.s32 s19, s18  }
0x9c: {  	s6 =	simm.s32 $0x0;
	s20 =	sshll.u32 s4, $0x1;
	s4 =	sadd.s32 s21, s2  }
0x9d: {  	[timem:s6], [sflag:s22] =	dma.local [hbm:s4], s20  }
0x9e: {  	_ =	swait.ge [sflag:s22], s20  }
0x9f: {  	s3 =	ssub.s32 $0x0, s20;
	[sflag:s22] =	ssyncset.done $0x0  }
0xa0: {  	[sflag:s22] =	ssyncadd.s32 s3;
	_ =	sdelay $0x1  }
0xa1: {  	s23 =	simm.s32 $0x1B8B  }
0xa2: {  	_ =	swait.ge [sflag:s23], $0x1  }
0xa3: {  	[sflag:s23] =	ssyncset.done $0x0  }
0xa4: {  	s25 =	simm.s32 $0x1B8E;
	s24 =	sld [smem:$0x3FFE];
	[sflag:s23] =	ssyncadd.s32 $0xFFFFFFFF  }
0xa5: {  	s26 =	simm.s32 $execute0_lowered;
	[smem:$0x3FD2] =	sst s25  }
0xa6: {  	s4 =	sshll.u32 s26, $0x1;
	_ =	strace $0x8000004F;
	[dreg:$0x1] =	wrdreg $0xFFFFFFFF  }
0xa7: {  	s28 =	simm.s32 $_size_execute0_lowered;
	s2 =	sadd.s32 s2, s4;
	[dreg:$0x0] =	wrdreg $0x0  }
0xa8: {  	s4 =	sshll.u32 s28, $0x1;
	[dreg:$0x2] =	wrdreg s2  }
0xa9: {  	[dreg:$0x3] =	wrdreg s4  }
0xaa: {  	[dreg:$0x4] =	wrdreg $0xC0  }
0xab: {  	_ =	task [dreg:s6], $0x5FFFF  }
0xac: {  	[dreg:$0x1] =	wrdreg $0xFFFFFFFF  }
0xad: {  	[dreg:$0x0] =	wrdreg $0x60  }
0xae: {  	[dreg:$0x2] =	wrdreg s24  }
0xaf: {  	[dreg:$0x3] =	wrdreg $0x5A800  }
0xb0: {  	[dreg:$0x4] =	wrdreg $0x9  }
0xb1: {  	_ =	task.clear_ibuf [dreg:s6], $0x5FFFF;
	_ =	strace $0x9000004F  }
0xb2: {  	s29 =	simm.s32 $0x9;
	_ =	strace $0x80000051  }
0xb3: {  	_ =	swait.ge [sflag:s29], $0x1  }
0xb4: {  	[sflag:s29] =	ssyncadd.s32 $0xFFFFFFFF  }
0xb5: {  	_ =	strace $0x90000051  }
0xb6: {  	_ =	sfence  }
0xb7: {  	s30 =	sld [smem:$0x0];
	_ =	sdelay $0x2  }
0xb8: {  	s31 =	sshll.u32 s1, $0xD;
	s1 =	sshrl.u32 s1, $0x2  }
0xb9: {  	s3 =	sand.u32 $0x4000, s31;
	s1 =	sadd.s32 s1, s30  }
0xba: {  	s0 =	sor.u32 s3, s0;
	s1 =	sshll.u32 s1, $0x11  }
0xbb: {  	s0 =	sor.u32 s1, s0  }
0xbc: {  	s0 =	sadd.s32 $0x8F2B, s0  }
0xbd: {  	[sflag:s0] =	ssyncadd.remote.s32 $0x1  }
0xbe: {  	_ =	sfence.sel $0xFFFF  }
0xbf: {  	[dreg:$0x0] =	wrdreg $0xFFFFFFFF;
	(pc) =	sbr.abs _section_cstart, $3  }
0xc0: {  	[dreg:$0x1] =	wrdreg $0xFFFFFFFF  }
0xc1: {  	_ =	task.clear_ibuf [dreg:s6], $0x2FFFF;
	_ =	strace $0x9FFFFFFF  }
0xc2: {  	(tm) =	ssettm $0x7FFFFFFF  }
0xc3: {  	_ =	shalt  }
tec
execute0_lowered:
.L_overlay_start_1:
0x0: {  	(tag) =	ssettag $0x1  }
0x1: {  	s0 =	rddreg [dreg:$0x0]  }
0x2: {  	s1 =	rddreg [dreg:$0x1];
	s13 =	stileid.u32  }
0x3: {  	s2 =	srdreg.scid;
	s5 =	smul.u32 $0x18800, s13  }
0x4: {  	s3 =	sand.u32 $0x1, s2;
	s2 =	simm.s32 $0x0;
	s7 =	smul.u32 $0x1900, s13  }
0x5: {  	s9 =	sadd.s32 $0x98600, s0;
	s10 =	sadd.s32 $0x49C200, s0;
	s8 =	smul.u32 $0x32000, s13  }
0x6: {  	s12 =	sadd.s32 $0x1D200, s0;
	s15 =	sadd.s32 $0x188000, s1;
	s16 =	smul.u32 $0x62000, s13  }
0x7: {  	s11 =	smul.u32 $0xC8, s13;
	p1 =	sne.s32 s13, $0x0;
	s13 =	simm.s32 $0x100  }
0x8: {  	s4 =	smul.u32 $0x188000, s3;
	[smem:$0x7FF] =	sst s2;
	s6 =	ssub.s32 $0x2, s3  }
0x9: {  	p0 =	seq.s32 s3, $0x1;
	_ =	strace $0x80000050;
	[dreg:$0x6] =	wrdreg s15  }
0xa: {  	s3 =	simm.s32 $0x4;
	s14 =	sshrl.u32 s6, $0x1;
	[dreg:$0x5] =	wrdreg s12  }
0xb: {  	s7 =	sadd.s32 s12, s7;
	[dreg:$0x3] =	wrdreg s9;
	s9 =	sadd.s32 s9, s8  }
0xc: {  	[dreg:$0x4] =	wrdreg s10;
	s10 =	sadd.s32 s10, s8;
	s17 =	sshrl.u32 s16, $0x2  }
0xd: {  	s18 =	sadd.s32 s5, s1;
	s15 =	simm.s32 $0x3;
	s16 =	simm.s32 $0x0  }
0xe: {  	s4 =	sadd.s32 s5, s4;
	s12 =	sadd.s32 s17, s1;
	s8 =	sadd.s32 $0x40, s7  }
0xf: {  	s5 =	simm.s32 $0x4200;
	s4 =	sshrl.u32 s4, $0x3;
	s20 =	sadd.s32 $0x1880, s12  }
0x10: {  	s21 =	sadd.s32 $0x3100, s12;
	s22 =	sadd.s32 $0x4980, s12;
	[dreg:$0x9] =	wrdreg s20  }
0x11: {  	s23 =	sadd.s32 $0x6200, s12;
	s24 =	sadd.s32 $0x7A80, s12;
	[dreg:$0xa] =	wrdreg s21  }
0x12: {  	s25 =	sadd.s32 $0x9300, s12;
	s26 =	sadd.s32 $0xAB80, s12;
	[dreg:$0xb] =	wrdreg s22  }
0x13: {  	s28 =	sadd.s32 $0x12600, s12;
	s29 =	sadd.s32 $0x13E80, s12;
	[dreg:$0xc] =	wrdreg s23  }
0x14: {  	s30 =	sadd.s32 $0x15700, s12;
	s31 =	sadd.s32 $0x16F80, s12;
	[dreg:$0xd] =	wrdreg s24  }
0x15: {  	s0 =	sadd.s32 s4, s0;
	s4 =	ssub.s32 s6, s14;
	[dreg:$0xe] =	wrdreg s25  }
0x16: {  	[dreg:$0xf] =	wrdreg s26;
	s21 =	sadd.s32 $0xC400, s12;
	s22 =	sadd.s32 $0xDC80, s12  }
.Ltmp0:
0x17: {  	s23 =	sadd.s32 $0xF500, s12;
	s24 =	sadd.s32 $0xC7, s11;
	(pc) =	sbr.rel .LBB2_1-.Ltmp0, $4  }
0x18: {  	s25 =	sshrl.u32 s18, $0x3;
	s26 =	sadd.s32 $0x10D80, s12;
	s20 =	smov.u32 s7  }
0x19: {  	s7 =	simm.s32 $0x200;
	s6 =	simm.s32 $0x1;
	s0 =	sadd.s32 $0x36200, s0  }
0x1a: {  	s11 =	simm.s32 $0x2;
	s19 =	smax.u32 s4, $0x1;
	[dreg:$0x7] =	wrdreg s0  }
0x1b: {  	v0 =	vimm.f32 $0.0e+00;
	s14 =	simm.s32 $0x2200;
	[dreg:$0x8] =	wrdreg s19;
	s0 =	sshll.u32 s24, $0xA  }
.LBB2_6:
0x1c: {  	[sflag:s15] =	ssyncadd.s32 $0xFFFFE000;
	s4 =	rddreg [dreg:$0x3]  }
.LBB2_10:
0x1d: {  	_ =	swait.ge [sflag:s6], $0x100  }
0x1e: {  	[sflag:s6] =	ssyncset.done $0x0  }
0x1f: {  	[sflag:s6] =	ssyncadd.s32 $0xFFFFFF00  }
0x20: {  	_ =	swait.ge [sflag:s11], $0x2000  }
0x21: {  	s17 =	sshll.u32 s24, $0x5;
	[sflag:s11] =	ssyncset.done $0x0;
	s18 =	rddreg [dreg:$0x5]  }
0x22: {  	s17 =	sadd.s32 s18, s17;
	[sflag:s11] =	ssyncadd.s32 $0xFFFFE000  }
0x23: {  	[tilespmem:s13], [sflag:$0x1] =	stream.linear.gather [hbm4b:s17+s2], $0x100, $0x38;
	[tilespmem:$0x1E2A0] =	vst v63  }
0x24: {  	s4 =	sadd.s32 s4, s0  }
0x25: {  	[tilespmem:s14], [sflag:$0x2] =	stream.linear.gather [hbm4b:s4+s2], $0x2000, $0x38;
	[tilespmem:$0x1E2A0] =	vst v63  }
0x26: {  	_ = 	snop  }
0x27: {  	[spmem:s1] =	stream.indirect.scatter.add.f32 [tilespmem:s7], [sflag:$0x3], $0x20, s2, s13, $0xb8;
	[tilespmem:$0x1E2A0] =	vst v63  }
0x28: {  	_ =	swait.ge [sflag:s15], $0x2000  }
0x29: {  	[sflag:s15] =	ssyncset.done $0x0  }
0x2a: {  	[sflag:s15] =	ssyncadd.s32 $0xFFFFE000  }
0x2b: {  	_ =	swait.ge [sflag:s6], $0x100  }
0x2c: {  	[sflag:s6] =	ssyncset.done $0x0  }
0x2d: {  	[sflag:s6] =	ssyncadd.s32 $0xFFFFFF00  }
0x2e: {  	_ =	swait.ge [sflag:s11], $0x2000  }
0x2f: {  	[sflag:s11] =	ssyncset.done $0x0  }
0x30: {  	[sflag:s11] =	ssyncadd.s32 $0xFFFFE000  }
0x31: {  	[spmem:s1] =	stream.indirect.scatter.add.f32 [tilespmem:s14], [sflag:$0x3], $0x20, s13, s13, $0xb8;
	[tilespmem:$0x1E2A0] =	vst v63  }
0x32: {  	_ =	swait.ge [sflag:s15], $0x2000  }
0x33: {  	[sflag:s15] =	ssyncset.done $0x0  }
0x34: {  	s17 =	stileid.u32;
	[sflag:s15] =	ssyncadd.s32 $0xFFFFE000  }
0x35: {  	s4 =	sshll.u32 s17, $0x6;
	[bflag:$0x0] =	sbarrier.arrive $0xFFFF  }
0x36: {  	s4 =	sor.u32 $0x1C04, s4;
	s18 =	rddreg [dreg:$0x7]  }
0x37: {  	[hbm:s18], [sflag:s4] =	dma.local [spmem:s25], $0x3100  }
0x38: {  	_ =	swait.ge [sflag:s3], $0x3100  }
0x39: {  	s16 =	sadd.s32 $0x1, s16;
	s19 =	rddreg [dreg:$0x8]  }
0x3a: {  	p2 =	sne.s32 s16, s19  }
.Ltmp1:
0x3b: {  	_ = 	snop;
	(pc) =	sbr.rel @!p2 .LBB2_11-.Ltmp1, $3  }
0x3c: {  	_ =	sdelay $0x1  }
0x3d: {  	[sflag:s3] =	ssyncset.done $0x0  }
0x3e: {  	[sflag:s3] =	ssyncadd.s32 $0xFFFFCF00  }
.LBB2_1:
0x3f: {  	s4 =	simm.s32 $0x80;
	s17 =	simm.s32 $0x0  }
.LBB2_2:
0x40: {  	p2 =	sne.s32 s4, $0x6180;
	[tilespmem:s17+$0x4200] =	vst v0;
	s18 =	smov.u32 s4;
	s4 =	sadd.s32 $0x80, s4  }
.Ltmp2:
0x41: {  	[tilespmem:s17+$0x4210] =	vst v0;
	(pc) =	sbr.rel @p2 .LBB2_2-.Ltmp2, $2  }
0x42: {  	_ =	sdelay $0x2  }
0x43: {  	s17 =	sshra.s32 s18, $0x2  }
0x44: {  	[tilespmem:s17+$0x4200] =	vst v0  }
0x45: {  	[tilespmem:s17+$0x4210] =	vst v0  }
0x46: {  	[spmem:s12] =	stream.linear.scatter [tilespmem:s5], [sflag:$0x4], $0x1880, $0x38;
	[tilespmem:$0x1E2A0] =	vst v63  }
0x47: {  	_ =	swait.ge [sflag:s3], $0x1880  }
0x48: {  	[sflag:s3] =	ssyncset.done $0x0  }
0x49: {  	s4 =	rddreg [dreg:$0x9];
	[sflag:s3] =	ssyncadd.s32 $0xFFFFE780  }
0x4a: {  	[spmem:s4] =	stream.linear.scatter [tilespmem:s5], [sflag:$0x4], $0x1880, $0x38;
	[tilespmem:$0x1E2A0] =	vst v63  }
0x4b: {  	_ =	swait.ge [sflag:s3], $0x1880  }
0x4c: {  	[sflag:s3] =	ssyncset.done $0x0  }
0x4d: {  	s17 =	rddreg [dreg:$0xa];
	[sflag:s3] =	ssyncadd.s32 $0xFFFFE780  }
0x4e: {  	[spmem:s17] =	stream.linear.scatter [tilespmem:s5], [sflag:$0x4], $0x1880, $0x38;
	[tilespmem:$0x1E2A0] =	vst v63  }
0x4f: {  	_ =	swait.ge [sflag:s3], $0x1880  }
0x50: {  	[sflag:s3] =	ssyncset.done $0x0  }
0x51: {  	s18 =	rddreg [dreg:$0xb];
	[sflag:s3] =	ssyncadd.s32 $0xFFFFE780  }
0x52: {  	[spmem:s18] =	stream.linear.scatter [tilespmem:s5], [sflag:$0x4], $0x1880, $0x38;
	[tilespmem:$0x1E2A0] =	vst v63  }
0x53: {  	_ =	swait.ge [sflag:s3], $0x1880  }
0x54: {  	[sflag:s3] =	ssyncset.done $0x0  }
0x55: {  	s19 =	rddreg [dreg:$0xc];
	[sflag:s3] =	ssyncadd.s32 $0xFFFFE780  }
0x56: {  	[spmem:s19] =	stream.linear.scatter [tilespmem:s5], [sflag:$0x4], $0x1880, $0x38;
	[tilespmem:$0x1E2A0] =	vst v63  }
0x57: {  	_ =	swait.ge [sflag:s3], $0x1880  }
0x58: {  	[sflag:s3] =	ssyncset.done $0x0  }
0x59: {  	s17 =	rddreg [dreg:$0xd];
	[sflag:s3] =	ssyncadd.s32 $0xFFFFE780  }
0x5a: {  	[spmem:s17] =	stream.linear.scatter [tilespmem:s5], [sflag:$0x4], $0x1880, $0x38;
	[tilespmem:$0x1E2A0] =	vst v63  }
0x5b: {  	_ =	swait.ge [sflag:s3], $0x1880  }
0x5c: {  	[sflag:s3] =	ssyncset.done $0x0  }
0x5d: {  	s18 =	rddreg [dreg:$0xe];
	[sflag:s3] =	ssyncadd.s32 $0xFFFFE780  }
0x5e: {  	[spmem:s18] =	stream.linear.scatter [tilespmem:s5], [sflag:$0x4], $0x1880, $0x38;
	[tilespmem:$0x1E2A0] =	vst v63  }
0x5f: {  	_ =	swait.ge [sflag:s3], $0x1880  }
0x60: {  	[sflag:s3] =	ssyncset.done $0x0  }
0x61: {  	s19 =	rddreg [dreg:$0xf];
	[sflag:s3] =	ssyncadd.s32 $0xFFFFE780  }
0x62: {  	[spmem:s19] =	stream.linear.scatter [tilespmem:s5], [sflag:$0x4], $0x1880, $0x38;
	[tilespmem:$0x1E2A0] =	vst v63  }
0x63: {  	_ =	swait.ge [sflag:s3], $0x1880  }
0x64: {  	[sflag:s3] =	ssyncset.done $0x0  }
0x65: {  	[sflag:s3] =	ssyncadd.s32 $0xFFFFE780  }
0x66: {  	[spmem:s21] =	stream.linear.scatter [tilespmem:s5], [sflag:$0x4], $0x1880, $0x38;
	[tilespmem:$0x1E2A0] =	vst v63  }
0x67: {  	_ =	swait.ge [sflag:s3], $0x1880  }
0x68: {  	[sflag:s3] =	ssyncset.done $0x0  }
0x69: {  	[sflag:s3] =	ssyncadd.s32 $0xFFFFE780  }
0x6a: {  	[spmem:s22] =	stream.linear.scatter [tilespmem:s5], [sflag:$0x4], $0x1880, $0x38;
	[tilespmem:$0x1E2A0] =	vst v63  }
0x6b: {  	_ =	swait.ge [sflag:s3], $0x1880  }
0x6c: {  	[sflag:s3] =	ssyncset.done $0x0  }
0x6d: {  	[sflag:s3] =	ssyncadd.s32 $0xFFFFE780  }
0x6e: {  	[spmem:s23] =	stream.linear.scatter [tilespmem:s5], [sflag:$0x4], $0x1880, $0x38;
	[tilespmem:$0x1E2A0] =	vst v63  }
0x6f: {  	_ =	swait.ge [sflag:s3], $0x1880  }
0x70: {  	[sflag:s3] =	ssyncset.done $0x0  }
0x71: {  	[sflag:s3] =	ssyncadd.s32 $0xFFFFE780  }
0x72: {  	[spmem:s26] =	stream.linear.scatter [tilespmem:s5], [sflag:$0x4], $0x1880, $0x38;
	[tilespmem:$0x1E2A0] =	vst v63  }
0x73: {  	_ =	swait.ge [sflag:s3], $0x1880  }
0x74: {  	[sflag:s3] =	ssyncset.done $0x0  }
0x75: {  	[sflag:s3] =	ssyncadd.s32 $0xFFFFE780  }
0x76: {  	[spmem:s28] =	stream.linear.scatter [tilespmem:s5], [sflag:$0x4], $0x1880, $0x38;
	[tilespmem:$0x1E2A0] =	vst v63  }
0x77: {  	_ =	swait.ge [sflag:s3], $0x1880  }
0x78: {  	[sflag:s3] =	ssyncset.done $0x0  }
0x79: {  	[sflag:s3] =	ssyncadd.s32 $0xFFFFE780  }
0x7a: {  	[spmem:s29] =	stream.linear.scatter [tilespmem:s5], [sflag:$0x4], $0x1880, $0x38;
	[tilespmem:$0x1E2A0] =	vst v63  }
0x7b: {  	_ =	swait.ge [sflag:s3], $0x1880  }
0x7c: {  	[sflag:s3] =	ssyncset.done $0x0  }
0x7d: {  	[sflag:s3] =	ssyncadd.s32 $0xFFFFE780  }
0x7e: {  	[spmem:s30] =	stream.linear.scatter [tilespmem:s5], [sflag:$0x4], $0x1880, $0x38;
	[tilespmem:$0x1E2A0] =	vst v63  }
0x7f: {  	_ =	swait.ge [sflag:s3], $0x1880  }
0x80: {  	[sflag:s3] =	ssyncset.done $0x0  }
0x81: {  	[sflag:s3] =	ssyncadd.s32 $0xFFFFE780  }
0x82: {  	[spmem:s31] =	stream.linear.scatter [tilespmem:s5], [sflag:$0x4], $0x1880, $0x38;
	[tilespmem:$0x1E2A0] =	vst v63  }
0x83: {  	_ =	swait.ge [sflag:s3], $0x1880  }
0x84: {  	[sflag:s3] =	ssyncset.done $0x0  }
0x85: {  	s4 =	simm.s32 @!p1 $0x4200;
	s17 =	rddreg [dreg:$0x6];
	[sflag:s3] =	ssyncadd.s32 $0xFFFFE780  }
0x86: {  	[spmem:s17] =	stream.linear.scatter @!p1 [tilespmem:s4], [sflag:$0x4], $0x200, $0x38;
	[tilespmem:$0x1E2A0] =	vst v63  }
0x87: {  	s4 =	simm.s32 @!p1 $0x4  }
.Ltmp3:
0x88: {  	_ =	swait.ge @!p1 [sflag:s4], $0x200;
	(pc) =	sbr.rel @!p0 .LBB2_4-.Ltmp3, $4  }
0x89: {  	[sflag:s4] =	ssyncset.done @!p1 $0x0  }
0x8a: {  	[sflag:s4] =	ssyncadd.s32 @!p1 $0xFFFFFE00  }
0x8b: {  	s4 =	simm.s32 $0x0;
	[bflag:$0x0] =	sbarrier.arrive $0xFFFF  }
0x8c: {  	[tilespmem:s2], [sflag:$0x1] =	stream.linear.gather [hbm4b:s20+s2], $0x100, $0x38;
	[tilespmem:$0x1E2A0] =	vst v63  }
0x8d: {  	[tilespmem:s7], [sflag:$0x2] =	stream.linear.gather [hbm4b:s10+s4], $0x2000, $0x38;
	[tilespmem:$0x1E2A0] =	vst v63  }
0x8e: {  	_ =	swait.ge [sflag:s6], $0x100  }
0x8f: {  	[sflag:s6] =	ssyncset.done $0x0  }
0x90: {  	[sflag:s6] =	ssyncadd.s32 $0xFFFFFF00  }
0x91: {  	_ =	swait.ge [sflag:s11], $0x2000  }
0x92: {  	[sflag:s11] =	ssyncset.done $0x0  }
0x93: {  	s19 =	sadd.s32 $0xFFFFFFE0, s8;
	s17 =	sadd.s32 $0x0, s10;
	[sflag:s11] =	ssyncadd.s32 $0xFFFFE000  }
0x94: {  	[tilespmem:s13], [sflag:$0x1] =	stream.linear.gather [hbm4b:s19+s2], $0x100, $0x38;
	[tilespmem:$0x1E2A0] =	vst v63  }
0x95: {  	s18 =	sadd.s32 $0x400, s17  }
0x96: {  	[tilespmem:s14], [sflag:$0x2] =	stream.linear.gather [hbm4b:s18+s2], $0x2000, $0x38;
	[tilespmem:$0x1E2A0] =	vst v63  }
0x97: {  	_ = 	snop  }
0x98: {  	[spmem:s1] =	stream.indirect.scatter.add.f32 [tilespmem:s7], [sflag:$0x3], $0x20, s2, s13, $0xb8;
	[tilespmem:$0x1E2A0] =	vst v63  }
0x99: {  	_ =	swait.ge [sflag:s15], $0x2000  }
0x9a: {  	[sflag:s15] =	ssyncset.done $0x0  }
0x9b: {  	[sflag:s15] =	ssyncadd.s32 $0xFFFFE000  }
0x9c: {  	_ =	swait.ge [sflag:s6], $0x100  }
0x9d: {  	[sflag:s6] =	ssyncset.done $0x0  }
0x9e: {  	[sflag:s6] =	ssyncadd.s32 $0xFFFFFF00  }
0x9f: {  	_ =	swait.ge [sflag:s11], $0x2000  }
0xa0: {  	[sflag:s11] =	ssyncset.done $0x0  }
0xa1: {  	[sflag:s11] =	ssyncadd.s32 $0xFFFFE000  }
0xa2: {  	[tilespmem:s2], [sflag:$0x1] =	stream.linear.gather [hbm4b:s8+s2], $0x100, $0x38;
	[tilespmem:$0x1E2A0] =	vst v63  }
0xa3: {  	s19 =	sadd.s32 $0x800, s17  }
0xa4: {  	[tilespmem:s7], [sflag:$0x2] =	stream.linear.gather [hbm4b:s19+s2], $0x2000, $0x38;
	[tilespmem:$0x1E2A0] =	vst v63  }
0xa5: {  	_ = 	snop  }
0xa6: {  	[spmem:s1] =	stream.indirect.scatter.add.f32 [tilespmem:s14], [sflag:$0x3], $0x20, s13, s13, $0xb8;
	[tilespmem:$0x1E2A0] =	vst v63  }
0xa7: {  	_ =	swait.ge [sflag:s15], $0x2000  }
0xa8: {  	s4 =	smov.u32 s8;
	s17 =	simm.s32 $0x800;
	[sflag:s15] =	ssyncset.done $0x0  }
.LBB2_8:
0xa9: {  	p2 =	sne.s32 s17, $0x31000;
	[sflag:s15] =	ssyncadd.s32 $0xFFFFE000;
	s4 =	sadd.s32 $0x40, s4  }
0xaa: {  	s18 =	smov.u32 s17;
	s17 =	sadd.s32 $0x800, s17  }
0xab: {  	_ =	swait.ge [sflag:s6], $0x100  }
0xac: {  	[sflag:s6] =	ssyncset.done $0x0  }
0xad: {  	[sflag:s6] =	ssyncadd.s32 $0xFFFFFF00  }
0xae: {  	_ =	swait.ge [sflag:s11], $0x2000  }
0xaf: {  	[sflag:s11] =	ssyncset.done $0x0  }
0xb0: {  	s19 =	sadd.s32 $0xFFFFFFE0, s4;
	s18 =	sadd.s32 s18, s10;
	[sflag:s11] =	ssyncadd.s32 $0xFFFFE000  }
0xb1: {  	[tilespmem:s13], [sflag:$0x1] =	stream.linear.gather [hbm4b:s19+s2], $0x100, $0x38;
	[tilespmem:$0x1E2A0] =	vst v63  }
0xb2: {  	s19 =	sadd.s32 $0x400, s18  }
0xb3: {  	[tilespmem:s14], [sflag:$0x2] =	stream.linear.gather [hbm4b:s19+s2], $0x2000, $0x38;
	[tilespmem:$0x1E2A0] =	vst v63  }
0xb4: {  	_ = 	snop  }
0xb5: {  	[spmem:s1] =	stream.indirect.scatter.add.f32 [tilespmem:s7], [sflag:$0x3], $0x20, s2, s13, $0xb8;
	[tilespmem:$0x1E2A0] =	vst v63  }
0xb6: {  	_ =	swait.ge [sflag:s15], $0x2000  }
0xb7: {  	[sflag:s15] =	ssyncset.done $0x0  }
0xb8: {  	[sflag:s15] =	ssyncadd.s32 $0xFFFFE000  }
0xb9: {  	_ =	swait.ge [sflag:s6], $0x100  }
0xba: {  	[sflag:s6] =	ssyncset.done $0x0  }
0xbb: {  	[sflag:s6] =	ssyncadd.s32 $0xFFFFFF00  }
0xbc: {  	_ =	swait.ge [sflag:s11], $0x2000  }
0xbd: {  	[sflag:s11] =	ssyncset.done $0x0  }
0xbe: {  	[sflag:s11] =	ssyncadd.s32 $0xFFFFE000  }
0xbf: {  	[tilespmem:s2], [sflag:$0x1] =	stream.linear.gather [hbm4b:s4+s2], $0x100, $0x38;
	[tilespmem:$0x1E2A0] =	vst v63  }
0xc0: {  	s18 =	sadd.s32 $0x800, s18  }
0xc1: {  	[tilespmem:s7], [sflag:$0x2] =	stream.linear.gather [hbm4b:s18+s2], $0x2000, $0x38;
	[tilespmem:$0x1E2A0] =	vst v63  }
.Ltmp4:
0xc2: {  	_ = 	snop;
	(pc) =	sbr.rel @p2 .LBB2_8-.Ltmp4, $4  }
0xc3: {  	_ = 	snop  }
0xc4: {  	[spmem:s1] =	stream.indirect.scatter.add.f32 [tilespmem:s14], [sflag:$0x3], $0x20, s13, s13, $0xb8;
	[tilespmem:$0x1E2A0] =	vst v63  }
0xc5: {  	_ =	swait.ge [sflag:s15], $0x2000  }
0xc6: {  	[sflag:s15] =	ssyncset.done $0x0  }
.Ltmp5:
0xc7: {  	(pc) =	sbr.rel .LBB2_10-.Ltmp5, $2  }
0xc8: {  	_ =	sdelay $0x2  }
0xc9: {  	[sflag:s15] =	ssyncadd.s32 $0xFFFFE000;
	s4 =	rddreg [dreg:$0x4]  }
.LBB2_4:
0xca: {  	[tilespmem:s7], [sflag:$0x2] =	stream.linear.gather [hbm4b:s9+s4], $0x2000, $0x38;
	[tilespmem:$0x1E2A0] =	vst v63  }
0xcb: {  	_ =	swait.ge [sflag:s6], $0x100  }
0xcc: {  	[sflag:s6] =	ssyncset.done $0x0  }
0xcd: {  	[sflag:s6] =	ssyncadd.s32 $0xFFFFFF00  }
0xce: {  	_ =	swait.ge [sflag:s11], $0x2000  }
0xcf: {  	[sflag:s11] =	ssyncset.done $0x0  }
0xd0: {  	s19 =	sadd.s32 $0xFFFFFFE0, s8;
	s17 =	sadd.s32 $0x0, s9;
	[sflag:s11] =	ssyncadd.s32 $0xFFFFE000  }
0xd1: {  	[tilespmem:s13], [sflag:$0x1] =	stream.linear.gather [hbm4b:s19+s2], $0x100, $0x38;
	[tilespmem:$0x1E2A0] =	vst v63  }
0xd2: {  	s18 =	sadd.s32 $0x400, s17  }
0xd3: {  	[tilespmem:s14], [sflag:$0x2] =	stream.linear.gather [hbm4b:s18+s2], $0x2000, $0x38;
	[tilespmem:$0x1E2A0] =	vst v63  }
0xd4: {  	_ = 	snop  }
0xd5: {  	[spmem:s1] =	stream.indirect.scatter.add.f32 [tilespmem:s7], [sflag:$0x3], $0x20, s2, s13, $0xb8;
	[tilespmem:$0x1E2A0] =	vst v63  }
0xd6: {  	_ =	swait.ge [sflag:s15], $0x2000  }
0xd7: {  	[sflag:s15] =	ssyncset.done $0x0  }
0xd8: {  	[sflag:s15] =	ssyncadd.s32 $0xFFFFE000  }
0xd9: {  	_ =	swait.ge [sflag:s6], $0x100  }
0xda: {  	[sflag:s6] =	ssyncset.done $0x0  }
0xdb: {  	[sflag:s6] =	ssyncadd.s32 $0xFFFFFF00  }
0xdc: {  	_ =	swait.ge [sflag:s11], $0x2000  }
0xdd: {  	[sflag:s11] =	ssyncset.done $0x0  }
0xde: {  	[sflag:s11] =	ssyncadd.s32 $0xFFFFE000  }
0xdf: {  	[tilespmem:s2], [sflag:$0x1] =	stream.linear.gather [hbm4b:s8+s2], $0x100, $0x38;
	[tilespmem:$0x1E2A0] =	vst v63  }
0xe0: {  	s19 =	sadd.s32 $0x800, s17  }
0xe1: {  	[tilespmem:s7], [sflag:$0x2] =	stream.linear.gather [hbm4b:s19+s2], $0x2000, $0x38;
	[tilespmem:$0x1E2A0] =	vst v63  }
0xe2: {  	_ = 	snop  }
0xe3: {  	[spmem:s1] =	stream.indirect.scatter.add.f32 [tilespmem:s14], [sflag:$0x3], $0x20, s13, s13, $0xb8;
	[tilespmem:$0x1E2A0] =	vst v63  }
0xe4: {  	_ =	swait.ge [sflag:s15], $0x2000  }
0xe5: {  	s4 =	smov.u32 s8;
	s17 =	simm.s32 $0x800;
	[sflag:s15] =	ssyncset.done $0x0  }
.LBB2_5:
0xe6: {  	p2 =	seq.s32 s17, $0x31000;
	[sflag:s15] =	ssyncadd.s32 $0xFFFFE000;
	s4 =	sadd.s32 $0x40, s4  }
0xe7: {  	s18 =	smov.u32 s17;
	s17 =	sadd.s32 $0x800, s17  }
0xe8: {  	_ =	swait.ge [sflag:s6], $0x100  }
0xe9: {  	[sflag:s6] =	ssyncset.done $0x0  }
0xea: {  	[sflag:s6] =	ssyncadd.s32 $0xFFFFFF00  }
0xeb: {  	_ =	swait.ge [sflag:s11], $0x2000  }
0xec: {  	[sflag:s11] =	ssyncset.done $0x0  }
0xed: {  	s19 =	sadd.s32 $0xFFFFFFE0, s4;
	s18 =	sadd.s32 s18, s9;
	[sflag:s11] =	ssyncadd.s32 $0xFFFFE000  }
0xee: {  	[tilespmem:s13], [sflag:$0x1] =	stream.linear.gather [hbm4b:s19+s2], $0x100, $0x38;
	[tilespmem:$0x1E2A0] =	vst v63  }
0xef: {  	s19 =	sadd.s32 $0x400, s18  }
0xf0: {  	[tilespmem:s14], [sflag:$0x2] =	stream.linear.gather [hbm4b:s19+s2], $0x2000, $0x38;
	[tilespmem:$0x1E2A0] =	vst v63  }
0xf1: {  	_ = 	snop  }
0xf2: {  	[spmem:s1] =	stream.indirect.scatter.add.f32 [tilespmem:s7], [sflag:$0x3], $0x20, s2, s13, $0xb8;
	[tilespmem:$0x1E2A0] =	vst v63  }
0xf3: {  	_ =	swait.ge [sflag:s15], $0x2000  }
0xf4: {  	[sflag:s15] =	ssyncset.done $0x0  }
0xf5: {  	[sflag:s15] =	ssyncadd.s32 $0xFFFFE000  }
0xf6: {  	_ =	swait.ge [sflag:s6], $0x100  }
0xf7: {  	[sflag:s6] =	ssyncset.done $0x0  }
0xf8: {  	[sflag:s6] =	ssyncadd.s32 $0xFFFFFF00  }
0xf9: {  	_ =	swait.ge [sflag:s11], $0x2000  }
0xfa: {  	[sflag:s11] =	ssyncset.done $0x0  }
0xfb: {  	[sflag:s11] =	ssyncadd.s32 $0xFFFFE000  }
0xfc: {  	[tilespmem:s2], [sflag:$0x1] =	stream.linear.gather [hbm4b:s4+s2], $0x100, $0x38;
	[tilespmem:$0x1E2A0] =	vst v63  }
0xfd: {  	s18 =	sadd.s32 $0x800, s18  }
0xfe: {  	[tilespmem:s7], [sflag:$0x2] =	stream.linear.gather [hbm4b:s18+s2], $0x2000, $0x38;
	[tilespmem:$0x1E2A0] =	vst v63  }
.Ltmp6:
0xff: {  	_ = 	snop;
	(pc) =	sbr.rel @!p2 .LBB2_5-.Ltmp6, $4  }
0x100: {  	_ = 	snop  }
0x101: {  	[spmem:s1] =	stream.indirect.scatter.add.f32 [tilespmem:s14], [sflag:$0x3], $0x20, s13, s13, $0xb8;
	[tilespmem:$0x1E2A0] =	vst v63  }
0x102: {  	_ =	swait.ge [sflag:s15], $0x2000  }
0x103: {  	[sflag:s15] =	ssyncset.done $0x0  }
.Ltmp7:
0x104: {  	_ = 	snop;
	(pc) =	sbr.rel .LBB2_6-.Ltmp7, $1  }
0x105: {  	_ =	sdelay $0x3  }
.LBB2_11:
0x106: {  	_ =	sfence.sel $0x180000  }
0x107: {  	[bflag:$0x0] =	sbarrier.arrive $0xFFFF  }
0x108: {  	_ =	strace $0x90000050  }
0x109: {  	[bflag:$0x2] =	sbarrier.arrive $0xFFFF  }
0x10a: {  	s0 =	rddreg [dreg:$0x2]  }
0x10b: {  	s0 =	sadd.s32 @!p1 $0x100000, s0  }
0x10c: {  	[sflag:s0] =	ssyncadd.tile.s32 @!p1 $0x1;
	_ =	shalt  }
.Lfunc_end2:
_tile_overlayer_lowered:
.L_overlay_start_2:
0x10d: {  	(tag) =	ssettag $0x2  }
0x10e: {  	s0 =	rddreg [dreg:$0x0];
	s2 =	stileid.u32  }
0x10f: {  	s1 =	rddreg [dreg:$0x1];
	p0 =	sne.s32 s2, $0x0  }
0x110: {  	s3 =	rddreg [dreg:$0x2];
	[bflag:$0x3] =	sbarrier.arrive $0xFFFF;
	s2 =	simm.s32 @!p0 $0x1C04  }
0x111: {  	[timem:s3], [sflag:s2] =	dma.local @!p0 [hbm:s0], s1  }
0x112: {  	s0 =	simm.s32 @!p0 $0x4  }
0x113: {  	_ =	swait.ge @!p0 [sflag:s0], s1  }
0x114: {  	s1 =	ssub.s32 @!p0 $0x0, s1;
	[sflag:s0] =	ssyncset.done @!p0 $0x0  }
0x115: {  	[sflag:s0] =	ssyncadd.s32 @!p0 s1  }
0x116: {  	[bflag:$0x3] =	sbarrier.arrive $0xFFFF  }
0x117: {  	_ =	shalt  }

</sc_bundles>
